<compile_context>
chip_gen: v7x
topology: tpu7x:2x2x1
jax: 0.10.2.dev20260603
libtpu: 0.0.44.dev20260713+nightly
codegen_flags: <defaults>
</compile_context>

<pallas_src>
import functools

import jax
import jax.numpy as jnp
from jax import lax
from jax.experimental import pallas as pl
from jax.experimental.pallas import tpu as pltpu
from jax.experimental.pallas import tpu_sc as plsc

NC, NS = 2, 16
NW = NC * NS

B, L, D = 4096, 200, 32
TD, TR, TC = D // 8, 8, 128
NU = L


@functools.partial(
    pl.kernel,
    out_type=(
        jax.ShapeDtypeStruct((L, TD, NW, TR, TC), jnp.float32),
        jax.ShapeDtypeStruct((TD, TR, TC), jnp.float32),
    ),
    mesh=plsc.VectorSubcoreMesh(core_axis_name="c", subcore_axis_name="s"),
    compiler_params=pltpu.CompilerParams(
        use_tc_tiling_on_sc=False, needs_layout_passes=False),
    scratch_types=[
        [pltpu.VMEM((1, TC), jnp.int32) for _ in range(2)],
        [pltpu.VMEM((TC, D), jnp.float32) for _ in range(2)],
        [pltpu.VMEM((TD, TR, TC), jnp.float32) for _ in range(2)],
        pltpu.VMEM((L, D), jnp.float32),
        [pltpu.SemaphoreType.DMA for _ in range(2)],
        [pltpu.SemaphoreType.DMA for _ in range(2)],
        [pltpu.SemaphoreType.DMA for _ in range(2)],
    ],
)
def _sc_embed(idxT_hbm, tab_hbm, pos_hbm, out5, dummy, idx_vs, rows_vs,
              trans_vs, pos_v, isems, gsems, ssems):
    wid = lax.axis_index("s") * NC + lax.axis_index("c")
    b0 = wid * TC
    pltpu.sync_copy(pos_hbm, pos_v)
    iota = lax.iota(jnp.int32, 16)

    def issue_idx(u, sl):
        pltpu.async_copy(idxT_hbm.at[pl.ds(u, 1), pl.ds(b0, TC)],
                         idx_vs[sl], isems[sl])

    def issue_gather(sl):
        pltpu.async_copy(tab_hbm.at[idx_vs[sl].at[0]], rows_vs[sl], gsems[sl])

    def wait_idx(sl):
        pltpu.make_async_copy(idxT_hbm.at[pl.ds(0, 1), pl.ds(0, TC)],
                              idx_vs[sl], isems[sl]).wait()

    def wait_gather(sl):
        pltpu.make_async_copy(tab_hbm.at[pl.ds(0, TC)],
                              rows_vs[sl], gsems[sl]).wait()

    def wait_store(sl):
        pltpu.make_async_copy(dummy, trans_vs[sl], ssems[sl]).wait()

    GRP = 8
    tdv0 = iota >> 3
    tdv1 = tdv0 + 2
    rv = iota & 7

    def unit(l, sl):
        rows_v = rows_vs[sl]
        trans_v = trans_vs[sl]
        p0 = pos_v[l, pl.ds(0, 16)]
        p1 = pos_v[l, pl.ds(16, 16)]

        for c0 in range(0, TC, GRP):
            vals = []
            for c in range(c0, c0 + GRP):
                vals.append((rows_v[c, pl.ds(0, 16)] + p0,
                             rows_v[c, pl.ds(16, 16)] + p1))
            for c, (v0, v1) in zip(range(c0, c0 + GRP), vals):
                cv = jnp.full((16,), c, jnp.int32)
                plsc.store_scatter(trans_v, [tdv0, rv, cv], v0)
                plsc.store_scatter(trans_v, [tdv1, rv, cv], v1)
        pltpu.async_copy(trans_v, out5.at[l, :, wid], ssems[sl])

    pltpu.sync_copy(idxT_hbm.at[pl.ds(0, 1), pl.ds(b0, TC)], idx_vs[0])
    issue_gather(0)
    issue_idx(1, 1)

    def body(j, carry):
        for p in range(2):
            u = 2 * j + p
            q = 1 - p
            @pl.when(u + 1 < NU)
            def _():
                wait_idx(q)
                issue_gather(q)

            @pl.when(u + 2 < NU)
            def _():
                issue_idx(u + 2, p)

            @pl.when(u >= 2)
            def _():
                wait_store(p)

            wait_gather(p)
            unit(u, p)
        return carry

    lax.fori_loop(0, NU // 2, body, 0)
    wait_store(0)
    wait_store(1)


V = 1000000
TW = 16384
TG = -(-V // TW)


def _tc_relayout_body(x_ref, o_ref):
    y = x_ref[...].T.reshape(TW // 4, 4, D)
    o_ref[...] = jnp.concatenate([y[:, s, :] for s in range(4)], axis=-1)


_tc_relayout = pl.pallas_call(
    _tc_relayout_body,
    grid=(TG,),
    in_specs=[pl.BlockSpec((D, TW), lambda i: (0, i))],
    out_specs=pl.BlockSpec((TW // 4, 4 * D), lambda i: (i, 0)),
    out_shape=jax.ShapeDtypeStruct((V // 4, 4 * D), jnp.float32),
)


def kernel(inputs, token_table, pos_table):
    tab_lin = _tc_relayout(token_table.T).reshape(V, D)
    out5, _ = _sc_embed(inputs.T, tab_lin, pos_table)
    return out5.transpose(2, 4, 0, 1, 3).reshape(B, L, D)

# --- scband reference (transcript-rebuilt; emitter-appended) ---
"""Pipeline reference for scband-positional-embedding-2989297238694 (READ-ONLY COPY).

The authoritative reference and input builder live on the scoring server;
editing this copy changes nothing except your own understanding.
"""

import jax, jax.numpy as jnp
import numpy as np

VOCAB = 1000000
SEQ_LEN = 200
DIM = 32
BATCH = 4096

def setup_inputs(seed: int = 0) -> dict:
    key = jax.random.key(seed)
    k1, k2, k3 = jax.random.split(key, 3)
    inputs = jax.random.randint(k1, (BATCH, SEQ_LEN), 0, VOCAB, dtype=jnp.int64 if jax.config.jax_enable_x64 else jnp.int32)
    token_table = jax.random.normal(k2, (VOCAB, DIM), dtype=jnp.float32) * 0.02
    pos_table = jax.random.normal(k3, (SEQ_LEN, DIM), dtype=jnp.float32) * 0.02
    return {"inputs": inputs, "token_table": token_table, "pos_table": pos_table}

def reference(inputs, token_table, pos_table):
    # token embedding lookup: gather rows of the table
    embedded_tokens = jnp.take(token_table, inputs, axis=0)  # [B, L, D]
    # positional embedding: positions 0..L-1
    length = inputs.shape[-1]
    positions = jnp.arange(length)
    embedded_positions = jnp.take(pos_table, positions, axis=0)  # [L, D]
    return embedded_tokens + embedded_positions[None, :, :]

if __name__ == "__main__":
    import jax
    _d = setup_inputs()
    print(jax.jit(kernel)(*tuple(_d.values())))

</pallas_src>

<mosaic_0001>
#map = affine_map<(d0, d1) -> (0, 0)>
#map1 = affine_map<(d0, d1) -> (0, 0, 0, 0, 0)>
#map2 = affine_map<(d0, d1) -> (0, 0, 0)>
module attributes {stable_mosaic.version = 14 : i64} {
  func.func @_sc_embed(%arg0: i32, %arg1: i32, %arg2: memref<200x4096xi32, #tpu.memory_space<hbm>>, %arg3: memref<1000000x32xf32, #tpu.memory_space<hbm>>, %arg4: memref<200x32xf32, #tpu.memory_space<hbm>>, %arg5: memref<200x4x32x8x128xf32, #tpu.memory_space<hbm>>, %arg6: memref<4x8x128xf32, #tpu.memory_space<hbm>>, %arg7: memref<1x128xi32, #tpu.memory_space<vmem>>, %arg8: memref<1x128xi32, #tpu.memory_space<vmem>>, %arg9: memref<128x32xf32, #tpu.memory_space<vmem>>, %arg10: memref<128x32xf32, #tpu.memory_space<vmem>>, %arg11: memref<4x8x128xf32, #tpu.memory_space<vmem>>, %arg12: memref<4x8x128xf32, #tpu.memory_space<vmem>>, %arg13: memref<200x32xf32, #tpu.memory_space<vmem>>, %arg14: memref<!tpu.dma_semaphore, #tpu.memory_space<semaphore_mem>>, %arg15: memref<!tpu.dma_semaphore, #tpu.memory_space<semaphore_mem>>, %arg16: memref<!tpu.dma_semaphore, #tpu.memory_space<semaphore_mem>>, %arg17: memref<!tpu.dma_semaphore, #tpu.memory_space<semaphore_mem>>, %arg18: memref<!tpu.dma_semaphore, #tpu.memory_space<semaphore_mem>>, %arg19: memref<!tpu.dma_semaphore, #tpu.memory_space<semaphore_mem>>) attributes {dimension_semantics = [#tpu.dimension_semantics<core_parallel>, #tpu.dimension_semantics<subcore_parallel>], iteration_bounds = array<i64: 2, 16>, scalar_prefetch = 0 : i64, scratch_operands = 13 : i64, tpu.core_type = #tpu.core_type<sc_vector_subcore>, window_params = [{transform_indices = #map}, {transform_indices = #map}, {transform_indices = #map}, {transform_indices = #map1}, {transform_indices = #map2}]} {
    %mul3A = arith.constant 2 : i32
    %mul3A_0 = arith.muli %arg1, %mul3A : i32
    %add3A = arith.addi %mul3A_0, %arg0 : i32
    %mul3A_1 = arith.constant 128 : i32
    %mul3A_2 = arith.muli %add3A, %mul3A_1 : i32
    "tpu.region"() ({
      %run_scoped3A = tpu.sem_alloc : memref<!tpu.dma_semaphore, #tpu.memory_space<semaphore_mem>>
      tpu.enqueue_dma source(%arg4 : memref<200x32xf32, #tpu.memory_space<hbm>>) target(%arg13 : memref<200x32xf32, #tpu.memory_space<vmem>>) target_semaphore(%run_scoped3A : memref<!tpu.dma_semaphore, #tpu.memory_space<semaphore_mem>>)
      tpu.wait_dma2 semaphore(%run_scoped3A : memref<!tpu.dma_semaphore, #tpu.memory_space<semaphore_mem>>) src(%arg4 : memref<200x32xf32, #tpu.memory_space<hbm>>) dst(%arg13 : memref<200x32xf32, #tpu.memory_space<vmem>>)
      tpu.yield
    }) : () -> ()
    %iota3A = tpu.iota {dimensions = array<i32: 0>} : vector<16xi32>
    %shift_right_arithmetic3A = arith.constant 3 : i32
    %shift_right_arithmetic3A_3 = vector.broadcast %shift_right_arithmetic3A : i32 to vector<16xi32>
    %shift_right_arithmetic3A_4 = arith.shrsi %iota3A, %shift_right_arithmetic3A_3 : vector<16xi32>
    %add3A_5 = arith.constant 2 : i32
    %add3A_6 = vector.broadcast %add3A_5 : i32 to vector<16xi32>
    %add3A_7 = arith.addi %shift_right_arithmetic3A_4, %add3A_6 : vector<16xi32>
    %and3A = arith.constant 7 : i32
    %and3A_8 = vector.broadcast %and3A : i32 to vector<16xi32>
    %and3A_9 = arith.andi %iota3A, %and3A_8 : vector<16xi32>
    "tpu.region"() ({
      %run_scoped3A = tpu.sem_alloc : memref<!tpu.dma_semaphore, #tpu.memory_space<semaphore_mem>>
      %dma_start3A_25 = arith.constant 0 : i32
      %dma_start3A_26 = tpu.memref_slice %arg2[%dma_start3A_25, %mul3A_2] : memref<200x4096xi32, #tpu.memory_space<hbm>> -> memref<1x128xi32, #tpu.memory_space<hbm>>
      %dma_start3A_27 = arith.constant 0 : i32
      %dma_start3A_28 = tpu.memref_slice %arg2[%dma_start3A_27, %mul3A_2] : memref<200x4096xi32, #tpu.memory_space<hbm>> -> memref<1x128xi32, #tpu.memory_space<hbm>>
      tpu.enqueue_dma source(%dma_start3A_28 : memref<1x128xi32, #tpu.memory_space<hbm>>) target(%arg7 : memref<1x128xi32, #tpu.memory_space<vmem>>) target_semaphore(%run_scoped3A : memref<!tpu.dma_semaphore, #tpu.memory_space<semaphore_mem>>)
      %dma_wait3A = arith.constant 0 : i32
      %dma_wait3A_29 = tpu.memref_slice %arg2[%dma_wait3A, %mul3A_2] : memref<200x4096xi32, #tpu.memory_space<hbm>> -> memref<1x128xi32, #tpu.memory_space<hbm>>
      %dma_wait3A_30 = arith.constant 0 : i32
      %dma_wait3A_31 = tpu.memref_slice %arg2[%dma_wait3A_30, %mul3A_2] : memref<200x4096xi32, #tpu.memory_space<hbm>> -> memref<1x128xi32, #tpu.memory_space<hbm>>
      tpu.wait_dma2 semaphore(%run_scoped3A : memref<!tpu.dma_semaphore, #tpu.memory_space<semaphore_mem>>) src(%dma_wait3A_31 : memref<1x128xi32, #tpu.memory_space<hbm>>) dst(%arg7 : memref<1x128xi32, #tpu.memory_space<vmem>>)
      tpu.yield
    }) : () -> ()
    %dma_start3A = arith.constant 0 : i32
    %dma_start3A_10 = arith.constant 0 : i32
    %dma_start3A_11 = tpu.memref_slice %arg7[%dma_start3A, %dma_start3A_10] : memref<1x128xi32, #tpu.memory_space<vmem>> -> memref<1x128xi32, #tpu.memory_space<vmem>>
    %dma_start3A_12 = tpu.memref_squeeze %dma_start3A_11 : memref<1x128xi32, #tpu.memory_space<vmem>> -> memref<128xi32, #tpu.memory_space<vmem>>
    %dma_start3A_13 = arith.constant 0 : i32
    %dma_start3A_14 = arith.constant 0 : i32
    %dma_start3A_15 = tpu.memref_slice %arg3[%dma_start3A_13, %dma_start3A_14] : memref<1000000x32xf32, #tpu.memory_space<hbm>> -> memref<1000000x32xf32, #tpu.memory_space<hbm>>
    tpu.enqueue_indirect_dma source(%dma_start3A_15 : memref<1000000x32xf32, #tpu.memory_space<hbm>>) target(%arg9 : memref<128x32xf32, #tpu.memory_space<vmem>>) offsets(%dma_start3A_12 : memref<128xi32, #tpu.memory_space<vmem>>) semaphore(%arg16 : memref<!tpu.dma_semaphore, #tpu.memory_space<semaphore_mem>>)
    %dma_start3A_16 = arith.constant 1 : i32
    %dma_start3A_17 = tpu.memref_slice %arg2[%dma_start3A_16, %mul3A_2] : memref<200x4096xi32, #tpu.memory_space<hbm>> -> memref<1x128xi32, #tpu.memory_space<hbm>>
    %dma_start3A_18 = arith.constant 1 : i32
    %dma_start3A_19 = tpu.memref_slice %arg2[%dma_start3A_18, %mul3A_2] : memref<200x4096xi32, #tpu.memory_space<hbm>> -> memref<1x128xi32, #tpu.memory_space<hbm>>
    tpu.enqueue_dma source(%dma_start3A_19 : memref<1x128xi32, #tpu.memory_space<hbm>>) target(%arg8 : memref<1x128xi32, #tpu.memory_space<vmem>>) target_semaphore(%arg15 : memref<!tpu.dma_semaphore, #tpu.memory_space<semaphore_mem>>)
    %scan3A = arith.constant 0 : i32
    %scan3A_20 = arith.constant 0 : i32
    %scan3A_21 = arith.constant 100 : i32
    %scan3A_22 = arith.addi %scan3A_20, %scan3A_21 : i32
    %scan3A_23 = arith.constant 1 : i32
    scf.for %scan3A_25 = %scan3A_20 to %scan3A_22 step %scan3A_23  : i32 {
      %mul3A_26 = arith.constant 2 : i32
      %mul3A_27 = arith.muli %mul3A_26, %scan3A_25 : i32
      %add3A_28 = arith.constant 0 : i32
      %add3A_29 = arith.addi %mul3A_27, %add3A_28 : i32
      %add3A_30 = arith.constant 1 : i32
      %add3A_31 = arith.addi %add3A_29, %add3A_30 : i32
      %lt3A = arith.constant 200 : i32
      %lt3A_32 = arith.cmpi slt, %add3A_31, %lt3A : i32
      %convert_element_type3A = arith.extui %lt3A_32 : i1 to i32
      %cond3A = arith.constant 0 : i32
      %cond3A_33 = arith.cmpi ne, %convert_element_type3A, %cond3A : i32
      scf.if %cond3A_33 {
        %dma_wait3A_3181 = arith.constant 0 : i32
        %dma_wait3A_3182 = arith.constant 0 : i32
        %dma_wait3A_3183 = tpu.memref_slice %arg2[%dma_wait3A_3181, %dma_wait3A_3182] : memref<200x4096xi32, #tpu.memory_space<hbm>> -> memref<1x128xi32, #tpu.memory_space<hbm>>
        %dma_wait3A_3184 = arith.constant 0 : i32
        %dma_wait3A_3185 = arith.constant 0 : i32
        %dma_wait3A_3186 = tpu.memref_slice %arg2[%dma_wait3A_3184, %dma_wait3A_3185] : memref<200x4096xi32, #tpu.memory_space<hbm>> -> memref<1x128xi32, #tpu.memory_space<hbm>>
        tpu.wait_dma2 semaphore(%arg15 : memref<!tpu.dma_semaphore, #tpu.memory_space<semaphore_mem>>) src(%dma_wait3A_3186 : memref<1x128xi32, #tpu.memory_space<hbm>>) dst(%arg8 : memref<1x128xi32, #tpu.memory_space<vmem>>)
        %dma_start3A_3187 = arith.constant 0 : i32
        %dma_start3A_3188 = arith.constant 0 : i32
        %dma_start3A_3189 = tpu.memref_slice %arg8[%dma_start3A_3187, %dma_start3A_3188] : memref<1x128xi32, #tpu.memory_space<vmem>> -> memref<1x128xi32, #tpu.memory_space<vmem>>
        %dma_start3A_3190 = tpu.memref_squeeze %dma_start3A_3189 : memref<1x128xi32, #tpu.memory_space<vmem>> -> memref<128xi32, #tpu.memory_space<vmem>>
        %dma_start3A_3191 = arith.constant 0 : i32
        %dma_start3A_3192 = arith.constant 0 : i32
        %dma_start3A_3193 = tpu.memref_slice %arg3[%dma_start3A_3191, %dma_start3A_3192] : memref<1000000x32xf32, #tpu.memory_space<hbm>> -> memref<1000000x32xf32, #tpu.memory_space<hbm>>
        tpu.enqueue_indirect_dma source(%dma_start3A_3193 : memref<1000000x32xf32, #tpu.memory_space<hbm>>) target(%arg10 : memref<128x32xf32, #tpu.memory_space<vmem>>) offsets(%dma_start3A_3190 : memref<128xi32, #tpu.memory_space<vmem>>) semaphore(%arg17 : memref<!tpu.dma_semaphore, #tpu.memory_space<semaphore_mem>>)
      } else {
      }
      %add3A_34 = arith.constant 2 : i32
      %add3A_35 = arith.addi %add3A_29, %add3A_34 : i32
      %lt3A_36 = arith.constant 200 : i32
      %lt3A_37 = arith.cmpi slt, %add3A_35, %lt3A_36 : i32
      %convert_element_type3A_38 = arith.extui %lt3A_37 : i1 to i32
      %cond3A_39 = arith.constant 0 : i32
      %cond3A_40 = arith.cmpi ne, %convert_element_type3A_38, %cond3A_39 : i32
      scf.if %cond3A_40 {
        %add3A_3181 = arith.constant 2 : i32
        %add3A_3182 = arith.addi %add3A_29, %add3A_3181 : i32
        %dma_start3A_3183 = tpu.memref_slice %arg2[%add3A_3182, %mul3A_2] : memref<200x4096xi32, #tpu.memory_space<hbm>> -> memref<1x128xi32, #tpu.memory_space<hbm>>
        %dma_start3A_3184 = tpu.memref_slice %arg2[%add3A_3182, %mul3A_2] : memref<200x4096xi32, #tpu.memory_space<hbm>> -> memref<1x128xi32, #tpu.memory_space<hbm>>
        tpu.enqueue_dma source(%dma_start3A_3184 : memref<1x128xi32, #tpu.memory_space<hbm>>) target(%arg7 : memref<1x128xi32, #tpu.memory_space<vmem>>) target_semaphore(%arg14 : memref<!tpu.dma_semaphore, #tpu.memory_space<semaphore_mem>>)
      } else {
      }
      %ge3A = arith.constant 2 : i32
      %ge3A_41 = arith.cmpi sge, %add3A_29, %ge3A : i32
      %convert_element_type3A_42 = arith.extui %ge3A_41 : i1 to i32
      %cond3A_43 = arith.constant 0 : i32
      %cond3A_44 = arith.cmpi ne, %convert_element_type3A_42, %cond3A_43 : i32
      scf.if %cond3A_44 {
        tpu.wait_dma2 semaphore(%arg18 : memref<!tpu.dma_semaphore, #tpu.memory_space<semaphore_mem>>) src(%arg6 : memref<4x8x128xf32, #tpu.memory_space<hbm>>) dst(%arg11 : memref<4x8x128xf32, #tpu.memory_space<vmem>>)
      } else {
      }
      %dma_wait3A = arith.constant 0 : i32
      %dma_wait3A_45 = arith.constant 0 : i32
      %dma_wait3A_46 = tpu.memref_slice %arg3[%dma_wait3A, %dma_wait3A_45] : memref<1000000x32xf32, #tpu.memory_space<hbm>> -> memref<128x32xf32, #tpu.memory_space<hbm>>
      %dma_wait3A_47 = arith.constant 0 : i32
      %dma_wait3A_48 = arith.constant 0 : i32
      %dma_wait3A_49 = tpu.memref_slice %arg3[%dma_wait3A_47, %dma_wait3A_48] : memref<1000000x32xf32, #tpu.memory_space<hbm>> -> memref<128x32xf32, #tpu.memory_space<hbm>>
      tpu.wait_dma2 semaphore(%arg16 : memref<!tpu.dma_semaphore, #tpu.memory_space<semaphore_mem>>) src(%dma_wait3A_49 : memref<128x32xf32, #tpu.memory_space<hbm>>) dst(%arg9 : memref<128x32xf32, #tpu.memory_space<vmem>>)
      %get3A = arith.index_cast %add3A_29 : i32 to index
      %get3A_50 = arith.constant 0 : index
      %get3A_51 = tpu.vector_load %arg13[%get3A, %get3A_50] {strides = array<i32>} : memref<200x32xf32, #tpu.memory_space<vmem>>, vector<16xf32>,
      %get3A_52 = arith.index_cast %add3A_29 : i32 to index
      %get3A_53 = arith.constant 16 : index
      %get3A_54 = tpu.vector_load %arg13[%get3A_52, %get3A_53] {strides = array<i32>} : memref<200x32xf32, #tpu.memory_space<vmem>>, vector<16xf32>,
      %get3A_55 = arith.constant 0 : i32
      %get3A_56 = arith.index_cast %get3A_55 : i32 to index
      %get3A_57 = arith.constant 0 : index
      %get3A_58 = tpu.vector_load %arg9[%get3A_56, %get3A_57] {strides = array<i32>} : memref<128x32xf32, #tpu.memory_space<vmem>>, vector<16xf32>,
      %add3A_59 = arith.addf %get3A_58, %get3A_51 : vector<16xf32>
      %get3A_60 = arith.constant 0 : i32
      %get3A_61 = arith.index_cast %get3A_60 : i32 to index
      %get3A_62 = arith.constant 16 : index
      %get3A_63 = tpu.vector_load %arg9[%get3A_61, %get3A_62] {strides = array<i32>} : memref<128x32xf32, #tpu.memory_space<vmem>>, vector<16xf32>,
      %add3A_64 = arith.addf %get3A_63, %get3A_54 : vector<16xf32>
      %get3A_65 = arith.constant 1 : i32
      %get3A_66 = arith.index_cast %get3A_65 : i32 to index
      %get3A_67 = arith.constant 0 : index
      %get3A_68 = tpu.vector_load %arg9[%get3A_66, %get3A_67] {strides = array<i32>} : memref<128x32xf32, #tpu.memory_space<vmem>>, vector<16xf32>,
      %add3A_69 = arith.addf %get3A_68, %get3A_51 : vector<16xf32>
      %get3A_70 = arith.constant 1 : i32
      %get3A_71 = arith.index_cast %get3A_70 : i32 to index
      %get3A_72 = arith.constant 16 : index
      %get3A_73 = tpu.vector_load %arg9[%get3A_71, %get3A_72] {strides = array<i32>} : memref<128x32xf32, #tpu.memory_space<vmem>>, vector<16xf32>,
      %add3A_74 = arith.addf %get3A_73, %get3A_54 : vector<16xf32>
      %get3A_75 = arith.constant 2 : i32
      %get3A_76 = arith.index_cast %get3A_75 : i32 to index
      %get3A_77 = arith.constant 0 : index
      %get3A_78 = tpu.vector_load %arg9[%get3A_76, %get3A_77] {strides = array<i32>} : memref<128x32xf32, #tpu.memory_space<vmem>>, vector<16xf32>,
      %add3A_79 = arith.addf %get3A_78, %get3A_51 : vector<16xf32>
      %get3A_80 = arith.constant 2 : i32
      %get3A_81 = arith.index_cast %get3A_80 : i32 to index
      %get3A_82 = arith.constant 16 : index
      %get3A_83 = tpu.vector_load %arg9[%get3A_81, %get3A_82] {strides = array<i32>} : memref<128x32xf32, #tpu.memory_space<vmem>>, vector<16xf32>,
      %add3A_84 = arith.addf %get3A_83, %get3A_54 : vector<16xf32>
      %get3A_85 = arith.constant 3 : i32
      %get3A_86 = arith.index_cast %get3A_85 : i32 to index
      %get3A_87 = arith.constant 0 : index
      %get3A_88 = tpu.vector_load %arg9[%get3A_86, %get3A_87] {strides = array<i32>} : memref<128x32xf32, #tpu.memory_space<vmem>>, vector<16xf32>,
      %add3A_89 = arith.addf %get3A_88, %get3A_51 : vector<16xf32>
      %get3A_90 = arith.constant 3 : i32
      %get3A_91 = arith.index_cast %get3A_90 : i32 to index
      %get3A_92 = arith.constant 16 : index
      %get3A_93 = tpu.vector_load %arg9[%get3A_91, %get3A_92] {strides = array<i32>} : memref<128x32xf32, #tpu.memory_space<vmem>>, vector<16xf32>,
      %add3A_94 = arith.addf %get3A_93, %get3A_54 : vector<16xf32>
      %get3A_95 = arith.constant 4 : i32
      %get3A_96 = arith.index_cast %get3A_95 : i32 to index
      %get3A_97 = arith.constant 0 : index
      %get3A_98 = tpu.vector_load %arg9[%get3A_96, %get3A_97] {strides = array<i32>} : memref<128x32xf32, #tpu.memory_space<vmem>>, vector<16xf32>,
      %add3A_99 = arith.addf %get3A_98, %get3A_51 : vector<16xf32>
      %get3A_100 = arith.constant 4 : i32
      %get3A_101 = arith.index_cast %get3A_100 : i32 to index
      %get3A_102 = arith.constant 16 : index
      %get3A_103 = tpu.vector_load %arg9[%get3A_101, %get3A_102] {strides = array<i32>} : memref<128x32xf32, #tpu.memory_space<vmem>>, vector<16xf32>,
      %add3A_104 = arith.addf %get3A_103, %get3A_54 : vector<16xf32>
      %get3A_105 = arith.constant 5 : i32
      %get3A_106 = arith.index_cast %get3A_105 : i32 to index
      %get3A_107 = arith.constant 0 : index
      %get3A_108 = tpu.vector_load %arg9[%get3A_106, %get3A_107] {strides = array<i32>} : memref<128x32xf32, #tpu.memory_space<vmem>>, vector<16xf32>,
      %add3A_109 = arith.addf %get3A_108, %get3A_51 : vector<16xf32>
      %get3A_110 = arith.constant 5 : i32
      %get3A_111 = arith.index_cast %get3A_110 : i32 to index
      %get3A_112 = arith.constant 16 : index
      %get3A_113 = tpu.vector_load %arg9[%get3A_111, %get3A_112] {strides = array<i32>} : memref<128x32xf32, #tpu.memory_space<vmem>>, vector<16xf32>,
      %add3A_114 = arith.addf %get3A_113, %get3A_54 : vector<16xf32>
      %get3A_115 = arith.constant 6 : i32
      %get3A_116 = arith.index_cast %get3A_115 : i32 to index
      %get3A_117 = arith.constant 0 : index
      %get3A_118 = tpu.vector_load %arg9[%get3A_116, %get3A_117] {strides = array<i32>} : memref<128x32xf32, #tpu.memory_space<vmem>>, vector<16xf32>,
      %add3A_119 = arith.addf %get3A_118, %get3A_51 : vector<16xf32>
      %get3A_120 = arith.constant 6 : i32
      %get3A_121 = arith.index_cast %get3A_120 : i32 to index
      %get3A_122 = arith.constant 16 : index
      %get3A_123 = tpu.vector_load %arg9[%get3A_121, %get3A_122] {strides = array<i32>} : memref<128x32xf32, #tpu.memory_space<vmem>>, vector<16xf32>,
      %add3A_124 = arith.addf %get3A_123, %get3A_54 : vector<16xf32>
      %get3A_125 = arith.constant 7 : i32
      %get3A_126 = arith.index_cast %get3A_125 : i32 to index
      %get3A_127 = arith.constant 0 : index
      %get3A_128 = tpu.vector_load %arg9[%get3A_126, %get3A_127] {strides = array<i32>} : memref<128x32xf32, #tpu.memory_space<vmem>>, vector<16xf32>,
      %add3A_129 = arith.addf %get3A_128, %get3A_51 : vector<16xf32>
      %get3A_130 = arith.constant 7 : i32
      %get3A_131 = arith.index_cast %get3A_130 : i32 to index
      %get3A_132 = arith.constant 16 : index
      %get3A_133 = tpu.vector_load %arg9[%get3A_131, %get3A_132] {strides = array<i32>} : memref<128x32xf32, #tpu.memory_space<vmem>>, vector<16xf32>,
      %add3A_134 = arith.addf %get3A_133, %get3A_54 : vector<16xf32>
      %broadcast_in_dim3A = arith.constant 0 : i32
      %broadcast_in_dim3A_135 = vector.broadcast %broadcast_in_dim3A : i32 to vector<16xi32>
      tpu.vector_store_idx %arg11[%shift_right_arithmetic3A_4, %and3A_9, %broadcast_in_dim3A_135], %add3A_59 : memref<4x8x128xf32, #tpu.memory_space<vmem>>[vector<16xi32>, vector<16xi32>, vector<16xi32>], vector<16xf32>,
      tpu.vector_store_idx %arg11[%add3A_7, %and3A_9, %broadcast_in_dim3A_135], %add3A_64 : memref<4x8x128xf32, #tpu.memory_space<vmem>>[vector<16xi32>, vector<16xi32>, vector<16xi32>], vector<16xf32>,
      %broadcast_in_dim3A_136 = arith.constant 1 : i32
      %broadcast_in_dim3A_137 = vector.broadcast %broadcast_in_dim3A_136 : i32 to vector<16xi32>
      tpu.vector_store_idx %arg11[%shift_right_arithmetic3A_4, %and3A_9, %broadcast_in_dim3A_137], %add3A_69 : memref<4x8x128xf32, #tpu.memory_space<vmem>>[vector<16xi32>, vector<16xi32>, vector<16xi32>], vector<16xf32>,
      tpu.vector_store_idx %arg11[%add3A_7, %and3A_9, %broadcast_in_dim3A_137], %add3A_74 : memref<4x8x128xf32, #tpu.memory_space<vmem>>[vector<16xi32>, vector<16xi32>, vector<16xi32>], vector<16xf32>,
      %broadcast_in_dim3A_138 = arith.constant 2 : i32
      %broadcast_in_dim3A_139 = vector.broadcast %broadcast_in_dim3A_138 : i32 to vector<16xi32>
      tpu.vector_store_idx %arg11[%shift_right_arithmetic3A_4, %and3A_9, %broadcast_in_dim3A_139], %add3A_79 : memref<4x8x128xf32, #tpu.memory_space<vmem>>[vector<16xi32>, vector<16xi32>, vector<16xi32>], vector<16xf32>,
      tpu.vector_store_idx %arg11[%add3A_7, %and3A_9, %broadcast_in_dim3A_139], %add3A_84 : memref<4x8x128xf32, #tpu.memory_space<vmem>>[vector<16xi32>, vector<16xi32>, vector<16xi32>], vector<16xf32>,
      %broadcast_in_dim3A_140 = arith.constant 3 : i32
      %broadcast_in_dim3A_141 = vector.broadcast %broadcast_in_dim3A_140 : i32 to vector<16xi32>
      tpu.vector_store_idx %arg11[%shift_right_arithmetic3A_4, %and3A_9, %broadcast_in_dim3A_141], %add3A_89 : memref<4x8x128xf32, #tpu.memory_space<vmem>>[vector<16xi32>, vector<16xi32>, vector<16xi32>], vector<16xf32>,
      tpu.vector_store_idx %arg11[%add3A_7, %and3A_9, %broadcast_in_dim3A_141], %add3A_94 : memref<4x8x128xf32, #tpu.memory_space<vmem>>[vector<16xi32>, vector<16xi32>, vector<16xi32>], vector<16xf32>,
      %broadcast_in_dim3A_142 = arith.constant 4 : i32
      %broadcast_in_dim3A_143 = vector.broadcast %broadcast_in_dim3A_142 : i32 to vector<16xi32>
      tpu.vector_store_idx %arg11[%shift_right_arithmetic3A_4, %and3A_9, %broadcast_in_dim3A_143], %add3A_99 : memref<4x8x128xf32, #tpu.memory_space<vmem>>[vector<16xi32>, vector<16xi32>, vector<16xi32>], vector<16xf32>,
      tpu.vector_store_idx %arg11[%add3A_7, %and3A_9, %broadcast_in_dim3A_143], %add3A_104 : memref<4x8x128xf32, #tpu.memory_space<vmem>>[vector<16xi32>, vector<16xi32>, vector<16xi32>], vector<16xf32>,
      %broadcast_in_dim3A_144 = arith.constant 5 : i32
      %broadcast_in_dim3A_145 = vector.broadcast %broadcast_in_dim3A_144 : i32 to vector<16xi32>
      tpu.vector_store_idx %arg11[%shift_right_arithmetic3A_4, %and3A_9, %broadcast_in_dim3A_145], %add3A_109 : memref<4x8x128xf32, #tpu.memory_space<vmem>>[vector<16xi32>, vector<16xi32>, vector<16xi32>], vector<16xf32>,
      tpu.vector_store_idx %arg11[%add3A_7, %and3A_9, %broadcast_in_dim3A_145], %add3A_114 : memref<4x8x128xf32, #tpu.memory_space<vmem>>[vector<16xi32>, vector<16xi32>, vector<16xi32>], vector<16xf32>,
      %broadcast_in_dim3A_146 = arith.constant 6 : i32
      %broadcast_in_dim3A_147 = vector.broadcast %broadcast_in_dim3A_146 : i32 to vector<16xi32>
      tpu.vector_store_idx %arg11[%shift_right_arithmetic3A_4, %and3A_9, %broadcast_in_dim3A_147], %add3A_119 : memref<4x8x128xf32, #tpu.memory_space<vmem>>[vector<16xi32>, vector<16xi32>, vector<16xi32>], vector<16xf32>,
      tpu.vector_store_idx %arg11[%add3A_7, %and3A_9, %broadcast_in_dim3A_147], %add3A_124 : memref<4x8x128xf32, #tpu.memory_space<vmem>>[vector<16xi32>, vector<16xi32>, vector<16xi32>], vector<16xf32>,
      %broadcast_in_dim3A_148 = arith.constant 7 : i32
      %broadcast_in_dim3A_149 = vector.broadcast %broadcast_in_dim3A_148 : i32 to vector<16xi32>
      tpu.vector_store_idx %arg11[%shift_right_arithmetic3A_4, %and3A_9, %broadcast_in_dim3A_149], %add3A_129 : memref<4x8x128xf32, #tpu.memory_space<vmem>>[vector<16xi32>, vector<16xi32>, vector<16xi32>], vector<16xf32>,
      tpu.vector_store_idx %arg11[%add3A_7, %and3A_9, %broadcast_in_dim3A_149], %add3A_134 : memref<4x8x128xf32, #tpu.memory_space<vmem>>[vector<16xi32>, vector<16xi32>, vector<16xi32>], vector<16xf32>,
      %get3A_150 = arith.constant 8 : i32
      %get3A_151 = arith.index_cast %get3A_150 : i32 to index
      %get3A_152 = arith.constant 0 : index
      %get3A_153 = tpu.vector_load %arg9[%get3A_151, %get3A_152] {strides = array<i32>} : memref<128x32xf32, #tpu.memory_space<vmem>>, vector<16xf32>,
      %add3A_154 = arith.addf %get3A_153, %get3A_51 : vector<16xf32>
      %get3A_155 = arith.constant 8 : i32
      %get3A_156 = arith.index_cast %get3A_155 : i32 to index
      %get3A_157 = arith.constant 16 : index
      %get3A_158 = tpu.vector_load %arg9[%get3A_156, %get3A_157] {strides = array<i32>} : memref<128x32xf32, #tpu.memory_space<vmem>>, vector<16xf32>,
      %add3A_159 = arith.addf %get3A_158, %get3A_54 : vector<16xf32>
      %get3A_160 = arith.constant 9 : i32
      %get3A_161 = arith.index_cast %get3A_160 : i32 to index
      %get3A_162 = arith.constant 0 : index
      %get3A_163 = tpu.vector_load %arg9[%get3A_161, %get3A_162] {strides = array<i32>} : memref<128x32xf32, #tpu.memory_space<vmem>>, vector<16xf32>,
      %add3A_164 = arith.addf %get3A_163, %get3A_51 : vector<16xf32>
      %get3A_165 = arith.constant 9 : i32
      %get3A_166 = arith.index_cast %get3A_165 : i32 to index
      %get3A_167 = arith.constant 16 : index
      %get3A_168 = tpu.vector_load %arg9[%get3A_166, %get3A_167] {strides = array<i32>} : memref<128x32xf32, #tpu.memory_space<vmem>>, vector<16xf32>,
      %add3A_169 = arith.addf %get3A_168, %get3A_54 : vector<16xf32>
      %get3A_170 = arith.constant 10 : i32
      %get3A_171 = arith.index_cast %get3A_170 : i32 to index
      %get3A_172 = arith.constant 0 : index
      %get3A_173 = tpu.vector_load %arg9[%get3A_171, %get3A_172] {strides = array<i32>} : memref<128x32xf32, #tpu.memory_space<vmem>>, vector<16xf32>,
      %add3A_174 = arith.addf %get3A_173, %get3A_51 : vector<16xf32>
      %get3A_175 = arith.constant 10 : i32
      %get3A_176 = arith.index_cast %get3A_175 : i32 to index
      %get3A_177 = arith.constant 16 : index
      %get3A_178 = tpu.vector_load %arg9[%get3A_176, %get3A_177] {strides = array<i32>} : memref<128x32xf32, #tpu.memory_space<vmem>>, vector<16xf32>,
      %add3A_179 = arith.addf %get3A_178, %get3A_54 : vector<16xf32>
      %get3A_180 = arith.constant 11 : i32
      %get3A_181 = arith.index_cast %get3A_180 : i32 to index
      %get3A_182 = arith.constant 0 : index
      %get3A_183 = tpu.vector_load %arg9[%get3A_181, %get3A_182] {strides = array<i32>} : memref<128x32xf32, #tpu.memory_space<vmem>>, vector<16xf32>,
      %add3A_184 = arith.addf %get3A_183, %get3A_51 : vector<16xf32>
      %get3A_185 = arith.constant 11 : i32
      %get3A_186 = arith.index_cast %get3A_185 : i32 to index
      %get3A_187 = arith.constant 16 : index
      %get3A_188 = tpu.vector_load %arg9[%get3A_186, %get3A_187] {strides = array<i32>} : memref<128x32xf32, #tpu.memory_space<vmem>>, vector<16xf32>,
      %add3A_189 = arith.addf %get3A_188, %get3A_54 : vector<16xf32>
      %get3A_190 = arith.constant 12 : i32
      %get3A_191 = arith.index_cast %get3A_190 : i32 to index
      %get3A_192 = arith.constant 0 : index
      %get3A_193 = tpu.vector_load %arg9[%get3A_191, %get3A_192] {strides = array<i32>} : memref<128x32xf32, #tpu.memory_space<vmem>>, vector<16xf32>,
      %add3A_194 = arith.addf %get3A_193, %get3A_51 : vector<16xf32>
      %get3A_195 = arith.constant 12 : i32
      %get3A_196 = arith.index_cast %get3A_195 : i32 to index
      %get3A_197 = arith.constant 16 : index
      %get3A_198 = tpu.vector_load %arg9[%get3A_196, %get3A_197] {strides = array<i32>} : memref<128x32xf32, #tpu.memory_space<vmem>>, vector<16xf32>,
      %add3A_199 = arith.addf %get3A_198, %get3A_54 : vector<16xf32>
      %get3A_200 = arith.constant 13 : i32
      %get3A_201 = arith.index_cast %get3A_200 : i32 to index
      %get3A_202 = arith.constant 0 : index
      %get3A_203 = tpu.vector_load %arg9[%get3A_201, %get3A_202] {strides = array<i32>} : memref<128x32xf32, #tpu.memory_space<vmem>>, vector<16xf32>,
      %add3A_204 = arith.addf %get3A_203, %get3A_51 : vector<16xf32>
      %get3A_205 = arith.constant 13 : i32
      %get3A_206 = arith.index_cast %get3A_205 : i32 to index
      %get3A_207 = arith.constant 16 : index
      %get3A_208 = tpu.vector_load %arg9[%get3A_206, %get3A_207] {strides = array<i32>} : memref<128x32xf32, #tpu.memory_space<vmem>>, vector<16xf32>,
      %add3A_209 = arith.addf %get3A_208, %get3A_54 : vector<16xf32>
      %get3A_210 = arith.constant 14 : i32
      %get3A_211 = arith.index_cast %get3A_210 : i32 to index
      %get3A_212 = arith.constant 0 : index
      %get3A_213 = tpu.vector_load %arg9[%get3A_211, %get3A_212] {strides = array<i32>} : memref<128x32xf32, #tpu.memory_space<vmem>>, vector<16xf32>,
      %add3A_214 = arith.addf %get3A_213, %get3A_51 : vector<16xf32>
      %get3A_215 = arith.constant 14 : i32
      %get3A_216 = arith.index_cast %get3A_215 : i32 to index
      %get3A_217 = arith.constant 16 : index
      %get3A_218 = tpu.vector_load %arg9[%get3A_216, %get3A_217] {strides = array<i32>} : memref<128x32xf32, #tpu.memory_space<vmem>>, vector<16xf32>,
      %add3A_219 = arith.addf %get3A_218, %get3A_54 : vector<16xf32>
      %get3A_220 = arith.constant 15 : i32
      %get3A_221 = arith.index_cast %get3A_220 : i32 to index
      %get3A_222 = arith.constant 0 : index
      %get3A_223 = tpu.vector_load %arg9[%get3A_221, %get3A_222] {strides = array<i32>} : memref<128x32xf32, #tpu.memory_space<vmem>>, vector<16xf32>,
      %add3A_224 = arith.addf %get3A_223, %get3A_51 : vector<16xf32>
      %get3A_225 = arith.constant 15 : i32
      %get3A_226 = arith.index_cast %get3A_225 : i32 to index
      %get3A_227 = arith.constant 16 : index
      %get3A_228 = tpu.vector_load %arg9[%get3A_226, %get3A_227] {strides = array<i32>} : memref<128x32xf32, #tpu.memory_space<vmem>>, vector<16xf32>,
      %add3A_229 = arith.addf %get3A_228, %get3A_54 : vector<16xf32>
      %broadcast_in_dim3A_230 = arith.constant 8 : i32
      %broadcast_in_dim3A_231 = vector.broadcast %broadcast_in_dim3A_230 : i32 to vector<16xi32>
      tpu.vector_store_idx %arg11[%shift_right_arithmetic3A_4, %and3A_9, %broadcast_in_dim3A_231], %add3A_154 : memref<4x8x128xf32, #tpu.memory_space<vmem>>[vector<16xi32>, vector<16xi32>, vector<16xi32>], vector<16xf32>,
      tpu.vector_store_idx %arg11[%add3A_7, %and3A_9, %broadcast_in_dim3A_231], %add3A_159 : memref<4x8x128xf32, #tpu.memory_space<vmem>>[vector<16xi32>, vector<16xi32>, vector<16xi32>], vector<16xf32>,
      %broadcast_in_dim3A_232 = arith.constant 9 : i32
      %broadcast_in_dim3A_233 = vector.broadcast %broadcast_in_dim3A_232 : i32 to vector<16xi32>
      tpu.vector_store_idx %arg11[%shift_right_arithmetic3A_4, %and3A_9, %broadcast_in_dim3A_233], %add3A_164 : memref<4x8x128xf32, #tpu.memory_space<vmem>>[vector<16xi32>, vector<16xi32>, vector<16xi32>], vector<16xf32>,
      tpu.vector_store_idx %arg11[%add3A_7, %and3A_9, %broadcast_in_dim3A_233], %add3A_169 : memref<4x8x128xf32, #tpu.memory_space<vmem>>[vector<16xi32>, vector<16xi32>, vector<16xi32>], vector<16xf32>,
      %broadcast_in_dim3A_234 = arith.constant 10 : i32
      %broadcast_in_dim3A_235 = vector.broadcast %broadcast_in_dim3A_234 : i32 to vector<16xi32>
      tpu.vector_store_idx %arg11[%shift_right_arithmetic3A_4, %and3A_9, %broadcast_in_dim3A_235], %add3A_174 : memref<4x8x128xf32, #tpu.memory_space<vmem>>[vector<16xi32>, vector<16xi32>, vector<16xi32>], vector<16xf32>,
      tpu.vector_store_idx %arg11[%add3A_7, %and3A_9, %broadcast_in_dim3A_235], %add3A_179 : memref<4x8x128xf32, #tpu.memory_space<vmem>>[vector<16xi32>, vector<16xi32>, vector<16xi32>], vector<16xf32>,
      %broadcast_in_dim3A_236 = arith.constant 11 : i32
      %broadcast_in_dim3A_237 = vector.broadcast %broadcast_in_dim3A_236 : i32 to vector<16xi32>
      tpu.vector_store_idx %arg11[%shift_right_arithmetic3A_4, %and3A_9, %broadcast_in_dim3A_237], %add3A_184 : memref<4x8x128xf32, #tpu.memory_space<vmem>>[vector<16xi32>, vector<16xi32>, vector<16xi32>], vector<16xf32>,
      tpu.vector_store_idx %arg11[%add3A_7, %and3A_9, %broadcast_in_dim3A_237], %add3A_189 : memref<4x8x128xf32, #tpu.memory_space<vmem>>[vector<16xi32>, vector<16xi32>, vector<16xi32>], vector<16xf32>,
      %broadcast_in_dim3A_238 = arith.constant 12 : i32
      %broadcast_in_dim3A_239 = vector.broadcast %broadcast_in_dim3A_238 : i32 to vector<16xi32>
      tpu.vector_store_idx %arg11[%shift_right_arithmetic3A_4, %and3A_9, %broadcast_in_dim3A_239], %add3A_194 : memref<4x8x128xf32, #tpu.memory_space<vmem>>[vector<16xi32>, vector<16xi32>, vector<16xi32>], vector<16xf32>,
      tpu.vector_store_idx %arg11[%add3A_7, %and3A_9, %broadcast_in_dim3A_239], %add3A_199 : memref<4x8x128xf32, #tpu.memory_space<vmem>>[vector<16xi32>, vector<16xi32>, vector<16xi32>], vector<16xf32>,
      %broadcast_in_dim3A_240 = arith.constant 13 : i32
      %broadcast_in_dim3A_241 = vector.broadcast %broadcast_in_dim3A_240 : i32 to vector<16xi32>
      tpu.vector_store_idx %arg11[%shift_right_arithmetic3A_4, %and3A_9, %broadcast_in_dim3A_241], %add3A_204 : memref<4x8x128xf32, #tpu.memory_space<vmem>>[vector<16xi32>, vector<16xi32>, vector<16xi32>], vector<16xf32>,
      tpu.vector_store_idx %arg11[%add3A_7, %and3A_9, %broadcast_in_dim3A_241], %add3A_209 : memref<4x8x128xf32, #tpu.memory_space<vmem>>[vector<16xi32>, vector<16xi32>, vector<16xi32>], vector<16xf32>,
      %broadcast_in_dim3A_242 = arith.constant 14 : i32
      %broadcast_in_dim3A_243 = vector.broadcast %broadcast_in_dim3A_242 : i32 to vector<16xi32>
      tpu.vector_store_idx %arg11[%shift_right_arithmetic3A_4, %and3A_9, %broadcast_in_dim3A_243], %add3A_214 : memref<4x8x128xf32, #tpu.memory_space<vmem>>[vector<16xi32>, vector<16xi32>, vector<16xi32>], vector<16xf32>,
      tpu.vector_store_idx %arg11[%add3A_7, %and3A_9, %broadcast_in_dim3A_243], %add3A_219 : memref<4x8x128xf32, #tpu.memory_space<vmem>>[vector<16xi32>, vector<16xi32>, vector<16xi32>], vector<16xf32>,
      %broadcast_in_dim3A_244 = arith.constant 15 : i32
      %broadcast_in_dim3A_245 = vector.broadcast %broadcast_in_dim3A_244 : i32 to vector<16xi32>
      tpu.vector_store_idx %arg11[%shift_right_arithmetic3A_4, %and3A_9, %broadcast_in_dim3A_245], %add3A_224 : memref<4x8x128xf32, #tpu.memory_space<vmem>>[vector<16xi32>, vector<16xi32>, vector<16xi32>], vector<16xf32>,
      tpu.vector_store_idx %arg11[%add3A_7, %and3A_9, %broadcast_in_dim3A_245], %add3A_229 : memref<4x8x128xf32, #tpu.memory_space<vmem>>[vector<16xi32>, vector<16xi32>, vector<16xi32>], vector<16xf32>,
      %get3A_246 = arith.constant 16 : i32
      %get3A_247 = arith.index_cast %get3A_246 : i32 to index
      %get3A_248 = arith.constant 0 : index
      %get3A_249 = tpu.vector_load %arg9[%get3A_247, %get3A_248] {strides = array<i32>} : memref<128x32xf32, #tpu.memory_space<vmem>>, vector<16xf32>,
      %add3A_250 = arith.addf %get3A_249, %get3A_51 : vector<16xf32>
      %get3A_251 = arith.constant 16 : i32
      %get3A_252 = arith.index_cast %get3A_251 : i32 to index
      %get3A_253 = arith.constant 16 : index
      %get3A_254 = tpu.vector_load %arg9[%get3A_252, %get3A_253] {strides = array<i32>} : memref<128x32xf32, #tpu.memory_space<vmem>>, vector<16xf32>,
      %add3A_255 = arith.addf %get3A_254, %get3A_54 : vector<16xf32>
      %get3A_256 = arith.constant 17 : i32
      %get3A_257 = arith.index_cast %get3A_256 : i32 to index
      %get3A_258 = arith.constant 0 : index
      %get3A_259 = tpu.vector_load %arg9[%get3A_257, %get3A_258] {strides = array<i32>} : memref<128x32xf32, #tpu.memory_space<vmem>>, vector<16xf32>,
      %add3A_260 = arith.addf %get3A_259, %get3A_51 : vector<16xf32>
      %get3A_261 = arith.constant 17 : i32
      %get3A_262 = arith.index_cast %get3A_261 : i32 to index
      %get3A_263 = arith.constant 16 : index
      %get3A_264 = tpu.vector_load %arg9[%get3A_262, %get3A_263] {strides = array<i32>} : memref<128x32xf32, #tpu.memory_space<vmem>>, vector<16xf32>,
      %add3A_265 = arith.addf %get3A_264, %get3A_54 : vector<16xf32>
      %get3A_266 = arith.constant 18 : i32
      %get3A_267 = arith.index_cast %get3A_266 : i32 to index
      %get3A_268 = arith.constant 0 : index
      %get3A_269 = tpu.vector_load %arg9[%get3A_267, %get3A_268] {strides = array<i32>} : memref<128x32xf32, #tpu.memory_space<vmem>>, vector<16xf32>,
      %add3A_270 = arith.addf %get3A_269, %get3A_51 : vector<16xf32>
      %get3A_271 = arith.constant 18 : i32
      %get3A_272 = arith.index_cast %get3A_271 : i32 to index
      %get3A_273 = arith.constant 16 : index
      %get3A_274 = tpu.vector_load %arg9[%get3A_272, %get3A_273] {strides = array<i32>} : memref<128x32xf32, #tpu.memory_space<vmem>>, vector<16xf32>,
      %add3A_275 = arith.addf %get3A_274, %get3A_54 : vector<16xf32>
      %get3A_276 = arith.constant 19 : i32
      %get3A_277 = arith.index_cast %get3A_276 : i32 to index
      %get3A_278 = arith.constant 0 : index
      %get3A_279 = tpu.vector_load %arg9[%get3A_277, %get3A_278] {strides = array<i32>} : memref<128x32xf32, #tpu.memory_space<vmem>>, vector<16xf32>,
      %add3A_280 = arith.addf %get3A_279, %get3A_51 : vector<16xf32>
      %get3A_281 = arith.constant 19 : i32
      %get3A_282 = arith.index_cast %get3A_281 : i32 to index
      %get3A_283 = arith.constant 16 : index
      %get3A_284 = tpu.vector_load %arg9[%get3A_282, %get3A_283] {strides = array<i32>} : memref<128x32xf32, #tpu.memory_space<vmem>>, vector<16xf32>,
      %add3A_285 = arith.addf %get3A_284, %get3A_54 : vector<16xf32>
      %get3A_286 = arith.constant 20 : i32
      %get3A_287 = arith.index_cast %get3A_286 : i32 to index
      %get3A_288 = arith.constant 0 : index
      %get3A_289 = tpu.vector_load %arg9[%get3A_287, %get3A_288] {strides = array<i32>} : memref<128x32xf32, #tpu.memory_space<vmem>>, vector<16xf32>,
      %add3A_290 = arith.addf %get3A_289, %get3A_51 : vector<16xf32>
      %get3A_291 = arith.constant 20 : i32
      %get3A_292 = arith.index_cast %get3A_291 : i32 to index
      %get3A_293 = arith.constant 16 : index
      %get3A_294 = tpu.vector_load %arg9[%get3A_292, %get3A_293] {strides = array<i32>} : memref<128x32xf32, #tpu.memory_space<vmem>>, vector<16xf32>,
      %add3A_295 = arith.addf %get3A_294, %get3A_54 : vector<16xf32>
      %get3A_296 = arith.constant 21 : i32
      %get3A_297 = arith.index_cast %get3A_296 : i32 to index
      %get3A_298 = arith.constant 0 : index
      %get3A_299 = tpu.vector_load %arg9[%get3A_297, %get3A_298] {strides = array<i32>} : memref<128x32xf32, #tpu.memory_space<vmem>>, vector<16xf32>,
      %add3A_300 = arith.addf %get3A_299, %get3A_51 : vector<16xf32>
      %get3A_301 = arith.constant 21 : i32
      %get3A_302 = arith.index_cast %get3A_301 : i32 to index
      %get3A_303 = arith.constant 16 : index
      %get3A_304 = tpu.vector_load %arg9[%get3A_302, %get3A_303] {strides = array<i32>} : memref<128x32xf32, #tpu.memory_space<vmem>>, vector<16xf32>,
      %add3A_305 = arith.addf %get3A_304, %get3A_54 : vector<16xf32>
      %get3A_306 = arith.constant 22 : i32
      %get3A_307 = arith.index_cast %get3A_306 : i32 to index
      %get3A_308 = arith.constant 0 : index
      %get3A_309 = tpu.vector_load %arg9[%get3A_307, %get3A_308] {strides = array<i32>} : memref<128x32xf32, #tpu.memory_space<vmem>>, vector<16xf32>,
      %add3A_310 = arith.addf %get3A_309, %get3A_51 : vector<16xf32>
      %get3A_311 = arith.constant 22 : i32
      %get3A_312 = arith.index_cast %get3A_311 : i32 to index
      %get3A_313 = arith.constant 16 : index
      %get3A_314 = tpu.vector_load %arg9[%get3A_312, %get3A_313] {strides = array<i32>} : memref<128x32xf32, #tpu.memory_space<vmem>>, vector<16xf32>,
      %add3A_315 = arith.addf %get3A_314, %get3A_54 : vector<16xf32>
      %get3A_316 = arith.constant 23 : i32
      %get3A_317 = arith.index_cast %get3A_316 : i32 to index
      %get3A_318 = arith.constant 0 : index
      %get3A_319 = tpu.vector_load %arg9[%get3A_317, %get3A_318] {strides = array<i32>} : memref<128x32xf32, #tpu.memory_space<vmem>>, vector<16xf32>,
      %add3A_320 = arith.addf %get3A_319, %get3A_51 : vector<16xf32>
      %get3A_321 = arith.constant 23 : i32
      %get3A_322 = arith.index_cast %get3A_321 : i32 to index
      %get3A_323 = arith.constant 16 : index
      %get3A_324 = tpu.vector_load %arg9[%get3A_322, %get3A_323] {strides = array<i32>} : memref<128x32xf32, #tpu.memory_space<vmem>>, vector<16xf32>,
      %add3A_325 = arith.addf %get3A_324, %get3A_54 : vector<16xf32>
      %broadcast_in_dim3A_326 = arith.constant 16 : i32
      %broadcast_in_dim3A_327 = vector.broadcast %broadcast_in_dim3A_326 : i32 to vector<16xi32>
      tpu.vector_store_idx %arg11[%shift_right_arithmetic3A_4, %and3A_9, %broadcast_in_dim3A_327], %add3A_250 : memref<4x8x128xf32, #tpu.memory_space<vmem>>[vector<16xi32>, vector<16xi32>, vector<16xi32>], vector<16xf32>,
      tpu.vector_store_idx %arg11[%add3A_7, %and3A_9, %broadcast_in_dim3A_327], %add3A_255 : memref<4x8x128xf32, #tpu.memory_space<vmem>>[vector<16xi32>, vector<16xi32>, vector<16xi32>], vector<16xf32>,
      %broadcast_in_dim3A_328 = arith.constant 17 : i32
      %broadcast_in_dim3A_329 = vector.broadcast %broadcast_in_dim3A_328 : i32 to vector<16xi32>
      tpu.vector_store_idx %arg11[%shift_right_arithmetic3A_4, %and3A_9, %broadcast_in_dim3A_329], %add3A_260 : memref<4x8x128xf32, #tpu.memory_space<vmem>>[vector<16xi32>, vector<16xi32>, vector<16xi32>], vector<16xf32>,
      tpu.vector_store_idx %arg11[%add3A_7, %and3A_9, %broadcast_in_dim3A_329], %add3A_265 : memref<4x8x128xf32, #tpu.memory_space<vmem>>[vector<16xi32>, vector<16xi32>, vector<16xi32>], vector<16xf32>,
      %broadcast_in_dim3A_330 = arith.constant 18 : i32
      %broadcast_in_dim3A_331 = vector.broadcast %broadcast_in_dim3A_330 : i32 to vector<16xi32>
      tpu.vector_store_idx %arg11[%shift_right_arithmetic3A_4, %and3A_9, %broadcast_in_dim3A_331], %add3A_270 : memref<4x8x128xf32, #tpu.memory_space<vmem>>[vector<16xi32>, vector<16xi32>, vector<16xi32>], vector<16xf32>,
      tpu.vector_store_idx %arg11[%add3A_7, %and3A_9, %broadcast_in_dim3A_331], %add3A_275 : memref<4x8x128xf32, #tpu.memory_space<vmem>>[vector<16xi32>, vector<16xi32>, vector<16xi32>], vector<16xf32>,
      %broadcast_in_dim3A_332 = arith.constant 19 : i32
      %broadcast_in_dim3A_333 = vector.broadcast %broadcast_in_dim3A_332 : i32 to vector<16xi32>
      tpu.vector_store_idx %arg11[%shift_right_arithmetic3A_4, %and3A_9, %broadcast_in_dim3A_333], %add3A_280 : memref<4x8x128xf32, #tpu.memory_space<vmem>>[vector<16xi32>, vector<16xi32>, vector<16xi32>], vector<16xf32>,
      tpu.vector_store_idx %arg11[%add3A_7, %and3A_9, %broadcast_in_dim3A_333], %add3A_285 : memref<4x8x128xf32, #tpu.memory_space<vmem>>[vector<16xi32>, vector<16xi32>, vector<16xi32>], vector<16xf32>,
      %broadcast_in_dim3A_334 = arith.constant 20 : i32
      %broadcast_in_dim3A_335 = vector.broadcast %broadcast_in_dim3A_334 : i32 to vector<16xi32>
      tpu.vector_store_idx %arg11[%shift_right_arithmetic3A_4, %and3A_9, %broadcast_in_dim3A_335], %add3A_290 : memref<4x8x128xf32, #tpu.memory_space<vmem>>[vector<16xi32>, vector<16xi32>, vector<16xi32>], vector<16xf32>,
      tpu.vector_store_idx %arg11[%add3A_7, %and3A_9, %broadcast_in_dim3A_335], %add3A_295 : memref<4x8x128xf32, #tpu.memory_space<vmem>>[vector<16xi32>, vector<16xi32>, vector<16xi32>], vector<16xf32>,
      %broadcast_in_dim3A_336 = arith.constant 21 : i32
      %broadcast_in_dim3A_337 = vector.broadcast %broadcast_in_dim3A_336 : i32 to vector<16xi32>
      tpu.vector_store_idx %arg11[%shift_right_arithmetic3A_4, %and3A_9, %broadcast_in_dim3A_337], %add3A_300 : memref<4x8x128xf32, #tpu.memory_space<vmem>>[vector<16xi32>, vector<16xi32>, vector<16xi32>], vector<16xf32>,
      tpu.vector_store_idx %arg11[%add3A_7, %and3A_9, %broadcast_in_dim3A_337], %add3A_305 : memref<4x8x128xf32, #tpu.memory_space<vmem>>[vector<16xi32>, vector<16xi32>, vector<16xi32>], vector<16xf32>,
      %broadcast_in_dim3A_338 = arith.constant 22 : i32
      %broadcast_in_dim3A_339 = vector.broadcast %broadcast_in_dim3A_338 : i32 to vector<16xi32>
      tpu.vector_store_idx %arg11[%shift_right_arithmetic3A_4, %and3A_9, %broadcast_in_dim3A_339], %add3A_310 : memref<4x8x128xf32, #tpu.memory_space<vmem>>[vector<16xi32>, vector<16xi32>, vector<16xi32>], vector<16xf32>,
      tpu.vector_store_idx %arg11[%add3A_7, %and3A_9, %broadcast_in_dim3A_339], %add3A_315 : memref<4x8x128xf32, #tpu.memory_space<vmem>>[vector<16xi32>, vector<16xi32>, vector<16xi32>], vector<16xf32>,
      %broadcast_in_dim3A_340 = arith.constant 23 : i32
      %broadcast_in_dim3A_341 = vector.broadcast %broadcast_in_dim3A_340 : i32 to vector<16xi32>
      tpu.vector_store_idx %arg11[%shift_right_arithmetic3A_4, %and3A_9, %broadcast_in_dim3A_341], %add3A_320 : memref<4x8x128xf32, #tpu.memory_space<vmem>>[vector<16xi32>, vector<16xi32>, vector<16xi32>], vector<16xf32>,
      tpu.vector_store_idx %arg11[%add3A_7, %and3A_9, %broadcast_in_dim3A_341], %add3A_325 : memref<4x8x128xf32, #tpu.memory_space<vmem>>[vector<16xi32>, vector<16xi32>, vector<16xi32>], vector<16xf32>,
      %get3A_342 = arith.constant 24 : i32
      %get3A_343 = arith.index_cast %get3A_342 : i32 to index
      %get3A_344 = arith.constant 0 : index
      %get3A_345 = tpu.vector_load %arg9[%get3A_343, %get3A_344] {strides = array<i32>} : memref<128x32xf32, #tpu.memory_space<vmem>>, vector<16xf32>,
      %add3A_346 = arith.addf %get3A_345, %get3A_51 : vector<16xf32>
      %get3A_347 = arith.constant 24 : i32
      %get3A_348 = arith.index_cast %get3A_347 : i32 to index
      %get3A_349 = arith.constant 16 : index
      %get3A_350 = tpu.vector_load %arg9[%get3A_348, %get3A_349] {strides = array<i32>} : memref<128x32xf32, #tpu.memory_space<vmem>>, vector<16xf32>,
      %add3A_351 = arith.addf %get3A_350, %get3A_54 : vector<16xf32>
      %get3A_352 = arith.constant 25 : i32
      %get3A_353 = arith.index_cast %get3A_352 : i32 to index
      %get3A_354 = arith.constant 0 : index
      %get3A_355 = tpu.vector_load %arg9[%get3A_353, %get3A_354] {strides = array<i32>} : memref<128x32xf32, #tpu.memory_space<vmem>>, vector<16xf32>,
      %add3A_356 = arith.addf %get3A_355, %get3A_51 : vector<16xf32>
      %get3A_357 = arith.constant 25 : i32
      %get3A_358 = arith.index_cast %get3A_357 : i32 to index
      %get3A_359 = arith.constant 16 : index
      %get3A_360 = tpu.vector_load %arg9[%get3A_358, %get3A_359] {strides = array<i32>} : memref<128x32xf32, #tpu.memory_space<vmem>>, vector<16xf32>,
      %add3A_361 = arith.addf %get3A_360, %get3A_54 : vector<16xf32>
      %get3A_362 = arith.constant 26 : i32
      %get3A_363 = arith.index_cast %get3A_362 : i32 to index
      %get3A_364 = arith.constant 0 : index
      %get3A_365 = tpu.vector_load %arg9[%get3A_363, %get3A_364] {strides = array<i32>} : memref<128x32xf32, #tpu.memory_space<vmem>>, vector<16xf32>,
      %add3A_366 = arith.addf %get3A_365, %get3A_51 : vector<16xf32>
      %get3A_367 = arith.constant 26 : i32
      %get3A_368 = arith.index_cast %get3A_367 : i32 to index
      %get3A_369 = arith.constant 16 : index
      %get3A_370 = tpu.vector_load %arg9[%get3A_368, %get3A_369] {strides = array<i32>} : memref<128x32xf32, #tpu.memory_space<vmem>>, vector<16xf32>,
      %add3A_371 = arith.addf %get3A_370, %get3A_54 : vector<16xf32>
      %get3A_372 = arith.constant 27 : i32
      %get3A_373 = arith.index_cast %get3A_372 : i32 to index
      %get3A_374 = arith.constant 0 : index
      %get3A_375 = tpu.vector_load %arg9[%get3A_373, %get3A_374] {strides = array<i32>} : memref<128x32xf32, #tpu.memory_space<vmem>>, vector<16xf32>,
      %add3A_376 = arith.addf %get3A_375, %get3A_51 : vector<16xf32>
      %get3A_377 = arith.constant 27 : i32
      %get3A_378 = arith.index_cast %get3A_377 : i32 to index
      %get3A_379 = arith.constant 16 : index
      %get3A_380 = tpu.vector_load %arg9[%get3A_378, %get3A_379] {strides = array<i32>} : memref<128x32xf32, #tpu.memory_space<vmem>>, vector<16xf32>,
      %add3A_381 = arith.addf %get3A_380, %get3A_54 : vector<16xf32>
      %get3A_382 = arith.constant 28 : i32
      %get3A_383 = arith.index_cast %get3A_382 : i32 to index
      %get3A_384 = arith.constant 0 : index
      %get3A_385 = tpu.vector_load %arg9[%get3A_383, %get3A_384] {strides = array<i32>} : memref<128x32xf32, #tpu.memory_space<vmem>>, vector<16xf32>,
      %add3A_386 = arith.addf %get3A_385, %get3A_51 : vector<16xf32>
      %get3A_387 = arith.constant 28 : i32
      %get3A_388 = arith.index_cast %get3A_387 : i32 to index
      %get3A_389 = arith.constant 16 : index
      %get3A_390 = tpu.vector_load %arg9[%get3A_388, %get3A_389] {strides = array<i32>} : memref<128x32xf32, #tpu.memory_space<vmem>>, vector<16xf32>,
      %add3A_391 = arith.addf %get3A_390, %get3A_54 : vector<16xf32>
      %get3A_392 = arith.constant 29 : i32
      %get3A_393 = arith.index_cast %get3A_392 : i32 to index
      %get3A_394 = arith.constant 0 : index
      %get3A_395 = tpu.vector_load %arg9[%get3A_393, %get3A_394] {strides = array<i32>} : memref<128x32xf32, #tpu.memory_space<vmem>>, vector<16xf32>,
      %add3A_396 = arith.addf %get3A_395, %get3A_51 : vector<16xf32>
      %get3A_397 = arith.constant 29 : i32
      %get3A_398 = arith.index_cast %get3A_397 : i32 to index
      %get3A_399 = arith.constant 16 : index
      %get3A_400 = tpu.vector_load %arg9[%get3A_398, %get3A_399] {strides = array<i32>} : memref<128x32xf32, #tpu.memory_space<vmem>>, vector<16xf32>,
      %add3A_401 = arith.addf %get3A_400, %get3A_54 : vector<16xf32>
      %get3A_402 = arith.constant 30 : i32
      %get3A_403 = arith.index_cast %get3A_402 : i32 to index
      %get3A_404 = arith.constant 0 : index
      %get3A_405 = tpu.vector_load %arg9[%get3A_403, %get3A_404] {strides = array<i32>} : memref<128x32xf32, #tpu.memory_space<vmem>>, vector<16xf32>,
      %add3A_406 = arith.addf %get3A_405, %get3A_51 : vector<16xf32>
      %get3A_407 = arith.constant 30 : i32
      %get3A_408 = arith.index_cast %get3A_407 : i32 to index
      %get3A_409 = arith.constant 16 : index
      %get3A_410 = tpu.vector_load %arg9[%get3A_408, %get3A_409] {strides = array<i32>} : memref<128x32xf32, #tpu.memory_space<vmem>>, vector<16xf32>,
      %add3A_411 = arith.addf %get3A_410, %get3A_54 : vector<16xf32>
      %get3A_412 = arith.constant 31 : i32
      %get3A_413 = arith.index_cast %get3A_412 : i32 to index
      %get3A_414 = arith.constant 0 : index
      %get3A_415 = tpu.vector_load %arg9[%get3A_413, %get3A_414] {strides = array<i32>} : memref<128x32xf32, #tpu.memory_space<vmem>>, vector<16xf32>,
      %add3A_416 = arith.addf %get3A_415, %get3A_51 : vector<16xf32>
      %get3A_417 = arith.constant 31 : i32
      %get3A_418 = arith.index_cast %get3A_417 : i32 to index
      %get3A_419 = arith.constant 16 : index
      %get3A_420 = tpu.vector_load %arg9[%get3A_418, %get3A_419] {strides = array<i32>} : memref<128x32xf32, #tpu.memory_space<vmem>>, vector<16xf32>,
      %add3A_421 = arith.addf %get3A_420, %get3A_54 : vector<16xf32>
      %broadcast_in_dim3A_422 = arith.constant 24 : i32
      %broadcast_in_dim3A_423 = vector.broadcast %broadcast_in_dim3A_422 : i32 to vector<16xi32>
      tpu.vector_store_idx %arg11[%shift_right_arithmetic3A_4, %and3A_9, %broadcast_in_dim3A_423], %add3A_346 : memref<4x8x128xf32, #tpu.memory_space<vmem>>[vector<16xi32>, vector<16xi32>, vector<16xi32>], vector<16xf32>,
      tpu.vector_store_idx %arg11[%add3A_7, %and3A_9, %broadcast_in_dim3A_423], %add3A_351 : memref<4x8x128xf32, #tpu.memory_space<vmem>>[vector<16xi32>, vector<16xi32>, vector<16xi32>], vector<16xf32>,
      %broadcast_in_dim3A_424 = arith.constant 25 : i32
      %broadcast_in_dim3A_425 = vector.broadcast %broadcast_in_dim3A_424 : i32 to vector<16xi32>
      tpu.vector_store_idx %arg11[%shift_right_arithmetic3A_4, %and3A_9, %broadcast_in_dim3A_425], %add3A_356 : memref<4x8x128xf32, #tpu.memory_space<vmem>>[vector<16xi32>, vector<16xi32>, vector<16xi32>], vector<16xf32>,
      tpu.vector_store_idx %arg11[%add3A_7, %and3A_9, %broadcast_in_dim3A_425], %add3A_361 : memref<4x8x128xf32, #tpu.memory_space<vmem>>[vector<16xi32>, vector<16xi32>, vector<16xi32>], vector<16xf32>,
      %broadcast_in_dim3A_426 = arith.constant 26 : i32
      %broadcast_in_dim3A_427 = vector.broadcast %broadcast_in_dim3A_426 : i32 to vector<16xi32>
      tpu.vector_store_idx %arg11[%shift_right_arithmetic3A_4, %and3A_9, %broadcast_in_dim3A_427], %add3A_366 : memref<4x8x128xf32, #tpu.memory_space<vmem>>[vector<16xi32>, vector<16xi32>, vector<16xi32>], vector<16xf32>,
      tpu.vector_store_idx %arg11[%add3A_7, %and3A_9, %broadcast_in_dim3A_427], %add3A_371 : memref<4x8x128xf32, #tpu.memory_space<vmem>>[vector<16xi32>, vector<16xi32>, vector<16xi32>], vector<16xf32>,
      %broadcast_in_dim3A_428 = arith.constant 27 : i32
      %broadcast_in_dim3A_429 = vector.broadcast %broadcast_in_dim3A_428 : i32 to vector<16xi32>
      tpu.vector_store_idx %arg11[%shift_right_arithmetic3A_4, %and3A_9, %broadcast_in_dim3A_429], %add3A_376 : memref<4x8x128xf32, #tpu.memory_space<vmem>>[vector<16xi32>, vector<16xi32>, vector<16xi32>], vector<16xf32>,
      tpu.vector_store_idx %arg11[%add3A_7, %and3A_9, %broadcast_in_dim3A_429], %add3A_381 : memref<4x8x128xf32, #tpu.memory_space<vmem>>[vector<16xi32>, vector<16xi32>, vector<16xi32>], vector<16xf32>,
      %broadcast_in_dim3A_430 = arith.constant 28 : i32
      %broadcast_in_dim3A_431 = vector.broadcast %broadcast_in_dim3A_430 : i32 to vector<16xi32>
      tpu.vector_store_idx %arg11[%shift_right_arithmetic3A_4, %and3A_9, %broadcast_in_dim3A_431], %add3A_386 : memref<4x8x128xf32, #tpu.memory_space<vmem>>[vector<16xi32>, vector<16xi32>, vector<16xi32>], vector<16xf32>,
      tpu.vector_store_idx %arg11[%add3A_7, %and3A_9, %broadcast_in_dim3A_431], %add3A_391 : memref<4x8x128xf32, #tpu.memory_space<vmem>>[vector<16xi32>, vector<16xi32>, vector<16xi32>], vector<16xf32>,
      %broadcast_in_dim3A_432 = arith.constant 29 : i32
      %broadcast_in_dim3A_433 = vector.broadcast %broadcast_in_dim3A_432 : i32 to vector<16xi32>
      tpu.vector_store_idx %arg11[%shift_right_arithmetic3A_4, %and3A_9, %broadcast_in_dim3A_433], %add3A_396 : memref<4x8x128xf32, #tpu.memory_space<vmem>>[vector<16xi32>, vector<16xi32>, vector<16xi32>], vector<16xf32>,
      tpu.vector_store_idx %arg11[%add3A_7, %and3A_9, %broadcast_in_dim3A_433], %add3A_401 : memref<4x8x128xf32, #tpu.memory_space<vmem>>[vector<16xi32>, vector<16xi32>, vector<16xi32>], vector<16xf32>,
      %broadcast_in_dim3A_434 = arith.constant 30 : i32
      %broadcast_in_dim3A_435 = vector.broadcast %broadcast_in_dim3A_434 : i32 to vector<16xi32>
      tpu.vector_store_idx %arg11[%shift_right_arithmetic3A_4, %and3A_9, %broadcast_in_dim3A_435], %add3A_406 : memref<4x8x128xf32, #tpu.memory_space<vmem>>[vector<16xi32>, vector<16xi32>, vector<16xi32>], vector<16xf32>,
      tpu.vector_store_idx %arg11[%add3A_7, %and3A_9, %broadcast_in_dim3A_435], %add3A_411 : memref<4x8x128xf32, #tpu.memory_space<vmem>>[vector<16xi32>, vector<16xi32>, vector<16xi32>], vector<16xf32>,
      %broadcast_in_dim3A_436 = arith.constant 31 : i32
      %broadcast_in_dim3A_437 = vector.broadcast %broadcast_in_dim3A_436 : i32 to vector<16xi32>
      tpu.vector_store_idx %arg11[%shift_right_arithmetic3A_4, %and3A_9, %broadcast_in_dim3A_437], %add3A_416 : memref<4x8x128xf32, #tpu.memory_space<vmem>>[vector<16xi32>, vector<16xi32>, vector<16xi32>], vector<16xf32>,
      tpu.vector_store_idx %arg11[%add3A_7, %and3A_9, %broadcast_in_dim3A_437], %add3A_421 : memref<4x8x128xf32, #tpu.memory_space<vmem>>[vector<16xi32>, vector<16xi32>, vector<16xi32>], vector<16xf32>,
      %get3A_438 = arith.constant 32 : i32
      %get3A_439 = arith.index_cast %get3A_438 : i32 to index
      %get3A_440 = arith.constant 0 : index
      %get3A_441 = tpu.vector_load %arg9[%get3A_439, %get3A_440] {strides = array<i32>} : memref<128x32xf32, #tpu.memory_space<vmem>>, vector<16xf32>,
      %add3A_442 = arith.addf %get3A_441, %get3A_51 : vector<16xf32>
      %get3A_443 = arith.constant 32 : i32
      %get3A_444 = arith.index_cast %get3A_443 : i32 to index
      %get3A_445 = arith.constant 16 : index
      %get3A_446 = tpu.vector_load %arg9[%get3A_444, %get3A_445] {strides = array<i32>} : memref<128x32xf32, #tpu.memory_space<vmem>>, vector<16xf32>,
      %add3A_447 = arith.addf %get3A_446, %get3A_54 : vector<16xf32>
      %get3A_448 = arith.constant 33 : i32
      %get3A_449 = arith.index_cast %get3A_448 : i32 to index
      %get3A_450 = arith.constant 0 : index
      %get3A_451 = tpu.vector_load %arg9[%get3A_449, %get3A_450] {strides = array<i32>} : memref<128x32xf32, #tpu.memory_space<vmem>>, vector<16xf32>,
      %add3A_452 = arith.addf %get3A_451, %get3A_51 : vector<16xf32>
      %get3A_453 = arith.constant 33 : i32
      %get3A_454 = arith.index_cast %get3A_453 : i32 to index
      %get3A_455 = arith.constant 16 : index
      %get3A_456 = tpu.vector_load %arg9[%get3A_454, %get3A_455] {strides = array<i32>} : memref<128x32xf32, #tpu.memory_space<vmem>>, vector<16xf32>,
      %add3A_457 = arith.addf %get3A_456, %get3A_54 : vector<16xf32>
      %get3A_458 = arith.constant 34 : i32
      %get3A_459 = arith.index_cast %get3A_458 : i32 to index
      %get3A_460 = arith.constant 0 : index
      %get3A_461 = tpu.vector_load %arg9[%get3A_459, %get3A_460] {strides = array<i32>} : memref<128x32xf32, #tpu.memory_space<vmem>>, vector<16xf32>,
      %add3A_462 = arith.addf %get3A_461, %get3A_51 : vector<16xf32>
      %get3A_463 = arith.constant 34 : i32
      %get3A_464 = arith.index_cast %get3A_463 : i32 to index
      %get3A_465 = arith.constant 16 : index
      %get3A_466 = tpu.vector_load %arg9[%get3A_464, %get3A_465] {strides = array<i32>} : memref<128x32xf32, #tpu.memory_space<vmem>>, vector<16xf32>,
      %add3A_467 = arith.addf %get3A_466, %get3A_54 : vector<16xf32>
      %get3A_468 = arith.constant 35 : i32
      %get3A_469 = arith.index_cast %get3A_468 : i32 to index
      %get3A_470 = arith.constant 0 : index
      %get3A_471 = tpu.vector_load %arg9[%get3A_469, %get3A_470] {strides = array<i32>} : memref<128x32xf32, #tpu.memory_space<vmem>>, vector<16xf32>,
      %add3A_472 = arith.addf %get3A_471, %get3A_51 : vector<16xf32>
      %get3A_473 = arith.constant 35 : i32
      %get3A_474 = arith.index_cast %get3A_473 : i32 to index
      %get3A_475 = arith.constant 16 : index
      %get3A_476 = tpu.vector_load %arg9[%get3A_474, %get3A_475] {strides = array<i32>} : memref<128x32xf32, #tpu.memory_space<vmem>>, vector<16xf32>,
      %add3A_477 = arith.addf %get3A_476, %get3A_54 : vector<16xf32>
      %get3A_478 = arith.constant 36 : i32
      %get3A_479 = arith.index_cast %get3A_478 : i32 to index
      %get3A_480 = arith.constant 0 : index
      %get3A_481 = tpu.vector_load %arg9[%get3A_479, %get3A_480] {strides = array<i32>} : memref<128x32xf32, #tpu.memory_space<vmem>>, vector<16xf32>,
      %add3A_482 = arith.addf %get3A_481, %get3A_51 : vector<16xf32>
      %get3A_483 = arith.constant 36 : i32
      %get3A_484 = arith.index_cast %get3A_483 : i32 to index
      %get3A_485 = arith.constant 16 : index
      %get3A_486 = tpu.vector_load %arg9[%get3A_484, %get3A_485] {strides = array<i32>} : memref<128x32xf32, #tpu.memory_space<vmem>>, vector<16xf32>,
      %add3A_487 = arith.addf %get3A_486, %get3A_54 : vector<16xf32>
      %get3A_488 = arith.constant 37 : i32
      %get3A_489 = arith.index_cast %get3A_488 : i32 to index
      %get3A_490 = arith.constant 0 : index
      %get3A_491 = tpu.vector_load %arg9[%get3A_489, %get3A_490] {strides = array<i32>} : memref<128x32xf32, #tpu.memory_space<vmem>>, vector<16xf32>,
      %add3A_492 = arith.addf %get3A_491, %get3A_51 : vector<16xf32>
      %get3A_493 = arith.constant 37 : i32
      %get3A_494 = arith.index_cast %get3A_493 : i32 to index
      %get3A_495 = arith.constant 16 : index
      %get3A_496 = tpu.vector_load %arg9[%get3A_494, %get3A_495] {strides = array<i32>} : memref<128x32xf32, #tpu.memory_space<vmem>>, vector<16xf32>,
      %add3A_497 = arith.addf %get3A_496, %get3A_54 : vector<16xf32>
      %get3A_498 = arith.constant 38 : i32
      %get3A_499 = arith.index_cast %get3A_498 : i32 to index
      %get3A_500 = arith.constant 0 : index
      %get3A_501 = tpu.vector_load %arg9[%get3A_499, %get3A_500] {strides = array<i32>} : memref<128x32xf32, #tpu.memory_space<vmem>>, vector<16xf32>,
      %add3A_502 = arith.addf %get3A_501, %get3A_51 : vector<16xf32>
      %get3A_503 = arith.constant 38 : i32
      %get3A_504 = arith.index_cast %get3A_503 : i32 to index
      %get3A_505 = arith.constant 16 : index
      %get3A_506 = tpu.vector_load %arg9[%get3A_504, %get3A_505] {strides = array<i32>} : memref<128x32xf32, #tpu.memory_space<vmem>>, vector<16xf32>,
      %add3A_507 = arith.addf %get3A_506, %get3A_54 : vector<16xf32>
      %get3A_508 = arith.constant 39 : i32
      %get3A_509 = arith.index_cast %get3A_508 : i32 to index
      %get3A_510 = arith.constant 0 : index
      %get3A_511 = tpu.vector_load %arg9[%get3A_509, %get3A_510] {strides = array<i32>} : memref<128x32xf32, #tpu.memory_space<vmem>>, vector<16xf32>,
      %add3A_512 = arith.addf %get3A_511, %get3A_51 : vector<16xf32>
      %get3A_513 = arith.constant 39 : i32
      %get3A_514 = arith.index_cast %get3A_513 : i32 to index
      %get3A_515 = arith.constant 16 : index
      %get3A_516 = tpu.vector_load %arg9[%get3A_514, %get3A_515] {strides = array<i32>} : memref<128x32xf32, #tpu.memory_space<vmem>>, vector<16xf32>,
      %add3A_517 = arith.addf %get3A_516, %get3A_54 : vector<16xf32>
      %broadcast_in_dim3A_518 = arith.constant 32 : i32
      %broadcast_in_dim3A_519 = vector.broadcast %broadcast_in_dim3A_518 : i32 to vector<16xi32>
      tpu.vector_store_idx %arg11[%shift_right_arithmetic3A_4, %and3A_9, %broadcast_in_dim3A_519], %add3A_442 : memref<4x8x128xf32, #tpu.memory_space<vmem>>[vector<16xi32>, vector<16xi32>, vector<16xi32>], vector<16xf32>,
      tpu.vector_store_idx %arg11[%add3A_7, %and3A_9, %broadcast_in_dim3A_519], %add3A_447 : memref<4x8x128xf32, #tpu.memory_space<vmem>>[vector<16xi32>, vector<16xi32>, vector<16xi32>], vector<16xf32>,
      %broadcast_in_dim3A_520 = arith.constant 33 : i32
      %broadcast_in_dim3A_521 = vector.broadcast %broadcast_in_dim3A_520 : i32 to vector<16xi32>
      tpu.vector_store_idx %arg11[%shift_right_arithmetic3A_4, %and3A_9, %broadcast_in_dim3A_521], %add3A_452 : memref<4x8x128xf32, #tpu.memory_space<vmem>>[vector<16xi32>, vector<16xi32>, vector<16xi32>], vector<16xf32>,
      tpu.vector_store_idx %arg11[%add3A_7, %and3A_9, %broadcast_in_dim3A_521], %add3A_457 : memref<4x8x128xf32, #tpu.memory_space<vmem>>[vector<16xi32>, vector<16xi32>, vector<16xi32>], vector<16xf32>,
      %broadcast_in_dim3A_522 = arith.constant 34 : i32
      %broadcast_in_dim3A_523 = vector.broadcast %broadcast_in_dim3A_522 : i32 to vector<16xi32>
      tpu.vector_store_idx %arg11[%shift_right_arithmetic3A_4, %and3A_9, %broadcast_in_dim3A_523], %add3A_462 : memref<4x8x128xf32, #tpu.memory_space<vmem>>[vector<16xi32>, vector<16xi32>, vector<16xi32>], vector<16xf32>,
      tpu.vector_store_idx %arg11[%add3A_7, %and3A_9, %broadcast_in_dim3A_523], %add3A_467 : memref<4x8x128xf32, #tpu.memory_space<vmem>>[vector<16xi32>, vector<16xi32>, vector<16xi32>], vector<16xf32>,
      %broadcast_in_dim3A_524 = arith.constant 35 : i32
      %broadcast_in_dim3A_525 = vector.broadcast %broadcast_in_dim3A_524 : i32 to vector<16xi32>
      tpu.vector_store_idx %arg11[%shift_right_arithmetic3A_4, %and3A_9, %broadcast_in_dim3A_525], %add3A_472 : memref<4x8x128xf32, #tpu.memory_space<vmem>>[vector<16xi32>, vector<16xi32>, vector<16xi32>], vector<16xf32>,
      tpu.vector_store_idx %arg11[%add3A_7, %and3A_9, %broadcast_in_dim3A_525], %add3A_477 : memref<4x8x128xf32, #tpu.memory_space<vmem>>[vector<16xi32>, vector<16xi32>, vector<16xi32>], vector<16xf32>,
      %broadcast_in_dim3A_526 = arith.constant 36 : i32
      %broadcast_in_dim3A_527 = vector.broadcast %broadcast_in_dim3A_526 : i32 to vector<16xi32>
      tpu.vector_store_idx %arg11[%shift_right_arithmetic3A_4, %and3A_9, %broadcast_in_dim3A_527], %add3A_482 : memref<4x8x128xf32, #tpu.memory_space<vmem>>[vector<16xi32>, vector<16xi32>, vector<16xi32>], vector<16xf32>,
      tpu.vector_store_idx %arg11[%add3A_7, %and3A_9, %broadcast_in_dim3A_527], %add3A_487 : memref<4x8x128xf32, #tpu.memory_space<vmem>>[vector<16xi32>, vector<16xi32>, vector<16xi32>], vector<16xf32>,
      %broadcast_in_dim3A_528 = arith.constant 37 : i32
      %broadcast_in_dim3A_529 = vector.broadcast %broadcast_in_dim3A_528 : i32 to vector<16xi32>
      tpu.vector_store_idx %arg11[%shift_right_arithmetic3A_4, %and3A_9, %broadcast_in_dim3A_529], %add3A_492 : memref<4x8x128xf32, #tpu.memory_space<vmem>>[vector<16xi32>, vector<16xi32>, vector<16xi32>], vector<16xf32>,
      tpu.vector_store_idx %arg11[%add3A_7, %and3A_9, %broadcast_in_dim3A_529], %add3A_497 : memref<4x8x128xf32, #tpu.memory_space<vmem>>[vector<16xi32>, vector<16xi32>, vector<16xi32>], vector<16xf32>,
      %broadcast_in_dim3A_530 = arith.constant 38 : i32
      %broadcast_in_dim3A_531 = vector.broadcast %broadcast_in_dim3A_530 : i32 to vector<16xi32>
      tpu.vector_store_idx %arg11[%shift_right_arithmetic3A_4, %and3A_9, %broadcast_in_dim3A_531], %add3A_502 : memref<4x8x128xf32, #tpu.memory_space<vmem>>[vector<16xi32>, vector<16xi32>, vector<16xi32>], vector<16xf32>,
      tpu.vector_store_idx %arg11[%add3A_7, %and3A_9, %broadcast_in_dim3A_531], %add3A_507 : memref<4x8x128xf32, #tpu.memory_space<vmem>>[vector<16xi32>, vector<16xi32>, vector<16xi32>], vector<16xf32>,
      %broadcast_in_dim3A_532 = arith.constant 39 : i32
      %broadcast_in_dim3A_533 = vector.broadcast %broadcast_in_dim3A_532 : i32 to vector<16xi32>
      tpu.vector_store_idx %arg11[%shift_right_arithmetic3A_4, %and3A_9, %broadcast_in_dim3A_533], %add3A_512 : memref<4x8x128xf32, #tpu.memory_space<vmem>>[vector<16xi32>, vector<16xi32>, vector<16xi32>], vector<16xf32>,
      tpu.vector_store_idx %arg11[%add3A_7, %and3A_9, %broadcast_in_dim3A_533], %add3A_517 : memref<4x8x128xf32, #tpu.memory_space<vmem>>[vector<16xi32>, vector<16xi32>, vector<16xi32>], vector<16xf32>,
      %get3A_534 = arith.constant 40 : i32
      %get3A_535 = arith.index_cast %get3A_534 : i32 to index
      %get3A_536 = arith.constant 0 : index
      %get3A_537 = tpu.vector_load %arg9[%get3A_535, %get3A_536] {strides = array<i32>} : memref<128x32xf32, #tpu.memory_space<vmem>>, vector<16xf32>,
      %add3A_538 = arith.addf %get3A_537, %get3A_51 : vector<16xf32>
      %get3A_539 = arith.constant 40 : i32
      %get3A_540 = arith.index_cast %get3A_539 : i32 to index
      %get3A_541 = arith.constant 16 : index
      %get3A_542 = tpu.vector_load %arg9[%get3A_540, %get3A_541] {strides = array<i32>} : memref<128x32xf32, #tpu.memory_space<vmem>>, vector<16xf32>,
      %add3A_543 = arith.addf %get3A_542, %get3A_54 : vector<16xf32>
      %get3A_544 = arith.constant 41 : i32
      %get3A_545 = arith.index_cast %get3A_544 : i32 to index
      %get3A_546 = arith.constant 0 : index
      %get3A_547 = tpu.vector_load %arg9[%get3A_545, %get3A_546] {strides = array<i32>} : memref<128x32xf32, #tpu.memory_space<vmem>>, vector<16xf32>,
      %add3A_548 = arith.addf %get3A_547, %get3A_51 : vector<16xf32>
      %get3A_549 = arith.constant 41 : i32
      %get3A_550 = arith.index_cast %get3A_549 : i32 to index
      %get3A_551 = arith.constant 16 : index
      %get3A_552 = tpu.vector_load %arg9[%get3A_550, %get3A_551] {strides = array<i32>} : memref<128x32xf32, #tpu.memory_space<vmem>>, vector<16xf32>,
      %add3A_553 = arith.addf %get3A_552, %get3A_54 : vector<16xf32>
      %get3A_554 = arith.constant 42 : i32
      %get3A_555 = arith.index_cast %get3A_554 : i32 to index
      %get3A_556 = arith.constant 0 : index
      %get3A_557 = tpu.vector_load %arg9[%get3A_555, %get3A_556] {strides = array<i32>} : memref<128x32xf32, #tpu.memory_space<vmem>>, vector<16xf32>,
      %add3A_558 = arith.addf %get3A_557, %get3A_51 : vector<16xf32>
      %get3A_559 = arith.constant 42 : i32
      %get3A_560 = arith.index_cast %get3A_559 : i32 to index
      %get3A_561 = arith.constant 16 : index
      %get3A_562 = tpu.vector_load %arg9[%get3A_560, %get3A_561] {strides = array<i32>} : memref<128x32xf32, #tpu.memory_space<vmem>>, vector<16xf32>,
      %add3A_563 = arith.addf %get3A_562, %get3A_54 : vector<16xf32>
      %get3A_564 = arith.constant 43 : i32
      %get3A_565 = arith.index_cast %get3A_564 : i32 to index
      %get3A_566 = arith.constant 0 : index
      %get3A_567 = tpu.vector_load %arg9[%get3A_565, %get3A_566] {strides = array<i32>} : memref<128x32xf32, #tpu.memory_space<vmem>>, vector<16xf32>,
      %add3A_568 = arith.addf %get3A_567, %get3A_51 : vector<16xf32>
      %get3A_569 = arith.constant 43 : i32
      %get3A_570 = arith.index_cast %get3A_569 : i32 to index
      %get3A_571 = arith.constant 16 : index
      %get3A_572 = tpu.vector_load %arg9[%get3A_570, %get3A_571] {strides = array<i32>} : memref<128x32xf32, #tpu.memory_space<vmem>>, vector<16xf32>,
      %add3A_573 = arith.addf %get3A_572, %get3A_54 : vector<16xf32>
      %get3A_574 = arith.constant 44 : i32
      %get3A_575 = arith.index_cast %get3A_574 : i32 to index
      %get3A_576 = arith.constant 0 : index
      %get3A_577 = tpu.vector_load %arg9[%get3A_575, %get3A_576] {strides = array<i32>} : memref<128x32xf32, #tpu.memory_space<vmem>>, vector<16xf32>,
      %add3A_578 = arith.addf %get3A_577, %get3A_51 : vector<16xf32>
      %get3A_579 = arith.constant 44 : i32
      %get3A_580 = arith.index_cast %get3A_579 : i32 to index
      %get3A_581 = arith.constant 16 : index
      %get3A_582 = tpu.vector_load %arg9[%get3A_580, %get3A_581] {strides = array<i32>} : memref<128x32xf32, #tpu.memory_space<vmem>>, vector<16xf32>,
      %add3A_583 = arith.addf %get3A_582, %get3A_54 : vector<16xf32>
      %get3A_584 = arith.constant 45 : i32
      %get3A_585 = arith.index_cast %get3A_584 : i32 to index
      %get3A_586 = arith.constant 0 : index
      %get3A_587 = tpu.vector_load %arg9[%get3A_585, %get3A_586] {strides = array<i32>} : memref<128x32xf32, #tpu.memory_space<vmem>>, vector<16xf32>,
      %add3A_588 = arith.addf %get3A_587, %get3A_51 : vector<16xf32>
      %get3A_589 = arith.constant 45 : i32
      %get3A_590 = arith.index_cast %get3A_589 : i32 to index
      %get3A_591 = arith.constant 16 : index
      %get3A_592 = tpu.vector_load %arg9[%get3A_590, %get3A_591] {strides = array<i32>} : memref<128x32xf32, #tpu.memory_space<vmem>>, vector<16xf32>,
      %add3A_593 = arith.addf %get3A_592, %get3A_54 : vector<16xf32>
      %get3A_594 = arith.constant 46 : i32
      %get3A_595 = arith.index_cast %get3A_594 : i32 to index
      %get3A_596 = arith.constant 0 : index
      %get3A_597 = tpu.vector_load %arg9[%get3A_595, %get3A_596] {strides = array<i32>} : memref<128x32xf32, #tpu.memory_space<vmem>>, vector<16xf32>,
      %add3A_598 = arith.addf %get3A_597, %get3A_51 : vector<16xf32>
      %get3A_599 = arith.constant 46 : i32
      %get3A_600 = arith.index_cast %get3A_599 : i32 to index
      %get3A_601 = arith.constant 16 : index
      %get3A_602 = tpu.vector_load %arg9[%get3A_600, %get3A_601] {strides = array<i32>} : memref<128x32xf32, #tpu.memory_space<vmem>>, vector<16xf32>,
      %add3A_603 = arith.addf %get3A_602, %get3A_54 : vector<16xf32>
      %get3A_604 = arith.constant 47 : i32
      %get3A_605 = arith.index_cast %get3A_604 : i32 to index
      %get3A_606 = arith.constant 0 : index
      %get3A_607 = tpu.vector_load %arg9[%get3A_605, %get3A_606] {strides = array<i32>} : memref<128x32xf32, #tpu.memory_space<vmem>>, vector<16xf32>,
      %add3A_608 = arith.addf %get3A_607, %get3A_51 : vector<16xf32>
      %get3A_609 = arith.constant 47 : i32
      %get3A_610 = arith.index_cast %get3A_609 : i32 to index
      %get3A_611 = arith.constant 16 : index
      %get3A_612 = tpu.vector_load %arg9[%get3A_610, %get3A_611] {strides = array<i32>} : memref<128x32xf32, #tpu.memory_space<vmem>>, vector<16xf32>,
      %add3A_613 = arith.addf %get3A_612, %get3A_54 : vector<16xf32>
      %broadcast_in_dim3A_614 = arith.constant 40 : i32
      %broadcast_in_dim3A_615 = vector.broadcast %broadcast_in_dim3A_614 : i32 to vector<16xi32>
      tpu.vector_store_idx %arg11[%shift_right_arithmetic3A_4, %and3A_9, %broadcast_in_dim3A_615], %add3A_538 : memref<4x8x128xf32, #tpu.memory_space<vmem>>[vector<16xi32>, vector<16xi32>, vector<16xi32>], vector<16xf32>,
      tpu.vector_store_idx %arg11[%add3A_7, %and3A_9, %broadcast_in_dim3A_615], %add3A_543 : memref<4x8x128xf32, #tpu.memory_space<vmem>>[vector<16xi32>, vector<16xi32>, vector<16xi32>], vector<16xf32>,
      %broadcast_in_dim3A_616 = arith.constant 41 : i32
      %broadcast_in_dim3A_617 = vector.broadcast %broadcast_in_dim3A_616 : i32 to vector<16xi32>
      tpu.vector_store_idx %arg11[%shift_right_arithmetic3A_4, %and3A_9, %broadcast_in_dim3A_617], %add3A_548 : memref<4x8x128xf32, #tpu.memory_space<vmem>>[vector<16xi32>, vector<16xi32>, vector<16xi32>], vector<16xf32>,
      tpu.vector_store_idx %arg11[%add3A_7, %and3A_9, %broadcast_in_dim3A_617], %add3A_553 : memref<4x8x128xf32, #tpu.memory_space<vmem>>[vector<16xi32>, vector<16xi32>, vector<16xi32>], vector<16xf32>,
      %broadcast_in_dim3A_618 = arith.constant 42 : i32
      %broadcast_in_dim3A_619 = vector.broadcast %broadcast_in_dim3A_618 : i32 to vector<16xi32>
      tpu.vector_store_idx %arg11[%shift_right_arithmetic3A_4, %and3A_9, %broadcast_in_dim3A_619], %add3A_558 : memref<4x8x128xf32, #tpu.memory_space<vmem>>[vector<16xi32>, vector<16xi32>, vector<16xi32>], vector<16xf32>,
      tpu.vector_store_idx %arg11[%add3A_7, %and3A_9, %broadcast_in_dim3A_619], %add3A_563 : memref<4x8x128xf32, #tpu.memory_space<vmem>>[vector<16xi32>, vector<16xi32>, vector<16xi32>], vector<16xf32>,
      %broadcast_in_dim3A_620 = arith.constant 43 : i32
      %broadcast_in_dim3A_621 = vector.broadcast %broadcast_in_dim3A_620 : i32 to vector<16xi32>
      tpu.vector_store_idx %arg11[%shift_right_arithmetic3A_4, %and3A_9, %broadcast_in_dim3A_621], %add3A_568 : memref<4x8x128xf32, #tpu.memory_space<vmem>>[vector<16xi32>, vector<16xi32>, vector<16xi32>], vector<16xf32>,
      tpu.vector_store_idx %arg11[%add3A_7, %and3A_9, %broadcast_in_dim3A_621], %add3A_573 : memref<4x8x128xf32, #tpu.memory_space<vmem>>[vector<16xi32>, vector<16xi32>, vector<16xi32>], vector<16xf32>,
      %broadcast_in_dim3A_622 = arith.constant 44 : i32
      %broadcast_in_dim3A_623 = vector.broadcast %broadcast_in_dim3A_622 : i32 to vector<16xi32>
      tpu.vector_store_idx %arg11[%shift_right_arithmetic3A_4, %and3A_9, %broadcast_in_dim3A_623], %add3A_578 : memref<4x8x128xf32, #tpu.memory_space<vmem>>[vector<16xi32>, vector<16xi32>, vector<16xi32>], vector<16xf32>,
      tpu.vector_store_idx %arg11[%add3A_7, %and3A_9, %broadcast_in_dim3A_623], %add3A_583 : memref<4x8x128xf32, #tpu.memory_space<vmem>>[vector<16xi32>, vector<16xi32>, vector<16xi32>], vector<16xf32>,
      %broadcast_in_dim3A_624 = arith.constant 45 : i32
      %broadcast_in_dim3A_625 = vector.broadcast %broadcast_in_dim3A_624 : i32 to vector<16xi32>
      tpu.vector_store_idx %arg11[%shift_right_arithmetic3A_4, %and3A_9, %broadcast_in_dim3A_625], %add3A_588 : memref<4x8x128xf32, #tpu.memory_space<vmem>>[vector<16xi32>, vector<16xi32>, vector<16xi32>], vector<16xf32>,
      tpu.vector_store_idx %arg11[%add3A_7, %and3A_9, %broadcast_in_dim3A_625], %add3A_593 : memref<4x8x128xf32, #tpu.memory_space<vmem>>[vector<16xi32>, vector<16xi32>, vector<16xi32>], vector<16xf32>,
      %broadcast_in_dim3A_626 = arith.constant 46 : i32
      %broadcast_in_dim3A_627 = vector.broadcast %broadcast_in_dim3A_626 : i32 to vector<16xi32>
      tpu.vector_store_idx %arg11[%shift_right_arithmetic3A_4, %and3A_9, %broadcast_in_dim3A_627], %add3A_598 : memref<4x8x128xf32, #tpu.memory_space<vmem>>[vector<16xi32>, vector<16xi32>, vector<16xi32>], vector<16xf32>,
      tpu.vector_store_idx %arg11[%add3A_7, %and3A_9, %broadcast_in_dim3A_627], %add3A_603 : memref<4x8x128xf32, #tpu.memory_space<vmem>>[vector<16xi32>, vector<16xi32>, vector<16xi32>], vector<16xf32>,
      %broadcast_in_dim3A_628 = arith.constant 47 : i32
      %broadcast_in_dim3A_629 = vector.broadcast %broadcast_in_dim3A_628 : i32 to vector<16xi32>
      tpu.vector_store_idx %arg11[%shift_right_arithmetic3A_4, %and3A_9, %broadcast_in_dim3A_629], %add3A_608 : memref<4x8x128xf32, #tpu.memory_space<vmem>>[vector<16xi32>, vector<16xi32>, vector<16xi32>], vector<16xf32>,
      tpu.vector_store_idx %arg11[%add3A_7, %and3A_9, %broadcast_in_dim3A_629], %add3A_613 : memref<4x8x128xf32, #tpu.memory_space<vmem>>[vector<16xi32>, vector<16xi32>, vector<16xi32>], vector<16xf32>,
      %get3A_630 = arith.constant 48 : i32
      %get3A_631 = arith.index_cast %get3A_630 : i32 to index
      %get3A_632 = arith.constant 0 : index
      %get3A_633 = tpu.vector_load %arg9[%get3A_631, %get3A_632] {strides = array<i32>} : memref<128x32xf32, #tpu.memory_space<vmem>>, vector<16xf32>,
      %add3A_634 = arith.addf %get3A_633, %get3A_51 : vector<16xf32>
      %get3A_635 = arith.constant 48 : i32
      %get3A_636 = arith.index_cast %get3A_635 : i32 to index
      %get3A_637 = arith.constant 16 : index
      %get3A_638 = tpu.vector_load %arg9[%get3A_636, %get3A_637] {strides = array<i32>} : memref<128x32xf32, #tpu.memory_space<vmem>>, vector<16xf32>,
      %add3A_639 = arith.addf %get3A_638, %get3A_54 : vector<16xf32>
      %get3A_640 = arith.constant 49 : i32
      %get3A_641 = arith.index_cast %get3A_640 : i32 to index
      %get3A_642 = arith.constant 0 : index
      %get3A_643 = tpu.vector_load %arg9[%get3A_641, %get3A_642] {strides = array<i32>} : memref<128x32xf32, #tpu.memory_space<vmem>>, vector<16xf32>,
      %add3A_644 = arith.addf %get3A_643, %get3A_51 : vector<16xf32>
      %get3A_645 = arith.constant 49 : i32
      %get3A_646 = arith.index_cast %get3A_645 : i32 to index
      %get3A_647 = arith.constant 16 : index
      %get3A_648 = tpu.vector_load %arg9[%get3A_646, %get3A_647] {strides = array<i32>} : memref<128x32xf32, #tpu.memory_space<vmem>>, vector<16xf32>,
      %add3A_649 = arith.addf %get3A_648, %get3A_54 : vector<16xf32>
      %get3A_650 = arith.constant 50 : i32
      %get3A_651 = arith.index_cast %get3A_650 : i32 to index
      %get3A_652 = arith.constant 0 : index
      %get3A_653 = tpu.vector_load %arg9[%get3A_651, %get3A_652] {strides = array<i32>} : memref<128x32xf32, #tpu.memory_space<vmem>>, vector<16xf32>,
      %add3A_654 = arith.addf %get3A_653, %get3A_51 : vector<16xf32>
      %get3A_655 = arith.constant 50 : i32
      %get3A_656 = arith.index_cast %get3A_655 : i32 to index
      %get3A_657 = arith.constant 16 : index
      %get3A_658 = tpu.vector_load %arg9[%get3A_656, %get3A_657] {strides = array<i32>} : memref<128x32xf32, #tpu.memory_space<vmem>>, vector<16xf32>,
      %add3A_659 = arith.addf %get3A_658, %get3A_54 : vector<16xf32>
      %get3A_660 = arith.constant 51 : i32
      %get3A_661 = arith.index_cast %get3A_660 : i32 to index
      %get3A_662 = arith.constant 0 : index
      %get3A_663 = tpu.vector_load %arg9[%get3A_661, %get3A_662] {strides = array<i32>} : memref<128x32xf32, #tpu.memory_space<vmem>>, vector<16xf32>,
      %add3A_664 = arith.addf %get3A_663, %get3A_51 : vector<16xf32>
      %get3A_665 = arith.constant 51 : i32
      %get3A_666 = arith.index_cast %get3A_665 : i32 to index
      %get3A_667 = arith.constant 16 : index
      %get3A_668 = tpu.vector_load %arg9[%get3A_666, %get3A_667] {strides = array<i32>} : memref<128x32xf32, #tpu.memory_space<vmem>>, vector<16xf32>,
      %add3A_669 = arith.addf %get3A_668, %get3A_54 : vector<16xf32>
      %get3A_670 = arith.constant 52 : i32
      %get3A_671 = arith.index_cast %get3A_670 : i32 to index
      %get3A_672 = arith.constant 0 : index
      %get3A_673 = tpu.vector_load %arg9[%get3A_671, %get3A_672] {strides = array<i32>} : memref<128x32xf32, #tpu.memory_space<vmem>>, vector<16xf32>,
      %add3A_674 = arith.addf %get3A_673, %get3A_51 : vector<16xf32>
      %get3A_675 = arith.constant 52 : i32
      %get3A_676 = arith.index_cast %get3A_675 : i32 to index
      %get3A_677 = arith.constant 16 : index
      %get3A_678 = tpu.vector_load %arg9[%get3A_676, %get3A_677] {strides = array<i32>} : memref<128x32xf32, #tpu.memory_space<vmem>>, vector<16xf32>,
      %add3A_679 = arith.addf %get3A_678, %get3A_54 : vector<16xf32>
      %get3A_680 = arith.constant 53 : i32
      %get3A_681 = arith.index_cast %get3A_680 : i32 to index
      %get3A_682 = arith.constant 0 : index
      %get3A_683 = tpu.vector_load %arg9[%get3A_681, %get3A_682] {strides = array<i32>} : memref<128x32xf32, #tpu.memory_space<vmem>>, vector<16xf32>,
      %add3A_684 = arith.addf %get3A_683, %get3A_51 : vector<16xf32>
      %get3A_685 = arith.constant 53 : i32
      %get3A_686 = arith.index_cast %get3A_685 : i32 to index
      %get3A_687 = arith.constant 16 : index
      %get3A_688 = tpu.vector_load %arg9[%get3A_686, %get3A_687] {strides = array<i32>} : memref<128x32xf32, #tpu.memory_space<vmem>>, vector<16xf32>,
      %add3A_689 = arith.addf %get3A_688, %get3A_54 : vector<16xf32>
      %get3A_690 = arith.constant 54 : i32
      %get3A_691 = arith.index_cast %get3A_690 : i32 to index
      %get3A_692 = arith.constant 0 : index
      %get3A_693 = tpu.vector_load %arg9[%get3A_691, %get3A_692] {strides = array<i32>} : memref<128x32xf32, #tpu.memory_space<vmem>>, vector<16xf32>,
      %add3A_694 = arith.addf %get3A_693, %get3A_51 : vector<16xf32>
      %get3A_695 = arith.constant 54 : i32
      %get3A_696 = arith.index_cast %get3A_695 : i32 to index
      %get3A_697 = arith.constant 16 : index
      %get3A_698 = tpu.vector_load %arg9[%get3A_696, %get3A_697] {strides = array<i32>} : memref<128x32xf32, #tpu.memory_space<vmem>>, vector<16xf32>,
      %add3A_699 = arith.addf %get3A_698, %get3A_54 : vector<16xf32>
      %get3A_700 = arith.constant 55 : i32
      %get3A_701 = arith.index_cast %get3A_700 : i32 to index
      %get3A_702 = arith.constant 0 : index
      %get3A_703 = tpu.vector_load %arg9[%get3A_701, %get3A_702] {strides = array<i32>} : memref<128x32xf32, #tpu.memory_space<vmem>>, vector<16xf32>,
      %add3A_704 = arith.addf %get3A_703, %get3A_51 : vector<16xf32>
      %get3A_705 = arith.constant 55 : i32
      %get3A_706 = arith.index_cast %get3A_705 : i32 to index
      %get3A_707 = arith.constant 16 : index
      %get3A_708 = tpu.vector_load %arg9[%get3A_706, %get3A_707] {strides = array<i32>} : memref<128x32xf32, #tpu.memory_space<vmem>>, vector<16xf32>,
      %add3A_709 = arith.addf %get3A_708, %get3A_54 : vector<16xf32>
      %broadcast_in_dim3A_710 = arith.constant 48 : i32
      %broadcast_in_dim3A_711 = vector.broadcast %broadcast_in_dim3A_710 : i32 to vector<16xi32>
      tpu.vector_store_idx %arg11[%shift_right_arithmetic3A_4, %and3A_9, %broadcast_in_dim3A_711], %add3A_634 : memref<4x8x128xf32, #tpu.memory_space<vmem>>[vector<16xi32>, vector<16xi32>, vector<16xi32>], vector<16xf32>,
      tpu.vector_store_idx %arg11[%add3A_7, %and3A_9, %broadcast_in_dim3A_711], %add3A_639 : memref<4x8x128xf32, #tpu.memory_space<vmem>>[vector<16xi32>, vector<16xi32>, vector<16xi32>], vector<16xf32>,
      %broadcast_in_dim3A_712 = arith.constant 49 : i32
      %broadcast_in_dim3A_713 = vector.broadcast %broadcast_in_dim3A_712 : i32 to vector<16xi32>
      tpu.vector_store_idx %arg11[%shift_right_arithmetic3A_4, %and3A_9, %broadcast_in_dim3A_713], %add3A_644 : memref<4x8x128xf32, #tpu.memory_space<vmem>>[vector<16xi32>, vector<16xi32>, vector<16xi32>], vector<16xf32>,
      tpu.vector_store_idx %arg11[%add3A_7, %and3A_9, %broadcast_in_dim3A_713], %add3A_649 : memref<4x8x128xf32, #tpu.memory_space<vmem>>[vector<16xi32>, vector<16xi32>, vector<16xi32>], vector<16xf32>,
      %broadcast_in_dim3A_714 = arith.constant 50 : i32
      %broadcast_in_dim3A_715 = vector.broadcast %broadcast_in_dim3A_714 : i32 to vector<16xi32>
      tpu.vector_store_idx %arg11[%shift_right_arithmetic3A_4, %and3A_9, %broadcast_in_dim3A_715], %add3A_654 : memref<4x8x128xf32, #tpu.memory_space<vmem>>[vector<16xi32>, vector<16xi32>, vector<16xi32>], vector<16xf32>,
      tpu.vector_store_idx %arg11[%add3A_7, %and3A_9, %broadcast_in_dim3A_715], %add3A_659 : memref<4x8x128xf32, #tpu.memory_space<vmem>>[vector<16xi32>, vector<16xi32>, vector<16xi32>], vector<16xf32>,
      %broadcast_in_dim3A_716 = arith.constant 51 : i32
      %broadcast_in_dim3A_717 = vector.broadcast %broadcast_in_dim3A_716 : i32 to vector<16xi32>
      tpu.vector_store_idx %arg11[%shift_right_arithmetic3A_4, %and3A_9, %broadcast_in_dim3A_717], %add3A_664 : memref<4x8x128xf32, #tpu.memory_space<vmem>>[vector<16xi32>, vector<16xi32>, vector<16xi32>], vector<16xf32>,
      tpu.vector_store_idx %arg11[%add3A_7, %and3A_9, %broadcast_in_dim3A_717], %add3A_669 : memref<4x8x128xf32, #tpu.memory_space<vmem>>[vector<16xi32>, vector<16xi32>, vector<16xi32>], vector<16xf32>,
      %broadcast_in_dim3A_718 = arith.constant 52 : i32
      %broadcast_in_dim3A_719 = vector.broadcast %broadcast_in_dim3A_718 : i32 to vector<16xi32>
      tpu.vector_store_idx %arg11[%shift_right_arithmetic3A_4, %and3A_9, %broadcast_in_dim3A_719], %add3A_674 : memref<4x8x128xf32, #tpu.memory_space<vmem>>[vector<16xi32>, vector<16xi32>, vector<16xi32>], vector<16xf32>,
      tpu.vector_store_idx %arg11[%add3A_7, %and3A_9, %broadcast_in_dim3A_719], %add3A_679 : memref<4x8x128xf32, #tpu.memory_space<vmem>>[vector<16xi32>, vector<16xi32>, vector<16xi32>], vector<16xf32>,
      %broadcast_in_dim3A_720 = arith.constant 53 : i32
      %broadcast_in_dim3A_721 = vector.broadcast %broadcast_in_dim3A_720 : i32 to vector<16xi32>
      tpu.vector_store_idx %arg11[%shift_right_arithmetic3A_4, %and3A_9, %broadcast_in_dim3A_721], %add3A_684 : memref<4x8x128xf32, #tpu.memory_space<vmem>>[vector<16xi32>, vector<16xi32>, vector<16xi32>], vector<16xf32>,
      tpu.vector_store_idx %arg11[%add3A_7, %and3A_9, %broadcast_in_dim3A_721], %add3A_689 : memref<4x8x128xf32, #tpu.memory_space<vmem>>[vector<16xi32>, vector<16xi32>, vector<16xi32>], vector<16xf32>,
      %broadcast_in_dim3A_722 = arith.constant 54 : i32
      %broadcast_in_dim3A_723 = vector.broadcast %broadcast_in_dim3A_722 : i32 to vector<16xi32>
      tpu.vector_store_idx %arg11[%shift_right_arithmetic3A_4, %and3A_9, %broadcast_in_dim3A_723], %add3A_694 : memref<4x8x128xf32, #tpu.memory_space<vmem>>[vector<16xi32>, vector<16xi32>, vector<16xi32>], vector<16xf32>,
      tpu.vector_store_idx %arg11[%add3A_7, %and3A_9, %broadcast_in_dim3A_723], %add3A_699 : memref<4x8x128xf32, #tpu.memory_space<vmem>>[vector<16xi32>, vector<16xi32>, vector<16xi32>], vector<16xf32>,
      %broadcast_in_dim3A_724 = arith.constant 55 : i32
      %broadcast_in_dim3A_725 = vector.broadcast %broadcast_in_dim3A_724 : i32 to vector<16xi32>
      tpu.vector_store_idx %arg11[%shift_right_arithmetic3A_4, %and3A_9, %broadcast_in_dim3A_725], %add3A_704 : memref<4x8x128xf32, #tpu.memory_space<vmem>>[vector<16xi32>, vector<16xi32>, vector<16xi32>], vector<16xf32>,
      tpu.vector_store_idx %arg11[%add3A_7, %and3A_9, %broadcast_in_dim3A_725], %add3A_709 : memref<4x8x128xf32, #tpu.memory_space<vmem>>[vector<16xi32>, vector<16xi32>, vector<16xi32>], vector<16xf32>,
      %get3A_726 = arith.constant 56 : i32
      %get3A_727 = arith.index_cast %get3A_726 : i32 to index
      %get3A_728 = arith.constant 0 : index
      %get3A_729 = tpu.vector_load %arg9[%get3A_727, %get3A_728] {strides = array<i32>} : memref<128x32xf32, #tpu.memory_space<vmem>>, vector<16xf32>,
      %add3A_730 = arith.addf %get3A_729, %get3A_51 : vector<16xf32>
      %get3A_731 = arith.constant 56 : i32
      %get3A_732 = arith.index_cast %get3A_731 : i32 to index
      %get3A_733 = arith.constant 16 : index
      %get3A_734 = tpu.vector_load %arg9[%get3A_732, %get3A_733] {strides = array<i32>} : memref<128x32xf32, #tpu.memory_space<vmem>>, vector<16xf32>,
      %add3A_735 = arith.addf %get3A_734, %get3A_54 : vector<16xf32>
      %get3A_736 = arith.constant 57 : i32
      %get3A_737 = arith.index_cast %get3A_736 : i32 to index
      %get3A_738 = arith.constant 0 : index
      %get3A_739 = tpu.vector_load %arg9[%get3A_737, %get3A_738] {strides = array<i32>} : memref<128x32xf32, #tpu.memory_space<vmem>>, vector<16xf32>,
      %add3A_740 = arith.addf %get3A_739, %get3A_51 : vector<16xf32>
      %get3A_741 = arith.constant 57 : i32
      %get3A_742 = arith.index_cast %get3A_741 : i32 to index
      %get3A_743 = arith.constant 16 : index
      %get3A_744 = tpu.vector_load %arg9[%get3A_742, %get3A_743] {strides = array<i32>} : memref<128x32xf32, #tpu.memory_space<vmem>>, vector<16xf32>,
      %add3A_745 = arith.addf %get3A_744, %get3A_54 : vector<16xf32>
      %get3A_746 = arith.constant 58 : i32
      %get3A_747 = arith.index_cast %get3A_746 : i32 to index
      %get3A_748 = arith.constant 0 : index
      %get3A_749 = tpu.vector_load %arg9[%get3A_747, %get3A_748] {strides = array<i32>} : memref<128x32xf32, #tpu.memory_space<vmem>>, vector<16xf32>,
      %add3A_750 = arith.addf %get3A_749, %get3A_51 : vector<16xf32>
      %get3A_751 = arith.constant 58 : i32
      %get3A_752 = arith.index_cast %get3A_751 : i32 to index
      %get3A_753 = arith.constant 16 : index
      %get3A_754 = tpu.vector_load %arg9[%get3A_752, %get3A_753] {strides = array<i32>} : memref<128x32xf32, #tpu.memory_space<vmem>>, vector<16xf32>,
      %add3A_755 = arith.addf %get3A_754, %get3A_54 : vector<16xf32>
      %get3A_756 = arith.constant 59 : i32
      %get3A_757 = arith.index_cast %get3A_756 : i32 to index
      %get3A_758 = arith.constant 0 : index
      %get3A_759 = tpu.vector_load %arg9[%get3A_757, %get3A_758] {strides = array<i32>} : memref<128x32xf32, #tpu.memory_space<vmem>>, vector<16xf32>,
      %add3A_760 = arith.addf %get3A_759, %get3A_51 : vector<16xf32>
      %get3A_761 = arith.constant 59 : i32
      %get3A_762 = arith.index_cast %get3A_761 : i32 to index
      %get3A_763 = arith.constant 16 : index
      %get3A_764 = tpu.vector_load %arg9[%get3A_762, %get3A_763] {strides = array<i32>} : memref<128x32xf32, #tpu.memory_space<vmem>>, vector<16xf32>,
      %add3A_765 = arith.addf %get3A_764, %get3A_54 : vector<16xf32>
      %get3A_766 = arith.constant 60 : i32
      %get3A_767 = arith.index_cast %get3A_766 : i32 to index
      %get3A_768 = arith.constant 0 : index
      %get3A_769 = tpu.vector_load %arg9[%get3A_767, %get3A_768] {strides = array<i32>} : memref<128x32xf32, #tpu.memory_space<vmem>>, vector<16xf32>,
      %add3A_770 = arith.addf %get3A_769, %get3A_51 : vector<16xf32>
      %get3A_771 = arith.constant 60 : i32
      %get3A_772 = arith.index_cast %get3A_771 : i32 to index
      %get3A_773 = arith.constant 16 : index
      %get3A_774 = tpu.vector_load %arg9[%get3A_772, %get3A_773] {strides = array<i32>} : memref<128x32xf32, #tpu.memory_space<vmem>>, vector<16xf32>,
      %add3A_775 = arith.addf %get3A_774, %get3A_54 : vector<16xf32>
      %get3A_776 = arith.constant 61 : i32
      %get3A_777 = arith.index_cast %get3A_776 : i32 to index
      %get3A_778 = arith.constant 0 : index
      %get3A_779 = tpu.vector_load %arg9[%get3A_777, %get3A_778] {strides = array<i32>} : memref<128x32xf32, #tpu.memory_space<vmem>>, vector<16xf32>,
      %add3A_780 = arith.addf %get3A_779, %get3A_51 : vector<16xf32>
      %get3A_781 = arith.constant 61 : i32
      %get3A_782 = arith.index_cast %get3A_781 : i32 to index
      %get3A_783 = arith.constant 16 : index
      %get3A_784 = tpu.vector_load %arg9[%get3A_782, %get3A_783] {strides = array<i32>} : memref<128x32xf32, #tpu.memory_space<vmem>>, vector<16xf32>,
      %add3A_785 = arith.addf %get3A_784, %get3A_54 : vector<16xf32>
      %get3A_786 = arith.constant 62 : i32
      %get3A_787 = arith.index_cast %get3A_786 : i32 to index
      %get3A_788 = arith.constant 0 : index
      %get3A_789 = tpu.vector_load %arg9[%get3A_787, %get3A_788] {strides = array<i32>} : memref<128x32xf32, #tpu.memory_space<vmem>>, vector<16xf32>,
      %add3A_790 = arith.addf %get3A_789, %get3A_51 : vector<16xf32>
      %get3A_791 = arith.constant 62 : i32
      %get3A_792 = arith.index_cast %get3A_791 : i32 to index
      %get3A_793 = arith.constant 16 : index
      %get3A_794 = tpu.vector_load %arg9[%get3A_792, %get3A_793] {strides = array<i32>} : memref<128x32xf32, #tpu.memory_space<vmem>>, vector<16xf32>,
      %add3A_795 = arith.addf %get3A_794, %get3A_54 : vector<16xf32>
      %get3A_796 = arith.constant 63 : i32
      %get3A_797 = arith.index_cast %get3A_796 : i32 to index
      %get3A_798 = arith.constant 0 : index
      %get3A_799 = tpu.vector_load %arg9[%get3A_797, %get3A_798] {strides = array<i32>} : memref<128x32xf32, #tpu.memory_space<vmem>>, vector<16xf32>,
      %add3A_800 = arith.addf %get3A_799, %get3A_51 : vector<16xf32>
      %get3A_801 = arith.constant 63 : i32
      %get3A_802 = arith.index_cast %get3A_801 : i32 to index
      %get3A_803 = arith.constant 16 : index
      %get3A_804 = tpu.vector_load %arg9[%get3A_802, %get3A_803] {strides = array<i32>} : memref<128x32xf32, #tpu.memory_space<vmem>>, vector<16xf32>,
      %add3A_805 = arith.addf %get3A_804, %get3A_54 : vector<16xf32>
      %broadcast_in_dim3A_806 = arith.constant 56 : i32
      %broadcast_in_dim3A_807 = vector.broadcast %broadcast_in_dim3A_806 : i32 to vector<16xi32>
      tpu.vector_store_idx %arg11[%shift_right_arithmetic3A_4, %and3A_9, %broadcast_in_dim3A_807], %add3A_730 : memref<4x8x128xf32, #tpu.memory_space<vmem>>[vector<16xi32>, vector<16xi32>, vector<16xi32>], vector<16xf32>,
      tpu.vector_store_idx %arg11[%add3A_7, %and3A_9, %broadcast_in_dim3A_807], %add3A_735 : memref<4x8x128xf32, #tpu.memory_space<vmem>>[vector<16xi32>, vector<16xi32>, vector<16xi32>], vector<16xf32>,
      %broadcast_in_dim3A_808 = arith.constant 57 : i32
      %broadcast_in_dim3A_809 = vector.broadcast %broadcast_in_dim3A_808 : i32 to vector<16xi32>
      tpu.vector_store_idx %arg11[%shift_right_arithmetic3A_4, %and3A_9, %broadcast_in_dim3A_809], %add3A_740 : memref<4x8x128xf32, #tpu.memory_space<vmem>>[vector<16xi32>, vector<16xi32>, vector<16xi32>], vector<16xf32>,
      tpu.vector_store_idx %arg11[%add3A_7, %and3A_9, %broadcast_in_dim3A_809], %add3A_745 : memref<4x8x128xf32, #tpu.memory_space<vmem>>[vector<16xi32>, vector<16xi32>, vector<16xi32>], vector<16xf32>,
      %broadcast_in_dim3A_810 = arith.constant 58 : i32
      %broadcast_in_dim3A_811 = vector.broadcast %broadcast_in_dim3A_810 : i32 to vector<16xi32>
      tpu.vector_store_idx %arg11[%shift_right_arithmetic3A_4, %and3A_9, %broadcast_in_dim3A_811], %add3A_750 : memref<4x8x128xf32, #tpu.memory_space<vmem>>[vector<16xi32>, vector<16xi32>, vector<16xi32>], vector<16xf32>,
      tpu.vector_store_idx %arg11[%add3A_7, %and3A_9, %broadcast_in_dim3A_811], %add3A_755 : memref<4x8x128xf32, #tpu.memory_space<vmem>>[vector<16xi32>, vector<16xi32>, vector<16xi32>], vector<16xf32>,
      %broadcast_in_dim3A_812 = arith.constant 59 : i32
      %broadcast_in_dim3A_813 = vector.broadcast %broadcast_in_dim3A_812 : i32 to vector<16xi32>
      tpu.vector_store_idx %arg11[%shift_right_arithmetic3A_4, %and3A_9, %broadcast_in_dim3A_813], %add3A_760 : memref<4x8x128xf32, #tpu.memory_space<vmem>>[vector<16xi32>, vector<16xi32>, vector<16xi32>], vector<16xf32>,
      tpu.vector_store_idx %arg11[%add3A_7, %and3A_9, %broadcast_in_dim3A_813], %add3A_765 : memref<4x8x128xf32, #tpu.memory_space<vmem>>[vector<16xi32>, vector<16xi32>, vector<16xi32>], vector<16xf32>,
      %broadcast_in_dim3A_814 = arith.constant 60 : i32
      %broadcast_in_dim3A_815 = vector.broadcast %broadcast_in_dim3A_814 : i32 to vector<16xi32>
      tpu.vector_store_idx %arg11[%shift_right_arithmetic3A_4, %and3A_9, %broadcast_in_dim3A_815], %add3A_770 : memref<4x8x128xf32, #tpu.memory_space<vmem>>[vector<16xi32>, vector<16xi32>, vector<16xi32>], vector<16xf32>,
      tpu.vector_store_idx %arg11[%add3A_7, %and3A_9, %broadcast_in_dim3A_815], %add3A_775 : memref<4x8x128xf32, #tpu.memory_space<vmem>>[vector<16xi32>, vector<16xi32>, vector<16xi32>], vector<16xf32>,
      %broadcast_in_dim3A_816 = arith.constant 61 : i32
      %broadcast_in_dim3A_817 = vector.broadcast %broadcast_in_dim3A_816 : i32 to vector<16xi32>
      tpu.vector_store_idx %arg11[%shift_right_arithmetic3A_4, %and3A_9, %broadcast_in_dim3A_817], %add3A_780 : memref<4x8x128xf32, #tpu.memory_space<vmem>>[vector<16xi32>, vector<16xi32>, vector<16xi32>], vector<16xf32>,
      tpu.vector_store_idx %arg11[%add3A_7, %and3A_9, %broadcast_in_dim3A_817], %add3A_785 : memref<4x8x128xf32, #tpu.memory_space<vmem>>[vector<16xi32>, vector<16xi32>, vector<16xi32>], vector<16xf32>,
      %broadcast_in_dim3A_818 = arith.constant 62 : i32
      %broadcast_in_dim3A_819 = vector.broadcast %broadcast_in_dim3A_818 : i32 to vector<16xi32>
      tpu.vector_store_idx %arg11[%shift_right_arithmetic3A_4, %and3A_9, %broadcast_in_dim3A_819], %add3A_790 : memref<4x8x128xf32, #tpu.memory_space<vmem>>[vector<16xi32>, vector<16xi32>, vector<16xi32>], vector<16xf32>,
      tpu.vector_store_idx %arg11[%add3A_7, %and3A_9, %broadcast_in_dim3A_819], %add3A_795 : memref<4x8x128xf32, #tpu.memory_space<vmem>>[vector<16xi32>, vector<16xi32>, vector<16xi32>], vector<16xf32>,
      %broadcast_in_dim3A_820 = arith.constant 63 : i32
      %broadcast_in_dim3A_821 = vector.broadcast %broadcast_in_dim3A_820 : i32 to vector<16xi32>
      tpu.vector_store_idx %arg11[%shift_right_arithmetic3A_4, %and3A_9, %broadcast_in_dim3A_821], %add3A_800 : memref<4x8x128xf32, #tpu.memory_space<vmem>>[vector<16xi32>, vector<16xi32>, vector<16xi32>], vector<16xf32>,
      tpu.vector_store_idx %arg11[%add3A_7, %and3A_9, %broadcast_in_dim3A_821], %add3A_805 : memref<4x8x128xf32, #tpu.memory_space<vmem>>[vector<16xi32>, vector<16xi32>, vector<16xi32>], vector<16xf32>,
      %get3A_822 = arith.constant 64 : i32
      %get3A_823 = arith.index_cast %get3A_822 : i32 to index
      %get3A_824 = arith.constant 0 : index
      %get3A_825 = tpu.vector_load %arg9[%get3A_823, %get3A_824] {strides = array<i32>} : memref<128x32xf32, #tpu.memory_space<vmem>>, vector<16xf32>,
      %add3A_826 = arith.addf %get3A_825, %get3A_51 : vector<16xf32>
      %get3A_827 = arith.constant 64 : i32
      %get3A_828 = arith.index_cast %get3A_827 : i32 to index
      %get3A_829 = arith.constant 16 : index
      %get3A_830 = tpu.vector_load %arg9[%get3A_828, %get3A_829] {strides = array<i32>} : memref<128x32xf32, #tpu.memory_space<vmem>>, vector<16xf32>,
      %add3A_831 = arith.addf %get3A_830, %get3A_54 : vector<16xf32>
      %get3A_832 = arith.constant 65 : i32
      %get3A_833 = arith.index_cast %get3A_832 : i32 to index
      %get3A_834 = arith.constant 0 : index
      %get3A_835 = tpu.vector_load %arg9[%get3A_833, %get3A_834] {strides = array<i32>} : memref<128x32xf32, #tpu.memory_space<vmem>>, vector<16xf32>,
      %add3A_836 = arith.addf %get3A_835, %get3A_51 : vector<16xf32>
      %get3A_837 = arith.constant 65 : i32
      %get3A_838 = arith.index_cast %get3A_837 : i32 to index
      %get3A_839 = arith.constant 16 : index
      %get3A_840 = tpu.vector_load %arg9[%get3A_838, %get3A_839] {strides = array<i32>} : memref<128x32xf32, #tpu.memory_space<vmem>>, vector<16xf32>,
      %add3A_841 = arith.addf %get3A_840, %get3A_54 : vector<16xf32>
      %get3A_842 = arith.constant 66 : i32
      %get3A_843 = arith.index_cast %get3A_842 : i32 to index
      %get3A_844 = arith.constant 0 : index
      %get3A_845 = tpu.vector_load %arg9[%get3A_843, %get3A_844] {strides = array<i32>} : memref<128x32xf32, #tpu.memory_space<vmem>>, vector<16xf32>,
      %add3A_846 = arith.addf %get3A_845, %get3A_51 : vector<16xf32>
      %get3A_847 = arith.constant 66 : i32
      %get3A_848 = arith.index_cast %get3A_847 : i32 to index
      %get3A_849 = arith.constant 16 : index
      %get3A_850 = tpu.vector_load %arg9[%get3A_848, %get3A_849] {strides = array<i32>} : memref<128x32xf32, #tpu.memory_space<vmem>>, vector<16xf32>,
      %add3A_851 = arith.addf %get3A_850, %get3A_54 : vector<16xf32>
      %get3A_852 = arith.constant 67 : i32
      %get3A_853 = arith.index_cast %get3A_852 : i32 to index
      %get3A_854 = arith.constant 0 : index
      %get3A_855 = tpu.vector_load %arg9[%get3A_853, %get3A_854] {strides = array<i32>} : memref<128x32xf32, #tpu.memory_space<vmem>>, vector<16xf32>,
      %add3A_856 = arith.addf %get3A_855, %get3A_51 : vector<16xf32>
      %get3A_857 = arith.constant 67 : i32
      %get3A_858 = arith.index_cast %get3A_857 : i32 to index
      %get3A_859 = arith.constant 16 : index
      %get3A_860 = tpu.vector_load %arg9[%get3A_858, %get3A_859] {strides = array<i32>} : memref<128x32xf32, #tpu.memory_space<vmem>>, vector<16xf32>,
      %add3A_861 = arith.addf %get3A_860, %get3A_54 : vector<16xf32>
      %get3A_862 = arith.constant 68 : i32
      %get3A_863 = arith.index_cast %get3A_862 : i32 to index
      %get3A_864 = arith.constant 0 : index
      %get3A_865 = tpu.vector_load %arg9[%get3A_863, %get3A_864] {strides = array<i32>} : memref<128x32xf32, #tpu.memory_space<vmem>>, vector<16xf32>,
      %add3A_866 = arith.addf %get3A_865, %get3A_51 : vector<16xf32>
      %get3A_867 = arith.constant 68 : i32
      %get3A_868 = arith.index_cast %get3A_867 : i32 to index
      %get3A_869 = arith.constant 16 : index
      %get3A_870 = tpu.vector_load %arg9[%get3A_868, %get3A_869] {strides = array<i32>} : memref<128x32xf32, #tpu.memory_space<vmem>>, vector<16xf32>,
      %add3A_871 = arith.addf %get3A_870, %get3A_54 : vector<16xf32>
      %get3A_872 = arith.constant 69 : i32
      %get3A_873 = arith.index_cast %get3A_872 : i32 to index
      %get3A_874 = arith.constant 0 : index
      %get3A_875 = tpu.vector_load %arg9[%get3A_873, %get3A_874] {strides = array<i32>} : memref<128x32xf32, #tpu.memory_space<vmem>>, vector<16xf32>,
      %add3A_876 = arith.addf %get3A_875, %get3A_51 : vector<16xf32>
      %get3A_877 = arith.constant 69 : i32
      %get3A_878 = arith.index_cast %get3A_877 : i32 to index
      %get3A_879 = arith.constant 16 : index
      %get3A_880 = tpu.vector_load %arg9[%get3A_878, %get3A_879] {strides = array<i32>} : memref<128x32xf32, #tpu.memory_space<vmem>>, vector<16xf32>,
      %add3A_881 = arith.addf %get3A_880, %get3A_54 : vector<16xf32>
      %get3A_882 = arith.constant 70 : i32
      %get3A_883 = arith.index_cast %get3A_882 : i32 to index
      %get3A_884 = arith.constant 0 : index
      %get3A_885 = tpu.vector_load %arg9[%get3A_883, %get3A_884] {strides = array<i32>} : memref<128x32xf32, #tpu.memory_space<vmem>>, vector<16xf32>,
      %add3A_886 = arith.addf %get3A_885, %get3A_51 : vector<16xf32>
      %get3A_887 = arith.constant 70 : i32
      %get3A_888 = arith.index_cast %get3A_887 : i32 to index
      %get3A_889 = arith.constant 16 : index
      %get3A_890 = tpu.vector_load %arg9[%get3A_888, %get3A_889] {strides = array<i32>} : memref<128x32xf32, #tpu.memory_space<vmem>>, vector<16xf32>,
      %add3A_891 = arith.addf %get3A_890, %get3A_54 : vector<16xf32>
      %get3A_892 = arith.constant 71 : i32
      %get3A_893 = arith.index_cast %get3A_892 : i32 to index
      %get3A_894 = arith.constant 0 : index
      %get3A_895 = tpu.vector_load %arg9[%get3A_893, %get3A_894] {strides = array<i32>} : memref<128x32xf32, #tpu.memory_space<vmem>>, vector<16xf32>,
      %add3A_896 = arith.addf %get3A_895, %get3A_51 : vector<16xf32>
      %get3A_897 = arith.constant 71 : i32
      %get3A_898 = arith.index_cast %get3A_897 : i32 to index
      %get3A_899 = arith.constant 16 : index
      %get3A_900 = tpu.vector_load %arg9[%get3A_898, %get3A_899] {strides = array<i32>} : memref<128x32xf32, #tpu.memory_space<vmem>>, vector<16xf32>,
      %add3A_901 = arith.addf %get3A_900, %get3A_54 : vector<16xf32>
      %broadcast_in_dim3A_902 = arith.constant 64 : i32
      %broadcast_in_dim3A_903 = vector.broadcast %broadcast_in_dim3A_902 : i32 to vector<16xi32>
      tpu.vector_store_idx %arg11[%shift_right_arithmetic3A_4, %and3A_9, %broadcast_in_dim3A_903], %add3A_826 : memref<4x8x128xf32, #tpu.memory_space<vmem>>[vector<16xi32>, vector<16xi32>, vector<16xi32>], vector<16xf32>,
      tpu.vector_store_idx %arg11[%add3A_7, %and3A_9, %broadcast_in_dim3A_903], %add3A_831 : memref<4x8x128xf32, #tpu.memory_space<vmem>>[vector<16xi32>, vector<16xi32>, vector<16xi32>], vector<16xf32>,
      %broadcast_in_dim3A_904 = arith.constant 65 : i32
      %broadcast_in_dim3A_905 = vector.broadcast %broadcast_in_dim3A_904 : i32 to vector<16xi32>
      tpu.vector_store_idx %arg11[%shift_right_arithmetic3A_4, %and3A_9, %broadcast_in_dim3A_905], %add3A_836 : memref<4x8x128xf32, #tpu.memory_space<vmem>>[vector<16xi32>, vector<16xi32>, vector<16xi32>], vector<16xf32>,
      tpu.vector_store_idx %arg11[%add3A_7, %and3A_9, %broadcast_in_dim3A_905], %add3A_841 : memref<4x8x128xf32, #tpu.memory_space<vmem>>[vector<16xi32>, vector<16xi32>, vector<16xi32>], vector<16xf32>,
      %broadcast_in_dim3A_906 = arith.constant 66 : i32
      %broadcast_in_dim3A_907 = vector.broadcast %broadcast_in_dim3A_906 : i32 to vector<16xi32>
      tpu.vector_store_idx %arg11[%shift_right_arithmetic3A_4, %and3A_9, %broadcast_in_dim3A_907], %add3A_846 : memref<4x8x128xf32, #tpu.memory_space<vmem>>[vector<16xi32>, vector<16xi32>, vector<16xi32>], vector<16xf32>,
      tpu.vector_store_idx %arg11[%add3A_7, %and3A_9, %broadcast_in_dim3A_907], %add3A_851 : memref<4x8x128xf32, #tpu.memory_space<vmem>>[vector<16xi32>, vector<16xi32>, vector<16xi32>], vector<16xf32>,
      %broadcast_in_dim3A_908 = arith.constant 67 : i32
      %broadcast_in_dim3A_909 = vector.broadcast %broadcast_in_dim3A_908 : i32 to vector<16xi32>
      tpu.vector_store_idx %arg11[%shift_right_arithmetic3A_4, %and3A_9, %broadcast_in_dim3A_909], %add3A_856 : memref<4x8x128xf32, #tpu.memory_space<vmem>>[vector<16xi32>, vector<16xi32>, vector<16xi32>], vector<16xf32>,
      tpu.vector_store_idx %arg11[%add3A_7, %and3A_9, %broadcast_in_dim3A_909], %add3A_861 : memref<4x8x128xf32, #tpu.memory_space<vmem>>[vector<16xi32>, vector<16xi32>, vector<16xi32>], vector<16xf32>,
      %broadcast_in_dim3A_910 = arith.constant 68 : i32
      %broadcast_in_dim3A_911 = vector.broadcast %broadcast_in_dim3A_910 : i32 to vector<16xi32>
      tpu.vector_store_idx %arg11[%shift_right_arithmetic3A_4, %and3A_9, %broadcast_in_dim3A_911], %add3A_866 : memref<4x8x128xf32, #tpu.memory_space<vmem>>[vector<16xi32>, vector<16xi32>, vector<16xi32>], vector<16xf32>,
      tpu.vector_store_idx %arg11[%add3A_7, %and3A_9, %broadcast_in_dim3A_911], %add3A_871 : memref<4x8x128xf32, #tpu.memory_space<vmem>>[vector<16xi32>, vector<16xi32>, vector<16xi32>], vector<16xf32>,
      %broadcast_in_dim3A_912 = arith.constant 69 : i32
      %broadcast_in_dim3A_913 = vector.broadcast %broadcast_in_dim3A_912 : i32 to vector<16xi32>
      tpu.vector_store_idx %arg11[%shift_right_arithmetic3A_4, %and3A_9, %broadcast_in_dim3A_913], %add3A_876 : memref<4x8x128xf32, #tpu.memory_space<vmem>>[vector<16xi32>, vector<16xi32>, vector<16xi32>], vector<16xf32>,
      tpu.vector_store_idx %arg11[%add3A_7, %and3A_9, %broadcast_in_dim3A_913], %add3A_881 : memref<4x8x128xf32, #tpu.memory_space<vmem>>[vector<16xi32>, vector<16xi32>, vector<16xi32>], vector<16xf32>,
      %broadcast_in_dim3A_914 = arith.constant 70 : i32
      %broadcast_in_dim3A_915 = vector.broadcast %broadcast_in_dim3A_914 : i32 to vector<16xi32>
      tpu.vector_store_idx %arg11[%shift_right_arithmetic3A_4, %and3A_9, %broadcast_in_dim3A_915], %add3A_886 : memref<4x8x128xf32, #tpu.memory_space<vmem>>[vector<16xi32>, vector<16xi32>, vector<16xi32>], vector<16xf32>,
      tpu.vector_store_idx %arg11[%add3A_7, %and3A_9, %broadcast_in_dim3A_915], %add3A_891 : memref<4x8x128xf32, #tpu.memory_space<vmem>>[vector<16xi32>, vector<16xi32>, vector<16xi32>], vector<16xf32>,
      %broadcast_in_dim3A_916 = arith.constant 71 : i32
      %broadcast_in_dim3A_917 = vector.broadcast %broadcast_in_dim3A_916 : i32 to vector<16xi32>
      tpu.vector_store_idx %arg11[%shift_right_arithmetic3A_4, %and3A_9, %broadcast_in_dim3A_917], %add3A_896 : memref<4x8x128xf32, #tpu.memory_space<vmem>>[vector<16xi32>, vector<16xi32>, vector<16xi32>], vector<16xf32>,
      tpu.vector_store_idx %arg11[%add3A_7, %and3A_9, %broadcast_in_dim3A_917], %add3A_901 : memref<4x8x128xf32, #tpu.memory_space<vmem>>[vector<16xi32>, vector<16xi32>, vector<16xi32>], vector<16xf32>,
      %get3A_918 = arith.constant 72 : i32
      %get3A_919 = arith.index_cast %get3A_918 : i32 to index
      %get3A_920 = arith.constant 0 : index
      %get3A_921 = tpu.vector_load %arg9[%get3A_919, %get3A_920] {strides = array<i32>} : memref<128x32xf32, #tpu.memory_space<vmem>>, vector<16xf32>,
      %add3A_922 = arith.addf %get3A_921, %get3A_51 : vector<16xf32>
      %get3A_923 = arith.constant 72 : i32
      %get3A_924 = arith.index_cast %get3A_923 : i32 to index
      %get3A_925 = arith.constant 16 : index
      %get3A_926 = tpu.vector_load %arg9[%get3A_924, %get3A_925] {strides = array<i32>} : memref<128x32xf32, #tpu.memory_space<vmem>>, vector<16xf32>,
      %add3A_927 = arith.addf %get3A_926, %get3A_54 : vector<16xf32>
      %get3A_928 = arith.constant 73 : i32
      %get3A_929 = arith.index_cast %get3A_928 : i32 to index
      %get3A_930 = arith.constant 0 : index
      %get3A_931 = tpu.vector_load %arg9[%get3A_929, %get3A_930] {strides = array<i32>} : memref<128x32xf32, #tpu.memory_space<vmem>>, vector<16xf32>,
      %add3A_932 = arith.addf %get3A_931, %get3A_51 : vector<16xf32>
      %get3A_933 = arith.constant 73 : i32
      %get3A_934 = arith.index_cast %get3A_933 : i32 to index
      %get3A_935 = arith.constant 16 : index
      %get3A_936 = tpu.vector_load %arg9[%get3A_934, %get3A_935] {strides = array<i32>} : memref<128x32xf32, #tpu.memory_space<vmem>>, vector<16xf32>,
      %add3A_937 = arith.addf %get3A_936, %get3A_54 : vector<16xf32>
      %get3A_938 = arith.constant 74 : i32
      %get3A_939 = arith.index_cast %get3A_938 : i32 to index
      %get3A_940 = arith.constant 0 : index
      %get3A_941 = tpu.vector_load %arg9[%get3A_939, %get3A_940] {strides = array<i32>} : memref<128x32xf32, #tpu.memory_space<vmem>>, vector<16xf32>,
      %add3A_942 = arith.addf %get3A_941, %get3A_51 : vector<16xf32>
      %get3A_943 = arith.constant 74 : i32
      %get3A_944 = arith.index_cast %get3A_943 : i32 to index
      %get3A_945 = arith.constant 16 : index
      %get3A_946 = tpu.vector_load %arg9[%get3A_944, %get3A_945] {strides = array<i32>} : memref<128x32xf32, #tpu.memory_space<vmem>>, vector<16xf32>,
      %add3A_947 = arith.addf %get3A_946, %get3A_54 : vector<16xf32>
      %get3A_948 = arith.constant 75 : i32
      %get3A_949 = arith.index_cast %get3A_948 : i32 to index
      %get3A_950 = arith.constant 0 : index
      %get3A_951 = tpu.vector_load %arg9[%get3A_949, %get3A_950] {strides = array<i32>} : memref<128x32xf32, #tpu.memory_space<vmem>>, vector<16xf32>,
      %add3A_952 = arith.addf %get3A_951, %get3A_51 : vector<16xf32>
      %get3A_953 = arith.constant 75 : i32
      %get3A_954 = arith.index_cast %get3A_953 : i32 to index
      %get3A_955 = arith.constant 16 : index
      %get3A_956 = tpu.vector_load %arg9[%get3A_954, %get3A_955] {strides = array<i32>} : memref<128x32xf32, #tpu.memory_space<vmem>>, vector<16xf32>,
      %add3A_957 = arith.addf %get3A_956, %get3A_54 : vector<16xf32>
      %get3A_958 = arith.constant 76 : i32
      %get3A_959 = arith.index_cast %get3A_958 : i32 to index
      %get3A_960 = arith.constant 0 : index
      %get3A_961 = tpu.vector_load %arg9[%get3A_959, %get3A_960] {strides = array<i32>} : memref<128x32xf32, #tpu.memory_space<vmem>>, vector<16xf32>,
      %add3A_962 = arith.addf %get3A_961, %get3A_51 : vector<16xf32>
      %get3A_963 = arith.constant 76 : i32
      %get3A_964 = arith.index_cast %get3A_963 : i32 to index
      %get3A_965 = arith.constant 16 : index
      %get3A_966 = tpu.vector_load %arg9[%get3A_964, %get3A_965] {strides = array<i32>} : memref<128x32xf32, #tpu.memory_space<vmem>>, vector<16xf32>,
      %add3A_967 = arith.addf %get3A_966, %get3A_54 : vector<16xf32>
      %get3A_968 = arith.constant 77 : i32
      %get3A_969 = arith.index_cast %get3A_968 : i32 to index
      %get3A_970 = arith.constant 0 : index
      %get3A_971 = tpu.vector_load %arg9[%get3A_969, %get3A_970] {strides = array<i32>} : memref<128x32xf32, #tpu.memory_space<vmem>>, vector<16xf32>,
      %add3A_972 = arith.addf %get3A_971, %get3A_51 : vector<16xf32>
      %get3A_973 = arith.constant 77 : i32
      %get3A_974 = arith.index_cast %get3A_973 : i32 to index
      %get3A_975 = arith.constant 16 : index
      %get3A_976 = tpu.vector_load %arg9[%get3A_974, %get3A_975] {strides = array<i32>} : memref<128x32xf32, #tpu.memory_space<vmem>>, vector<16xf32>,
      %add3A_977 = arith.addf %get3A_976, %get3A_54 : vector<16xf32>
      %get3A_978 = arith.constant 78 : i32
      %get3A_979 = arith.index_cast %get3A_978 : i32 to index
      %get3A_980 = arith.constant 0 : index
      %get3A_981 = tpu.vector_load %arg9[%get3A_979, %get3A_980] {strides = array<i32>} : memref<128x32xf32, #tpu.memory_space<vmem>>, vector<16xf32>,
      %add3A_982 = arith.addf %get3A_981, %get3A_51 : vector<16xf32>
      %get3A_983 = arith.constant 78 : i32
      %get3A_984 = arith.index_cast %get3A_983 : i32 to index
      %get3A_985 = arith.constant 16 : index
      %get3A_986 = tpu.vector_load %arg9[%get3A_984, %get3A_985] {strides = array<i32>} : memref<128x32xf32, #tpu.memory_space<vmem>>, vector<16xf32>,
      %add3A_987 = arith.addf %get3A_986, %get3A_54 : vector<16xf32>
      %get3A_988 = arith.constant 79 : i32
      %get3A_989 = arith.index_cast %get3A_988 : i32 to index
      %get3A_990 = arith.constant 0 : index
      %get3A_991 = tpu.vector_load %arg9[%get3A_989, %get3A_990] {strides = array<i32>} : memref<128x32xf32, #tpu.memory_space<vmem>>, vector<16xf32>,
      %add3A_992 = arith.addf %get3A_991, %get3A_51 : vector<16xf32>
      %get3A_993 = arith.constant 79 : i32
      %get3A_994 = arith.index_cast %get3A_993 : i32 to index
      %get3A_995 = arith.constant 16 : index
      %get3A_996 = tpu.vector_load %arg9[%get3A_994, %get3A_995] {strides = array<i32>} : memref<128x32xf32, #tpu.memory_space<vmem>>, vector<16xf32>,
      %add3A_997 = arith.addf %get3A_996, %get3A_54 : vector<16xf32>
      %broadcast_in_dim3A_998 = arith.constant 72 : i32
      %broadcast_in_dim3A_999 = vector.broadcast %broadcast_in_dim3A_998 : i32 to vector<16xi32>
      tpu.vector_store_idx %arg11[%shift_right_arithmetic3A_4, %and3A_9, %broadcast_in_dim3A_999], %add3A_922 : memref<4x8x128xf32, #tpu.memory_space<vmem>>[vector<16xi32>, vector<16xi32>, vector<16xi32>], vector<16xf32>,
      tpu.vector_store_idx %arg11[%add3A_7, %and3A_9, %broadcast_in_dim3A_999], %add3A_927 : memref<4x8x128xf32, #tpu.memory_space<vmem>>[vector<16xi32>, vector<16xi32>, vector<16xi32>], vector<16xf32>,
      %broadcast_in_dim3A_1000 = arith.constant 73 : i32
      %broadcast_in_dim3A_1001 = vector.broadcast %broadcast_in_dim3A_1000 : i32 to vector<16xi32>
      tpu.vector_store_idx %arg11[%shift_right_arithmetic3A_4, %and3A_9, %broadcast_in_dim3A_1001], %add3A_932 : memref<4x8x128xf32, #tpu.memory_space<vmem>>[vector<16xi32>, vector<16xi32>, vector<16xi32>], vector<16xf32>,
      tpu.vector_store_idx %arg11[%add3A_7, %and3A_9, %broadcast_in_dim3A_1001], %add3A_937 : memref<4x8x128xf32, #tpu.memory_space<vmem>>[vector<16xi32>, vector<16xi32>, vector<16xi32>], vector<16xf32>,
      %broadcast_in_dim3A_1002 = arith.constant 74 : i32
      %broadcast_in_dim3A_1003 = vector.broadcast %broadcast_in_dim3A_1002 : i32 to vector<16xi32>
      tpu.vector_store_idx %arg11[%shift_right_arithmetic3A_4, %and3A_9, %broadcast_in_dim3A_1003], %add3A_942 : memref<4x8x128xf32, #tpu.memory_space<vmem>>[vector<16xi32>, vector<16xi32>, vector<16xi32>], vector<16xf32>,
      tpu.vector_store_idx %arg11[%add3A_7, %and3A_9, %broadcast_in_dim3A_1003], %add3A_947 : memref<4x8x128xf32, #tpu.memory_space<vmem>>[vector<16xi32>, vector<16xi32>, vector<16xi32>], vector<16xf32>,
      %broadcast_in_dim3A_1004 = arith.constant 75 : i32
      %broadcast_in_dim3A_1005 = vector.broadcast %broadcast_in_dim3A_1004 : i32 to vector<16xi32>
      tpu.vector_store_idx %arg11[%shift_right_arithmetic3A_4, %and3A_9, %broadcast_in_dim3A_1005], %add3A_952 : memref<4x8x128xf32, #tpu.memory_space<vmem>>[vector<16xi32>, vector<16xi32>, vector<16xi32>], vector<16xf32>,
      tpu.vector_store_idx %arg11[%add3A_7, %and3A_9, %broadcast_in_dim3A_1005], %add3A_957 : memref<4x8x128xf32, #tpu.memory_space<vmem>>[vector<16xi32>, vector<16xi32>, vector<16xi32>], vector<16xf32>,
      %broadcast_in_dim3A_1006 = arith.constant 76 : i32
      %broadcast_in_dim3A_1007 = vector.broadcast %broadcast_in_dim3A_1006 : i32 to vector<16xi32>
      tpu.vector_store_idx %arg11[%shift_right_arithmetic3A_4, %and3A_9, %broadcast_in_dim3A_1007], %add3A_962 : memref<4x8x128xf32, #tpu.memory_space<vmem>>[vector<16xi32>, vector<16xi32>, vector<16xi32>], vector<16xf32>,
      tpu.vector_store_idx %arg11[%add3A_7, %and3A_9, %broadcast_in_dim3A_1007], %add3A_967 : memref<4x8x128xf32, #tpu.memory_space<vmem>>[vector<16xi32>, vector<16xi32>, vector<16xi32>], vector<16xf32>,
      %broadcast_in_dim3A_1008 = arith.constant 77 : i32
      %broadcast_in_dim3A_1009 = vector.broadcast %broadcast_in_dim3A_1008 : i32 to vector<16xi32>
      tpu.vector_store_idx %arg11[%shift_right_arithmetic3A_4, %and3A_9, %broadcast_in_dim3A_1009], %add3A_972 : memref<4x8x128xf32, #tpu.memory_space<vmem>>[vector<16xi32>, vector<16xi32>, vector<16xi32>], vector<16xf32>,
      tpu.vector_store_idx %arg11[%add3A_7, %and3A_9, %broadcast_in_dim3A_1009], %add3A_977 : memref<4x8x128xf32, #tpu.memory_space<vmem>>[vector<16xi32>, vector<16xi32>, vector<16xi32>], vector<16xf32>,
      %broadcast_in_dim3A_1010 = arith.constant 78 : i32
      %broadcast_in_dim3A_1011 = vector.broadcast %broadcast_in_dim3A_1010 : i32 to vector<16xi32>
      tpu.vector_store_idx %arg11[%shift_right_arithmetic3A_4, %and3A_9, %broadcast_in_dim3A_1011], %add3A_982 : memref<4x8x128xf32, #tpu.memory_space<vmem>>[vector<16xi32>, vector<16xi32>, vector<16xi32>], vector<16xf32>,
      tpu.vector_store_idx %arg11[%add3A_7, %and3A_9, %broadcast_in_dim3A_1011], %add3A_987 : memref<4x8x128xf32, #tpu.memory_space<vmem>>[vector<16xi32>, vector<16xi32>, vector<16xi32>], vector<16xf32>,
      %broadcast_in_dim3A_1012 = arith.constant 79 : i32
      %broadcast_in_dim3A_1013 = vector.broadcast %broadcast_in_dim3A_1012 : i32 to vector<16xi32>
      tpu.vector_store_idx %arg11[%shift_right_arithmetic3A_4, %and3A_9, %broadcast_in_dim3A_1013], %add3A_992 : memref<4x8x128xf32, #tpu.memory_space<vmem>>[vector<16xi32>, vector<16xi32>, vector<16xi32>], vector<16xf32>,
      tpu.vector_store_idx %arg11[%add3A_7, %and3A_9, %broadcast_in_dim3A_1013], %add3A_997 : memref<4x8x128xf32, #tpu.memory_space<vmem>>[vector<16xi32>, vector<16xi32>, vector<16xi32>], vector<16xf32>,
      %get3A_1014 = arith.constant 80 : i32
      %get3A_1015 = arith.index_cast %get3A_1014 : i32 to index
      %get3A_1016 = arith.constant 0 : index
      %get3A_1017 = tpu.vector_load %arg9[%get3A_1015, %get3A_1016] {strides = array<i32>} : memref<128x32xf32, #tpu.memory_space<vmem>>, vector<16xf32>,
      %add3A_1018 = arith.addf %get3A_1017, %get3A_51 : vector<16xf32>
      %get3A_1019 = arith.constant 80 : i32
      %get3A_1020 = arith.index_cast %get3A_1019 : i32 to index
      %get3A_1021 = arith.constant 16 : index
      %get3A_1022 = tpu.vector_load %arg9[%get3A_1020, %get3A_1021] {strides = array<i32>} : memref<128x32xf32, #tpu.memory_space<vmem>>, vector<16xf32>,
      %add3A_1023 = arith.addf %get3A_1022, %get3A_54 : vector<16xf32>
      %get3A_1024 = arith.constant 81 : i32
      %get3A_1025 = arith.index_cast %get3A_1024 : i32 to index
      %get3A_1026 = arith.constant 0 : index
      %get3A_1027 = tpu.vector_load %arg9[%get3A_1025, %get3A_1026] {strides = array<i32>} : memref<128x32xf32, #tpu.memory_space<vmem>>, vector<16xf32>,
      %add3A_1028 = arith.addf %get3A_1027, %get3A_51 : vector<16xf32>
      %get3A_1029 = arith.constant 81 : i32
      %get3A_1030 = arith.index_cast %get3A_1029 : i32 to index
      %get3A_1031 = arith.constant 16 : index
      %get3A_1032 = tpu.vector_load %arg9[%get3A_1030, %get3A_1031] {strides = array<i32>} : memref<128x32xf32, #tpu.memory_space<vmem>>, vector<16xf32>,
      %add3A_1033 = arith.addf %get3A_1032, %get3A_54 : vector<16xf32>
      %get3A_1034 = arith.constant 82 : i32
      %get3A_1035 = arith.index_cast %get3A_1034 : i32 to index
      %get3A_1036 = arith.constant 0 : index
      %get3A_1037 = tpu.vector_load %arg9[%get3A_1035, %get3A_1036] {strides = array<i32>} : memref<128x32xf32, #tpu.memory_space<vmem>>, vector<16xf32>,
      %add3A_1038 = arith.addf %get3A_1037, %get3A_51 : vector<16xf32>
      %get3A_1039 = arith.constant 82 : i32
      %get3A_1040 = arith.index_cast %get3A_1039 : i32 to index
      %get3A_1041 = arith.constant 16 : index
      %get3A_1042 = tpu.vector_load %arg9[%get3A_1040, %get3A_1041] {strides = array<i32>} : memref<128x32xf32, #tpu.memory_space<vmem>>, vector<16xf32>,
      %add3A_1043 = arith.addf %get3A_1042, %get3A_54 : vector<16xf32>
      %get3A_1044 = arith.constant 83 : i32
      %get3A_1045 = arith.index_cast %get3A_1044 : i32 to index
      %get3A_1046 = arith.constant 0 : index
      %get3A_1047 = tpu.vector_load %arg9[%get3A_1045, %get3A_1046] {strides = array<i32>} : memref<128x32xf32, #tpu.memory_space<vmem>>, vector<16xf32>,
      %add3A_1048 = arith.addf %get3A_1047, %get3A_51 : vector<16xf32>
      %get3A_1049 = arith.constant 83 : i32
      %get3A_1050 = arith.index_cast %get3A_1049 : i32 to index
      %get3A_1051 = arith.constant 16 : index
      %get3A_1052 = tpu.vector_load %arg9[%get3A_1050, %get3A_1051] {strides = array<i32>} : memref<128x32xf32, #tpu.memory_space<vmem>>, vector<16xf32>,
      %add3A_1053 = arith.addf %get3A_1052, %get3A_54 : vector<16xf32>
      %get3A_1054 = arith.constant 84 : i32
      %get3A_1055 = arith.index_cast %get3A_1054 : i32 to index
      %get3A_1056 = arith.constant 0 : index
      %get3A_1057 = tpu.vector_load %arg9[%get3A_1055, %get3A_1056] {strides = array<i32>} : memref<128x32xf32, #tpu.memory_space<vmem>>, vector<16xf32>,
      %add3A_1058 = arith.addf %get3A_1057, %get3A_51 : vector<16xf32>
      %get3A_1059 = arith.constant 84 : i32
      %get3A_1060 = arith.index_cast %get3A_1059 : i32 to index
      %get3A_1061 = arith.constant 16 : index
      %get3A_1062 = tpu.vector_load %arg9[%get3A_1060, %get3A_1061] {strides = array<i32>} : memref<128x32xf32, #tpu.memory_space<vmem>>, vector<16xf32>,
      %add3A_1063 = arith.addf %get3A_1062, %get3A_54 : vector<16xf32>
      %get3A_1064 = arith.constant 85 : i32
      %get3A_1065 = arith.index_cast %get3A_1064 : i32 to index
      %get3A_1066 = arith.constant 0 : index
      %get3A_1067 = tpu.vector_load %arg9[%get3A_1065, %get3A_1066] {strides = array<i32>} : memref<128x32xf32, #tpu.memory_space<vmem>>, vector<16xf32>,
      %add3A_1068 = arith.addf %get3A_1067, %get3A_51 : vector<16xf32>
      %get3A_1069 = arith.constant 85 : i32
      %get3A_1070 = arith.index_cast %get3A_1069 : i32 to index
      %get3A_1071 = arith.constant 16 : index
      %get3A_1072 = tpu.vector_load %arg9[%get3A_1070, %get3A_1071] {strides = array<i32>} : memref<128x32xf32, #tpu.memory_space<vmem>>, vector<16xf32>,
      %add3A_1073 = arith.addf %get3A_1072, %get3A_54 : vector<16xf32>
      %get3A_1074 = arith.constant 86 : i32
      %get3A_1075 = arith.index_cast %get3A_1074 : i32 to index
      %get3A_1076 = arith.constant 0 : index
      %get3A_1077 = tpu.vector_load %arg9[%get3A_1075, %get3A_1076] {strides = array<i32>} : memref<128x32xf32, #tpu.memory_space<vmem>>, vector<16xf32>,
      %add3A_1078 = arith.addf %get3A_1077, %get3A_51 : vector<16xf32>
      %get3A_1079 = arith.constant 86 : i32
      %get3A_1080 = arith.index_cast %get3A_1079 : i32 to index
      %get3A_1081 = arith.constant 16 : index
      %get3A_1082 = tpu.vector_load %arg9[%get3A_1080, %get3A_1081] {strides = array<i32>} : memref<128x32xf32, #tpu.memory_space<vmem>>, vector<16xf32>,
      %add3A_1083 = arith.addf %get3A_1082, %get3A_54 : vector<16xf32>
      %get3A_1084 = arith.constant 87 : i32
      %get3A_1085 = arith.index_cast %get3A_1084 : i32 to index
      %get3A_1086 = arith.constant 0 : index
      %get3A_1087 = tpu.vector_load %arg9[%get3A_1085, %get3A_1086] {strides = array<i32>} : memref<128x32xf32, #tpu.memory_space<vmem>>, vector<16xf32>,
      %add3A_1088 = arith.addf %get3A_1087, %get3A_51 : vector<16xf32>
      %get3A_1089 = arith.constant 87 : i32
      %get3A_1090 = arith.index_cast %get3A_1089 : i32 to index
      %get3A_1091 = arith.constant 16 : index
      %get3A_1092 = tpu.vector_load %arg9[%get3A_1090, %get3A_1091] {strides = array<i32>} : memref<128x32xf32, #tpu.memory_space<vmem>>, vector<16xf32>,
      %add3A_1093 = arith.addf %get3A_1092, %get3A_54 : vector<16xf32>
      %broadcast_in_dim3A_1094 = arith.constant 80 : i32
      %broadcast_in_dim3A_1095 = vector.broadcast %broadcast_in_dim3A_1094 : i32 to vector<16xi32>
      tpu.vector_store_idx %arg11[%shift_right_arithmetic3A_4, %and3A_9, %broadcast_in_dim3A_1095], %add3A_1018 : memref<4x8x128xf32, #tpu.memory_space<vmem>>[vector<16xi32>, vector<16xi32>, vector<16xi32>], vector<16xf32>,
      tpu.vector_store_idx %arg11[%add3A_7, %and3A_9, %broadcast_in_dim3A_1095], %add3A_1023 : memref<4x8x128xf32, #tpu.memory_space<vmem>>[vector<16xi32>, vector<16xi32>, vector<16xi32>], vector<16xf32>,
      %broadcast_in_dim3A_1096 = arith.constant 81 : i32
      %broadcast_in_dim3A_1097 = vector.broadcast %broadcast_in_dim3A_1096 : i32 to vector<16xi32>
      tpu.vector_store_idx %arg11[%shift_right_arithmetic3A_4, %and3A_9, %broadcast_in_dim3A_1097], %add3A_1028 : memref<4x8x128xf32, #tpu.memory_space<vmem>>[vector<16xi32>, vector<16xi32>, vector<16xi32>], vector<16xf32>,
      tpu.vector_store_idx %arg11[%add3A_7, %and3A_9, %broadcast_in_dim3A_1097], %add3A_1033 : memref<4x8x128xf32, #tpu.memory_space<vmem>>[vector<16xi32>, vector<16xi32>, vector<16xi32>], vector<16xf32>,
      %broadcast_in_dim3A_1098 = arith.constant 82 : i32
      %broadcast_in_dim3A_1099 = vector.broadcast %broadcast_in_dim3A_1098 : i32 to vector<16xi32>
      tpu.vector_store_idx %arg11[%shift_right_arithmetic3A_4, %and3A_9, %broadcast_in_dim3A_1099], %add3A_1038 : memref<4x8x128xf32, #tpu.memory_space<vmem>>[vector<16xi32>, vector<16xi32>, vector<16xi32>], vector<16xf32>,
      tpu.vector_store_idx %arg11[%add3A_7, %and3A_9, %broadcast_in_dim3A_1099], %add3A_1043 : memref<4x8x128xf32, #tpu.memory_space<vmem>>[vector<16xi32>, vector<16xi32>, vector<16xi32>], vector<16xf32>,
      %broadcast_in_dim3A_1100 = arith.constant 83 : i32
      %broadcast_in_dim3A_1101 = vector.broadcast %broadcast_in_dim3A_1100 : i32 to vector<16xi32>
      tpu.vector_store_idx %arg11[%shift_right_arithmetic3A_4, %and3A_9, %broadcast_in_dim3A_1101], %add3A_1048 : memref<4x8x128xf32, #tpu.memory_space<vmem>>[vector<16xi32>, vector<16xi32>, vector<16xi32>], vector<16xf32>,
      tpu.vector_store_idx %arg11[%add3A_7, %and3A_9, %broadcast_in_dim3A_1101], %add3A_1053 : memref<4x8x128xf32, #tpu.memory_space<vmem>>[vector<16xi32>, vector<16xi32>, vector<16xi32>], vector<16xf32>,
      %broadcast_in_dim3A_1102 = arith.constant 84 : i32
      %broadcast_in_dim3A_1103 = vector.broadcast %broadcast_in_dim3A_1102 : i32 to vector<16xi32>
      tpu.vector_store_idx %arg11[%shift_right_arithmetic3A_4, %and3A_9, %broadcast_in_dim3A_1103], %add3A_1058 : memref<4x8x128xf32, #tpu.memory_space<vmem>>[vector<16xi32>, vector<16xi32>, vector<16xi32>], vector<16xf32>,
      tpu.vector_store_idx %arg11[%add3A_7, %and3A_9, %broadcast_in_dim3A_1103], %add3A_1063 : memref<4x8x128xf32, #tpu.memory_space<vmem>>[vector<16xi32>, vector<16xi32>, vector<16xi32>], vector<16xf32>,
      %broadcast_in_dim3A_1104 = arith.constant 85 : i32
      %broadcast_in_dim3A_1105 = vector.broadcast %broadcast_in_dim3A_1104 : i32 to vector<16xi32>
      tpu.vector_store_idx %arg11[%shift_right_arithmetic3A_4, %and3A_9, %broadcast_in_dim3A_1105], %add3A_1068 : memref<4x8x128xf32, #tpu.memory_space<vmem>>[vector<16xi32>, vector<16xi32>, vector<16xi32>], vector<16xf32>,
      tpu.vector_store_idx %arg11[%add3A_7, %and3A_9, %broadcast_in_dim3A_1105], %add3A_1073 : memref<4x8x128xf32, #tpu.memory_space<vmem>>[vector<16xi32>, vector<16xi32>, vector<16xi32>], vector<16xf32>,
      %broadcast_in_dim3A_1106 = arith.constant 86 : i32
      %broadcast_in_dim3A_1107 = vector.broadcast %broadcast_in_dim3A_1106 : i32 to vector<16xi32>
      tpu.vector_store_idx %arg11[%shift_right_arithmetic3A_4, %and3A_9, %broadcast_in_dim3A_1107], %add3A_1078 : memref<4x8x128xf32, #tpu.memory_space<vmem>>[vector<16xi32>, vector<16xi32>, vector<16xi32>], vector<16xf32>,
      tpu.vector_store_idx %arg11[%add3A_7, %and3A_9, %broadcast_in_dim3A_1107], %add3A_1083 : memref<4x8x128xf32, #tpu.memory_space<vmem>>[vector<16xi32>, vector<16xi32>, vector<16xi32>], vector<16xf32>,
      %broadcast_in_dim3A_1108 = arith.constant 87 : i32
      %broadcast_in_dim3A_1109 = vector.broadcast %broadcast_in_dim3A_1108 : i32 to vector<16xi32>
      tpu.vector_store_idx %arg11[%shift_right_arithmetic3A_4, %and3A_9, %broadcast_in_dim3A_1109], %add3A_1088 : memref<4x8x128xf32, #tpu.memory_space<vmem>>[vector<16xi32>, vector<16xi32>, vector<16xi32>], vector<16xf32>,
      tpu.vector_store_idx %arg11[%add3A_7, %and3A_9, %broadcast_in_dim3A_1109], %add3A_1093 : memref<4x8x128xf32, #tpu.memory_space<vmem>>[vector<16xi32>, vector<16xi32>, vector<16xi32>], vector<16xf32>,
      %get3A_1110 = arith.constant 88 : i32
      %get3A_1111 = arith.index_cast %get3A_1110 : i32 to index
      %get3A_1112 = arith.constant 0 : index
      %get3A_1113 = tpu.vector_load %arg9[%get3A_1111, %get3A_1112] {strides = array<i32>} : memref<128x32xf32, #tpu.memory_space<vmem>>, vector<16xf32>,
      %add3A_1114 = arith.addf %get3A_1113, %get3A_51 : vector<16xf32>
      %get3A_1115 = arith.constant 88 : i32
      %get3A_1116 = arith.index_cast %get3A_1115 : i32 to index
      %get3A_1117 = arith.constant 16 : index
      %get3A_1118 = tpu.vector_load %arg9[%get3A_1116, %get3A_1117] {strides = array<i32>} : memref<128x32xf32, #tpu.memory_space<vmem>>, vector<16xf32>,
      %add3A_1119 = arith.addf %get3A_1118, %get3A_54 : vector<16xf32>
      %get3A_1120 = arith.constant 89 : i32
      %get3A_1121 = arith.index_cast %get3A_1120 : i32 to index
      %get3A_1122 = arith.constant 0 : index
      %get3A_1123 = tpu.vector_load %arg9[%get3A_1121, %get3A_1122] {strides = array<i32>} : memref<128x32xf32, #tpu.memory_space<vmem>>, vector<16xf32>,
      %add3A_1124 = arith.addf %get3A_1123, %get3A_51 : vector<16xf32>
      %get3A_1125 = arith.constant 89 : i32
      %get3A_1126 = arith.index_cast %get3A_1125 : i32 to index
      %get3A_1127 = arith.constant 16 : index
      %get3A_1128 = tpu.vector_load %arg9[%get3A_1126, %get3A_1127] {strides = array<i32>} : memref<128x32xf32, #tpu.memory_space<vmem>>, vector<16xf32>,
      %add3A_1129 = arith.addf %get3A_1128, %get3A_54 : vector<16xf32>
      %get3A_1130 = arith.constant 90 : i32
      %get3A_1131 = arith.index_cast %get3A_1130 : i32 to index
      %get3A_1132 = arith.constant 0 : index
      %get3A_1133 = tpu.vector_load %arg9[%get3A_1131, %get3A_1132] {strides = array<i32>} : memref<128x32xf32, #tpu.memory_space<vmem>>, vector<16xf32>,
      %add3A_1134 = arith.addf %get3A_1133, %get3A_51 : vector<16xf32>
      %get3A_1135 = arith.constant 90 : i32
      %get3A_1136 = arith.index_cast %get3A_1135 : i32 to index
      %get3A_1137 = arith.constant 16 : index
      %get3A_1138 = tpu.vector_load %arg9[%get3A_1136, %get3A_1137] {strides = array<i32>} : memref<128x32xf32, #tpu.memory_space<vmem>>, vector<16xf32>,
      %add3A_1139 = arith.addf %get3A_1138, %get3A_54 : vector<16xf32>
      %get3A_1140 = arith.constant 91 : i32
      %get3A_1141 = arith.index_cast %get3A_1140 : i32 to index
      %get3A_1142 = arith.constant 0 : index
      %get3A_1143 = tpu.vector_load %arg9[%get3A_1141, %get3A_1142] {strides = array<i32>} : memref<128x32xf32, #tpu.memory_space<vmem>>, vector<16xf32>,
      %add3A_1144 = arith.addf %get3A_1143, %get3A_51 : vector<16xf32>
      %get3A_1145 = arith.constant 91 : i32
      %get3A_1146 = arith.index_cast %get3A_1145 : i32 to index
      %get3A_1147 = arith.constant 16 : index
      %get3A_1148 = tpu.vector_load %arg9[%get3A_1146, %get3A_1147] {strides = array<i32>} : memref<128x32xf32, #tpu.memory_space<vmem>>, vector<16xf32>,
      %add3A_1149 = arith.addf %get3A_1148, %get3A_54 : vector<16xf32>
      %get3A_1150 = arith.constant 92 : i32
      %get3A_1151 = arith.index_cast %get3A_1150 : i32 to index
      %get3A_1152 = arith.constant 0 : index
      %get3A_1153 = tpu.vector_load %arg9[%get3A_1151, %get3A_1152] {strides = array<i32>} : memref<128x32xf32, #tpu.memory_space<vmem>>, vector<16xf32>,
      %add3A_1154 = arith.addf %get3A_1153, %get3A_51 : vector<16xf32>
      %get3A_1155 = arith.constant 92 : i32
      %get3A_1156 = arith.index_cast %get3A_1155 : i32 to index
      %get3A_1157 = arith.constant 16 : index
      %get3A_1158 = tpu.vector_load %arg9[%get3A_1156, %get3A_1157] {strides = array<i32>} : memref<128x32xf32, #tpu.memory_space<vmem>>, vector<16xf32>,
      %add3A_1159 = arith.addf %get3A_1158, %get3A_54 : vector<16xf32>
      %get3A_1160 = arith.constant 93 : i32
      %get3A_1161 = arith.index_cast %get3A_1160 : i32 to index
      %get3A_1162 = arith.constant 0 : index
      %get3A_1163 = tpu.vector_load %arg9[%get3A_1161, %get3A_1162] {strides = array<i32>} : memref<128x32xf32, #tpu.memory_space<vmem>>, vector<16xf32>,
      %add3A_1164 = arith.addf %get3A_1163, %get3A_51 : vector<16xf32>
      %get3A_1165 = arith.constant 93 : i32
      %get3A_1166 = arith.index_cast %get3A_1165 : i32 to index
      %get3A_1167 = arith.constant 16 : index
      %get3A_1168 = tpu.vector_load %arg9[%get3A_1166, %get3A_1167] {strides = array<i32>} : memref<128x32xf32, #tpu.memory_space<vmem>>, vector<16xf32>,
      %add3A_1169 = arith.addf %get3A_1168, %get3A_54 : vector<16xf32>
      %get3A_1170 = arith.constant 94 : i32
      %get3A_1171 = arith.index_cast %get3A_1170 : i32 to index
      %get3A_1172 = arith.constant 0 : index
      %get3A_1173 = tpu.vector_load %arg9[%get3A_1171, %get3A_1172] {strides = array<i32>} : memref<128x32xf32, #tpu.memory_space<vmem>>, vector<16xf32>,
      %add3A_1174 = arith.addf %get3A_1173, %get3A_51 : vector<16xf32>
      %get3A_1175 = arith.constant 94 : i32
      %get3A_1176 = arith.index_cast %get3A_1175 : i32 to index
      %get3A_1177 = arith.constant 16 : index
      %get3A_1178 = tpu.vector_load %arg9[%get3A_1176, %get3A_1177] {strides = array<i32>} : memref<128x32xf32, #tpu.memory_space<vmem>>, vector<16xf32>,
      %add3A_1179 = arith.addf %get3A_1178, %get3A_54 : vector<16xf32>
      %get3A_1180 = arith.constant 95 : i32
      %get3A_1181 = arith.index_cast %get3A_1180 : i32 to index
      %get3A_1182 = arith.constant 0 : index
      %get3A_1183 = tpu.vector_load %arg9[%get3A_1181, %get3A_1182] {strides = array<i32>} : memref<128x32xf32, #tpu.memory_space<vmem>>, vector<16xf32>,
      %add3A_1184 = arith.addf %get3A_1183, %get3A_51 : vector<16xf32>
      %get3A_1185 = arith.constant 95 : i32
      %get3A_1186 = arith.index_cast %get3A_1185 : i32 to index
      %get3A_1187 = arith.constant 16 : index
      %get3A_1188 = tpu.vector_load %arg9[%get3A_1186, %get3A_1187] {strides = array<i32>} : memref<128x32xf32, #tpu.memory_space<vmem>>, vector<16xf32>,
      %add3A_1189 = arith.addf %get3A_1188, %get3A_54 : vector<16xf32>
      %broadcast_in_dim3A_1190 = arith.constant 88 : i32
      %broadcast_in_dim3A_1191 = vector.broadcast %broadcast_in_dim3A_1190 : i32 to vector<16xi32>
      tpu.vector_store_idx %arg11[%shift_right_arithmetic3A_4, %and3A_9, %broadcast_in_dim3A_1191], %add3A_1114 : memref<4x8x128xf32, #tpu.memory_space<vmem>>[vector<16xi32>, vector<16xi32>, vector<16xi32>], vector<16xf32>,
      tpu.vector_store_idx %arg11[%add3A_7, %and3A_9, %broadcast_in_dim3A_1191], %add3A_1119 : memref<4x8x128xf32, #tpu.memory_space<vmem>>[vector<16xi32>, vector<16xi32>, vector<16xi32>], vector<16xf32>,
      %broadcast_in_dim3A_1192 = arith.constant 89 : i32
      %broadcast_in_dim3A_1193 = vector.broadcast %broadcast_in_dim3A_1192 : i32 to vector<16xi32>
      tpu.vector_store_idx %arg11[%shift_right_arithmetic3A_4, %and3A_9, %broadcast_in_dim3A_1193], %add3A_1124 : memref<4x8x128xf32, #tpu.memory_space<vmem>>[vector<16xi32>, vector<16xi32>, vector<16xi32>], vector<16xf32>,
      tpu.vector_store_idx %arg11[%add3A_7, %and3A_9, %broadcast_in_dim3A_1193], %add3A_1129 : memref<4x8x128xf32, #tpu.memory_space<vmem>>[vector<16xi32>, vector<16xi32>, vector<16xi32>], vector<16xf32>,
      %broadcast_in_dim3A_1194 = arith.constant 90 : i32
      %broadcast_in_dim3A_1195 = vector.broadcast %broadcast_in_dim3A_1194 : i32 to vector<16xi32>
      tpu.vector_store_idx %arg11[%shift_right_arithmetic3A_4, %and3A_9, %broadcast_in_dim3A_1195], %add3A_1134 : memref<4x8x128xf32, #tpu.memory_space<vmem>>[vector<16xi32>, vector<16xi32>, vector<16xi32>], vector<16xf32>,
      tpu.vector_store_idx %arg11[%add3A_7, %and3A_9, %broadcast_in_dim3A_1195], %add3A_1139 : memref<4x8x128xf32, #tpu.memory_space<vmem>>[vector<16xi32>, vector<16xi32>, vector<16xi32>], vector<16xf32>,
      %broadcast_in_dim3A_1196 = arith.constant 91 : i32
      %broadcast_in_dim3A_1197 = vector.broadcast %broadcast_in_dim3A_1196 : i32 to vector<16xi32>
      tpu.vector_store_idx %arg11[%shift_right_arithmetic3A_4, %and3A_9, %broadcast_in_dim3A_1197], %add3A_1144 : memref<4x8x128xf32, #tpu.memory_space<vmem>>[vector<16xi32>, vector<16xi32>, vector<16xi32>], vector<16xf32>,
      tpu.vector_store_idx %arg11[%add3A_7, %and3A_9, %broadcast_in_dim3A_1197], %add3A_1149 : memref<4x8x128xf32, #tpu.memory_space<vmem>>[vector<16xi32>, vector<16xi32>, vector<16xi32>], vector<16xf32>,
      %broadcast_in_dim3A_1198 = arith.constant 92 : i32
      %broadcast_in_dim3A_1199 = vector.broadcast %broadcast_in_dim3A_1198 : i32 to vector<16xi32>
      tpu.vector_store_idx %arg11[%shift_right_arithmetic3A_4, %and3A_9, %broadcast_in_dim3A_1199], %add3A_1154 : memref<4x8x128xf32, #tpu.memory_space<vmem>>[vector<16xi32>, vector<16xi32>, vector<16xi32>], vector<16xf32>,
      tpu.vector_store_idx %arg11[%add3A_7, %and3A_9, %broadcast_in_dim3A_1199], %add3A_1159 : memref<4x8x128xf32, #tpu.memory_space<vmem>>[vector<16xi32>, vector<16xi32>, vector<16xi32>], vector<16xf32>,
      %broadcast_in_dim3A_1200 = arith.constant 93 : i32
      %broadcast_in_dim3A_1201 = vector.broadcast %broadcast_in_dim3A_1200 : i32 to vector<16xi32>
      tpu.vector_store_idx %arg11[%shift_right_arithmetic3A_4, %and3A_9, %broadcast_in_dim3A_1201], %add3A_1164 : memref<4x8x128xf32, #tpu.memory_space<vmem>>[vector<16xi32>, vector<16xi32>, vector<16xi32>], vector<16xf32>,
      tpu.vector_store_idx %arg11[%add3A_7, %and3A_9, %broadcast_in_dim3A_1201], %add3A_1169 : memref<4x8x128xf32, #tpu.memory_space<vmem>>[vector<16xi32>, vector<16xi32>, vector<16xi32>], vector<16xf32>,
      %broadcast_in_dim3A_1202 = arith.constant 94 : i32
      %broadcast_in_dim3A_1203 = vector.broadcast %broadcast_in_dim3A_1202 : i32 to vector<16xi32>
      tpu.vector_store_idx %arg11[%shift_right_arithmetic3A_4, %and3A_9, %broadcast_in_dim3A_1203], %add3A_1174 : memref<4x8x128xf32, #tpu.memory_space<vmem>>[vector<16xi32>, vector<16xi32>, vector<16xi32>], vector<16xf32>,
      tpu.vector_store_idx %arg11[%add3A_7, %and3A_9, %broadcast_in_dim3A_1203], %add3A_1179 : memref<4x8x128xf32, #tpu.memory_space<vmem>>[vector<16xi32>, vector<16xi32>, vector<16xi32>], vector<16xf32>,
      %broadcast_in_dim3A_1204 = arith.constant 95 : i32
      %broadcast_in_dim3A_1205 = vector.broadcast %broadcast_in_dim3A_1204 : i32 to vector<16xi32>
      tpu.vector_store_idx %arg11[%shift_right_arithmetic3A_4, %and3A_9, %broadcast_in_dim3A_1205], %add3A_1184 : memref<4x8x128xf32, #tpu.memory_space<vmem>>[vector<16xi32>, vector<16xi32>, vector<16xi32>], vector<16xf32>,
      tpu.vector_store_idx %arg11[%add3A_7, %and3A_9, %broadcast_in_dim3A_1205], %add3A_1189 : memref<4x8x128xf32, #tpu.memory_space<vmem>>[vector<16xi32>, vector<16xi32>, vector<16xi32>], vector<16xf32>,
      %get3A_1206 = arith.constant 96 : i32
      %get3A_1207 = arith.index_cast %get3A_1206 : i32 to index
      %get3A_1208 = arith.constant 0 : index
      %get3A_1209 = tpu.vector_load %arg9[%get3A_1207, %get3A_1208] {strides = array<i32>} : memref<128x32xf32, #tpu.memory_space<vmem>>, vector<16xf32>,
      %add3A_1210 = arith.addf %get3A_1209, %get3A_51 : vector<16xf32>
      %get3A_1211 = arith.constant 96 : i32
      %get3A_1212 = arith.index_cast %get3A_1211 : i32 to index
      %get3A_1213 = arith.constant 16 : index
      %get3A_1214 = tpu.vector_load %arg9[%get3A_1212, %get3A_1213] {strides = array<i32>} : memref<128x32xf32, #tpu.memory_space<vmem>>, vector<16xf32>,
      %add3A_1215 = arith.addf %get3A_1214, %get3A_54 : vector<16xf32>
      %get3A_1216 = arith.constant 97 : i32
      %get3A_1217 = arith.index_cast %get3A_1216 : i32 to index
      %get3A_1218 = arith.constant 0 : index
      %get3A_1219 = tpu.vector_load %arg9[%get3A_1217, %get3A_1218] {strides = array<i32>} : memref<128x32xf32, #tpu.memory_space<vmem>>, vector<16xf32>,
      %add3A_1220 = arith.addf %get3A_1219, %get3A_51 : vector<16xf32>
      %get3A_1221 = arith.constant 97 : i32
      %get3A_1222 = arith.index_cast %get3A_1221 : i32 to index
      %get3A_1223 = arith.constant 16 : index
      %get3A_1224 = tpu.vector_load %arg9[%get3A_1222, %get3A_1223] {strides = array<i32>} : memref<128x32xf32, #tpu.memory_space<vmem>>, vector<16xf32>,
      %add3A_1225 = arith.addf %get3A_1224, %get3A_54 : vector<16xf32>
      %get3A_1226 = arith.constant 98 : i32
      %get3A_1227 = arith.index_cast %get3A_1226 : i32 to index
      %get3A_1228 = arith.constant 0 : index
      %get3A_1229 = tpu.vector_load %arg9[%get3A_1227, %get3A_1228] {strides = array<i32>} : memref<128x32xf32, #tpu.memory_space<vmem>>, vector<16xf32>,
      %add3A_1230 = arith.addf %get3A_1229, %get3A_51 : vector<16xf32>
      %get3A_1231 = arith.constant 98 : i32
      %get3A_1232 = arith.index_cast %get3A_1231 : i32 to index
      %get3A_1233 = arith.constant 16 : index
      %get3A_1234 = tpu.vector_load %arg9[%get3A_1232, %get3A_1233] {strides = array<i32>} : memref<128x32xf32, #tpu.memory_space<vmem>>, vector<16xf32>,
      %add3A_1235 = arith.addf %get3A_1234, %get3A_54 : vector<16xf32>
      %get3A_1236 = arith.constant 99 : i32
      %get3A_1237 = arith.index_cast %get3A_1236 : i32 to index
      %get3A_1238 = arith.constant 0 : index
      %get3A_1239 = tpu.vector_load %arg9[%get3A_1237, %get3A_1238] {strides = array<i32>} : memref<128x32xf32, #tpu.memory_space<vmem>>, vector<16xf32>,
      %add3A_1240 = arith.addf %get3A_1239, %get3A_51 : vector<16xf32>
      %get3A_1241 = arith.constant 99 : i32
      %get3A_1242 = arith.index_cast %get3A_1241 : i32 to index
      %get3A_1243 = arith.constant 16 : index
      %get3A_1244 = tpu.vector_load %arg9[%get3A_1242, %get3A_1243] {strides = array<i32>} : memref<128x32xf32, #tpu.memory_space<vmem>>, vector<16xf32>,
      %add3A_1245 = arith.addf %get3A_1244, %get3A_54 : vector<16xf32>
      %get3A_1246 = arith.constant 100 : i32
      %get3A_1247 = arith.index_cast %get3A_1246 : i32 to index
      %get3A_1248 = arith.constant 0 : index
      %get3A_1249 = tpu.vector_load %arg9[%get3A_1247, %get3A_1248] {strides = array<i32>} : memref<128x32xf32, #tpu.memory_space<vmem>>, vector<16xf32>,
      %add3A_1250 = arith.addf %get3A_1249, %get3A_51 : vector<16xf32>
      %get3A_1251 = arith.constant 100 : i32
      %get3A_1252 = arith.index_cast %get3A_1251 : i32 to index
      %get3A_1253 = arith.constant 16 : index
      %get3A_1254 = tpu.vector_load %arg9[%get3A_1252, %get3A_1253] {strides = array<i32>} : memref<128x32xf32, #tpu.memory_space<vmem>>, vector<16xf32>,
      %add3A_1255 = arith.addf %get3A_1254, %get3A_54 : vector<16xf32>
      %get3A_1256 = arith.constant 101 : i32
      %get3A_1257 = arith.index_cast %get3A_1256 : i32 to index
      %get3A_1258 = arith.constant 0 : index
      %get3A_1259 = tpu.vector_load %arg9[%get3A_1257, %get3A_1258] {strides = array<i32>} : memref<128x32xf32, #tpu.memory_space<vmem>>, vector<16xf32>,
      %add3A_1260 = arith.addf %get3A_1259, %get3A_51 : vector<16xf32>
      %get3A_1261 = arith.constant 101 : i32
      %get3A_1262 = arith.index_cast %get3A_1261 : i32 to index
      %get3A_1263 = arith.constant 16 : index
      %get3A_1264 = tpu.vector_load %arg9[%get3A_1262, %get3A_1263] {strides = array<i32>} : memref<128x32xf32, #tpu.memory_space<vmem>>, vector<16xf32>,
      %add3A_1265 = arith.addf %get3A_1264, %get3A_54 : vector<16xf32>
      %get3A_1266 = arith.constant 102 : i32
      %get3A_1267 = arith.index_cast %get3A_1266 : i32 to index
      %get3A_1268 = arith.constant 0 : index
      %get3A_1269 = tpu.vector_load %arg9[%get3A_1267, %get3A_1268] {strides = array<i32>} : memref<128x32xf32, #tpu.memory_space<vmem>>, vector<16xf32>,
      %add3A_1270 = arith.addf %get3A_1269, %get3A_51 : vector<16xf32>
      %get3A_1271 = arith.constant 102 : i32
      %get3A_1272 = arith.index_cast %get3A_1271 : i32 to index
      %get3A_1273 = arith.constant 16 : index
      %get3A_1274 = tpu.vector_load %arg9[%get3A_1272, %get3A_1273] {strides = array<i32>} : memref<128x32xf32, #tpu.memory_space<vmem>>, vector<16xf32>,
      %add3A_1275 = arith.addf %get3A_1274, %get3A_54 : vector<16xf32>
      %get3A_1276 = arith.constant 103 : i32
      %get3A_1277 = arith.index_cast %get3A_1276 : i32 to index
      %get3A_1278 = arith.constant 0 : index
      %get3A_1279 = tpu.vector_load %arg9[%get3A_1277, %get3A_1278] {strides = array<i32>} : memref<128x32xf32, #tpu.memory_space<vmem>>, vector<16xf32>,
      %add3A_1280 = arith.addf %get3A_1279, %get3A_51 : vector<16xf32>
      %get3A_1281 = arith.constant 103 : i32
      %get3A_1282 = arith.index_cast %get3A_1281 : i32 to index
      %get3A_1283 = arith.constant 16 : index
      %get3A_1284 = tpu.vector_load %arg9[%get3A_1282, %get3A_1283] {strides = array<i32>} : memref<128x32xf32, #tpu.memory_space<vmem>>, vector<16xf32>,
      %add3A_1285 = arith.addf %get3A_1284, %get3A_54 : vector<16xf32>
      %broadcast_in_dim3A_1286 = arith.constant 96 : i32
      %broadcast_in_dim3A_1287 = vector.broadcast %broadcast_in_dim3A_1286 : i32 to vector<16xi32>
      tpu.vector_store_idx %arg11[%shift_right_arithmetic3A_4, %and3A_9, %broadcast_in_dim3A_1287], %add3A_1210 : memref<4x8x128xf32, #tpu.memory_space<vmem>>[vector<16xi32>, vector<16xi32>, vector<16xi32>], vector<16xf32>,
      tpu.vector_store_idx %arg11[%add3A_7, %and3A_9, %broadcast_in_dim3A_1287], %add3A_1215 : memref<4x8x128xf32, #tpu.memory_space<vmem>>[vector<16xi32>, vector<16xi32>, vector<16xi32>], vector<16xf32>,
      %broadcast_in_dim3A_1288 = arith.constant 97 : i32
      %broadcast_in_dim3A_1289 = vector.broadcast %broadcast_in_dim3A_1288 : i32 to vector<16xi32>
      tpu.vector_store_idx %arg11[%shift_right_arithmetic3A_4, %and3A_9, %broadcast_in_dim3A_1289], %add3A_1220 : memref<4x8x128xf32, #tpu.memory_space<vmem>>[vector<16xi32>, vector<16xi32>, vector<16xi32>], vector<16xf32>,
      tpu.vector_store_idx %arg11[%add3A_7, %and3A_9, %broadcast_in_dim3A_1289], %add3A_1225 : memref<4x8x128xf32, #tpu.memory_space<vmem>>[vector<16xi32>, vector<16xi32>, vector<16xi32>], vector<16xf32>,
      %broadcast_in_dim3A_1290 = arith.constant 98 : i32
      %broadcast_in_dim3A_1291 = vector.broadcast %broadcast_in_dim3A_1290 : i32 to vector<16xi32>
      tpu.vector_store_idx %arg11[%shift_right_arithmetic3A_4, %and3A_9, %broadcast_in_dim3A_1291], %add3A_1230 : memref<4x8x128xf32, #tpu.memory_space<vmem>>[vector<16xi32>, vector<16xi32>, vector<16xi32>], vector<16xf32>,
      tpu.vector_store_idx %arg11[%add3A_7, %and3A_9, %broadcast_in_dim3A_1291], %add3A_1235 : memref<4x8x128xf32, #tpu.memory_space<vmem>>[vector<16xi32>, vector<16xi32>, vector<16xi32>], vector<16xf32>,
      %broadcast_in_dim3A_1292 = arith.constant 99 : i32
      %broadcast_in_dim3A_1293 = vector.broadcast %broadcast_in_dim3A_1292 : i32 to vector<16xi32>
      tpu.vector_store_idx %arg11[%shift_right_arithmetic3A_4, %and3A_9, %broadcast_in_dim3A_1293], %add3A_1240 : memref<4x8x128xf32, #tpu.memory_space<vmem>>[vector<16xi32>, vector<16xi32>, vector<16xi32>], vector<16xf32>,
      tpu.vector_store_idx %arg11[%add3A_7, %and3A_9, %broadcast_in_dim3A_1293], %add3A_1245 : memref<4x8x128xf32, #tpu.memory_space<vmem>>[vector<16xi32>, vector<16xi32>, vector<16xi32>], vector<16xf32>,
      %broadcast_in_dim3A_1294 = arith.constant 100 : i32
      %broadcast_in_dim3A_1295 = vector.broadcast %broadcast_in_dim3A_1294 : i32 to vector<16xi32>
      tpu.vector_store_idx %arg11[%shift_right_arithmetic3A_4, %and3A_9, %broadcast_in_dim3A_1295], %add3A_1250 : memref<4x8x128xf32, #tpu.memory_space<vmem>>[vector<16xi32>, vector<16xi32>, vector<16xi32>], vector<16xf32>,
      tpu.vector_store_idx %arg11[%add3A_7, %and3A_9, %broadcast_in_dim3A_1295], %add3A_1255 : memref<4x8x128xf32, #tpu.memory_space<vmem>>[vector<16xi32>, vector<16xi32>, vector<16xi32>], vector<16xf32>,
      %broadcast_in_dim3A_1296 = arith.constant 101 : i32
      %broadcast_in_dim3A_1297 = vector.broadcast %broadcast_in_dim3A_1296 : i32 to vector<16xi32>
      tpu.vector_store_idx %arg11[%shift_right_arithmetic3A_4, %and3A_9, %broadcast_in_dim3A_1297], %add3A_1260 : memref<4x8x128xf32, #tpu.memory_space<vmem>>[vector<16xi32>, vector<16xi32>, vector<16xi32>], vector<16xf32>,
      tpu.vector_store_idx %arg11[%add3A_7, %and3A_9, %broadcast_in_dim3A_1297], %add3A_1265 : memref<4x8x128xf32, #tpu.memory_space<vmem>>[vector<16xi32>, vector<16xi32>, vector<16xi32>], vector<16xf32>,
      %broadcast_in_dim3A_1298 = arith.constant 102 : i32
      %broadcast_in_dim3A_1299 = vector.broadcast %broadcast_in_dim3A_1298 : i32 to vector<16xi32>
      tpu.vector_store_idx %arg11[%shift_right_arithmetic3A_4, %and3A_9, %broadcast_in_dim3A_1299], %add3A_1270 : memref<4x8x128xf32, #tpu.memory_space<vmem>>[vector<16xi32>, vector<16xi32>, vector<16xi32>], vector<16xf32>,
      tpu.vector_store_idx %arg11[%add3A_7, %and3A_9, %broadcast_in_dim3A_1299], %add3A_1275 : memref<4x8x128xf32, #tpu.memory_space<vmem>>[vector<16xi32>, vector<16xi32>, vector<16xi32>], vector<16xf32>,
      %broadcast_in_dim3A_1300 = arith.constant 103 : i32
      %broadcast_in_dim3A_1301 = vector.broadcast %broadcast_in_dim3A_1300 : i32 to vector<16xi32>
      tpu.vector_store_idx %arg11[%shift_right_arithmetic3A_4, %and3A_9, %broadcast_in_dim3A_1301], %add3A_1280 : memref<4x8x128xf32, #tpu.memory_space<vmem>>[vector<16xi32>, vector<16xi32>, vector<16xi32>], vector<16xf32>,
      tpu.vector_store_idx %arg11[%add3A_7, %and3A_9, %broadcast_in_dim3A_1301], %add3A_1285 : memref<4x8x128xf32, #tpu.memory_space<vmem>>[vector<16xi32>, vector<16xi32>, vector<16xi32>], vector<16xf32>,
      %get3A_1302 = arith.constant 104 : i32
      %get3A_1303 = arith.index_cast %get3A_1302 : i32 to index
      %get3A_1304 = arith.constant 0 : index
      %get3A_1305 = tpu.vector_load %arg9[%get3A_1303, %get3A_1304] {strides = array<i32>} : memref<128x32xf32, #tpu.memory_space<vmem>>, vector<16xf32>,
      %add3A_1306 = arith.addf %get3A_1305, %get3A_51 : vector<16xf32>
      %get3A_1307 = arith.constant 104 : i32
      %get3A_1308 = arith.index_cast %get3A_1307 : i32 to index
      %get3A_1309 = arith.constant 16 : index
      %get3A_1310 = tpu.vector_load %arg9[%get3A_1308, %get3A_1309] {strides = array<i32>} : memref<128x32xf32, #tpu.memory_space<vmem>>, vector<16xf32>,
      %add3A_1311 = arith.addf %get3A_1310, %get3A_54 : vector<16xf32>
      %get3A_1312 = arith.constant 105 : i32
      %get3A_1313 = arith.index_cast %get3A_1312 : i32 to index
      %get3A_1314 = arith.constant 0 : index
      %get3A_1315 = tpu.vector_load %arg9[%get3A_1313, %get3A_1314] {strides = array<i32>} : memref<128x32xf32, #tpu.memory_space<vmem>>, vector<16xf32>,
      %add3A_1316 = arith.addf %get3A_1315, %get3A_51 : vector<16xf32>
      %get3A_1317 = arith.constant 105 : i32
      %get3A_1318 = arith.index_cast %get3A_1317 : i32 to index
      %get3A_1319 = arith.constant 16 : index
      %get3A_1320 = tpu.vector_load %arg9[%get3A_1318, %get3A_1319] {strides = array<i32>} : memref<128x32xf32, #tpu.memory_space<vmem>>, vector<16xf32>,
      %add3A_1321 = arith.addf %get3A_1320, %get3A_54 : vector<16xf32>
      %get3A_1322 = arith.constant 106 : i32
      %get3A_1323 = arith.index_cast %get3A_1322 : i32 to index
      %get3A_1324 = arith.constant 0 : index
      %get3A_1325 = tpu.vector_load %arg9[%get3A_1323, %get3A_1324] {strides = array<i32>} : memref<128x32xf32, #tpu.memory_space<vmem>>, vector<16xf32>,
      %add3A_1326 = arith.addf %get3A_1325, %get3A_51 : vector<16xf32>
      %get3A_1327 = arith.constant 106 : i32
      %get3A_1328 = arith.index_cast %get3A_1327 : i32 to index
      %get3A_1329 = arith.constant 16 : index
      %get3A_1330 = tpu.vector_load %arg9[%get3A_1328, %get3A_1329] {strides = array<i32>} : memref<128x32xf32, #tpu.memory_space<vmem>>, vector<16xf32>,
      %add3A_1331 = arith.addf %get3A_1330, %get3A_54 : vector<16xf32>
      %get3A_1332 = arith.constant 107 : i32
      %get3A_1333 = arith.index_cast %get3A_1332 : i32 to index
      %get3A_1334 = arith.constant 0 : index
      %get3A_1335 = tpu.vector_load %arg9[%get3A_1333, %get3A_1334] {strides = array<i32>} : memref<128x32xf32, #tpu.memory_space<vmem>>, vector<16xf32>,
      %add3A_1336 = arith.addf %get3A_1335, %get3A_51 : vector<16xf32>
      %get3A_1337 = arith.constant 107 : i32
      %get3A_1338 = arith.index_cast %get3A_1337 : i32 to index
      %get3A_1339 = arith.constant 16 : index
      %get3A_1340 = tpu.vector_load %arg9[%get3A_1338, %get3A_1339] {strides = array<i32>} : memref<128x32xf32, #tpu.memory_space<vmem>>, vector<16xf32>,
      %add3A_1341 = arith.addf %get3A_1340, %get3A_54 : vector<16xf32>
      %get3A_1342 = arith.constant 108 : i32
      %get3A_1343 = arith.index_cast %get3A_1342 : i32 to index
      %get3A_1344 = arith.constant 0 : index
      %get3A_1345 = tpu.vector_load %arg9[%get3A_1343, %get3A_1344] {strides = array<i32>} : memref<128x32xf32, #tpu.memory_space<vmem>>, vector<16xf32>,
      %add3A_1346 = arith.addf %get3A_1345, %get3A_51 : vector<16xf32>
      %get3A_1347 = arith.constant 108 : i32
      %get3A_1348 = arith.index_cast %get3A_1347 : i32 to index
      %get3A_1349 = arith.constant 16 : index
      %get3A_1350 = tpu.vector_load %arg9[%get3A_1348, %get3A_1349] {strides = array<i32>} : memref<128x32xf32, #tpu.memory_space<vmem>>, vector<16xf32>,
      %add3A_1351 = arith.addf %get3A_1350, %get3A_54 : vector<16xf32>
      %get3A_1352 = arith.constant 109 : i32
      %get3A_1353 = arith.index_cast %get3A_1352 : i32 to index
      %get3A_1354 = arith.constant 0 : index
      %get3A_1355 = tpu.vector_load %arg9[%get3A_1353, %get3A_1354] {strides = array<i32>} : memref<128x32xf32, #tpu.memory_space<vmem>>, vector<16xf32>,
      %add3A_1356 = arith.addf %get3A_1355, %get3A_51 : vector<16xf32>
      %get3A_1357 = arith.constant 109 : i32
      %get3A_1358 = arith.index_cast %get3A_1357 : i32 to index
      %get3A_1359 = arith.constant 16 : index
      %get3A_1360 = tpu.vector_load %arg9[%get3A_1358, %get3A_1359] {strides = array<i32>} : memref<128x32xf32, #tpu.memory_space<vmem>>, vector<16xf32>,
      %add3A_1361 = arith.addf %get3A_1360, %get3A_54 : vector<16xf32>
      %get3A_1362 = arith.constant 110 : i32
      %get3A_1363 = arith.index_cast %get3A_1362 : i32 to index
      %get3A_1364 = arith.constant 0 : index
      %get3A_1365 = tpu.vector_load %arg9[%get3A_1363, %get3A_1364] {strides = array<i32>} : memref<128x32xf32, #tpu.memory_space<vmem>>, vector<16xf32>,
      %add3A_1366 = arith.addf %get3A_1365, %get3A_51 : vector<16xf32>
      %get3A_1367 = arith.constant 110 : i32
      %get3A_1368 = arith.index_cast %get3A_1367 : i32 to index
      %get3A_1369 = arith.constant 16 : index
      %get3A_1370 = tpu.vector_load %arg9[%get3A_1368, %get3A_1369] {strides = array<i32>} : memref<128x32xf32, #tpu.memory_space<vmem>>, vector<16xf32>,
      %add3A_1371 = arith.addf %get3A_1370, %get3A_54 : vector<16xf32>
      %get3A_1372 = arith.constant 111 : i32
      %get3A_1373 = arith.index_cast %get3A_1372 : i32 to index
      %get3A_1374 = arith.constant 0 : index
      %get3A_1375 = tpu.vector_load %arg9[%get3A_1373, %get3A_1374] {strides = array<i32>} : memref<128x32xf32, #tpu.memory_space<vmem>>, vector<16xf32>,
      %add3A_1376 = arith.addf %get3A_1375, %get3A_51 : vector<16xf32>
      %get3A_1377 = arith.constant 111 : i32
      %get3A_1378 = arith.index_cast %get3A_1377 : i32 to index
      %get3A_1379 = arith.constant 16 : index
      %get3A_1380 = tpu.vector_load %arg9[%get3A_1378, %get3A_1379] {strides = array<i32>} : memref<128x32xf32, #tpu.memory_space<vmem>>, vector<16xf32>,
      %add3A_1381 = arith.addf %get3A_1380, %get3A_54 : vector<16xf32>
      %broadcast_in_dim3A_1382 = arith.constant 104 : i32
      %broadcast_in_dim3A_1383 = vector.broadcast %broadcast_in_dim3A_1382 : i32 to vector<16xi32>
      tpu.vector_store_idx %arg11[%shift_right_arithmetic3A_4, %and3A_9, %broadcast_in_dim3A_1383], %add3A_1306 : memref<4x8x128xf32, #tpu.memory_space<vmem>>[vector<16xi32>, vector<16xi32>, vector<16xi32>], vector<16xf32>,
      tpu.vector_store_idx %arg11[%add3A_7, %and3A_9, %broadcast_in_dim3A_1383], %add3A_1311 : memref<4x8x128xf32, #tpu.memory_space<vmem>>[vector<16xi32>, vector<16xi32>, vector<16xi32>], vector<16xf32>,
      %broadcast_in_dim3A_1384 = arith.constant 105 : i32
      %broadcast_in_dim3A_1385 = vector.broadcast %broadcast_in_dim3A_1384 : i32 to vector<16xi32>
      tpu.vector_store_idx %arg11[%shift_right_arithmetic3A_4, %and3A_9, %broadcast_in_dim3A_1385], %add3A_1316 : memref<4x8x128xf32, #tpu.memory_space<vmem>>[vector<16xi32>, vector<16xi32>, vector<16xi32>], vector<16xf32>,
      tpu.vector_store_idx %arg11[%add3A_7, %and3A_9, %broadcast_in_dim3A_1385], %add3A_1321 : memref<4x8x128xf32, #tpu.memory_space<vmem>>[vector<16xi32>, vector<16xi32>, vector<16xi32>], vector<16xf32>,
      %broadcast_in_dim3A_1386 = arith.constant 106 : i32
      %broadcast_in_dim3A_1387 = vector.broadcast %broadcast_in_dim3A_1386 : i32 to vector<16xi32>
      tpu.vector_store_idx %arg11[%shift_right_arithmetic3A_4, %and3A_9, %broadcast_in_dim3A_1387], %add3A_1326 : memref<4x8x128xf32, #tpu.memory_space<vmem>>[vector<16xi32>, vector<16xi32>, vector<16xi32>], vector<16xf32>,
      tpu.vector_store_idx %arg11[%add3A_7, %and3A_9, %broadcast_in_dim3A_1387], %add3A_1331 : memref<4x8x128xf32, #tpu.memory_space<vmem>>[vector<16xi32>, vector<16xi32>, vector<16xi32>], vector<16xf32>,
      %broadcast_in_dim3A_1388 = arith.constant 107 : i32
      %broadcast_in_dim3A_1389 = vector.broadcast %broadcast_in_dim3A_1388 : i32 to vector<16xi32>
      tpu.vector_store_idx %arg11[%shift_right_arithmetic3A_4, %and3A_9, %broadcast_in_dim3A_1389], %add3A_1336 : memref<4x8x128xf32, #tpu.memory_space<vmem>>[vector<16xi32>, vector<16xi32>, vector<16xi32>], vector<16xf32>,
      tpu.vector_store_idx %arg11[%add3A_7, %and3A_9, %broadcast_in_dim3A_1389], %add3A_1341 : memref<4x8x128xf32, #tpu.memory_space<vmem>>[vector<16xi32>, vector<16xi32>, vector<16xi32>], vector<16xf32>,
      %broadcast_in_dim3A_1390 = arith.constant 108 : i32
      %broadcast_in_dim3A_1391 = vector.broadcast %broadcast_in_dim3A_1390 : i32 to vector<16xi32>
      tpu.vector_store_idx %arg11[%shift_right_arithmetic3A_4, %and3A_9, %broadcast_in_dim3A_1391], %add3A_1346 : memref<4x8x128xf32, #tpu.memory_space<vmem>>[vector<16xi32>, vector<16xi32>, vector<16xi32>], vector<16xf32>,
      tpu.vector_store_idx %arg11[%add3A_7, %and3A_9, %broadcast_in_dim3A_1391], %add3A_1351 : memref<4x8x128xf32, #tpu.memory_space<vmem>>[vector<16xi32>, vector<16xi32>, vector<16xi32>], vector<16xf32>,
      %broadcast_in_dim3A_1392 = arith.constant 109 : i32
      %broadcast_in_dim3A_1393 = vector.broadcast %broadcast_in_dim3A_1392 : i32 to vector<16xi32>
      tpu.vector_store_idx %arg11[%shift_right_arithmetic3A_4, %and3A_9, %broadcast_in_dim3A_1393], %add3A_1356 : memref<4x8x128xf32, #tpu.memory_space<vmem>>[vector<16xi32>, vector<16xi32>, vector<16xi32>], vector<16xf32>,
      tpu.vector_store_idx %arg11[%add3A_7, %and3A_9, %broadcast_in_dim3A_1393], %add3A_1361 : memref<4x8x128xf32, #tpu.memory_space<vmem>>[vector<16xi32>, vector<16xi32>, vector<16xi32>], vector<16xf32>,
      %broadcast_in_dim3A_1394 = arith.constant 110 : i32
      %broadcast_in_dim3A_1395 = vector.broadcast %broadcast_in_dim3A_1394 : i32 to vector<16xi32>
      tpu.vector_store_idx %arg11[%shift_right_arithmetic3A_4, %and3A_9, %broadcast_in_dim3A_1395], %add3A_1366 : memref<4x8x128xf32, #tpu.memory_space<vmem>>[vector<16xi32>, vector<16xi32>, vector<16xi32>], vector<16xf32>,
      tpu.vector_store_idx %arg11[%add3A_7, %and3A_9, %broadcast_in_dim3A_1395], %add3A_1371 : memref<4x8x128xf32, #tpu.memory_space<vmem>>[vector<16xi32>, vector<16xi32>, vector<16xi32>], vector<16xf32>,
      %broadcast_in_dim3A_1396 = arith.constant 111 : i32
      %broadcast_in_dim3A_1397 = vector.broadcast %broadcast_in_dim3A_1396 : i32 to vector<16xi32>
      tpu.vector_store_idx %arg11[%shift_right_arithmetic3A_4, %and3A_9, %broadcast_in_dim3A_1397], %add3A_1376 : memref<4x8x128xf32, #tpu.memory_space<vmem>>[vector<16xi32>, vector<16xi32>, vector<16xi32>], vector<16xf32>,
      tpu.vector_store_idx %arg11[%add3A_7, %and3A_9, %broadcast_in_dim3A_1397], %add3A_1381 : memref<4x8x128xf32, #tpu.memory_space<vmem>>[vector<16xi32>, vector<16xi32>, vector<16xi32>], vector<16xf32>,
      %get3A_1398 = arith.constant 112 : i32
      %get3A_1399 = arith.index_cast %get3A_1398 : i32 to index
      %get3A_1400 = arith.constant 0 : index
      %get3A_1401 = tpu.vector_load %arg9[%get3A_1399, %get3A_1400] {strides = array<i32>} : memref<128x32xf32, #tpu.memory_space<vmem>>, vector<16xf32>,
      %add3A_1402 = arith.addf %get3A_1401, %get3A_51 : vector<16xf32>
      %get3A_1403 = arith.constant 112 : i32
      %get3A_1404 = arith.index_cast %get3A_1403 : i32 to index
      %get3A_1405 = arith.constant 16 : index
      %get3A_1406 = tpu.vector_load %arg9[%get3A_1404, %get3A_1405] {strides = array<i32>} : memref<128x32xf32, #tpu.memory_space<vmem>>, vector<16xf32>,
      %add3A_1407 = arith.addf %get3A_1406, %get3A_54 : vector<16xf32>
      %get3A_1408 = arith.constant 113 : i32
      %get3A_1409 = arith.index_cast %get3A_1408 : i32 to index
      %get3A_1410 = arith.constant 0 : index
      %get3A_1411 = tpu.vector_load %arg9[%get3A_1409, %get3A_1410] {strides = array<i32>} : memref<128x32xf32, #tpu.memory_space<vmem>>, vector<16xf32>,
      %add3A_1412 = arith.addf %get3A_1411, %get3A_51 : vector<16xf32>
      %get3A_1413 = arith.constant 113 : i32
      %get3A_1414 = arith.index_cast %get3A_1413 : i32 to index
      %get3A_1415 = arith.constant 16 : index
      %get3A_1416 = tpu.vector_load %arg9[%get3A_1414, %get3A_1415] {strides = array<i32>} : memref<128x32xf32, #tpu.memory_space<vmem>>, vector<16xf32>,
      %add3A_1417 = arith.addf %get3A_1416, %get3A_54 : vector<16xf32>
      %get3A_1418 = arith.constant 114 : i32
      %get3A_1419 = arith.index_cast %get3A_1418 : i32 to index
      %get3A_1420 = arith.constant 0 : index
      %get3A_1421 = tpu.vector_load %arg9[%get3A_1419, %get3A_1420] {strides = array<i32>} : memref<128x32xf32, #tpu.memory_space<vmem>>, vector<16xf32>,
      %add3A_1422 = arith.addf %get3A_1421, %get3A_51 : vector<16xf32>
      %get3A_1423 = arith.constant 114 : i32
      %get3A_1424 = arith.index_cast %get3A_1423 : i32 to index
      %get3A_1425 = arith.constant 16 : index
      %get3A_1426 = tpu.vector_load %arg9[%get3A_1424, %get3A_1425] {strides = array<i32>} : memref<128x32xf32, #tpu.memory_space<vmem>>, vector<16xf32>,
      %add3A_1427 = arith.addf %get3A_1426, %get3A_54 : vector<16xf32>
      %get3A_1428 = arith.constant 115 : i32
      %get3A_1429 = arith.index_cast %get3A_1428 : i32 to index
      %get3A_1430 = arith.constant 0 : index
      %get3A_1431 = tpu.vector_load %arg9[%get3A_1429, %get3A_1430] {strides = array<i32>} : memref<128x32xf32, #tpu.memory_space<vmem>>, vector<16xf32>,
      %add3A_1432 = arith.addf %get3A_1431, %get3A_51 : vector<16xf32>
      %get3A_1433 = arith.constant 115 : i32
      %get3A_1434 = arith.index_cast %get3A_1433 : i32 to index
      %get3A_1435 = arith.constant 16 : index
      %get3A_1436 = tpu.vector_load %arg9[%get3A_1434, %get3A_1435] {strides = array<i32>} : memref<128x32xf32, #tpu.memory_space<vmem>>, vector<16xf32>,
      %add3A_1437 = arith.addf %get3A_1436, %get3A_54 : vector<16xf32>
      %get3A_1438 = arith.constant 116 : i32
      %get3A_1439 = arith.index_cast %get3A_1438 : i32 to index
      %get3A_1440 = arith.constant 0 : index
      %get3A_1441 = tpu.vector_load %arg9[%get3A_1439, %get3A_1440] {strides = array<i32>} : memref<128x32xf32, #tpu.memory_space<vmem>>, vector<16xf32>,
      %add3A_1442 = arith.addf %get3A_1441, %get3A_51 : vector<16xf32>
      %get3A_1443 = arith.constant 116 : i32
      %get3A_1444 = arith.index_cast %get3A_1443 : i32 to index
      %get3A_1445 = arith.constant 16 : index
      %get3A_1446 = tpu.vector_load %arg9[%get3A_1444, %get3A_1445] {strides = array<i32>} : memref<128x32xf32, #tpu.memory_space<vmem>>, vector<16xf32>,
      %add3A_1447 = arith.addf %get3A_1446, %get3A_54 : vector<16xf32>
      %get3A_1448 = arith.constant 117 : i32
      %get3A_1449 = arith.index_cast %get3A_1448 : i32 to index
      %get3A_1450 = arith.constant 0 : index
      %get3A_1451 = tpu.vector_load %arg9[%get3A_1449, %get3A_1450] {strides = array<i32>} : memref<128x32xf32, #tpu.memory_space<vmem>>, vector<16xf32>,
      %add3A_1452 = arith.addf %get3A_1451, %get3A_51 : vector<16xf32>
      %get3A_1453 = arith.constant 117 : i32
      %get3A_1454 = arith.index_cast %get3A_1453 : i32 to index
      %get3A_1455 = arith.constant 16 : index
      %get3A_1456 = tpu.vector_load %arg9[%get3A_1454, %get3A_1455] {strides = array<i32>} : memref<128x32xf32, #tpu.memory_space<vmem>>, vector<16xf32>,
      %add3A_1457 = arith.addf %get3A_1456, %get3A_54 : vector<16xf32>
      %get3A_1458 = arith.constant 118 : i32
      %get3A_1459 = arith.index_cast %get3A_1458 : i32 to index
      %get3A_1460 = arith.constant 0 : index
      %get3A_1461 = tpu.vector_load %arg9[%get3A_1459, %get3A_1460] {strides = array<i32>} : memref<128x32xf32, #tpu.memory_space<vmem>>, vector<16xf32>,
      %add3A_1462 = arith.addf %get3A_1461, %get3A_51 : vector<16xf32>
      %get3A_1463 = arith.constant 118 : i32
      %get3A_1464 = arith.index_cast %get3A_1463 : i32 to index
      %get3A_1465 = arith.constant 16 : index
      %get3A_1466 = tpu.vector_load %arg9[%get3A_1464, %get3A_1465] {strides = array<i32>} : memref<128x32xf32, #tpu.memory_space<vmem>>, vector<16xf32>,
      %add3A_1467 = arith.addf %get3A_1466, %get3A_54 : vector<16xf32>
      %get3A_1468 = arith.constant 119 : i32
      %get3A_1469 = arith.index_cast %get3A_1468 : i32 to index
      %get3A_1470 = arith.constant 0 : index
      %get3A_1471 = tpu.vector_load %arg9[%get3A_1469, %get3A_1470] {strides = array<i32>} : memref<128x32xf32, #tpu.memory_space<vmem>>, vector<16xf32>,
      %add3A_1472 = arith.addf %get3A_1471, %get3A_51 : vector<16xf32>
      %get3A_1473 = arith.constant 119 : i32
      %get3A_1474 = arith.index_cast %get3A_1473 : i32 to index
      %get3A_1475 = arith.constant 16 : index
      %get3A_1476 = tpu.vector_load %arg9[%get3A_1474, %get3A_1475] {strides = array<i32>} : memref<128x32xf32, #tpu.memory_space<vmem>>, vector<16xf32>,
      %add3A_1477 = arith.addf %get3A_1476, %get3A_54 : vector<16xf32>
      %broadcast_in_dim3A_1478 = arith.constant 112 : i32
      %broadcast_in_dim3A_1479 = vector.broadcast %broadcast_in_dim3A_1478 : i32 to vector<16xi32>
      tpu.vector_store_idx %arg11[%shift_right_arithmetic3A_4, %and3A_9, %broadcast_in_dim3A_1479], %add3A_1402 : memref<4x8x128xf32, #tpu.memory_space<vmem>>[vector<16xi32>, vector<16xi32>, vector<16xi32>], vector<16xf32>,
      tpu.vector_store_idx %arg11[%add3A_7, %and3A_9, %broadcast_in_dim3A_1479], %add3A_1407 : memref<4x8x128xf32, #tpu.memory_space<vmem>>[vector<16xi32>, vector<16xi32>, vector<16xi32>], vector<16xf32>,
      %broadcast_in_dim3A_1480 = arith.constant 113 : i32
      %broadcast_in_dim3A_1481 = vector.broadcast %broadcast_in_dim3A_1480 : i32 to vector<16xi32>
      tpu.vector_store_idx %arg11[%shift_right_arithmetic3A_4, %and3A_9, %broadcast_in_dim3A_1481], %add3A_1412 : memref<4x8x128xf32, #tpu.memory_space<vmem>>[vector<16xi32>, vector<16xi32>, vector<16xi32>], vector<16xf32>,
      tpu.vector_store_idx %arg11[%add3A_7, %and3A_9, %broadcast_in_dim3A_1481], %add3A_1417 : memref<4x8x128xf32, #tpu.memory_space<vmem>>[vector<16xi32>, vector<16xi32>, vector<16xi32>], vector<16xf32>,
      %broadcast_in_dim3A_1482 = arith.constant 114 : i32
      %broadcast_in_dim3A_1483 = vector.broadcast %broadcast_in_dim3A_1482 : i32 to vector<16xi32>
      tpu.vector_store_idx %arg11[%shift_right_arithmetic3A_4, %and3A_9, %broadcast_in_dim3A_1483], %add3A_1422 : memref<4x8x128xf32, #tpu.memory_space<vmem>>[vector<16xi32>, vector<16xi32>, vector<16xi32>], vector<16xf32>,
      tpu.vector_store_idx %arg11[%add3A_7, %and3A_9, %broadcast_in_dim3A_1483], %add3A_1427 : memref<4x8x128xf32, #tpu.memory_space<vmem>>[vector<16xi32>, vector<16xi32>, vector<16xi32>], vector<16xf32>,
      %broadcast_in_dim3A_1484 = arith.constant 115 : i32
      %broadcast_in_dim3A_1485 = vector.broadcast %broadcast_in_dim3A_1484 : i32 to vector<16xi32>
      tpu.vector_store_idx %arg11[%shift_right_arithmetic3A_4, %and3A_9, %broadcast_in_dim3A_1485], %add3A_1432 : memref<4x8x128xf32, #tpu.memory_space<vmem>>[vector<16xi32>, vector<16xi32>, vector<16xi32>], vector<16xf32>,
      tpu.vector_store_idx %arg11[%add3A_7, %and3A_9, %broadcast_in_dim3A_1485], %add3A_1437 : memref<4x8x128xf32, #tpu.memory_space<vmem>>[vector<16xi32>, vector<16xi32>, vector<16xi32>], vector<16xf32>,
      %broadcast_in_dim3A_1486 = arith.constant 116 : i32
      %broadcast_in_dim3A_1487 = vector.broadcast %broadcast_in_dim3A_1486 : i32 to vector<16xi32>
      tpu.vector_store_idx %arg11[%shift_right_arithmetic3A_4, %and3A_9, %broadcast_in_dim3A_1487], %add3A_1442 : memref<4x8x128xf32, #tpu.memory_space<vmem>>[vector<16xi32>, vector<16xi32>, vector<16xi32>], vector<16xf32>,
      tpu.vector_store_idx %arg11[%add3A_7, %and3A_9, %broadcast_in_dim3A_1487], %add3A_1447 : memref<4x8x128xf32, #tpu.memory_space<vmem>>[vector<16xi32>, vector<16xi32>, vector<16xi32>], vector<16xf32>,
      %broadcast_in_dim3A_1488 = arith.constant 117 : i32
      %broadcast_in_dim3A_1489 = vector.broadcast %broadcast_in_dim3A_1488 : i32 to vector<16xi32>
      tpu.vector_store_idx %arg11[%shift_right_arithmetic3A_4, %and3A_9, %broadcast_in_dim3A_1489], %add3A_1452 : memref<4x8x128xf32, #tpu.memory_space<vmem>>[vector<16xi32>, vector<16xi32>, vector<16xi32>], vector<16xf32>,
      tpu.vector_store_idx %arg11[%add3A_7, %and3A_9, %broadcast_in_dim3A_1489], %add3A_1457 : memref<4x8x128xf32, #tpu.memory_space<vmem>>[vector<16xi32>, vector<16xi32>, vector<16xi32>], vector<16xf32>,
      %broadcast_in_dim3A_1490 = arith.constant 118 : i32
      %broadcast_in_dim3A_1491 = vector.broadcast %broadcast_in_dim3A_1490 : i32 to vector<16xi32>
      tpu.vector_store_idx %arg11[%shift_right_arithmetic3A_4, %and3A_9, %broadcast_in_dim3A_1491], %add3A_1462 : memref<4x8x128xf32, #tpu.memory_space<vmem>>[vector<16xi32>, vector<16xi32>, vector<16xi32>], vector<16xf32>,
      tpu.vector_store_idx %arg11[%add3A_7, %and3A_9, %broadcast_in_dim3A_1491], %add3A_1467 : memref<4x8x128xf32, #tpu.memory_space<vmem>>[vector<16xi32>, vector<16xi32>, vector<16xi32>], vector<16xf32>,
      %broadcast_in_dim3A_1492 = arith.constant 119 : i32
      %broadcast_in_dim3A_1493 = vector.broadcast %broadcast_in_dim3A_1492 : i32 to vector<16xi32>
      tpu.vector_store_idx %arg11[%shift_right_arithmetic3A_4, %and3A_9, %broadcast_in_dim3A_1493], %add3A_1472 : memref<4x8x128xf32, #tpu.memory_space<vmem>>[vector<16xi32>, vector<16xi32>, vector<16xi32>], vector<16xf32>,
      tpu.vector_store_idx %arg11[%add3A_7, %and3A_9, %broadcast_in_dim3A_1493], %add3A_1477 : memref<4x8x128xf32, #tpu.memory_space<vmem>>[vector<16xi32>, vector<16xi32>, vector<16xi32>], vector<16xf32>,
      %get3A_1494 = arith.constant 120 : i32
      %get3A_1495 = arith.index_cast %get3A_1494 : i32 to index
      %get3A_1496 = arith.constant 0 : index
      %get3A_1497 = tpu.vector_load %arg9[%get3A_1495, %get3A_1496] {strides = array<i32>} : memref<128x32xf32, #tpu.memory_space<vmem>>, vector<16xf32>,
      %add3A_1498 = arith.addf %get3A_1497, %get3A_51 : vector<16xf32>
      %get3A_1499 = arith.constant 120 : i32
      %get3A_1500 = arith.index_cast %get3A_1499 : i32 to index
      %get3A_1501 = arith.constant 16 : index
      %get3A_1502 = tpu.vector_load %arg9[%get3A_1500, %get3A_1501] {strides = array<i32>} : memref<128x32xf32, #tpu.memory_space<vmem>>, vector<16xf32>,
      %add3A_1503 = arith.addf %get3A_1502, %get3A_54 : vector<16xf32>
      %get3A_1504 = arith.constant 121 : i32
      %get3A_1505 = arith.index_cast %get3A_1504 : i32 to index
      %get3A_1506 = arith.constant 0 : index
      %get3A_1507 = tpu.vector_load %arg9[%get3A_1505, %get3A_1506] {strides = array<i32>} : memref<128x32xf32, #tpu.memory_space<vmem>>, vector<16xf32>,
      %add3A_1508 = arith.addf %get3A_1507, %get3A_51 : vector<16xf32>
      %get3A_1509 = arith.constant 121 : i32
      %get3A_1510 = arith.index_cast %get3A_1509 : i32 to index
      %get3A_1511 = arith.constant 16 : index
      %get3A_1512 = tpu.vector_load %arg9[%get3A_1510, %get3A_1511] {strides = array<i32>} : memref<128x32xf32, #tpu.memory_space<vmem>>, vector<16xf32>,
      %add3A_1513 = arith.addf %get3A_1512, %get3A_54 : vector<16xf32>
      %get3A_1514 = arith.constant 122 : i32
      %get3A_1515 = arith.index_cast %get3A_1514 : i32 to index
      %get3A_1516 = arith.constant 0 : index
      %get3A_1517 = tpu.vector_load %arg9[%get3A_1515, %get3A_1516] {strides = array<i32>} : memref<128x32xf32, #tpu.memory_space<vmem>>, vector<16xf32>,
      %add3A_1518 = arith.addf %get3A_1517, %get3A_51 : vector<16xf32>
      %get3A_1519 = arith.constant 122 : i32
      %get3A_1520 = arith.index_cast %get3A_1519 : i32 to index
      %get3A_1521 = arith.constant 16 : index
      %get3A_1522 = tpu.vector_load %arg9[%get3A_1520, %get3A_1521] {strides = array<i32>} : memref<128x32xf32, #tpu.memory_space<vmem>>, vector<16xf32>,
      %add3A_1523 = arith.addf %get3A_1522, %get3A_54 : vector<16xf32>
      %get3A_1524 = arith.constant 123 : i32
      %get3A_1525 = arith.index_cast %get3A_1524 : i32 to index
      %get3A_1526 = arith.constant 0 : index
      %get3A_1527 = tpu.vector_load %arg9[%get3A_1525, %get3A_1526] {strides = array<i32>} : memref<128x32xf32, #tpu.memory_space<vmem>>, vector<16xf32>,
      %add3A_1528 = arith.addf %get3A_1527, %get3A_51 : vector<16xf32>
      %get3A_1529 = arith.constant 123 : i32
      %get3A_1530 = arith.index_cast %get3A_1529 : i32 to index
      %get3A_1531 = arith.constant 16 : index
      %get3A_1532 = tpu.vector_load %arg9[%get3A_1530, %get3A_1531] {strides = array<i32>} : memref<128x32xf32, #tpu.memory_space<vmem>>, vector<16xf32>,
      %add3A_1533 = arith.addf %get3A_1532, %get3A_54 : vector<16xf32>
      %get3A_1534 = arith.constant 124 : i32
      %get3A_1535 = arith.index_cast %get3A_1534 : i32 to index
      %get3A_1536 = arith.constant 0 : index
      %get3A_1537 = tpu.vector_load %arg9[%get3A_1535, %get3A_1536] {strides = array<i32>} : memref<128x32xf32, #tpu.memory_space<vmem>>, vector<16xf32>,
      %add3A_1538 = arith.addf %get3A_1537, %get3A_51 : vector<16xf32>
      %get3A_1539 = arith.constant 124 : i32
      %get3A_1540 = arith.index_cast %get3A_1539 : i32 to index
      %get3A_1541 = arith.constant 16 : index
      %get3A_1542 = tpu.vector_load %arg9[%get3A_1540, %get3A_1541] {strides = array<i32>} : memref<128x32xf32, #tpu.memory_space<vmem>>, vector<16xf32>,
      %add3A_1543 = arith.addf %get3A_1542, %get3A_54 : vector<16xf32>
      %get3A_1544 = arith.constant 125 : i32
      %get3A_1545 = arith.index_cast %get3A_1544 : i32 to index
      %get3A_1546 = arith.constant 0 : index
      %get3A_1547 = tpu.vector_load %arg9[%get3A_1545, %get3A_1546] {strides = array<i32>} : memref<128x32xf32, #tpu.memory_space<vmem>>, vector<16xf32>,
      %add3A_1548 = arith.addf %get3A_1547, %get3A_51 : vector<16xf32>
      %get3A_1549 = arith.constant 125 : i32
      %get3A_1550 = arith.index_cast %get3A_1549 : i32 to index
      %get3A_1551 = arith.constant 16 : index
      %get3A_1552 = tpu.vector_load %arg9[%get3A_1550, %get3A_1551] {strides = array<i32>} : memref<128x32xf32, #tpu.memory_space<vmem>>, vector<16xf32>,
      %add3A_1553 = arith.addf %get3A_1552, %get3A_54 : vector<16xf32>
      %get3A_1554 = arith.constant 126 : i32
      %get3A_1555 = arith.index_cast %get3A_1554 : i32 to index
      %get3A_1556 = arith.constant 0 : index
      %get3A_1557 = tpu.vector_load %arg9[%get3A_1555, %get3A_1556] {strides = array<i32>} : memref<128x32xf32, #tpu.memory_space<vmem>>, vector<16xf32>,
      %add3A_1558 = arith.addf %get3A_1557, %get3A_51 : vector<16xf32>
      %get3A_1559 = arith.constant 126 : i32
      %get3A_1560 = arith.index_cast %get3A_1559 : i32 to index
      %get3A_1561 = arith.constant 16 : index
      %get3A_1562 = tpu.vector_load %arg9[%get3A_1560, %get3A_1561] {strides = array<i32>} : memref<128x32xf32, #tpu.memory_space<vmem>>, vector<16xf32>,
      %add3A_1563 = arith.addf %get3A_1562, %get3A_54 : vector<16xf32>
      %get3A_1564 = arith.constant 127 : i32
      %get3A_1565 = arith.index_cast %get3A_1564 : i32 to index
      %get3A_1566 = arith.constant 0 : index
      %get3A_1567 = tpu.vector_load %arg9[%get3A_1565, %get3A_1566] {strides = array<i32>} : memref<128x32xf32, #tpu.memory_space<vmem>>, vector<16xf32>,
      %add3A_1568 = arith.addf %get3A_1567, %get3A_51 : vector<16xf32>
      %get3A_1569 = arith.constant 127 : i32
      %get3A_1570 = arith.index_cast %get3A_1569 : i32 to index
      %get3A_1571 = arith.constant 16 : index
      %get3A_1572 = tpu.vector_load %arg9[%get3A_1570, %get3A_1571] {strides = array<i32>} : memref<128x32xf32, #tpu.memory_space<vmem>>, vector<16xf32>,
      %add3A_1573 = arith.addf %get3A_1572, %get3A_54 : vector<16xf32>
      %broadcast_in_dim3A_1574 = arith.constant 120 : i32
      %broadcast_in_dim3A_1575 = vector.broadcast %broadcast_in_dim3A_1574 : i32 to vector<16xi32>
      tpu.vector_store_idx %arg11[%shift_right_arithmetic3A_4, %and3A_9, %broadcast_in_dim3A_1575], %add3A_1498 : memref<4x8x128xf32, #tpu.memory_space<vmem>>[vector<16xi32>, vector<16xi32>, vector<16xi32>], vector<16xf32>,
      tpu.vector_store_idx %arg11[%add3A_7, %and3A_9, %broadcast_in_dim3A_1575], %add3A_1503 : memref<4x8x128xf32, #tpu.memory_space<vmem>>[vector<16xi32>, vector<16xi32>, vector<16xi32>], vector<16xf32>,
      %broadcast_in_dim3A_1576 = arith.constant 121 : i32
      %broadcast_in_dim3A_1577 = vector.broadcast %broadcast_in_dim3A_1576 : i32 to vector<16xi32>
      tpu.vector_store_idx %arg11[%shift_right_arithmetic3A_4, %and3A_9, %broadcast_in_dim3A_1577], %add3A_1508 : memref<4x8x128xf32, #tpu.memory_space<vmem>>[vector<16xi32>, vector<16xi32>, vector<16xi32>], vector<16xf32>,
      tpu.vector_store_idx %arg11[%add3A_7, %and3A_9, %broadcast_in_dim3A_1577], %add3A_1513 : memref<4x8x128xf32, #tpu.memory_space<vmem>>[vector<16xi32>, vector<16xi32>, vector<16xi32>], vector<16xf32>,
      %broadcast_in_dim3A_1578 = arith.constant 122 : i32
      %broadcast_in_dim3A_1579 = vector.broadcast %broadcast_in_dim3A_1578 : i32 to vector<16xi32>
      tpu.vector_store_idx %arg11[%shift_right_arithmetic3A_4, %and3A_9, %broadcast_in_dim3A_1579], %add3A_1518 : memref<4x8x128xf32, #tpu.memory_space<vmem>>[vector<16xi32>, vector<16xi32>, vector<16xi32>], vector<16xf32>,
      tpu.vector_store_idx %arg11[%add3A_7, %and3A_9, %broadcast_in_dim3A_1579], %add3A_1523 : memref<4x8x128xf32, #tpu.memory_space<vmem>>[vector<16xi32>, vector<16xi32>, vector<16xi32>], vector<16xf32>,
      %broadcast_in_dim3A_1580 = arith.constant 123 : i32
      %broadcast_in_dim3A_1581 = vector.broadcast %broadcast_in_dim3A_1580 : i32 to vector<16xi32>
      tpu.vector_store_idx %arg11[%shift_right_arithmetic3A_4, %and3A_9, %broadcast_in_dim3A_1581], %add3A_1528 : memref<4x8x128xf32, #tpu.memory_space<vmem>>[vector<16xi32>, vector<16xi32>, vector<16xi32>], vector<16xf32>,
      tpu.vector_store_idx %arg11[%add3A_7, %and3A_9, %broadcast_in_dim3A_1581], %add3A_1533 : memref<4x8x128xf32, #tpu.memory_space<vmem>>[vector<16xi32>, vector<16xi32>, vector<16xi32>], vector<16xf32>,
      %broadcast_in_dim3A_1582 = arith.constant 124 : i32
      %broadcast_in_dim3A_1583 = vector.broadcast %broadcast_in_dim3A_1582 : i32 to vector<16xi32>
      tpu.vector_store_idx %arg11[%shift_right_arithmetic3A_4, %and3A_9, %broadcast_in_dim3A_1583], %add3A_1538 : memref<4x8x128xf32, #tpu.memory_space<vmem>>[vector<16xi32>, vector<16xi32>, vector<16xi32>], vector<16xf32>,
      tpu.vector_store_idx %arg11[%add3A_7, %and3A_9, %broadcast_in_dim3A_1583], %add3A_1543 : memref<4x8x128xf32, #tpu.memory_space<vmem>>[vector<16xi32>, vector<16xi32>, vector<16xi32>], vector<16xf32>,
      %broadcast_in_dim3A_1584 = arith.constant 125 : i32
      %broadcast_in_dim3A_1585 = vector.broadcast %broadcast_in_dim3A_1584 : i32 to vector<16xi32>
      tpu.vector_store_idx %arg11[%shift_right_arithmetic3A_4, %and3A_9, %broadcast_in_dim3A_1585], %add3A_1548 : memref<4x8x128xf32, #tpu.memory_space<vmem>>[vector<16xi32>, vector<16xi32>, vector<16xi32>], vector<16xf32>,
      tpu.vector_store_idx %arg11[%add3A_7, %and3A_9, %broadcast_in_dim3A_1585], %add3A_1553 : memref<4x8x128xf32, #tpu.memory_space<vmem>>[vector<16xi32>, vector<16xi32>, vector<16xi32>], vector<16xf32>,
      %broadcast_in_dim3A_1586 = arith.constant 126 : i32
      %broadcast_in_dim3A_1587 = vector.broadcast %broadcast_in_dim3A_1586 : i32 to vector<16xi32>
      tpu.vector_store_idx %arg11[%shift_right_arithmetic3A_4, %and3A_9, %broadcast_in_dim3A_1587], %add3A_1558 : memref<4x8x128xf32, #tpu.memory_space<vmem>>[vector<16xi32>, vector<16xi32>, vector<16xi32>], vector<16xf32>,
      tpu.vector_store_idx %arg11[%add3A_7, %and3A_9, %broadcast_in_dim3A_1587], %add3A_1563 : memref<4x8x128xf32, #tpu.memory_space<vmem>>[vector<16xi32>, vector<16xi32>, vector<16xi32>], vector<16xf32>,
      %broadcast_in_dim3A_1588 = arith.constant 127 : i32
      %broadcast_in_dim3A_1589 = vector.broadcast %broadcast_in_dim3A_1588 : i32 to vector<16xi32>
      tpu.vector_store_idx %arg11[%shift_right_arithmetic3A_4, %and3A_9, %broadcast_in_dim3A_1589], %add3A_1568 : memref<4x8x128xf32, #tpu.memory_space<vmem>>[vector<16xi32>, vector<16xi32>, vector<16xi32>], vector<16xf32>,
      tpu.vector_store_idx %arg11[%add3A_7, %and3A_9, %broadcast_in_dim3A_1589], %add3A_1573 : memref<4x8x128xf32, #tpu.memory_space<vmem>>[vector<16xi32>, vector<16xi32>, vector<16xi32>], vector<16xf32>,
      %dma_start3A_1590 = arith.constant 0 : i32
      %dma_start3A_1591 = arith.constant 0 : i32
      %dma_start3A_1592 = arith.constant 0 : i32
      %dma_start3A_1593 = tpu.memref_slice %arg5[%add3A_29, %dma_start3A_1590, %add3A, %dma_start3A_1591, %dma_start3A_1592] : memref<200x4x32x8x128xf32, #tpu.memory_space<hbm>> -> memref<1x4x1x8x128xf32, #tpu.memory_space<hbm>>
      %dma_start3A_1594 = tpu.memref_squeeze %dma_start3A_1593 : memref<1x4x1x8x128xf32, #tpu.memory_space<hbm>> -> memref<4x8x128xf32, #tpu.memory_space<hbm>>
      %dma_start3A_1595 = arith.constant 0 : i32
      %dma_start3A_1596 = arith.constant 0 : i32
      %dma_start3A_1597 = arith.constant 0 : i32
      %dma_start3A_1598 = tpu.memref_slice %arg5[%add3A_29, %dma_start3A_1595, %add3A, %dma_start3A_1596, %dma_start3A_1597] : memref<200x4x32x8x128xf32, #tpu.memory_space<hbm>> -> memref<1x4x1x8x128xf32, #tpu.memory_space<hbm>>
      %dma_start3A_1599 = tpu.memref_squeeze %dma_start3A_1598 : memref<1x4x1x8x128xf32, #tpu.memory_space<hbm>> -> memref<4x8x128xf32, #tpu.memory_space<hbm>>
      tpu.enqueue_dma source(%arg11 : memref<4x8x128xf32, #tpu.memory_space<vmem>>) target(%dma_start3A_1599 : memref<4x8x128xf32, #tpu.memory_space<hbm>>) target_semaphore(%arg18 : memref<!tpu.dma_semaphore, #tpu.memory_space<semaphore_mem>>)
      %mul3A_1600 = arith.constant 2 : i32
      %mul3A_1601 = arith.muli %mul3A_1600, %scan3A_25 : i32
      %add3A_1602 = arith.constant 1 : i32
      %add3A_1603 = arith.addi %mul3A_1601, %add3A_1602 : i32
      %add3A_1604 = arith.constant 1 : i32
      %add3A_1605 = arith.addi %add3A_1603, %add3A_1604 : i32
      %lt3A_1606 = arith.constant 200 : i32
      %lt3A_1607 = arith.cmpi slt, %add3A_1605, %lt3A_1606 : i32
      %convert_element_type3A_1608 = arith.extui %lt3A_1607 : i1 to i32
      %cond3A_1609 = arith.constant 0 : i32
      %cond3A_1610 = arith.cmpi ne, %convert_element_type3A_1608, %cond3A_1609 : i32
      scf.if %cond3A_1610 {
        %dma_wait3A_3181 = arith.constant 0 : i32
        %dma_wait3A_3182 = arith.constant 0 : i32
        %dma_wait3A_3183 = tpu.memref_slice %arg2[%dma_wait3A_3181, %dma_wait3A_3182] : memref<200x4096xi32, #tpu.memory_space<hbm>> -> memref<1x128xi32, #tpu.memory_space<hbm>>
        %dma_wait3A_3184 = arith.constant 0 : i32
        %dma_wait3A_3185 = arith.constant 0 : i32
        %dma_wait3A_3186 = tpu.memref_slice %arg2[%dma_wait3A_3184, %dma_wait3A_3185] : memref<200x4096xi32, #tpu.memory_space<hbm>> -> memref<1x128xi32, #tpu.memory_space<hbm>>
        tpu.wait_dma2 semaphore(%arg14 : memref<!tpu.dma_semaphore, #tpu.memory_space<semaphore_mem>>) src(%dma_wait3A_3186 : memref<1x128xi32, #tpu.memory_space<hbm>>) dst(%arg7 : memref<1x128xi32, #tpu.memory_space<vmem>>)
        %dma_start3A_3187 = arith.constant 0 : i32
        %dma_start3A_3188 = arith.constant 0 : i32
        %dma_start3A_3189 = tpu.memref_slice %arg7[%dma_start3A_3187, %dma_start3A_3188] : memref<1x128xi32, #tpu.memory_space<vmem>> -> memref<1x128xi32, #tpu.memory_space<vmem>>
        %dma_start3A_3190 = tpu.memref_squeeze %dma_start3A_3189 : memref<1x128xi32, #tpu.memory_space<vmem>> -> memref<128xi32, #tpu.memory_space<vmem>>
        %dma_start3A_3191 = arith.constant 0 : i32
        %dma_start3A_3192 = arith.constant 0 : i32
        %dma_start3A_3193 = tpu.memref_slice %arg3[%dma_start3A_3191, %dma_start3A_3192] : memref<1000000x32xf32, #tpu.memory_space<hbm>> -> memref<1000000x32xf32, #tpu.memory_space<hbm>>
        tpu.enqueue_indirect_dma source(%dma_start3A_3193 : memref<1000000x32xf32, #tpu.memory_space<hbm>>) target(%arg9 : memref<128x32xf32, #tpu.memory_space<vmem>>) offsets(%dma_start3A_3190 : memref<128xi32, #tpu.memory_space<vmem>>) semaphore(%arg16 : memref<!tpu.dma_semaphore, #tpu.memory_space<semaphore_mem>>)
      } else {
      }
      %add3A_1611 = arith.constant 2 : i32
      %add3A_1612 = arith.addi %add3A_1603, %add3A_1611 : i32
      %lt3A_1613 = arith.constant 200 : i32
      %lt3A_1614 = arith.cmpi slt, %add3A_1612, %lt3A_1613 : i32
      %convert_element_type3A_1615 = arith.extui %lt3A_1614 : i1 to i32
      %cond3A_1616 = arith.constant 0 : i32
      %cond3A_1617 = arith.cmpi ne, %convert_element_type3A_1615, %cond3A_1616 : i32
      scf.if %cond3A_1617 {
        %add3A_3181 = arith.constant 2 : i32
        %add3A_3182 = arith.addi %add3A_1603, %add3A_3181 : i32
        %dma_start3A_3183 = tpu.memref_slice %arg2[%add3A_3182, %mul3A_2] : memref<200x4096xi32, #tpu.memory_space<hbm>> -> memref<1x128xi32, #tpu.memory_space<hbm>>
        %dma_start3A_3184 = tpu.memref_slice %arg2[%add3A_3182, %mul3A_2] : memref<200x4096xi32, #tpu.memory_space<hbm>> -> memref<1x128xi32, #tpu.memory_space<hbm>>
        tpu.enqueue_dma source(%dma_start3A_3184 : memref<1x128xi32, #tpu.memory_space<hbm>>) target(%arg8 : memref<1x128xi32, #tpu.memory_space<vmem>>) target_semaphore(%arg15 : memref<!tpu.dma_semaphore, #tpu.memory_space<semaphore_mem>>)
      } else {
      }
      %ge3A_1618 = arith.constant 2 : i32
      %ge3A_1619 = arith.cmpi sge, %add3A_1603, %ge3A_1618 : i32
      %convert_element_type3A_1620 = arith.extui %ge3A_1619 : i1 to i32
      %cond3A_1621 = arith.constant 0 : i32
      %cond3A_1622 = arith.cmpi ne, %convert_element_type3A_1620, %cond3A_1621 : i32
      scf.if %cond3A_1622 {
        tpu.wait_dma2 semaphore(%arg19 : memref<!tpu.dma_semaphore, #tpu.memory_space<semaphore_mem>>) src(%arg6 : memref<4x8x128xf32, #tpu.memory_space<hbm>>) dst(%arg12 : memref<4x8x128xf32, #tpu.memory_space<vmem>>)
      } else {
      }
      %dma_wait3A_1623 = arith.constant 0 : i32
      %dma_wait3A_1624 = arith.constant 0 : i32
      %dma_wait3A_1625 = tpu.memref_slice %arg3[%dma_wait3A_1623, %dma_wait3A_1624] : memref<1000000x32xf32, #tpu.memory_space<hbm>> -> memref<128x32xf32, #tpu.memory_space<hbm>>
      %dma_wait3A_1626 = arith.constant 0 : i32
      %dma_wait3A_1627 = arith.constant 0 : i32
      %dma_wait3A_1628 = tpu.memref_slice %arg3[%dma_wait3A_1626, %dma_wait3A_1627] : memref<1000000x32xf32, #tpu.memory_space<hbm>> -> memref<128x32xf32, #tpu.memory_space<hbm>>
      tpu.wait_dma2 semaphore(%arg17 : memref<!tpu.dma_semaphore, #tpu.memory_space<semaphore_mem>>) src(%dma_wait3A_1628 : memref<128x32xf32, #tpu.memory_space<hbm>>) dst(%arg10 : memref<128x32xf32, #tpu.memory_space<vmem>>)
      %get3A_1629 = arith.index_cast %add3A_1603 : i32 to index
      %get3A_1630 = arith.constant 0 : index
      %get3A_1631 = tpu.vector_load %arg13[%get3A_1629, %get3A_1630] {strides = array<i32>} : memref<200x32xf32, #tpu.memory_space<vmem>>, vector<16xf32>,
      %get3A_1632 = arith.index_cast %add3A_1603 : i32 to index
      %get3A_1633 = arith.constant 16 : index
      %get3A_1634 = tpu.vector_load %arg13[%get3A_1632, %get3A_1633] {strides = array<i32>} : memref<200x32xf32, #tpu.memory_space<vmem>>, vector<16xf32>,
      %get3A_1635 = arith.constant 0 : i32
      %get3A_1636 = arith.index_cast %get3A_1635 : i32 to index
      %get3A_1637 = arith.constant 0 : index
      %get3A_1638 = tpu.vector_load %arg10[%get3A_1636, %get3A_1637] {strides = array<i32>} : memref<128x32xf32, #tpu.memory_space<vmem>>, vector<16xf32>,
      %add3A_1639 = arith.addf %get3A_1638, %get3A_1631 : vector<16xf32>
      %get3A_1640 = arith.constant 0 : i32
      %get3A_1641 = arith.index_cast %get3A_1640 : i32 to index
      %get3A_1642 = arith.constant 16 : index
      %get3A_1643 = tpu.vector_load %arg10[%get3A_1641, %get3A_1642] {strides = array<i32>} : memref<128x32xf32, #tpu.memory_space<vmem>>, vector<16xf32>,
      %add3A_1644 = arith.addf %get3A_1643, %get3A_1634 : vector<16xf32>
      %get3A_1645 = arith.constant 1 : i32
      %get3A_1646 = arith.index_cast %get3A_1645 : i32 to index
      %get3A_1647 = arith.constant 0 : index
      %get3A_1648 = tpu.vector_load %arg10[%get3A_1646, %get3A_1647] {strides = array<i32>} : memref<128x32xf32, #tpu.memory_space<vmem>>, vector<16xf32>,
      %add3A_1649 = arith.addf %get3A_1648, %get3A_1631 : vector<16xf32>
      %get3A_1650 = arith.constant 1 : i32
      %get3A_1651 = arith.index_cast %get3A_1650 : i32 to index
      %get3A_1652 = arith.constant 16 : index
      %get3A_1653 = tpu.vector_load %arg10[%get3A_1651, %get3A_1652] {strides = array<i32>} : memref<128x32xf32, #tpu.memory_space<vmem>>, vector<16xf32>,
      %add3A_1654 = arith.addf %get3A_1653, %get3A_1634 : vector<16xf32>
      %get3A_1655 = arith.constant 2 : i32
      %get3A_1656 = arith.index_cast %get3A_1655 : i32 to index
      %get3A_1657 = arith.constant 0 : index
      %get3A_1658 = tpu.vector_load %arg10[%get3A_1656, %get3A_1657] {strides = array<i32>} : memref<128x32xf32, #tpu.memory_space<vmem>>, vector<16xf32>,
      %add3A_1659 = arith.addf %get3A_1658, %get3A_1631 : vector<16xf32>
      %get3A_1660 = arith.constant 2 : i32
      %get3A_1661 = arith.index_cast %get3A_1660 : i32 to index
      %get3A_1662 = arith.constant 16 : index
      %get3A_1663 = tpu.vector_load %arg10[%get3A_1661, %get3A_1662] {strides = array<i32>} : memref<128x32xf32, #tpu.memory_space<vmem>>, vector<16xf32>,
      %add3A_1664 = arith.addf %get3A_1663, %get3A_1634 : vector<16xf32>
      %get3A_1665 = arith.constant 3 : i32
      %get3A_1666 = arith.index_cast %get3A_1665 : i32 to index
      %get3A_1667 = arith.constant 0 : index
      %get3A_1668 = tpu.vector_load %arg10[%get3A_1666, %get3A_1667] {strides = array<i32>} : memref<128x32xf32, #tpu.memory_space<vmem>>, vector<16xf32>,
      %add3A_1669 = arith.addf %get3A_1668, %get3A_1631 : vector<16xf32>
      %get3A_1670 = arith.constant 3 : i32
      %get3A_1671 = arith.index_cast %get3A_1670 : i32 to index
      %get3A_1672 = arith.constant 16 : index
      %get3A_1673 = tpu.vector_load %arg10[%get3A_1671, %get3A_1672] {strides = array<i32>} : memref<128x32xf32, #tpu.memory_space<vmem>>, vector<16xf32>,
      %add3A_1674 = arith.addf %get3A_1673, %get3A_1634 : vector<16xf32>
      %get3A_1675 = arith.constant 4 : i32
      %get3A_1676 = arith.index_cast %get3A_1675 : i32 to index
      %get3A_1677 = arith.constant 0 : index
      %get3A_1678 = tpu.vector_load %arg10[%get3A_1676, %get3A_1677] {strides = array<i32>} : memref<128x32xf32, #tpu.memory_space<vmem>>, vector<16xf32>,
      %add3A_1679 = arith.addf %get3A_1678, %get3A_1631 : vector<16xf32>
      %get3A_1680 = arith.constant 4 : i32
      %get3A_1681 = arith.index_cast %get3A_1680 : i32 to index
      %get3A_1682 = arith.constant 16 : index
      %get3A_1683 = tpu.vector_load %arg10[%get3A_1681, %get3A_1682] {strides = array<i32>} : memref<128x32xf32, #tpu.memory_space<vmem>>, vector<16xf32>,
      %add3A_1684 = arith.addf %get3A_1683, %get3A_1634 : vector<16xf32>
      %get3A_1685 = arith.constant 5 : i32
      %get3A_1686 = arith.index_cast %get3A_1685 : i32 to index
      %get3A_1687 = arith.constant 0 : index
      %get3A_1688 = tpu.vector_load %arg10[%get3A_1686, %get3A_1687] {strides = array<i32>} : memref<128x32xf32, #tpu.memory_space<vmem>>, vector<16xf32>,
      %add3A_1689 = arith.addf %get3A_1688, %get3A_1631 : vector<16xf32>
      %get3A_1690 = arith.constant 5 : i32
      %get3A_1691 = arith.index_cast %get3A_1690 : i32 to index
      %get3A_1692 = arith.constant 16 : index
      %get3A_1693 = tpu.vector_load %arg10[%get3A_1691, %get3A_1692] {strides = array<i32>} : memref<128x32xf32, #tpu.memory_space<vmem>>, vector<16xf32>,
      %add3A_1694 = arith.addf %get3A_1693, %get3A_1634 : vector<16xf32>
      %get3A_1695 = arith.constant 6 : i32
      %get3A_1696 = arith.index_cast %get3A_1695 : i32 to index
      %get3A_1697 = arith.constant 0 : index
      %get3A_1698 = tpu.vector_load %arg10[%get3A_1696, %get3A_1697] {strides = array<i32>} : memref<128x32xf32, #tpu.memory_space<vmem>>, vector<16xf32>,
      %add3A_1699 = arith.addf %get3A_1698, %get3A_1631 : vector<16xf32>
      %get3A_1700 = arith.constant 6 : i32
      %get3A_1701 = arith.index_cast %get3A_1700 : i32 to index
      %get3A_1702 = arith.constant 16 : index
      %get3A_1703 = tpu.vector_load %arg10[%get3A_1701, %get3A_1702] {strides = array<i32>} : memref<128x32xf32, #tpu.memory_space<vmem>>, vector<16xf32>,
      %add3A_1704 = arith.addf %get3A_1703, %get3A_1634 : vector<16xf32>
      %get3A_1705 = arith.constant 7 : i32
      %get3A_1706 = arith.index_cast %get3A_1705 : i32 to index
      %get3A_1707 = arith.constant 0 : index
      %get3A_1708 = tpu.vector_load %arg10[%get3A_1706, %get3A_1707] {strides = array<i32>} : memref<128x32xf32, #tpu.memory_space<vmem>>, vector<16xf32>,
      %add3A_1709 = arith.addf %get3A_1708, %get3A_1631 : vector<16xf32>
      %get3A_1710 = arith.constant 7 : i32
      %get3A_1711 = arith.index_cast %get3A_1710 : i32 to index
      %get3A_1712 = arith.constant 16 : index
      %get3A_1713 = tpu.vector_load %arg10[%get3A_1711, %get3A_1712] {strides = array<i32>} : memref<128x32xf32, #tpu.memory_space<vmem>>, vector<16xf32>,
      %add3A_1714 = arith.addf %get3A_1713, %get3A_1634 : vector<16xf32>
      %broadcast_in_dim3A_1715 = arith.constant 0 : i32
      %broadcast_in_dim3A_1716 = vector.broadcast %broadcast_in_dim3A_1715 : i32 to vector<16xi32>
      tpu.vector_store_idx %arg12[%shift_right_arithmetic3A_4, %and3A_9, %broadcast_in_dim3A_1716], %add3A_1639 : memref<4x8x128xf32, #tpu.memory_space<vmem>>[vector<16xi32>, vector<16xi32>, vector<16xi32>], vector<16xf32>,
      tpu.vector_store_idx %arg12[%add3A_7, %and3A_9, %broadcast_in_dim3A_1716], %add3A_1644 : memref<4x8x128xf32, #tpu.memory_space<vmem>>[vector<16xi32>, vector<16xi32>, vector<16xi32>], vector<16xf32>,
      %broadcast_in_dim3A_1717 = arith.constant 1 : i32
      %broadcast_in_dim3A_1718 = vector.broadcast %broadcast_in_dim3A_1717 : i32 to vector<16xi32>
      tpu.vector_store_idx %arg12[%shift_right_arithmetic3A_4, %and3A_9, %broadcast_in_dim3A_1718], %add3A_1649 : memref<4x8x128xf32, #tpu.memory_space<vmem>>[vector<16xi32>, vector<16xi32>, vector<16xi32>], vector<16xf32>,
      tpu.vector_store_idx %arg12[%add3A_7, %and3A_9, %broadcast_in_dim3A_1718], %add3A_1654 : memref<4x8x128xf32, #tpu.memory_space<vmem>>[vector<16xi32>, vector<16xi32>, vector<16xi32>], vector<16xf32>,
      %broadcast_in_dim3A_1719 = arith.constant 2 : i32
      %broadcast_in_dim3A_1720 = vector.broadcast %broadcast_in_dim3A_1719 : i32 to vector<16xi32>
      tpu.vector_store_idx %arg12[%shift_right_arithmetic3A_4, %and3A_9, %broadcast_in_dim3A_1720], %add3A_1659 : memref<4x8x128xf32, #tpu.memory_space<vmem>>[vector<16xi32>, vector<16xi32>, vector<16xi32>], vector<16xf32>,
      tpu.vector_store_idx %arg12[%add3A_7, %and3A_9, %broadcast_in_dim3A_1720], %add3A_1664 : memref<4x8x128xf32, #tpu.memory_space<vmem>>[vector<16xi32>, vector<16xi32>, vector<16xi32>], vector<16xf32>,
      %broadcast_in_dim3A_1721 = arith.constant 3 : i32
      %broadcast_in_dim3A_1722 = vector.broadcast %broadcast_in_dim3A_1721 : i32 to vector<16xi32>
      tpu.vector_store_idx %arg12[%shift_right_arithmetic3A_4, %and3A_9, %broadcast_in_dim3A_1722], %add3A_1669 : memref<4x8x128xf32, #tpu.memory_space<vmem>>[vector<16xi32>, vector<16xi32>, vector<16xi32>], vector<16xf32>,
      tpu.vector_store_idx %arg12[%add3A_7, %and3A_9, %broadcast_in_dim3A_1722], %add3A_1674 : memref<4x8x128xf32, #tpu.memory_space<vmem>>[vector<16xi32>, vector<16xi32>, vector<16xi32>], vector<16xf32>,
      %broadcast_in_dim3A_1723 = arith.constant 4 : i32
      %broadcast_in_dim3A_1724 = vector.broadcast %broadcast_in_dim3A_1723 : i32 to vector<16xi32>
      tpu.vector_store_idx %arg12[%shift_right_arithmetic3A_4, %and3A_9, %broadcast_in_dim3A_1724], %add3A_1679 : memref<4x8x128xf32, #tpu.memory_space<vmem>>[vector<16xi32>, vector<16xi32>, vector<16xi32>], vector<16xf32>,
      tpu.vector_store_idx %arg12[%add3A_7, %and3A_9, %broadcast_in_dim3A_1724], %add3A_1684 : memref<4x8x128xf32, #tpu.memory_space<vmem>>[vector<16xi32>, vector<16xi32>, vector<16xi32>], vector<16xf32>,
      %broadcast_in_dim3A_1725 = arith.constant 5 : i32
      %broadcast_in_dim3A_1726 = vector.broadcast %broadcast_in_dim3A_1725 : i32 to vector<16xi32>
      tpu.vector_store_idx %arg12[%shift_right_arithmetic3A_4, %and3A_9, %broadcast_in_dim3A_1726], %add3A_1689 : memref<4x8x128xf32, #tpu.memory_space<vmem>>[vector<16xi32>, vector<16xi32>, vector<16xi32>], vector<16xf32>,
      tpu.vector_store_idx %arg12[%add3A_7, %and3A_9, %broadcast_in_dim3A_1726], %add3A_1694 : memref<4x8x128xf32, #tpu.memory_space<vmem>>[vector<16xi32>, vector<16xi32>, vector<16xi32>], vector<16xf32>,
      %broadcast_in_dim3A_1727 = arith.constant 6 : i32
      %broadcast_in_dim3A_1728 = vector.broadcast %broadcast_in_dim3A_1727 : i32 to vector<16xi32>
      tpu.vector_store_idx %arg12[%shift_right_arithmetic3A_4, %and3A_9, %broadcast_in_dim3A_1728], %add3A_1699 : memref<4x8x128xf32, #tpu.memory_space<vmem>>[vector<16xi32>, vector<16xi32>, vector<16xi32>], vector<16xf32>,
      tpu.vector_store_idx %arg12[%add3A_7, %and3A_9, %broadcast_in_dim3A_1728], %add3A_1704 : memref<4x8x128xf32, #tpu.memory_space<vmem>>[vector<16xi32>, vector<16xi32>, vector<16xi32>], vector<16xf32>,
      %broadcast_in_dim3A_1729 = arith.constant 7 : i32
      %broadcast_in_dim3A_1730 = vector.broadcast %broadcast_in_dim3A_1729 : i32 to vector<16xi32>
      tpu.vector_store_idx %arg12[%shift_right_arithmetic3A_4, %and3A_9, %broadcast_in_dim3A_1730], %add3A_1709 : memref<4x8x128xf32, #tpu.memory_space<vmem>>[vector<16xi32>, vector<16xi32>, vector<16xi32>], vector<16xf32>,
      tpu.vector_store_idx %arg12[%add3A_7, %and3A_9, %broadcast_in_dim3A_1730], %add3A_1714 : memref<4x8x128xf32, #tpu.memory_space<vmem>>[vector<16xi32>, vector<16xi32>, vector<16xi32>], vector<16xf32>,
      %get3A_1731 = arith.constant 8 : i32
      %get3A_1732 = arith.index_cast %get3A_1731 : i32 to index
      %get3A_1733 = arith.constant 0 : index
      %get3A_1734 = tpu.vector_load %arg10[%get3A_1732, %get3A_1733] {strides = array<i32>} : memref<128x32xf32, #tpu.memory_space<vmem>>, vector<16xf32>,
      %add3A_1735 = arith.addf %get3A_1734, %get3A_1631 : vector<16xf32>
      %get3A_1736 = arith.constant 8 : i32
      %get3A_1737 = arith.index_cast %get3A_1736 : i32 to index
      %get3A_1738 = arith.constant 16 : index
      %get3A_1739 = tpu.vector_load %arg10[%get3A_1737, %get3A_1738] {strides = array<i32>} : memref<128x32xf32, #tpu.memory_space<vmem>>, vector<16xf32>,
      %add3A_1740 = arith.addf %get3A_1739, %get3A_1634 : vector<16xf32>
      %get3A_1741 = arith.constant 9 : i32
      %get3A_1742 = arith.index_cast %get3A_1741 : i32 to index
      %get3A_1743 = arith.constant 0 : index
      %get3A_1744 = tpu.vector_load %arg10[%get3A_1742, %get3A_1743] {strides = array<i32>} : memref<128x32xf32, #tpu.memory_space<vmem>>, vector<16xf32>,
      %add3A_1745 = arith.addf %get3A_1744, %get3A_1631 : vector<16xf32>
      %get3A_1746 = arith.constant 9 : i32
      %get3A_1747 = arith.index_cast %get3A_1746 : i32 to index
      %get3A_1748 = arith.constant 16 : index
      %get3A_1749 = tpu.vector_load %arg10[%get3A_1747, %get3A_1748] {strides = array<i32>} : memref<128x32xf32, #tpu.memory_space<vmem>>, vector<16xf32>,
      %add3A_1750 = arith.addf %get3A_1749, %get3A_1634 : vector<16xf32>
      %get3A_1751 = arith.constant 10 : i32
      %get3A_1752 = arith.index_cast %get3A_1751 : i32 to index
      %get3A_1753 = arith.constant 0 : index
      %get3A_1754 = tpu.vector_load %arg10[%get3A_1752, %get3A_1753] {strides = array<i32>} : memref<128x32xf32, #tpu.memory_space<vmem>>, vector<16xf32>,
      %add3A_1755 = arith.addf %get3A_1754, %get3A_1631 : vector<16xf32>
      %get3A_1756 = arith.constant 10 : i32
      %get3A_1757 = arith.index_cast %get3A_1756 : i32 to index
      %get3A_1758 = arith.constant 16 : index
      %get3A_1759 = tpu.vector_load %arg10[%get3A_1757, %get3A_1758] {strides = array<i32>} : memref<128x32xf32, #tpu.memory_space<vmem>>, vector<16xf32>,
      %add3A_1760 = arith.addf %get3A_1759, %get3A_1634 : vector<16xf32>
      %get3A_1761 = arith.constant 11 : i32
      %get3A_1762 = arith.index_cast %get3A_1761 : i32 to index
      %get3A_1763 = arith.constant 0 : index
      %get3A_1764 = tpu.vector_load %arg10[%get3A_1762, %get3A_1763] {strides = array<i32>} : memref<128x32xf32, #tpu.memory_space<vmem>>, vector<16xf32>,
      %add3A_1765 = arith.addf %get3A_1764, %get3A_1631 : vector<16xf32>
      %get3A_1766 = arith.constant 11 : i32
      %get3A_1767 = arith.index_cast %get3A_1766 : i32 to index
      %get3A_1768 = arith.constant 16 : index
      %get3A_1769 = tpu.vector_load %arg10[%get3A_1767, %get3A_1768] {strides = array<i32>} : memref<128x32xf32, #tpu.memory_space<vmem>>, vector<16xf32>,
      %add3A_1770 = arith.addf %get3A_1769, %get3A_1634 : vector<16xf32>
      %get3A_1771 = arith.constant 12 : i32
      %get3A_1772 = arith.index_cast %get3A_1771 : i32 to index
      %get3A_1773 = arith.constant 0 : index
      %get3A_1774 = tpu.vector_load %arg10[%get3A_1772, %get3A_1773] {strides = array<i32>} : memref<128x32xf32, #tpu.memory_space<vmem>>, vector<16xf32>,
      %add3A_1775 = arith.addf %get3A_1774, %get3A_1631 : vector<16xf32>
      %get3A_1776 = arith.constant 12 : i32
      %get3A_1777 = arith.index_cast %get3A_1776 : i32 to index
      %get3A_1778 = arith.constant 16 : index
      %get3A_1779 = tpu.vector_load %arg10[%get3A_1777, %get3A_1778] {strides = array<i32>} : memref<128x32xf32, #tpu.memory_space<vmem>>, vector<16xf32>,
      %add3A_1780 = arith.addf %get3A_1779, %get3A_1634 : vector<16xf32>
      %get3A_1781 = arith.constant 13 : i32
      %get3A_1782 = arith.index_cast %get3A_1781 : i32 to index
      %get3A_1783 = arith.constant 0 : index
      %get3A_1784 = tpu.vector_load %arg10[%get3A_1782, %get3A_1783] {strides = array<i32>} : memref<128x32xf32, #tpu.memory_space<vmem>>, vector<16xf32>,
      %add3A_1785 = arith.addf %get3A_1784, %get3A_1631 : vector<16xf32>
      %get3A_1786 = arith.constant 13 : i32
      %get3A_1787 = arith.index_cast %get3A_1786 : i32 to index
      %get3A_1788 = arith.constant 16 : index
      %get3A_1789 = tpu.vector_load %arg10[%get3A_1787, %get3A_1788] {strides = array<i32>} : memref<128x32xf32, #tpu.memory_space<vmem>>, vector<16xf32>,
      %add3A_1790 = arith.addf %get3A_1789, %get3A_1634 : vector<16xf32>
      %get3A_1791 = arith.constant 14 : i32
      %get3A_1792 = arith.index_cast %get3A_1791 : i32 to index
      %get3A_1793 = arith.constant 0 : index
      %get3A_1794 = tpu.vector_load %arg10[%get3A_1792, %get3A_1793] {strides = array<i32>} : memref<128x32xf32, #tpu.memory_space<vmem>>, vector<16xf32>,
      %add3A_1795 = arith.addf %get3A_1794, %get3A_1631 : vector<16xf32>
      %get3A_1796 = arith.constant 14 : i32
      %get3A_1797 = arith.index_cast %get3A_1796 : i32 to index
      %get3A_1798 = arith.constant 16 : index
      %get3A_1799 = tpu.vector_load %arg10[%get3A_1797, %get3A_1798] {strides = array<i32>} : memref<128x32xf32, #tpu.memory_space<vmem>>, vector<16xf32>,
      %add3A_1800 = arith.addf %get3A_1799, %get3A_1634 : vector<16xf32>
      %get3A_1801 = arith.constant 15 : i32
      %get3A_1802 = arith.index_cast %get3A_1801 : i32 to index
      %get3A_1803 = arith.constant 0 : index
      %get3A_1804 = tpu.vector_load %arg10[%get3A_1802, %get3A_1803] {strides = array<i32>} : memref<128x32xf32, #tpu.memory_space<vmem>>, vector<16xf32>,
      %add3A_1805 = arith.addf %get3A_1804, %get3A_1631 : vector<16xf32>
      %get3A_1806 = arith.constant 15 : i32
      %get3A_1807 = arith.index_cast %get3A_1806 : i32 to index
      %get3A_1808 = arith.constant 16 : index
      %get3A_1809 = tpu.vector_load %arg10[%get3A_1807, %get3A_1808] {strides = array<i32>} : memref<128x32xf32, #tpu.memory_space<vmem>>, vector<16xf32>,
      %add3A_1810 = arith.addf %get3A_1809, %get3A_1634 : vector<16xf32>
      %broadcast_in_dim3A_1811 = arith.constant 8 : i32
      %broadcast_in_dim3A_1812 = vector.broadcast %broadcast_in_dim3A_1811 : i32 to vector<16xi32>
      tpu.vector_store_idx %arg12[%shift_right_arithmetic3A_4, %and3A_9, %broadcast_in_dim3A_1812], %add3A_1735 : memref<4x8x128xf32, #tpu.memory_space<vmem>>[vector<16xi32>, vector<16xi32>, vector<16xi32>], vector<16xf32>,
      tpu.vector_store_idx %arg12[%add3A_7, %and3A_9, %broadcast_in_dim3A_1812], %add3A_1740 : memref<4x8x128xf32, #tpu.memory_space<vmem>>[vector<16xi32>, vector<16xi32>, vector<16xi32>], vector<16xf32>,
      %broadcast_in_dim3A_1813 = arith.constant 9 : i32
      %broadcast_in_dim3A_1814 = vector.broadcast %broadcast_in_dim3A_1813 : i32 to vector<16xi32>
      tpu.vector_store_idx %arg12[%shift_right_arithmetic3A_4, %and3A_9, %broadcast_in_dim3A_1814], %add3A_1745 : memref<4x8x128xf32, #tpu.memory_space<vmem>>[vector<16xi32>, vector<16xi32>, vector<16xi32>], vector<16xf32>,
      tpu.vector_store_idx %arg12[%add3A_7, %and3A_9, %broadcast_in_dim3A_1814], %add3A_1750 : memref<4x8x128xf32, #tpu.memory_space<vmem>>[vector<16xi32>, vector<16xi32>, vector<16xi32>], vector<16xf32>,
      %broadcast_in_dim3A_1815 = arith.constant 10 : i32
      %broadcast_in_dim3A_1816 = vector.broadcast %broadcast_in_dim3A_1815 : i32 to vector<16xi32>
      tpu.vector_store_idx %arg12[%shift_right_arithmetic3A_4, %and3A_9, %broadcast_in_dim3A_1816], %add3A_1755 : memref<4x8x128xf32, #tpu.memory_space<vmem>>[vector<16xi32>, vector<16xi32>, vector<16xi32>], vector<16xf32>,
      tpu.vector_store_idx %arg12[%add3A_7, %and3A_9, %broadcast_in_dim3A_1816], %add3A_1760 : memref<4x8x128xf32, #tpu.memory_space<vmem>>[vector<16xi32>, vector<16xi32>, vector<16xi32>], vector<16xf32>,
      %broadcast_in_dim3A_1817 = arith.constant 11 : i32
      %broadcast_in_dim3A_1818 = vector.broadcast %broadcast_in_dim3A_1817 : i32 to vector<16xi32>
      tpu.vector_store_idx %arg12[%shift_right_arithmetic3A_4, %and3A_9, %broadcast_in_dim3A_1818], %add3A_1765 : memref<4x8x128xf32, #tpu.memory_space<vmem>>[vector<16xi32>, vector<16xi32>, vector<16xi32>], vector<16xf32>,
      tpu.vector_store_idx %arg12[%add3A_7, %and3A_9, %broadcast_in_dim3A_1818], %add3A_1770 : memref<4x8x128xf32, #tpu.memory_space<vmem>>[vector<16xi32>, vector<16xi32>, vector<16xi32>], vector<16xf32>,
      %broadcast_in_dim3A_1819 = arith.constant 12 : i32
      %broadcast_in_dim3A_1820 = vector.broadcast %broadcast_in_dim3A_1819 : i32 to vector<16xi32>
      tpu.vector_store_idx %arg12[%shift_right_arithmetic3A_4, %and3A_9, %broadcast_in_dim3A_1820], %add3A_1775 : memref<4x8x128xf32, #tpu.memory_space<vmem>>[vector<16xi32>, vector<16xi32>, vector<16xi32>], vector<16xf32>,
      tpu.vector_store_idx %arg12[%add3A_7, %and3A_9, %broadcast_in_dim3A_1820], %add3A_1780 : memref<4x8x128xf32, #tpu.memory_space<vmem>>[vector<16xi32>, vector<16xi32>, vector<16xi32>], vector<16xf32>,
      %broadcast_in_dim3A_1821 = arith.constant 13 : i32
      %broadcast_in_dim3A_1822 = vector.broadcast %broadcast_in_dim3A_1821 : i32 to vector<16xi32>
      tpu.vector_store_idx %arg12[%shift_right_arithmetic3A_4, %and3A_9, %broadcast_in_dim3A_1822], %add3A_1785 : memref<4x8x128xf32, #tpu.memory_space<vmem>>[vector<16xi32>, vector<16xi32>, vector<16xi32>], vector<16xf32>,
      tpu.vector_store_idx %arg12[%add3A_7, %and3A_9, %broadcast_in_dim3A_1822], %add3A_1790 : memref<4x8x128xf32, #tpu.memory_space<vmem>>[vector<16xi32>, vector<16xi32>, vector<16xi32>], vector<16xf32>,
      %broadcast_in_dim3A_1823 = arith.constant 14 : i32
      %broadcast_in_dim3A_1824 = vector.broadcast %broadcast_in_dim3A_1823 : i32 to vector<16xi32>
      tpu.vector_store_idx %arg12[%shift_right_arithmetic3A_4, %and3A_9, %broadcast_in_dim3A_1824], %add3A_1795 : memref<4x8x128xf32, #tpu.memory_space<vmem>>[vector<16xi32>, vector<16xi32>, vector<16xi32>], vector<16xf32>,
      tpu.vector_store_idx %arg12[%add3A_7, %and3A_9, %broadcast_in_dim3A_1824], %add3A_1800 : memref<4x8x128xf32, #tpu.memory_space<vmem>>[vector<16xi32>, vector<16xi32>, vector<16xi32>], vector<16xf32>,
      %broadcast_in_dim3A_1825 = arith.constant 15 : i32
      %broadcast_in_dim3A_1826 = vector.broadcast %broadcast_in_dim3A_1825 : i32 to vector<16xi32>
      tpu.vector_store_idx %arg12[%shift_right_arithmetic3A_4, %and3A_9, %broadcast_in_dim3A_1826], %add3A_1805 : memref<4x8x128xf32, #tpu.memory_space<vmem>>[vector<16xi32>, vector<16xi32>, vector<16xi32>], vector<16xf32>,
      tpu.vector_store_idx %arg12[%add3A_7, %and3A_9, %broadcast_in_dim3A_1826], %add3A_1810 : memref<4x8x128xf32, #tpu.memory_space<vmem>>[vector<16xi32>, vector<16xi32>, vector<16xi32>], vector<16xf32>,
      %get3A_1827 = arith.constant 16 : i32
      %get3A_1828 = arith.index_cast %get3A_1827 : i32 to index
      %get3A_1829 = arith.constant 0 : index
      %get3A_1830 = tpu.vector_load %arg10[%get3A_1828, %get3A_1829] {strides = array<i32>} : memref<128x32xf32, #tpu.memory_space<vmem>>, vector<16xf32>,
      %add3A_1831 = arith.addf %get3A_1830, %get3A_1631 : vector<16xf32>
      %get3A_1832 = arith.constant 16 : i32
      %get3A_1833 = arith.index_cast %get3A_1832 : i32 to index
      %get3A_1834 = arith.constant 16 : index
      %get3A_1835 = tpu.vector_load %arg10[%get3A_1833, %get3A_1834] {strides = array<i32>} : memref<128x32xf32, #tpu.memory_space<vmem>>, vector<16xf32>,
      %add3A_1836 = arith.addf %get3A_1835, %get3A_1634 : vector<16xf32>
      %get3A_1837 = arith.constant 17 : i32
      %get3A_1838 = arith.index_cast %get3A_1837 : i32 to index
      %get3A_1839 = arith.constant 0 : index
      %get3A_1840 = tpu.vector_load %arg10[%get3A_1838, %get3A_1839] {strides = array<i32>} : memref<128x32xf32, #tpu.memory_space<vmem>>, vector<16xf32>,
      %add3A_1841 = arith.addf %get3A_1840, %get3A_1631 : vector<16xf32>
      %get3A_1842 = arith.constant 17 : i32
      %get3A_1843 = arith.index_cast %get3A_1842 : i32 to index
      %get3A_1844 = arith.constant 16 : index
      %get3A_1845 = tpu.vector_load %arg10[%get3A_1843, %get3A_1844] {strides = array<i32>} : memref<128x32xf32, #tpu.memory_space<vmem>>, vector<16xf32>,
      %add3A_1846 = arith.addf %get3A_1845, %get3A_1634 : vector<16xf32>
      %get3A_1847 = arith.constant 18 : i32
      %get3A_1848 = arith.index_cast %get3A_1847 : i32 to index
      %get3A_1849 = arith.constant 0 : index
      %get3A_1850 = tpu.vector_load %arg10[%get3A_1848, %get3A_1849] {strides = array<i32>} : memref<128x32xf32, #tpu.memory_space<vmem>>, vector<16xf32>,
      %add3A_1851 = arith.addf %get3A_1850, %get3A_1631 : vector<16xf32>
      %get3A_1852 = arith.constant 18 : i32
      %get3A_1853 = arith.index_cast %get3A_1852 : i32 to index
      %get3A_1854 = arith.constant 16 : index
      %get3A_1855 = tpu.vector_load %arg10[%get3A_1853, %get3A_1854] {strides = array<i32>} : memref<128x32xf32, #tpu.memory_space<vmem>>, vector<16xf32>,
      %add3A_1856 = arith.addf %get3A_1855, %get3A_1634 : vector<16xf32>
      %get3A_1857 = arith.constant 19 : i32
      %get3A_1858 = arith.index_cast %get3A_1857 : i32 to index
      %get3A_1859 = arith.constant 0 : index
      %get3A_1860 = tpu.vector_load %arg10[%get3A_1858, %get3A_1859] {strides = array<i32>} : memref<128x32xf32, #tpu.memory_space<vmem>>, vector<16xf32>,
      %add3A_1861 = arith.addf %get3A_1860, %get3A_1631 : vector<16xf32>
      %get3A_1862 = arith.constant 19 : i32
      %get3A_1863 = arith.index_cast %get3A_1862 : i32 to index
      %get3A_1864 = arith.constant 16 : index
      %get3A_1865 = tpu.vector_load %arg10[%get3A_1863, %get3A_1864] {strides = array<i32>} : memref<128x32xf32, #tpu.memory_space<vmem>>, vector<16xf32>,
      %add3A_1866 = arith.addf %get3A_1865, %get3A_1634 : vector<16xf32>
      %get3A_1867 = arith.constant 20 : i32
      %get3A_1868 = arith.index_cast %get3A_1867 : i32 to index
      %get3A_1869 = arith.constant 0 : index
      %get3A_1870 = tpu.vector_load %arg10[%get3A_1868, %get3A_1869] {strides = array<i32>} : memref<128x32xf32, #tpu.memory_space<vmem>>, vector<16xf32>,
      %add3A_1871 = arith.addf %get3A_1870, %get3A_1631 : vector<16xf32>
      %get3A_1872 = arith.constant 20 : i32
      %get3A_1873 = arith.index_cast %get3A_1872 : i32 to index
      %get3A_1874 = arith.constant 16 : index
      %get3A_1875 = tpu.vector_load %arg10[%get3A_1873, %get3A_1874] {strides = array<i32>} : memref<128x32xf32, #tpu.memory_space<vmem>>, vector<16xf32>,
      %add3A_1876 = arith.addf %get3A_1875, %get3A_1634 : vector<16xf32>
      %get3A_1877 = arith.constant 21 : i32
      %get3A_1878 = arith.index_cast %get3A_1877 : i32 to index
      %get3A_1879 = arith.constant 0 : index
      %get3A_1880 = tpu.vector_load %arg10[%get3A_1878, %get3A_1879] {strides = array<i32>} : memref<128x32xf32, #tpu.memory_space<vmem>>, vector<16xf32>,
      %add3A_1881 = arith.addf %get3A_1880, %get3A_1631 : vector<16xf32>
      %get3A_1882 = arith.constant 21 : i32
      %get3A_1883 = arith.index_cast %get3A_1882 : i32 to index
      %get3A_1884 = arith.constant 16 : index
      %get3A_1885 = tpu.vector_load %arg10[%get3A_1883, %get3A_1884] {strides = array<i32>} : memref<128x32xf32, #tpu.memory_space<vmem>>, vector<16xf32>,
      %add3A_1886 = arith.addf %get3A_1885, %get3A_1634 : vector<16xf32>
      %get3A_1887 = arith.constant 22 : i32
      %get3A_1888 = arith.index_cast %get3A_1887 : i32 to index
      %get3A_1889 = arith.constant 0 : index
      %get3A_1890 = tpu.vector_load %arg10[%get3A_1888, %get3A_1889] {strides = array<i32>} : memref<128x32xf32, #tpu.memory_space<vmem>>, vector<16xf32>,
      %add3A_1891 = arith.addf %get3A_1890, %get3A_1631 : vector<16xf32>
      %get3A_1892 = arith.constant 22 : i32
      %get3A_1893 = arith.index_cast %get3A_1892 : i32 to index
      %get3A_1894 = arith.constant 16 : index
      %get3A_1895 = tpu.vector_load %arg10[%get3A_1893, %get3A_1894] {strides = array<i32>} : memref<128x32xf32, #tpu.memory_space<vmem>>, vector<16xf32>,
      %add3A_1896 = arith.addf %get3A_1895, %get3A_1634 : vector<16xf32>
      %get3A_1897 = arith.constant 23 : i32
      %get3A_1898 = arith.index_cast %get3A_1897 : i32 to index
      %get3A_1899 = arith.constant 0 : index
      %get3A_1900 = tpu.vector_load %arg10[%get3A_1898, %get3A_1899] {strides = array<i32>} : memref<128x32xf32, #tpu.memory_space<vmem>>, vector<16xf32>,
      %add3A_1901 = arith.addf %get3A_1900, %get3A_1631 : vector<16xf32>
      %get3A_1902 = arith.constant 23 : i32
      %get3A_1903 = arith.index_cast %get3A_1902 : i32 to index
      %get3A_1904 = arith.constant 16 : index
      %get3A_1905 = tpu.vector_load %arg10[%get3A_1903, %get3A_1904] {strides = array<i32>} : memref<128x32xf32, #tpu.memory_space<vmem>>, vector<16xf32>,
      %add3A_1906 = arith.addf %get3A_1905, %get3A_1634 : vector<16xf32>
      %broadcast_in_dim3A_1907 = arith.constant 16 : i32
      %broadcast_in_dim3A_1908 = vector.broadcast %broadcast_in_dim3A_1907 : i32 to vector<16xi32>
      tpu.vector_store_idx %arg12[%shift_right_arithmetic3A_4, %and3A_9, %broadcast_in_dim3A_1908], %add3A_1831 : memref<4x8x128xf32, #tpu.memory_space<vmem>>[vector<16xi32>, vector<16xi32>, vector<16xi32>], vector<16xf32>,
      tpu.vector_store_idx %arg12[%add3A_7, %and3A_9, %broadcast_in_dim3A_1908], %add3A_1836 : memref<4x8x128xf32, #tpu.memory_space<vmem>>[vector<16xi32>, vector<16xi32>, vector<16xi32>], vector<16xf32>,
      %broadcast_in_dim3A_1909 = arith.constant 17 : i32
      %broadcast_in_dim3A_1910 = vector.broadcast %broadcast_in_dim3A_1909 : i32 to vector<16xi32>
      tpu.vector_store_idx %arg12[%shift_right_arithmetic3A_4, %and3A_9, %broadcast_in_dim3A_1910], %add3A_1841 : memref<4x8x128xf32, #tpu.memory_space<vmem>>[vector<16xi32>, vector<16xi32>, vector<16xi32>], vector<16xf32>,
      tpu.vector_store_idx %arg12[%add3A_7, %and3A_9, %broadcast_in_dim3A_1910], %add3A_1846 : memref<4x8x128xf32, #tpu.memory_space<vmem>>[vector<16xi32>, vector<16xi32>, vector<16xi32>], vector<16xf32>,
      %broadcast_in_dim3A_1911 = arith.constant 18 : i32
      %broadcast_in_dim3A_1912 = vector.broadcast %broadcast_in_dim3A_1911 : i32 to vector<16xi32>
      tpu.vector_store_idx %arg12[%shift_right_arithmetic3A_4, %and3A_9, %broadcast_in_dim3A_1912], %add3A_1851 : memref<4x8x128xf32, #tpu.memory_space<vmem>>[vector<16xi32>, vector<16xi32>, vector<16xi32>], vector<16xf32>,
      tpu.vector_store_idx %arg12[%add3A_7, %and3A_9, %broadcast_in_dim3A_1912], %add3A_1856 : memref<4x8x128xf32, #tpu.memory_space<vmem>>[vector<16xi32>, vector<16xi32>, vector<16xi32>], vector<16xf32>,
      %broadcast_in_dim3A_1913 = arith.constant 19 : i32
      %broadcast_in_dim3A_1914 = vector.broadcast %broadcast_in_dim3A_1913 : i32 to vector<16xi32>
      tpu.vector_store_idx %arg12[%shift_right_arithmetic3A_4, %and3A_9, %broadcast_in_dim3A_1914], %add3A_1861 : memref<4x8x128xf32, #tpu.memory_space<vmem>>[vector<16xi32>, vector<16xi32>, vector<16xi32>], vector<16xf32>,
      tpu.vector_store_idx %arg12[%add3A_7, %and3A_9, %broadcast_in_dim3A_1914], %add3A_1866 : memref<4x8x128xf32, #tpu.memory_space<vmem>>[vector<16xi32>, vector<16xi32>, vector<16xi32>], vector<16xf32>,
      %broadcast_in_dim3A_1915 = arith.constant 20 : i32
      %broadcast_in_dim3A_1916 = vector.broadcast %broadcast_in_dim3A_1915 : i32 to vector<16xi32>
      tpu.vector_store_idx %arg12[%shift_right_arithmetic3A_4, %and3A_9, %broadcast_in_dim3A_1916], %add3A_1871 : memref<4x8x128xf32, #tpu.memory_space<vmem>>[vector<16xi32>, vector<16xi32>, vector<16xi32>], vector<16xf32>,
      tpu.vector_store_idx %arg12[%add3A_7, %and3A_9, %broadcast_in_dim3A_1916], %add3A_1876 : memref<4x8x128xf32, #tpu.memory_space<vmem>>[vector<16xi32>, vector<16xi32>, vector<16xi32>], vector<16xf32>,
      %broadcast_in_dim3A_1917 = arith.constant 21 : i32
      %broadcast_in_dim3A_1918 = vector.broadcast %broadcast_in_dim3A_1917 : i32 to vector<16xi32>
      tpu.vector_store_idx %arg12[%shift_right_arithmetic3A_4, %and3A_9, %broadcast_in_dim3A_1918], %add3A_1881 : memref<4x8x128xf32, #tpu.memory_space<vmem>>[vector<16xi32>, vector<16xi32>, vector<16xi32>], vector<16xf32>,
      tpu.vector_store_idx %arg12[%add3A_7, %and3A_9, %broadcast_in_dim3A_1918], %add3A_1886 : memref<4x8x128xf32, #tpu.memory_space<vmem>>[vector<16xi32>, vector<16xi32>, vector<16xi32>], vector<16xf32>,
      %broadcast_in_dim3A_1919 = arith.constant 22 : i32
      %broadcast_in_dim3A_1920 = vector.broadcast %broadcast_in_dim3A_1919 : i32 to vector<16xi32>
      tpu.vector_store_idx %arg12[%shift_right_arithmetic3A_4, %and3A_9, %broadcast_in_dim3A_1920], %add3A_1891 : memref<4x8x128xf32, #tpu.memory_space<vmem>>[vector<16xi32>, vector<16xi32>, vector<16xi32>], vector<16xf32>,
      tpu.vector_store_idx %arg12[%add3A_7, %and3A_9, %broadcast_in_dim3A_1920], %add3A_1896 : memref<4x8x128xf32, #tpu.memory_space<vmem>>[vector<16xi32>, vector<16xi32>, vector<16xi32>], vector<16xf32>,
      %broadcast_in_dim3A_1921 = arith.constant 23 : i32
      %broadcast_in_dim3A_1922 = vector.broadcast %broadcast_in_dim3A_1921 : i32 to vector<16xi32>
      tpu.vector_store_idx %arg12[%shift_right_arithmetic3A_4, %and3A_9, %broadcast_in_dim3A_1922], %add3A_1901 : memref<4x8x128xf32, #tpu.memory_space<vmem>>[vector<16xi32>, vector<16xi32>, vector<16xi32>], vector<16xf32>,
      tpu.vector_store_idx %arg12[%add3A_7, %and3A_9, %broadcast_in_dim3A_1922], %add3A_1906 : memref<4x8x128xf32, #tpu.memory_space<vmem>>[vector<16xi32>, vector<16xi32>, vector<16xi32>], vector<16xf32>,
      %get3A_1923 = arith.constant 24 : i32
      %get3A_1924 = arith.index_cast %get3A_1923 : i32 to index
      %get3A_1925 = arith.constant 0 : index
      %get3A_1926 = tpu.vector_load %arg10[%get3A_1924, %get3A_1925] {strides = array<i32>} : memref<128x32xf32, #tpu.memory_space<vmem>>, vector<16xf32>,
      %add3A_1927 = arith.addf %get3A_1926, %get3A_1631 : vector<16xf32>
      %get3A_1928 = arith.constant 24 : i32
      %get3A_1929 = arith.index_cast %get3A_1928 : i32 to index
      %get3A_1930 = arith.constant 16 : index
      %get3A_1931 = tpu.vector_load %arg10[%get3A_1929, %get3A_1930] {strides = array<i32>} : memref<128x32xf32, #tpu.memory_space<vmem>>, vector<16xf32>,
      %add3A_1932 = arith.addf %get3A_1931, %get3A_1634 : vector<16xf32>
      %get3A_1933 = arith.constant 25 : i32
      %get3A_1934 = arith.index_cast %get3A_1933 : i32 to index
      %get3A_1935 = arith.constant 0 : index
      %get3A_1936 = tpu.vector_load %arg10[%get3A_1934, %get3A_1935] {strides = array<i32>} : memref<128x32xf32, #tpu.memory_space<vmem>>, vector<16xf32>,
      %add3A_1937 = arith.addf %get3A_1936, %get3A_1631 : vector<16xf32>
      %get3A_1938 = arith.constant 25 : i32
      %get3A_1939 = arith.index_cast %get3A_1938 : i32 to index
      %get3A_1940 = arith.constant 16 : index
      %get3A_1941 = tpu.vector_load %arg10[%get3A_1939, %get3A_1940] {strides = array<i32>} : memref<128x32xf32, #tpu.memory_space<vmem>>, vector<16xf32>,
      %add3A_1942 = arith.addf %get3A_1941, %get3A_1634 : vector<16xf32>
      %get3A_1943 = arith.constant 26 : i32
      %get3A_1944 = arith.index_cast %get3A_1943 : i32 to index
      %get3A_1945 = arith.constant 0 : index
      %get3A_1946 = tpu.vector_load %arg10[%get3A_1944, %get3A_1945] {strides = array<i32>} : memref<128x32xf32, #tpu.memory_space<vmem>>, vector<16xf32>,
      %add3A_1947 = arith.addf %get3A_1946, %get3A_1631 : vector<16xf32>
      %get3A_1948 = arith.constant 26 : i32
      %get3A_1949 = arith.index_cast %get3A_1948 : i32 to index
      %get3A_1950 = arith.constant 16 : index
      %get3A_1951 = tpu.vector_load %arg10[%get3A_1949, %get3A_1950] {strides = array<i32>} : memref<128x32xf32, #tpu.memory_space<vmem>>, vector<16xf32>,
      %add3A_1952 = arith.addf %get3A_1951, %get3A_1634 : vector<16xf32>
      %get3A_1953 = arith.constant 27 : i32
      %get3A_1954 = arith.index_cast %get3A_1953 : i32 to index
      %get3A_1955 = arith.constant 0 : index
      %get3A_1956 = tpu.vector_load %arg10[%get3A_1954, %get3A_1955] {strides = array<i32>} : memref<128x32xf32, #tpu.memory_space<vmem>>, vector<16xf32>,
      %add3A_1957 = arith.addf %get3A_1956, %get3A_1631 : vector<16xf32>
      %get3A_1958 = arith.constant 27 : i32
      %get3A_1959 = arith.index_cast %get3A_1958 : i32 to index
      %get3A_1960 = arith.constant 16 : index
      %get3A_1961 = tpu.vector_load %arg10[%get3A_1959, %get3A_1960] {strides = array<i32>} : memref<128x32xf32, #tpu.memory_space<vmem>>, vector<16xf32>,
      %add3A_1962 = arith.addf %get3A_1961, %get3A_1634 : vector<16xf32>
      %get3A_1963 = arith.constant 28 : i32
      %get3A_1964 = arith.index_cast %get3A_1963 : i32 to index
      %get3A_1965 = arith.constant 0 : index
      %get3A_1966 = tpu.vector_load %arg10[%get3A_1964, %get3A_1965] {strides = array<i32>} : memref<128x32xf32, #tpu.memory_space<vmem>>, vector<16xf32>,
      %add3A_1967 = arith.addf %get3A_1966, %get3A_1631 : vector<16xf32>
      %get3A_1968 = arith.constant 28 : i32
      %get3A_1969 = arith.index_cast %get3A_1968 : i32 to index
      %get3A_1970 = arith.constant 16 : index
      %get3A_1971 = tpu.vector_load %arg10[%get3A_1969, %get3A_1970] {strides = array<i32>} : memref<128x32xf32, #tpu.memory_space<vmem>>, vector<16xf32>,
      %add3A_1972 = arith.addf %get3A_1971, %get3A_1634 : vector<16xf32>
      %get3A_1973 = arith.constant 29 : i32
      %get3A_1974 = arith.index_cast %get3A_1973 : i32 to index
      %get3A_1975 = arith.constant 0 : index
      %get3A_1976 = tpu.vector_load %arg10[%get3A_1974, %get3A_1975] {strides = array<i32>} : memref<128x32xf32, #tpu.memory_space<vmem>>, vector<16xf32>,
      %add3A_1977 = arith.addf %get3A_1976, %get3A_1631 : vector<16xf32>
      %get3A_1978 = arith.constant 29 : i32
      %get3A_1979 = arith.index_cast %get3A_1978 : i32 to index
      %get3A_1980 = arith.constant 16 : index
      %get3A_1981 = tpu.vector_load %arg10[%get3A_1979, %get3A_1980] {strides = array<i32>} : memref<128x32xf32, #tpu.memory_space<vmem>>, vector<16xf32>,
      %add3A_1982 = arith.addf %get3A_1981, %get3A_1634 : vector<16xf32>
      %get3A_1983 = arith.constant 30 : i32
      %get3A_1984 = arith.index_cast %get3A_1983 : i32 to index
      %get3A_1985 = arith.constant 0 : index
      %get3A_1986 = tpu.vector_load %arg10[%get3A_1984, %get3A_1985] {strides = array<i32>} : memref<128x32xf32, #tpu.memory_space<vmem>>, vector<16xf32>,
      %add3A_1987 = arith.addf %get3A_1986, %get3A_1631 : vector<16xf32>
      %get3A_1988 = arith.constant 30 : i32
      %get3A_1989 = arith.index_cast %get3A_1988 : i32 to index
      %get3A_1990 = arith.constant 16 : index
      %get3A_1991 = tpu.vector_load %arg10[%get3A_1989, %get3A_1990] {strides = array<i32>} : memref<128x32xf32, #tpu.memory_space<vmem>>, vector<16xf32>,
      %add3A_1992 = arith.addf %get3A_1991, %get3A_1634 : vector<16xf32>
      %get3A_1993 = arith.constant 31 : i32
      %get3A_1994 = arith.index_cast %get3A_1993 : i32 to index
      %get3A_1995 = arith.constant 0 : index
      %get3A_1996 = tpu.vector_load %arg10[%get3A_1994, %get3A_1995] {strides = array<i32>} : memref<128x32xf32, #tpu.memory_space<vmem>>, vector<16xf32>,
      %add3A_1997 = arith.addf %get3A_1996, %get3A_1631 : vector<16xf32>
      %get3A_1998 = arith.constant 31 : i32
      %get3A_1999 = arith.index_cast %get3A_1998 : i32 to index
      %get3A_2000 = arith.constant 16 : index
      %get3A_2001 = tpu.vector_load %arg10[%get3A_1999, %get3A_2000] {strides = array<i32>} : memref<128x32xf32, #tpu.memory_space<vmem>>, vector<16xf32>,
      %add3A_2002 = arith.addf %get3A_2001, %get3A_1634 : vector<16xf32>
      %broadcast_in_dim3A_2003 = arith.constant 24 : i32
      %broadcast_in_dim3A_2004 = vector.broadcast %broadcast_in_dim3A_2003 : i32 to vector<16xi32>
      tpu.vector_store_idx %arg12[%shift_right_arithmetic3A_4, %and3A_9, %broadcast_in_dim3A_2004], %add3A_1927 : memref<4x8x128xf32, #tpu.memory_space<vmem>>[vector<16xi32>, vector<16xi32>, vector<16xi32>], vector<16xf32>,
      tpu.vector_store_idx %arg12[%add3A_7, %and3A_9, %broadcast_in_dim3A_2004], %add3A_1932 : memref<4x8x128xf32, #tpu.memory_space<vmem>>[vector<16xi32>, vector<16xi32>, vector<16xi32>], vector<16xf32>,
      %broadcast_in_dim3A_2005 = arith.constant 25 : i32
      %broadcast_in_dim3A_2006 = vector.broadcast %broadcast_in_dim3A_2005 : i32 to vector<16xi32>
      tpu.vector_store_idx %arg12[%shift_right_arithmetic3A_4, %and3A_9, %broadcast_in_dim3A_2006], %add3A_1937 : memref<4x8x128xf32, #tpu.memory_space<vmem>>[vector<16xi32>, vector<16xi32>, vector<16xi32>], vector<16xf32>,
      tpu.vector_store_idx %arg12[%add3A_7, %and3A_9, %broadcast_in_dim3A_2006], %add3A_1942 : memref<4x8x128xf32, #tpu.memory_space<vmem>>[vector<16xi32>, vector<16xi32>, vector<16xi32>], vector<16xf32>,
      %broadcast_in_dim3A_2007 = arith.constant 26 : i32
      %broadcast_in_dim3A_2008 = vector.broadcast %broadcast_in_dim3A_2007 : i32 to vector<16xi32>
      tpu.vector_store_idx %arg12[%shift_right_arithmetic3A_4, %and3A_9, %broadcast_in_dim3A_2008], %add3A_1947 : memref<4x8x128xf32, #tpu.memory_space<vmem>>[vector<16xi32>, vector<16xi32>, vector<16xi32>], vector<16xf32>,
      tpu.vector_store_idx %arg12[%add3A_7, %and3A_9, %broadcast_in_dim3A_2008], %add3A_1952 : memref<4x8x128xf32, #tpu.memory_space<vmem>>[vector<16xi32>, vector<16xi32>, vector<16xi32>], vector<16xf32>,
      %broadcast_in_dim3A_2009 = arith.constant 27 : i32
      %broadcast_in_dim3A_2010 = vector.broadcast %broadcast_in_dim3A_2009 : i32 to vector<16xi32>
      tpu.vector_store_idx %arg12[%shift_right_arithmetic3A_4, %and3A_9, %broadcast_in_dim3A_2010], %add3A_1957 : memref<4x8x128xf32, #tpu.memory_space<vmem>>[vector<16xi32>, vector<16xi32>, vector<16xi32>], vector<16xf32>,
      tpu.vector_store_idx %arg12[%add3A_7, %and3A_9, %broadcast_in_dim3A_2010], %add3A_1962 : memref<4x8x128xf32, #tpu.memory_space<vmem>>[vector<16xi32>, vector<16xi32>, vector<16xi32>], vector<16xf32>,
      %broadcast_in_dim3A_2011 = arith.constant 28 : i32
      %broadcast_in_dim3A_2012 = vector.broadcast %broadcast_in_dim3A_2011 : i32 to vector<16xi32>
      tpu.vector_store_idx %arg12[%shift_right_arithmetic3A_4, %and3A_9, %broadcast_in_dim3A_2012], %add3A_1967 : memref<4x8x128xf32, #tpu.memory_space<vmem>>[vector<16xi32>, vector<16xi32>, vector<16xi32>], vector<16xf32>,
      tpu.vector_store_idx %arg12[%add3A_7, %and3A_9, %broadcast_in_dim3A_2012], %add3A_1972 : memref<4x8x128xf32, #tpu.memory_space<vmem>>[vector<16xi32>, vector<16xi32>, vector<16xi32>], vector<16xf32>,
      %broadcast_in_dim3A_2013 = arith.constant 29 : i32
      %broadcast_in_dim3A_2014 = vector.broadcast %broadcast_in_dim3A_2013 : i32 to vector<16xi32>
      tpu.vector_store_idx %arg12[%shift_right_arithmetic3A_4, %and3A_9, %broadcast_in_dim3A_2014], %add3A_1977 : memref<4x8x128xf32, #tpu.memory_space<vmem>>[vector<16xi32>, vector<16xi32>, vector<16xi32>], vector<16xf32>,
      tpu.vector_store_idx %arg12[%add3A_7, %and3A_9, %broadcast_in_dim3A_2014], %add3A_1982 : memref<4x8x128xf32, #tpu.memory_space<vmem>>[vector<16xi32>, vector<16xi32>, vector<16xi32>], vector<16xf32>,
      %broadcast_in_dim3A_2015 = arith.constant 30 : i32
      %broadcast_in_dim3A_2016 = vector.broadcast %broadcast_in_dim3A_2015 : i32 to vector<16xi32>
      tpu.vector_store_idx %arg12[%shift_right_arithmetic3A_4, %and3A_9, %broadcast_in_dim3A_2016], %add3A_1987 : memref<4x8x128xf32, #tpu.memory_space<vmem>>[vector<16xi32>, vector<16xi32>, vector<16xi32>], vector<16xf32>,
      tpu.vector_store_idx %arg12[%add3A_7, %and3A_9, %broadcast_in_dim3A_2016], %add3A_1992 : memref<4x8x128xf32, #tpu.memory_space<vmem>>[vector<16xi32>, vector<16xi32>, vector<16xi32>], vector<16xf32>,
      %broadcast_in_dim3A_2017 = arith.constant 31 : i32
      %broadcast_in_dim3A_2018 = vector.broadcast %broadcast_in_dim3A_2017 : i32 to vector<16xi32>
      tpu.vector_store_idx %arg12[%shift_right_arithmetic3A_4, %and3A_9, %broadcast_in_dim3A_2018], %add3A_1997 : memref<4x8x128xf32, #tpu.memory_space<vmem>>[vector<16xi32>, vector<16xi32>, vector<16xi32>], vector<16xf32>,
      tpu.vector_store_idx %arg12[%add3A_7, %and3A_9, %broadcast_in_dim3A_2018], %add3A_2002 : memref<4x8x128xf32, #tpu.memory_space<vmem>>[vector<16xi32>, vector<16xi32>, vector<16xi32>], vector<16xf32>,
      %get3A_2019 = arith.constant 32 : i32
      %get3A_2020 = arith.index_cast %get3A_2019 : i32 to index
      %get3A_2021 = arith.constant 0 : index
      %get3A_2022 = tpu.vector_load %arg10[%get3A_2020, %get3A_2021] {strides = array<i32>} : memref<128x32xf32, #tpu.memory_space<vmem>>, vector<16xf32>,
      %add3A_2023 = arith.addf %get3A_2022, %get3A_1631 : vector<16xf32>
      %get3A_2024 = arith.constant 32 : i32
      %get3A_2025 = arith.index_cast %get3A_2024 : i32 to index
      %get3A_2026 = arith.constant 16 : index
      %get3A_2027 = tpu.vector_load %arg10[%get3A_2025, %get3A_2026] {strides = array<i32>} : memref<128x32xf32, #tpu.memory_space<vmem>>, vector<16xf32>,
      %add3A_2028 = arith.addf %get3A_2027, %get3A_1634 : vector<16xf32>
      %get3A_2029 = arith.constant 33 : i32
      %get3A_2030 = arith.index_cast %get3A_2029 : i32 to index
      %get3A_2031 = arith.constant 0 : index
      %get3A_2032 = tpu.vector_load %arg10[%get3A_2030, %get3A_2031] {strides = array<i32>} : memref<128x32xf32, #tpu.memory_space<vmem>>, vector<16xf32>,
      %add3A_2033 = arith.addf %get3A_2032, %get3A_1631 : vector<16xf32>
      %get3A_2034 = arith.constant 33 : i32
      %get3A_2035 = arith.index_cast %get3A_2034 : i32 to index
      %get3A_2036 = arith.constant 16 : index
      %get3A_2037 = tpu.vector_load %arg10[%get3A_2035, %get3A_2036] {strides = array<i32>} : memref<128x32xf32, #tpu.memory_space<vmem>>, vector<16xf32>,
      %add3A_2038 = arith.addf %get3A_2037, %get3A_1634 : vector<16xf32>
      %get3A_2039 = arith.constant 34 : i32
      %get3A_2040 = arith.index_cast %get3A_2039 : i32 to index
      %get3A_2041 = arith.constant 0 : index
      %get3A_2042 = tpu.vector_load %arg10[%get3A_2040, %get3A_2041] {strides = array<i32>} : memref<128x32xf32, #tpu.memory_space<vmem>>, vector<16xf32>,
      %add3A_2043 = arith.addf %get3A_2042, %get3A_1631 : vector<16xf32>
      %get3A_2044 = arith.constant 34 : i32
      %get3A_2045 = arith.index_cast %get3A_2044 : i32 to index
      %get3A_2046 = arith.constant 16 : index
      %get3A_2047 = tpu.vector_load %arg10[%get3A_2045, %get3A_2046] {strides = array<i32>} : memref<128x32xf32, #tpu.memory_space<vmem>>, vector<16xf32>,
      %add3A_2048 = arith.addf %get3A_2047, %get3A_1634 : vector<16xf32>
      %get3A_2049 = arith.constant 35 : i32
      %get3A_2050 = arith.index_cast %get3A_2049 : i32 to index
      %get3A_2051 = arith.constant 0 : index
      %get3A_2052 = tpu.vector_load %arg10[%get3A_2050, %get3A_2051] {strides = array<i32>} : memref<128x32xf32, #tpu.memory_space<vmem>>, vector<16xf32>,
      %add3A_2053 = arith.addf %get3A_2052, %get3A_1631 : vector<16xf32>
      %get3A_2054 = arith.constant 35 : i32
      %get3A_2055 = arith.index_cast %get3A_2054 : i32 to index
      %get3A_2056 = arith.constant 16 : index
      %get3A_2057 = tpu.vector_load %arg10[%get3A_2055, %get3A_2056] {strides = array<i32>} : memref<128x32xf32, #tpu.memory_space<vmem>>, vector<16xf32>,
      %add3A_2058 = arith.addf %get3A_2057, %get3A_1634 : vector<16xf32>
      %get3A_2059 = arith.constant 36 : i32
      %get3A_2060 = arith.index_cast %get3A_2059 : i32 to index
      %get3A_2061 = arith.constant 0 : index
      %get3A_2062 = tpu.vector_load %arg10[%get3A_2060, %get3A_2061] {strides = array<i32>} : memref<128x32xf32, #tpu.memory_space<vmem>>, vector<16xf32>,
      %add3A_2063 = arith.addf %get3A_2062, %get3A_1631 : vector<16xf32>
      %get3A_2064 = arith.constant 36 : i32
      %get3A_2065 = arith.index_cast %get3A_2064 : i32 to index
      %get3A_2066 = arith.constant 16 : index
      %get3A_2067 = tpu.vector_load %arg10[%get3A_2065, %get3A_2066] {strides = array<i32>} : memref<128x32xf32, #tpu.memory_space<vmem>>, vector<16xf32>,
      %add3A_2068 = arith.addf %get3A_2067, %get3A_1634 : vector<16xf32>
      %get3A_2069 = arith.constant 37 : i32
      %get3A_2070 = arith.index_cast %get3A_2069 : i32 to index
      %get3A_2071 = arith.constant 0 : index
      %get3A_2072 = tpu.vector_load %arg10[%get3A_2070, %get3A_2071] {strides = array<i32>} : memref<128x32xf32, #tpu.memory_space<vmem>>, vector<16xf32>,
      %add3A_2073 = arith.addf %get3A_2072, %get3A_1631 : vector<16xf32>
      %get3A_2074 = arith.constant 37 : i32
      %get3A_2075 = arith.index_cast %get3A_2074 : i32 to index
      %get3A_2076 = arith.constant 16 : index
      %get3A_2077 = tpu.vector_load %arg10[%get3A_2075, %get3A_2076] {strides = array<i32>} : memref<128x32xf32, #tpu.memory_space<vmem>>, vector<16xf32>,
      %add3A_2078 = arith.addf %get3A_2077, %get3A_1634 : vector<16xf32>
      %get3A_2079 = arith.constant 38 : i32
      %get3A_2080 = arith.index_cast %get3A_2079 : i32 to index
      %get3A_2081 = arith.constant 0 : index
      %get3A_2082 = tpu.vector_load %arg10[%get3A_2080, %get3A_2081] {strides = array<i32>} : memref<128x32xf32, #tpu.memory_space<vmem>>, vector<16xf32>,
      %add3A_2083 = arith.addf %get3A_2082, %get3A_1631 : vector<16xf32>
      %get3A_2084 = arith.constant 38 : i32
      %get3A_2085 = arith.index_cast %get3A_2084 : i32 to index
      %get3A_2086 = arith.constant 16 : index
      %get3A_2087 = tpu.vector_load %arg10[%get3A_2085, %get3A_2086] {strides = array<i32>} : memref<128x32xf32, #tpu.memory_space<vmem>>, vector<16xf32>,
      %add3A_2088 = arith.addf %get3A_2087, %get3A_1634 : vector<16xf32>
      %get3A_2089 = arith.constant 39 : i32
      %get3A_2090 = arith.index_cast %get3A_2089 : i32 to index
      %get3A_2091 = arith.constant 0 : index
      %get3A_2092 = tpu.vector_load %arg10[%get3A_2090, %get3A_2091] {strides = array<i32>} : memref<128x32xf32, #tpu.memory_space<vmem>>, vector<16xf32>,
      %add3A_2093 = arith.addf %get3A_2092, %get3A_1631 : vector<16xf32>
      %get3A_2094 = arith.constant 39 : i32
      %get3A_2095 = arith.index_cast %get3A_2094 : i32 to index
      %get3A_2096 = arith.constant 16 : index
      %get3A_2097 = tpu.vector_load %arg10[%get3A_2095, %get3A_2096] {strides = array<i32>} : memref<128x32xf32, #tpu.memory_space<vmem>>, vector<16xf32>,
      %add3A_2098 = arith.addf %get3A_2097, %get3A_1634 : vector<16xf32>
      %broadcast_in_dim3A_2099 = arith.constant 32 : i32
      %broadcast_in_dim3A_2100 = vector.broadcast %broadcast_in_dim3A_2099 : i32 to vector<16xi32>
      tpu.vector_store_idx %arg12[%shift_right_arithmetic3A_4, %and3A_9, %broadcast_in_dim3A_2100], %add3A_2023 : memref<4x8x128xf32, #tpu.memory_space<vmem>>[vector<16xi32>, vector<16xi32>, vector<16xi32>], vector<16xf32>,
      tpu.vector_store_idx %arg12[%add3A_7, %and3A_9, %broadcast_in_dim3A_2100], %add3A_2028 : memref<4x8x128xf32, #tpu.memory_space<vmem>>[vector<16xi32>, vector<16xi32>, vector<16xi32>], vector<16xf32>,
      %broadcast_in_dim3A_2101 = arith.constant 33 : i32
      %broadcast_in_dim3A_2102 = vector.broadcast %broadcast_in_dim3A_2101 : i32 to vector<16xi32>
      tpu.vector_store_idx %arg12[%shift_right_arithmetic3A_4, %and3A_9, %broadcast_in_dim3A_2102], %add3A_2033 : memref<4x8x128xf32, #tpu.memory_space<vmem>>[vector<16xi32>, vector<16xi32>, vector<16xi32>], vector<16xf32>,
      tpu.vector_store_idx %arg12[%add3A_7, %and3A_9, %broadcast_in_dim3A_2102], %add3A_2038 : memref<4x8x128xf32, #tpu.memory_space<vmem>>[vector<16xi32>, vector<16xi32>, vector<16xi32>], vector<16xf32>,
      %broadcast_in_dim3A_2103 = arith.constant 34 : i32
      %broadcast_in_dim3A_2104 = vector.broadcast %broadcast_in_dim3A_2103 : i32 to vector<16xi32>
      tpu.vector_store_idx %arg12[%shift_right_arithmetic3A_4, %and3A_9, %broadcast_in_dim3A_2104], %add3A_2043 : memref<4x8x128xf32, #tpu.memory_space<vmem>>[vector<16xi32>, vector<16xi32>, vector<16xi32>], vector<16xf32>,
      tpu.vector_store_idx %arg12[%add3A_7, %and3A_9, %broadcast_in_dim3A_2104], %add3A_2048 : memref<4x8x128xf32, #tpu.memory_space<vmem>>[vector<16xi32>, vector<16xi32>, vector<16xi32>], vector<16xf32>,
      %broadcast_in_dim3A_2105 = arith.constant 35 : i32
      %broadcast_in_dim3A_2106 = vector.broadcast %broadcast_in_dim3A_2105 : i32 to vector<16xi32>
      tpu.vector_store_idx %arg12[%shift_right_arithmetic3A_4, %and3A_9, %broadcast_in_dim3A_2106], %add3A_2053 : memref<4x8x128xf32, #tpu.memory_space<vmem>>[vector<16xi32>, vector<16xi32>, vector<16xi32>], vector<16xf32>,
      tpu.vector_store_idx %arg12[%add3A_7, %and3A_9, %broadcast_in_dim3A_2106], %add3A_2058 : memref<4x8x128xf32, #tpu.memory_space<vmem>>[vector<16xi32>, vector<16xi32>, vector<16xi32>], vector<16xf32>,
      %broadcast_in_dim3A_2107 = arith.constant 36 : i32
      %broadcast_in_dim3A_2108 = vector.broadcast %broadcast_in_dim3A_2107 : i32 to vector<16xi32>
      tpu.vector_store_idx %arg12[%shift_right_arithmetic3A_4, %and3A_9, %broadcast_in_dim3A_2108], %add3A_2063 : memref<4x8x128xf32, #tpu.memory_space<vmem>>[vector<16xi32>, vector<16xi32>, vector<16xi32>], vector<16xf32>,
      tpu.vector_store_idx %arg12[%add3A_7, %and3A_9, %broadcast_in_dim3A_2108], %add3A_2068 : memref<4x8x128xf32, #tpu.memory_space<vmem>>[vector<16xi32>, vector<16xi32>, vector<16xi32>], vector<16xf32>,
      %broadcast_in_dim3A_2109 = arith.constant 37 : i32
      %broadcast_in_dim3A_2110 = vector.broadcast %broadcast_in_dim3A_2109 : i32 to vector<16xi32>
      tpu.vector_store_idx %arg12[%shift_right_arithmetic3A_4, %and3A_9, %broadcast_in_dim3A_2110], %add3A_2073 : memref<4x8x128xf32, #tpu.memory_space<vmem>>[vector<16xi32>, vector<16xi32>, vector<16xi32>], vector<16xf32>,
      tpu.vector_store_idx %arg12[%add3A_7, %and3A_9, %broadcast_in_dim3A_2110], %add3A_2078 : memref<4x8x128xf32, #tpu.memory_space<vmem>>[vector<16xi32>, vector<16xi32>, vector<16xi32>], vector<16xf32>,
      %broadcast_in_dim3A_2111 = arith.constant 38 : i32
      %broadcast_in_dim3A_2112 = vector.broadcast %broadcast_in_dim3A_2111 : i32 to vector<16xi32>
      tpu.vector_store_idx %arg12[%shift_right_arithmetic3A_4, %and3A_9, %broadcast_in_dim3A_2112], %add3A_2083 : memref<4x8x128xf32, #tpu.memory_space<vmem>>[vector<16xi32>, vector<16xi32>, vector<16xi32>], vector<16xf32>,
      tpu.vector_store_idx %arg12[%add3A_7, %and3A_9, %broadcast_in_dim3A_2112], %add3A_2088 : memref<4x8x128xf32, #tpu.memory_space<vmem>>[vector<16xi32>, vector<16xi32>, vector<16xi32>], vector<16xf32>,
      %broadcast_in_dim3A_2113 = arith.constant 39 : i32
      %broadcast_in_dim3A_2114 = vector.broadcast %broadcast_in_dim3A_2113 : i32 to vector<16xi32>
      tpu.vector_store_idx %arg12[%shift_right_arithmetic3A_4, %and3A_9, %broadcast_in_dim3A_2114], %add3A_2093 : memref<4x8x128xf32, #tpu.memory_space<vmem>>[vector<16xi32>, vector<16xi32>, vector<16xi32>], vector<16xf32>,
      tpu.vector_store_idx %arg12[%add3A_7, %and3A_9, %broadcast_in_dim3A_2114], %add3A_2098 : memref<4x8x128xf32, #tpu.memory_space<vmem>>[vector<16xi32>, vector<16xi32>, vector<16xi32>], vector<16xf32>,
      %get3A_2115 = arith.constant 40 : i32
      %get3A_2116 = arith.index_cast %get3A_2115 : i32 to index
      %get3A_2117 = arith.constant 0 : index
      %get3A_2118 = tpu.vector_load %arg10[%get3A_2116, %get3A_2117] {strides = array<i32>} : memref<128x32xf32, #tpu.memory_space<vmem>>, vector<16xf32>,
      %add3A_2119 = arith.addf %get3A_2118, %get3A_1631 : vector<16xf32>
      %get3A_2120 = arith.constant 40 : i32
      %get3A_2121 = arith.index_cast %get3A_2120 : i32 to index
      %get3A_2122 = arith.constant 16 : index
      %get3A_2123 = tpu.vector_load %arg10[%get3A_2121, %get3A_2122] {strides = array<i32>} : memref<128x32xf32, #tpu.memory_space<vmem>>, vector<16xf32>,
      %add3A_2124 = arith.addf %get3A_2123, %get3A_1634 : vector<16xf32>
      %get3A_2125 = arith.constant 41 : i32
      %get3A_2126 = arith.index_cast %get3A_2125 : i32 to index
      %get3A_2127 = arith.constant 0 : index
      %get3A_2128 = tpu.vector_load %arg10[%get3A_2126, %get3A_2127] {strides = array<i32>} : memref<128x32xf32, #tpu.memory_space<vmem>>, vector<16xf32>,
      %add3A_2129 = arith.addf %get3A_2128, %get3A_1631 : vector<16xf32>
      %get3A_2130 = arith.constant 41 : i32
      %get3A_2131 = arith.index_cast %get3A_2130 : i32 to index
      %get3A_2132 = arith.constant 16 : index
      %get3A_2133 = tpu.vector_load %arg10[%get3A_2131, %get3A_2132] {strides = array<i32>} : memref<128x32xf32, #tpu.memory_space<vmem>>, vector<16xf32>,
      %add3A_2134 = arith.addf %get3A_2133, %get3A_1634 : vector<16xf32>
      %get3A_2135 = arith.constant 42 : i32
      %get3A_2136 = arith.index_cast %get3A_2135 : i32 to index
      %get3A_2137 = arith.constant 0 : index
      %get3A_2138 = tpu.vector_load %arg10[%get3A_2136, %get3A_2137] {strides = array<i32>} : memref<128x32xf32, #tpu.memory_space<vmem>>, vector<16xf32>,
      %add3A_2139 = arith.addf %get3A_2138, %get3A_1631 : vector<16xf32>
      %get3A_2140 = arith.constant 42 : i32
      %get3A_2141 = arith.index_cast %get3A_2140 : i32 to index
      %get3A_2142 = arith.constant 16 : index
      %get3A_2143 = tpu.vector_load %arg10[%get3A_2141, %get3A_2142] {strides = array<i32>} : memref<128x32xf32, #tpu.memory_space<vmem>>, vector<16xf32>,
      %add3A_2144 = arith.addf %get3A_2143, %get3A_1634 : vector<16xf32>
      %get3A_2145 = arith.constant 43 : i32
      %get3A_2146 = arith.index_cast %get3A_2145 : i32 to index
      %get3A_2147 = arith.constant 0 : index
      %get3A_2148 = tpu.vector_load %arg10[%get3A_2146, %get3A_2147] {strides = array<i32>} : memref<128x32xf32, #tpu.memory_space<vmem>>, vector<16xf32>,
      %add3A_2149 = arith.addf %get3A_2148, %get3A_1631 : vector<16xf32>
      %get3A_2150 = arith.constant 43 : i32
      %get3A_2151 = arith.index_cast %get3A_2150 : i32 to index
      %get3A_2152 = arith.constant 16 : index
      %get3A_2153 = tpu.vector_load %arg10[%get3A_2151, %get3A_2152] {strides = array<i32>} : memref<128x32xf32, #tpu.memory_space<vmem>>, vector<16xf32>,
      %add3A_2154 = arith.addf %get3A_2153, %get3A_1634 : vector<16xf32>
      %get3A_2155 = arith.constant 44 : i32
      %get3A_2156 = arith.index_cast %get3A_2155 : i32 to index
      %get3A_2157 = arith.constant 0 : index
      %get3A_2158 = tpu.vector_load %arg10[%get3A_2156, %get3A_2157] {strides = array<i32>} : memref<128x32xf32, #tpu.memory_space<vmem>>, vector<16xf32>,
      %add3A_2159 = arith.addf %get3A_2158, %get3A_1631 : vector<16xf32>
      %get3A_2160 = arith.constant 44 : i32
      %get3A_2161 = arith.index_cast %get3A_2160 : i32 to index
      %get3A_2162 = arith.constant 16 : index
      %get3A_2163 = tpu.vector_load %arg10[%get3A_2161, %get3A_2162] {strides = array<i32>} : memref<128x32xf32, #tpu.memory_space<vmem>>, vector<16xf32>,
      %add3A_2164 = arith.addf %get3A_2163, %get3A_1634 : vector<16xf32>
      %get3A_2165 = arith.constant 45 : i32
      %get3A_2166 = arith.index_cast %get3A_2165 : i32 to index
      %get3A_2167 = arith.constant 0 : index
      %get3A_2168 = tpu.vector_load %arg10[%get3A_2166, %get3A_2167] {strides = array<i32>} : memref<128x32xf32, #tpu.memory_space<vmem>>, vector<16xf32>,
      %add3A_2169 = arith.addf %get3A_2168, %get3A_1631 : vector<16xf32>
      %get3A_2170 = arith.constant 45 : i32
      %get3A_2171 = arith.index_cast %get3A_2170 : i32 to index
      %get3A_2172 = arith.constant 16 : index
      %get3A_2173 = tpu.vector_load %arg10[%get3A_2171, %get3A_2172] {strides = array<i32>} : memref<128x32xf32, #tpu.memory_space<vmem>>, vector<16xf32>,
      %add3A_2174 = arith.addf %get3A_2173, %get3A_1634 : vector<16xf32>
      %get3A_2175 = arith.constant 46 : i32
      %get3A_2176 = arith.index_cast %get3A_2175 : i32 to index
      %get3A_2177 = arith.constant 0 : index
      %get3A_2178 = tpu.vector_load %arg10[%get3A_2176, %get3A_2177] {strides = array<i32>} : memref<128x32xf32, #tpu.memory_space<vmem>>, vector<16xf32>,
      %add3A_2179 = arith.addf %get3A_2178, %get3A_1631 : vector<16xf32>
      %get3A_2180 = arith.constant 46 : i32
      %get3A_2181 = arith.index_cast %get3A_2180 : i32 to index
      %get3A_2182 = arith.constant 16 : index
      %get3A_2183 = tpu.vector_load %arg10[%get3A_2181, %get3A_2182] {strides = array<i32>} : memref<128x32xf32, #tpu.memory_space<vmem>>, vector<16xf32>,
      %add3A_2184 = arith.addf %get3A_2183, %get3A_1634 : vector<16xf32>
      %get3A_2185 = arith.constant 47 : i32
      %get3A_2186 = arith.index_cast %get3A_2185 : i32 to index
      %get3A_2187 = arith.constant 0 : index
      %get3A_2188 = tpu.vector_load %arg10[%get3A_2186, %get3A_2187] {strides = array<i32>} : memref<128x32xf32, #tpu.memory_space<vmem>>, vector<16xf32>,
      %add3A_2189 = arith.addf %get3A_2188, %get3A_1631 : vector<16xf32>
      %get3A_2190 = arith.constant 47 : i32
      %get3A_2191 = arith.index_cast %get3A_2190 : i32 to index
      %get3A_2192 = arith.constant 16 : index
      %get3A_2193 = tpu.vector_load %arg10[%get3A_2191, %get3A_2192] {strides = array<i32>} : memref<128x32xf32, #tpu.memory_space<vmem>>, vector<16xf32>,
      %add3A_2194 = arith.addf %get3A_2193, %get3A_1634 : vector<16xf32>
      %broadcast_in_dim3A_2195 = arith.constant 40 : i32
      %broadcast_in_dim3A_2196 = vector.broadcast %broadcast_in_dim3A_2195 : i32 to vector<16xi32>
      tpu.vector_store_idx %arg12[%shift_right_arithmetic3A_4, %and3A_9, %broadcast_in_dim3A_2196], %add3A_2119 : memref<4x8x128xf32, #tpu.memory_space<vmem>>[vector<16xi32>, vector<16xi32>, vector<16xi32>], vector<16xf32>,
      tpu.vector_store_idx %arg12[%add3A_7, %and3A_9, %broadcast_in_dim3A_2196], %add3A_2124 : memref<4x8x128xf32, #tpu.memory_space<vmem>>[vector<16xi32>, vector<16xi32>, vector<16xi32>], vector<16xf32>,
      %broadcast_in_dim3A_2197 = arith.constant 41 : i32
      %broadcast_in_dim3A_2198 = vector.broadcast %broadcast_in_dim3A_2197 : i32 to vector<16xi32>
      tpu.vector_store_idx %arg12[%shift_right_arithmetic3A_4, %and3A_9, %broadcast_in_dim3A_2198], %add3A_2129 : memref<4x8x128xf32, #tpu.memory_space<vmem>>[vector<16xi32>, vector<16xi32>, vector<16xi32>], vector<16xf32>,
      tpu.vector_store_idx %arg12[%add3A_7, %and3A_9, %broadcast_in_dim3A_2198], %add3A_2134 : memref<4x8x128xf32, #tpu.memory_space<vmem>>[vector<16xi32>, vector<16xi32>, vector<16xi32>], vector<16xf32>,
      %broadcast_in_dim3A_2199 = arith.constant 42 : i32
      %broadcast_in_dim3A_2200 = vector.broadcast %broadcast_in_dim3A_2199 : i32 to vector<16xi32>
      tpu.vector_store_idx %arg12[%shift_right_arithmetic3A_4, %and3A_9, %broadcast_in_dim3A_2200], %add3A_2139 : memref<4x8x128xf32, #tpu.memory_space<vmem>>[vector<16xi32>, vector<16xi32>, vector<16xi32>], vector<16xf32>,
      tpu.vector_store_idx %arg12[%add3A_7, %and3A_9, %broadcast_in_dim3A_2200], %add3A_2144 : memref<4x8x128xf32, #tpu.memory_space<vmem>>[vector<16xi32>, vector<16xi32>, vector<16xi32>], vector<16xf32>,
      %broadcast_in_dim3A_2201 = arith.constant 43 : i32
      %broadcast_in_dim3A_2202 = vector.broadcast %broadcast_in_dim3A_2201 : i32 to vector<16xi32>
      tpu.vector_store_idx %arg12[%shift_right_arithmetic3A_4, %and3A_9, %broadcast_in_dim3A_2202], %add3A_2149 : memref<4x8x128xf32, #tpu.memory_space<vmem>>[vector<16xi32>, vector<16xi32>, vector<16xi32>], vector<16xf32>,
      tpu.vector_store_idx %arg12[%add3A_7, %and3A_9, %broadcast_in_dim3A_2202], %add3A_2154 : memref<4x8x128xf32, #tpu.memory_space<vmem>>[vector<16xi32>, vector<16xi32>, vector<16xi32>], vector<16xf32>,
      %broadcast_in_dim3A_2203 = arith.constant 44 : i32
      %broadcast_in_dim3A_2204 = vector.broadcast %broadcast_in_dim3A_2203 : i32 to vector<16xi32>
      tpu.vector_store_idx %arg12[%shift_right_arithmetic3A_4, %and3A_9, %broadcast_in_dim3A_2204], %add3A_2159 : memref<4x8x128xf32, #tpu.memory_space<vmem>>[vector<16xi32>, vector<16xi32>, vector<16xi32>], vector<16xf32>,
      tpu.vector_store_idx %arg12[%add3A_7, %and3A_9, %broadcast_in_dim3A_2204], %add3A_2164 : memref<4x8x128xf32, #tpu.memory_space<vmem>>[vector<16xi32>, vector<16xi32>, vector<16xi32>], vector<16xf32>,
      %broadcast_in_dim3A_2205 = arith.constant 45 : i32
      %broadcast_in_dim3A_2206 = vector.broadcast %broadcast_in_dim3A_2205 : i32 to vector<16xi32>
      tpu.vector_store_idx %arg12[%shift_right_arithmetic3A_4, %and3A_9, %broadcast_in_dim3A_2206], %add3A_2169 : memref<4x8x128xf32, #tpu.memory_space<vmem>>[vector<16xi32>, vector<16xi32>, vector<16xi32>], vector<16xf32>,
      tpu.vector_store_idx %arg12[%add3A_7, %and3A_9, %broadcast_in_dim3A_2206], %add3A_2174 : memref<4x8x128xf32, #tpu.memory_space<vmem>>[vector<16xi32>, vector<16xi32>, vector<16xi32>], vector<16xf32>,
      %broadcast_in_dim3A_2207 = arith.constant 46 : i32
      %broadcast_in_dim3A_2208 = vector.broadcast %broadcast_in_dim3A_2207 : i32 to vector<16xi32>
      tpu.vector_store_idx %arg12[%shift_right_arithmetic3A_4, %and3A_9, %broadcast_in_dim3A_2208], %add3A_2179 : memref<4x8x128xf32, #tpu.memory_space<vmem>>[vector<16xi32>, vector<16xi32>, vector<16xi32>], vector<16xf32>,
      tpu.vector_store_idx %arg12[%add3A_7, %and3A_9, %broadcast_in_dim3A_2208], %add3A_2184 : memref<4x8x128xf32, #tpu.memory_space<vmem>>[vector<16xi32>, vector<16xi32>, vector<16xi32>], vector<16xf32>,
      %broadcast_in_dim3A_2209 = arith.constant 47 : i32
      %broadcast_in_dim3A_2210 = vector.broadcast %broadcast_in_dim3A_2209 : i32 to vector<16xi32>
      tpu.vector_store_idx %arg12[%shift_right_arithmetic3A_4, %and3A_9, %broadcast_in_dim3A_2210], %add3A_2189 : memref<4x8x128xf32, #tpu.memory_space<vmem>>[vector<16xi32>, vector<16xi32>, vector<16xi32>], vector<16xf32>,
      tpu.vector_store_idx %arg12[%add3A_7, %and3A_9, %broadcast_in_dim3A_2210], %add3A_2194 : memref<4x8x128xf32, #tpu.memory_space<vmem>>[vector<16xi32>, vector<16xi32>, vector<16xi32>], vector<16xf32>,
      %get3A_2211 = arith.constant 48 : i32
      %get3A_2212 = arith.index_cast %get3A_2211 : i32 to index
      %get3A_2213 = arith.constant 0 : index
      %get3A_2214 = tpu.vector_load %arg10[%get3A_2212, %get3A_2213] {strides = array<i32>} : memref<128x32xf32, #tpu.memory_space<vmem>>, vector<16xf32>,
      %add3A_2215 = arith.addf %get3A_2214, %get3A_1631 : vector<16xf32>
      %get3A_2216 = arith.constant 48 : i32
      %get3A_2217 = arith.index_cast %get3A_2216 : i32 to index
      %get3A_2218 = arith.constant 16 : index
      %get3A_2219 = tpu.vector_load %arg10[%get3A_2217, %get3A_2218] {strides = array<i32>} : memref<128x32xf32, #tpu.memory_space<vmem>>, vector<16xf32>,
      %add3A_2220 = arith.addf %get3A_2219, %get3A_1634 : vector<16xf32>
      %get3A_2221 = arith.constant 49 : i32
      %get3A_2222 = arith.index_cast %get3A_2221 : i32 to index
      %get3A_2223 = arith.constant 0 : index
      %get3A_2224 = tpu.vector_load %arg10[%get3A_2222, %get3A_2223] {strides = array<i32>} : memref<128x32xf32, #tpu.memory_space<vmem>>, vector<16xf32>,
      %add3A_2225 = arith.addf %get3A_2224, %get3A_1631 : vector<16xf32>
      %get3A_2226 = arith.constant 49 : i32
      %get3A_2227 = arith.index_cast %get3A_2226 : i32 to index
      %get3A_2228 = arith.constant 16 : index
      %get3A_2229 = tpu.vector_load %arg10[%get3A_2227, %get3A_2228] {strides = array<i32>} : memref<128x32xf32, #tpu.memory_space<vmem>>, vector<16xf32>,
      %add3A_2230 = arith.addf %get3A_2229, %get3A_1634 : vector<16xf32>
      %get3A_2231 = arith.constant 50 : i32
      %get3A_2232 = arith.index_cast %get3A_2231 : i32 to index
      %get3A_2233 = arith.constant 0 : index
      %get3A_2234 = tpu.vector_load %arg10[%get3A_2232, %get3A_2233] {strides = array<i32>} : memref<128x32xf32, #tpu.memory_space<vmem>>, vector<16xf32>,
      %add3A_2235 = arith.addf %get3A_2234, %get3A_1631 : vector<16xf32>
      %get3A_2236 = arith.constant 50 : i32
      %get3A_2237 = arith.index_cast %get3A_2236 : i32 to index
      %get3A_2238 = arith.constant 16 : index
      %get3A_2239 = tpu.vector_load %arg10[%get3A_2237, %get3A_2238] {strides = array<i32>} : memref<128x32xf32, #tpu.memory_space<vmem>>, vector<16xf32>,
      %add3A_2240 = arith.addf %get3A_2239, %get3A_1634 : vector<16xf32>
      %get3A_2241 = arith.constant 51 : i32
      %get3A_2242 = arith.index_cast %get3A_2241 : i32 to index
      %get3A_2243 = arith.constant 0 : index
      %get3A_2244 = tpu.vector_load %arg10[%get3A_2242, %get3A_2243] {strides = array<i32>} : memref<128x32xf32, #tpu.memory_space<vmem>>, vector<16xf32>,
      %add3A_2245 = arith.addf %get3A_2244, %get3A_1631 : vector<16xf32>
      %get3A_2246 = arith.constant 51 : i32
      %get3A_2247 = arith.index_cast %get3A_2246 : i32 to index
      %get3A_2248 = arith.constant 16 : index
      %get3A_2249 = tpu.vector_load %arg10[%get3A_2247, %get3A_2248] {strides = array<i32>} : memref<128x32xf32, #tpu.memory_space<vmem>>, vector<16xf32>,
      %add3A_2250 = arith.addf %get3A_2249, %get3A_1634 : vector<16xf32>
      %get3A_2251 = arith.constant 52 : i32
      %get3A_2252 = arith.index_cast %get3A_2251 : i32 to index
      %get3A_2253 = arith.constant 0 : index
      %get3A_2254 = tpu.vector_load %arg10[%get3A_2252, %get3A_2253] {strides = array<i32>} : memref<128x32xf32, #tpu.memory_space<vmem>>, vector<16xf32>,
      %add3A_2255 = arith.addf %get3A_2254, %get3A_1631 : vector<16xf32>
      %get3A_2256 = arith.constant 52 : i32
      %get3A_2257 = arith.index_cast %get3A_2256 : i32 to index
      %get3A_2258 = arith.constant 16 : index
      %get3A_2259 = tpu.vector_load %arg10[%get3A_2257, %get3A_2258] {strides = array<i32>} : memref<128x32xf32, #tpu.memory_space<vmem>>, vector<16xf32>,
      %add3A_2260 = arith.addf %get3A_2259, %get3A_1634 : vector<16xf32>
      %get3A_2261 = arith.constant 53 : i32
      %get3A_2262 = arith.index_cast %get3A_2261 : i32 to index
      %get3A_2263 = arith.constant 0 : index
      %get3A_2264 = tpu.vector_load %arg10[%get3A_2262, %get3A_2263] {strides = array<i32>} : memref<128x32xf32, #tpu.memory_space<vmem>>, vector<16xf32>,
      %add3A_2265 = arith.addf %get3A_2264, %get3A_1631 : vector<16xf32>
      %get3A_2266 = arith.constant 53 : i32
      %get3A_2267 = arith.index_cast %get3A_2266 : i32 to index
      %get3A_2268 = arith.constant 16 : index
      %get3A_2269 = tpu.vector_load %arg10[%get3A_2267, %get3A_2268] {strides = array<i32>} : memref<128x32xf32, #tpu.memory_space<vmem>>, vector<16xf32>,
      %add3A_2270 = arith.addf %get3A_2269, %get3A_1634 : vector<16xf32>
      %get3A_2271 = arith.constant 54 : i32
      %get3A_2272 = arith.index_cast %get3A_2271 : i32 to index
      %get3A_2273 = arith.constant 0 : index
      %get3A_2274 = tpu.vector_load %arg10[%get3A_2272, %get3A_2273] {strides = array<i32>} : memref<128x32xf32, #tpu.memory_space<vmem>>, vector<16xf32>,
      %add3A_2275 = arith.addf %get3A_2274, %get3A_1631 : vector<16xf32>
      %get3A_2276 = arith.constant 54 : i32
      %get3A_2277 = arith.index_cast %get3A_2276 : i32 to index
      %get3A_2278 = arith.constant 16 : index
      %get3A_2279 = tpu.vector_load %arg10[%get3A_2277, %get3A_2278] {strides = array<i32>} : memref<128x32xf32, #tpu.memory_space<vmem>>, vector<16xf32>,
      %add3A_2280 = arith.addf %get3A_2279, %get3A_1634 : vector<16xf32>
      %get3A_2281 = arith.constant 55 : i32
      %get3A_2282 = arith.index_cast %get3A_2281 : i32 to index
      %get3A_2283 = arith.constant 0 : index
      %get3A_2284 = tpu.vector_load %arg10[%get3A_2282, %get3A_2283] {strides = array<i32>} : memref<128x32xf32, #tpu.memory_space<vmem>>, vector<16xf32>,
      %add3A_2285 = arith.addf %get3A_2284, %get3A_1631 : vector<16xf32>
      %get3A_2286 = arith.constant 55 : i32
      %get3A_2287 = arith.index_cast %get3A_2286 : i32 to index
      %get3A_2288 = arith.constant 16 : index
      %get3A_2289 = tpu.vector_load %arg10[%get3A_2287, %get3A_2288] {strides = array<i32>} : memref<128x32xf32, #tpu.memory_space<vmem>>, vector<16xf32>,
      %add3A_2290 = arith.addf %get3A_2289, %get3A_1634 : vector<16xf32>
      %broadcast_in_dim3A_2291 = arith.constant 48 : i32
      %broadcast_in_dim3A_2292 = vector.broadcast %broadcast_in_dim3A_2291 : i32 to vector<16xi32>
      tpu.vector_store_idx %arg12[%shift_right_arithmetic3A_4, %and3A_9, %broadcast_in_dim3A_2292], %add3A_2215 : memref<4x8x128xf32, #tpu.memory_space<vmem>>[vector<16xi32>, vector<16xi32>, vector<16xi32>], vector<16xf32>,
      tpu.vector_store_idx %arg12[%add3A_7, %and3A_9, %broadcast_in_dim3A_2292], %add3A_2220 : memref<4x8x128xf32, #tpu.memory_space<vmem>>[vector<16xi32>, vector<16xi32>, vector<16xi32>], vector<16xf32>,
      %broadcast_in_dim3A_2293 = arith.constant 49 : i32
      %broadcast_in_dim3A_2294 = vector.broadcast %broadcast_in_dim3A_2293 : i32 to vector<16xi32>
      tpu.vector_store_idx %arg12[%shift_right_arithmetic3A_4, %and3A_9, %broadcast_in_dim3A_2294], %add3A_2225 : memref<4x8x128xf32, #tpu.memory_space<vmem>>[vector<16xi32>, vector<16xi32>, vector<16xi32>], vector<16xf32>,
      tpu.vector_store_idx %arg12[%add3A_7, %and3A_9, %broadcast_in_dim3A_2294], %add3A_2230 : memref<4x8x128xf32, #tpu.memory_space<vmem>>[vector<16xi32>, vector<16xi32>, vector<16xi32>], vector<16xf32>,
      %broadcast_in_dim3A_2295 = arith.constant 50 : i32
      %broadcast_in_dim3A_2296 = vector.broadcast %broadcast_in_dim3A_2295 : i32 to vector<16xi32>
      tpu.vector_store_idx %arg12[%shift_right_arithmetic3A_4, %and3A_9, %broadcast_in_dim3A_2296], %add3A_2235 : memref<4x8x128xf32, #tpu.memory_space<vmem>>[vector<16xi32>, vector<16xi32>, vector<16xi32>], vector<16xf32>,
      tpu.vector_store_idx %arg12[%add3A_7, %and3A_9, %broadcast_in_dim3A_2296], %add3A_2240 : memref<4x8x128xf32, #tpu.memory_space<vmem>>[vector<16xi32>, vector<16xi32>, vector<16xi32>], vector<16xf32>,
      %broadcast_in_dim3A_2297 = arith.constant 51 : i32
      %broadcast_in_dim3A_2298 = vector.broadcast %broadcast_in_dim3A_2297 : i32 to vector<16xi32>
      tpu.vector_store_idx %arg12[%shift_right_arithmetic3A_4, %and3A_9, %broadcast_in_dim3A_2298], %add3A_2245 : memref<4x8x128xf32, #tpu.memory_space<vmem>>[vector<16xi32>, vector<16xi32>, vector<16xi32>], vector<16xf32>,
      tpu.vector_store_idx %arg12[%add3A_7, %and3A_9, %broadcast_in_dim3A_2298], %add3A_2250 : memref<4x8x128xf32, #tpu.memory_space<vmem>>[vector<16xi32>, vector<16xi32>, vector<16xi32>], vector<16xf32>,
      %broadcast_in_dim3A_2299 = arith.constant 52 : i32
      %broadcast_in_dim3A_2300 = vector.broadcast %broadcast_in_dim3A_2299 : i32 to vector<16xi32>
      tpu.vector_store_idx %arg12[%shift_right_arithmetic3A_4, %and3A_9, %broadcast_in_dim3A_2300], %add3A_2255 : memref<4x8x128xf32, #tpu.memory_space<vmem>>[vector<16xi32>, vector<16xi32>, vector<16xi32>], vector<16xf32>,
      tpu.vector_store_idx %arg12[%add3A_7, %and3A_9, %broadcast_in_dim3A_2300], %add3A_2260 : memref<4x8x128xf32, #tpu.memory_space<vmem>>[vector<16xi32>, vector<16xi32>, vector<16xi32>], vector<16xf32>,
      %broadcast_in_dim3A_2301 = arith.constant 53 : i32
      %broadcast_in_dim3A_2302 = vector.broadcast %broadcast_in_dim3A_2301 : i32 to vector<16xi32>
      tpu.vector_store_idx %arg12[%shift_right_arithmetic3A_4, %and3A_9, %broadcast_in_dim3A_2302], %add3A_2265 : memref<4x8x128xf32, #tpu.memory_space<vmem>>[vector<16xi32>, vector<16xi32>, vector<16xi32>], vector<16xf32>,
      tpu.vector_store_idx %arg12[%add3A_7, %and3A_9, %broadcast_in_dim3A_2302], %add3A_2270 : memref<4x8x128xf32, #tpu.memory_space<vmem>>[vector<16xi32>, vector<16xi32>, vector<16xi32>], vector<16xf32>,
      %broadcast_in_dim3A_2303 = arith.constant 54 : i32
      %broadcast_in_dim3A_2304 = vector.broadcast %broadcast_in_dim3A_2303 : i32 to vector<16xi32>
      tpu.vector_store_idx %arg12[%shift_right_arithmetic3A_4, %and3A_9, %broadcast_in_dim3A_2304], %add3A_2275 : memref<4x8x128xf32, #tpu.memory_space<vmem>>[vector<16xi32>, vector<16xi32>, vector<16xi32>], vector<16xf32>,
      tpu.vector_store_idx %arg12[%add3A_7, %and3A_9, %broadcast_in_dim3A_2304], %add3A_2280 : memref<4x8x128xf32, #tpu.memory_space<vmem>>[vector<16xi32>, vector<16xi32>, vector<16xi32>], vector<16xf32>,
      %broadcast_in_dim3A_2305 = arith.constant 55 : i32
      %broadcast_in_dim3A_2306 = vector.broadcast %broadcast_in_dim3A_2305 : i32 to vector<16xi32>
      tpu.vector_store_idx %arg12[%shift_right_arithmetic3A_4, %and3A_9, %broadcast_in_dim3A_2306], %add3A_2285 : memref<4x8x128xf32, #tpu.memory_space<vmem>>[vector<16xi32>, vector<16xi32>, vector<16xi32>], vector<16xf32>,
      tpu.vector_store_idx %arg12[%add3A_7, %and3A_9, %broadcast_in_dim3A_2306], %add3A_2290 : memref<4x8x128xf32, #tpu.memory_space<vmem>>[vector<16xi32>, vector<16xi32>, vector<16xi32>], vector<16xf32>,
      %get3A_2307 = arith.constant 56 : i32
      %get3A_2308 = arith.index_cast %get3A_2307 : i32 to index
      %get3A_2309 = arith.constant 0 : index
      %get3A_2310 = tpu.vector_load %arg10[%get3A_2308, %get3A_2309] {strides = array<i32>} : memref<128x32xf32, #tpu.memory_space<vmem>>, vector<16xf32>,
      %add3A_2311 = arith.addf %get3A_2310, %get3A_1631 : vector<16xf32>
      %get3A_2312 = arith.constant 56 : i32
      %get3A_2313 = arith.index_cast %get3A_2312 : i32 to index
      %get3A_2314 = arith.constant 16 : index
      %get3A_2315 = tpu.vector_load %arg10[%get3A_2313, %get3A_2314] {strides = array<i32>} : memref<128x32xf32, #tpu.memory_space<vmem>>, vector<16xf32>,
      %add3A_2316 = arith.addf %get3A_2315, %get3A_1634 : vector<16xf32>
      %get3A_2317 = arith.constant 57 : i32
      %get3A_2318 = arith.index_cast %get3A_2317 : i32 to index
      %get3A_2319 = arith.constant 0 : index
      %get3A_2320 = tpu.vector_load %arg10[%get3A_2318, %get3A_2319] {strides = array<i32>} : memref<128x32xf32, #tpu.memory_space<vmem>>, vector<16xf32>,
      %add3A_2321 = arith.addf %get3A_2320, %get3A_1631 : vector<16xf32>
      %get3A_2322 = arith.constant 57 : i32
      %get3A_2323 = arith.index_cast %get3A_2322 : i32 to index
      %get3A_2324 = arith.constant 16 : index
      %get3A_2325 = tpu.vector_load %arg10[%get3A_2323, %get3A_2324] {strides = array<i32>} : memref<128x32xf32, #tpu.memory_space<vmem>>, vector<16xf32>,
      %add3A_2326 = arith.addf %get3A_2325, %get3A_1634 : vector<16xf32>
      %get3A_2327 = arith.constant 58 : i32
      %get3A_2328 = arith.index_cast %get3A_2327 : i32 to index
      %get3A_2329 = arith.constant 0 : index
      %get3A_2330 = tpu.vector_load %arg10[%get3A_2328, %get3A_2329] {strides = array<i32>} : memref<128x32xf32, #tpu.memory_space<vmem>>, vector<16xf32>,
      %add3A_2331 = arith.addf %get3A_2330, %get3A_1631 : vector<16xf32>
      %get3A_2332 = arith.constant 58 : i32
      %get3A_2333 = arith.index_cast %get3A_2332 : i32 to index
      %get3A_2334 = arith.constant 16 : index
      %get3A_2335 = tpu.vector_load %arg10[%get3A_2333, %get3A_2334] {strides = array<i32>} : memref<128x32xf32, #tpu.memory_space<vmem>>, vector<16xf32>,
      %add3A_2336 = arith.addf %get3A_2335, %get3A_1634 : vector<16xf32>
      %get3A_2337 = arith.constant 59 : i32
      %get3A_2338 = arith.index_cast %get3A_2337 : i32 to index
      %get3A_2339 = arith.constant 0 : index
      %get3A_2340 = tpu.vector_load %arg10[%get3A_2338, %get3A_2339] {strides = array<i32>} : memref<128x32xf32, #tpu.memory_space<vmem>>, vector<16xf32>,
      %add3A_2341 = arith.addf %get3A_2340, %get3A_1631 : vector<16xf32>
      %get3A_2342 = arith.constant 59 : i32
      %get3A_2343 = arith.index_cast %get3A_2342 : i32 to index
      %get3A_2344 = arith.constant 16 : index
      %get3A_2345 = tpu.vector_load %arg10[%get3A_2343, %get3A_2344] {strides = array<i32>} : memref<128x32xf32, #tpu.memory_space<vmem>>, vector<16xf32>,
      %add3A_2346 = arith.addf %get3A_2345, %get3A_1634 : vector<16xf32>
      %get3A_2347 = arith.constant 60 : i32
      %get3A_2348 = arith.index_cast %get3A_2347 : i32 to index
      %get3A_2349 = arith.constant 0 : index
      %get3A_2350 = tpu.vector_load %arg10[%get3A_2348, %get3A_2349] {strides = array<i32>} : memref<128x32xf32, #tpu.memory_space<vmem>>, vector<16xf32>,
      %add3A_2351 = arith.addf %get3A_2350, %get3A_1631 : vector<16xf32>
      %get3A_2352 = arith.constant 60 : i32
      %get3A_2353 = arith.index_cast %get3A_2352 : i32 to index
      %get3A_2354 = arith.constant 16 : index
      %get3A_2355 = tpu.vector_load %arg10[%get3A_2353, %get3A_2354] {strides = array<i32>} : memref<128x32xf32, #tpu.memory_space<vmem>>, vector<16xf32>,
      %add3A_2356 = arith.addf %get3A_2355, %get3A_1634 : vector<16xf32>
      %get3A_2357 = arith.constant 61 : i32
      %get3A_2358 = arith.index_cast %get3A_2357 : i32 to index
      %get3A_2359 = arith.constant 0 : index
      %get3A_2360 = tpu.vector_load %arg10[%get3A_2358, %get3A_2359] {strides = array<i32>} : memref<128x32xf32, #tpu.memory_space<vmem>>, vector<16xf32>,
      %add3A_2361 = arith.addf %get3A_2360, %get3A_1631 : vector<16xf32>
      %get3A_2362 = arith.constant 61 : i32
      %get3A_2363 = arith.index_cast %get3A_2362 : i32 to index
      %get3A_2364 = arith.constant 16 : index
      %get3A_2365 = tpu.vector_load %arg10[%get3A_2363, %get3A_2364] {strides = array<i32>} : memref<128x32xf32, #tpu.memory_space<vmem>>, vector<16xf32>,
      %add3A_2366 = arith.addf %get3A_2365, %get3A_1634 : vector<16xf32>
      %get3A_2367 = arith.constant 62 : i32
      %get3A_2368 = arith.index_cast %get3A_2367 : i32 to index
      %get3A_2369 = arith.constant 0 : index
      %get3A_2370 = tpu.vector_load %arg10[%get3A_2368, %get3A_2369] {strides = array<i32>} : memref<128x32xf32, #tpu.memory_space<vmem>>, vector<16xf32>,
      %add3A_2371 = arith.addf %get3A_2370, %get3A_1631 : vector<16xf32>
      %get3A_2372 = arith.constant 62 : i32
      %get3A_2373 = arith.index_cast %get3A_2372 : i32 to index
      %get3A_2374 = arith.constant 16 : index
      %get3A_2375 = tpu.vector_load %arg10[%get3A_2373, %get3A_2374] {strides = array<i32>} : memref<128x32xf32, #tpu.memory_space<vmem>>, vector<16xf32>,
      %add3A_2376 = arith.addf %get3A_2375, %get3A_1634 : vector<16xf32>
      %get3A_2377 = arith.constant 63 : i32
      %get3A_2378 = arith.index_cast %get3A_2377 : i32 to index
      %get3A_2379 = arith.constant 0 : index
      %get3A_2380 = tpu.vector_load %arg10[%get3A_2378, %get3A_2379] {strides = array<i32>} : memref<128x32xf32, #tpu.memory_space<vmem>>, vector<16xf32>,
      %add3A_2381 = arith.addf %get3A_2380, %get3A_1631 : vector<16xf32>
      %get3A_2382 = arith.constant 63 : i32
      %get3A_2383 = arith.index_cast %get3A_2382 : i32 to index
      %get3A_2384 = arith.constant 16 : index
      %get3A_2385 = tpu.vector_load %arg10[%get3A_2383, %get3A_2384] {strides = array<i32>} : memref<128x32xf32, #tpu.memory_space<vmem>>, vector<16xf32>,
      %add3A_2386 = arith.addf %get3A_2385, %get3A_1634 : vector<16xf32>
      %broadcast_in_dim3A_2387 = arith.constant 56 : i32
      %broadcast_in_dim3A_2388 = vector.broadcast %broadcast_in_dim3A_2387 : i32 to vector<16xi32>
      tpu.vector_store_idx %arg12[%shift_right_arithmetic3A_4, %and3A_9, %broadcast_in_dim3A_2388], %add3A_2311 : memref<4x8x128xf32, #tpu.memory_space<vmem>>[vector<16xi32>, vector<16xi32>, vector<16xi32>], vector<16xf32>,
      tpu.vector_store_idx %arg12[%add3A_7, %and3A_9, %broadcast_in_dim3A_2388], %add3A_2316 : memref<4x8x128xf32, #tpu.memory_space<vmem>>[vector<16xi32>, vector<16xi32>, vector<16xi32>], vector<16xf32>,
      %broadcast_in_dim3A_2389 = arith.constant 57 : i32
      %broadcast_in_dim3A_2390 = vector.broadcast %broadcast_in_dim3A_2389 : i32 to vector<16xi32>
      tpu.vector_store_idx %arg12[%shift_right_arithmetic3A_4, %and3A_9, %broadcast_in_dim3A_2390], %add3A_2321 : memref<4x8x128xf32, #tpu.memory_space<vmem>>[vector<16xi32>, vector<16xi32>, vector<16xi32>], vector<16xf32>,
      tpu.vector_store_idx %arg12[%add3A_7, %and3A_9, %broadcast_in_dim3A_2390], %add3A_2326 : memref<4x8x128xf32, #tpu.memory_space<vmem>>[vector<16xi32>, vector<16xi32>, vector<16xi32>], vector<16xf32>,
      %broadcast_in_dim3A_2391 = arith.constant 58 : i32
      %broadcast_in_dim3A_2392 = vector.broadcast %broadcast_in_dim3A_2391 : i32 to vector<16xi32>
      tpu.vector_store_idx %arg12[%shift_right_arithmetic3A_4, %and3A_9, %broadcast_in_dim3A_2392], %add3A_2331 : memref<4x8x128xf32, #tpu.memory_space<vmem>>[vector<16xi32>, vector<16xi32>, vector<16xi32>], vector<16xf32>,
      tpu.vector_store_idx %arg12[%add3A_7, %and3A_9, %broadcast_in_dim3A_2392], %add3A_2336 : memref<4x8x128xf32, #tpu.memory_space<vmem>>[vector<16xi32>, vector<16xi32>, vector<16xi32>], vector<16xf32>,
      %broadcast_in_dim3A_2393 = arith.constant 59 : i32
      %broadcast_in_dim3A_2394 = vector.broadcast %broadcast_in_dim3A_2393 : i32 to vector<16xi32>
      tpu.vector_store_idx %arg12[%shift_right_arithmetic3A_4, %and3A_9, %broadcast_in_dim3A_2394], %add3A_2341 : memref<4x8x128xf32, #tpu.memory_space<vmem>>[vector<16xi32>, vector<16xi32>, vector<16xi32>], vector<16xf32>,
      tpu.vector_store_idx %arg12[%add3A_7, %and3A_9, %broadcast_in_dim3A_2394], %add3A_2346 : memref<4x8x128xf32, #tpu.memory_space<vmem>>[vector<16xi32>, vector<16xi32>, vector<16xi32>], vector<16xf32>,
      %broadcast_in_dim3A_2395 = arith.constant 60 : i32
      %broadcast_in_dim3A_2396 = vector.broadcast %broadcast_in_dim3A_2395 : i32 to vector<16xi32>
      tpu.vector_store_idx %arg12[%shift_right_arithmetic3A_4, %and3A_9, %broadcast_in_dim3A_2396], %add3A_2351 : memref<4x8x128xf32, #tpu.memory_space<vmem>>[vector<16xi32>, vector<16xi32>, vector<16xi32>], vector<16xf32>,
      tpu.vector_store_idx %arg12[%add3A_7, %and3A_9, %broadcast_in_dim3A_2396], %add3A_2356 : memref<4x8x128xf32, #tpu.memory_space<vmem>>[vector<16xi32>, vector<16xi32>, vector<16xi32>], vector<16xf32>,
      %broadcast_in_dim3A_2397 = arith.constant 61 : i32
      %broadcast_in_dim3A_2398 = vector.broadcast %broadcast_in_dim3A_2397 : i32 to vector<16xi32>
      tpu.vector_store_idx %arg12[%shift_right_arithmetic3A_4, %and3A_9, %broadcast_in_dim3A_2398], %add3A_2361 : memref<4x8x128xf32, #tpu.memory_space<vmem>>[vector<16xi32>, vector<16xi32>, vector<16xi32>], vector<16xf32>,
      tpu.vector_store_idx %arg12[%add3A_7, %and3A_9, %broadcast_in_dim3A_2398], %add3A_2366 : memref<4x8x128xf32, #tpu.memory_space<vmem>>[vector<16xi32>, vector<16xi32>, vector<16xi32>], vector<16xf32>,
      %broadcast_in_dim3A_2399 = arith.constant 62 : i32
      %broadcast_in_dim3A_2400 = vector.broadcast %broadcast_in_dim3A_2399 : i32 to vector<16xi32>
      tpu.vector_store_idx %arg12[%shift_right_arithmetic3A_4, %and3A_9, %broadcast_in_dim3A_2400], %add3A_2371 : memref<4x8x128xf32, #tpu.memory_space<vmem>>[vector<16xi32>, vector<16xi32>, vector<16xi32>], vector<16xf32>,
      tpu.vector_store_idx %arg12[%add3A_7, %and3A_9, %broadcast_in_dim3A_2400], %add3A_2376 : memref<4x8x128xf32, #tpu.memory_space<vmem>>[vector<16xi32>, vector<16xi32>, vector<16xi32>], vector<16xf32>,
      %broadcast_in_dim3A_2401 = arith.constant 63 : i32
      %broadcast_in_dim3A_2402 = vector.broadcast %broadcast_in_dim3A_2401 : i32 to vector<16xi32>
      tpu.vector_store_idx %arg12[%shift_right_arithmetic3A_4, %and3A_9, %broadcast_in_dim3A_2402], %add3A_2381 : memref<4x8x128xf32, #tpu.memory_space<vmem>>[vector<16xi32>, vector<16xi32>, vector<16xi32>], vector<16xf32>,
      tpu.vector_store_idx %arg12[%add3A_7, %and3A_9, %broadcast_in_dim3A_2402], %add3A_2386 : memref<4x8x128xf32, #tpu.memory_space<vmem>>[vector<16xi32>, vector<16xi32>, vector<16xi32>], vector<16xf32>,
      %get3A_2403 = arith.constant 64 : i32
      %get3A_2404 = arith.index_cast %get3A_2403 : i32 to index
      %get3A_2405 = arith.constant 0 : index
      %get3A_2406 = tpu.vector_load %arg10[%get3A_2404, %get3A_2405] {strides = array<i32>} : memref<128x32xf32, #tpu.memory_space<vmem>>, vector<16xf32>,
      %add3A_2407 = arith.addf %get3A_2406, %get3A_1631 : vector<16xf32>
      %get3A_2408 = arith.constant 64 : i32
      %get3A_2409 = arith.index_cast %get3A_2408 : i32 to index
      %get3A_2410 = arith.constant 16 : index
      %get3A_2411 = tpu.vector_load %arg10[%get3A_2409, %get3A_2410] {strides = array<i32>} : memref<128x32xf32, #tpu.memory_space<vmem>>, vector<16xf32>,
      %add3A_2412 = arith.addf %get3A_2411, %get3A_1634 : vector<16xf32>
      %get3A_2413 = arith.constant 65 : i32
      %get3A_2414 = arith.index_cast %get3A_2413 : i32 to index
      %get3A_2415 = arith.constant 0 : index
      %get3A_2416 = tpu.vector_load %arg10[%get3A_2414, %get3A_2415] {strides = array<i32>} : memref<128x32xf32, #tpu.memory_space<vmem>>, vector<16xf32>,
      %add3A_2417 = arith.addf %get3A_2416, %get3A_1631 : vector<16xf32>
      %get3A_2418 = arith.constant 65 : i32
      %get3A_2419 = arith.index_cast %get3A_2418 : i32 to index
      %get3A_2420 = arith.constant 16 : index
      %get3A_2421 = tpu.vector_load %arg10[%get3A_2419, %get3A_2420] {strides = array<i32>} : memref<128x32xf32, #tpu.memory_space<vmem>>, vector<16xf32>,
      %add3A_2422 = arith.addf %get3A_2421, %get3A_1634 : vector<16xf32>
      %get3A_2423 = arith.constant 66 : i32
      %get3A_2424 = arith.index_cast %get3A_2423 : i32 to index
      %get3A_2425 = arith.constant 0 : index
      %get3A_2426 = tpu.vector_load %arg10[%get3A_2424, %get3A_2425] {strides = array<i32>} : memref<128x32xf32, #tpu.memory_space<vmem>>, vector<16xf32>,
      %add3A_2427 = arith.addf %get3A_2426, %get3A_1631 : vector<16xf32>
      %get3A_2428 = arith.constant 66 : i32
      %get3A_2429 = arith.index_cast %get3A_2428 : i32 to index
      %get3A_2430 = arith.constant 16 : index
      %get3A_2431 = tpu.vector_load %arg10[%get3A_2429, %get3A_2430] {strides = array<i32>} : memref<128x32xf32, #tpu.memory_space<vmem>>, vector<16xf32>,
      %add3A_2432 = arith.addf %get3A_2431, %get3A_1634 : vector<16xf32>
      %get3A_2433 = arith.constant 67 : i32
      %get3A_2434 = arith.index_cast %get3A_2433 : i32 to index
      %get3A_2435 = arith.constant 0 : index
      %get3A_2436 = tpu.vector_load %arg10[%get3A_2434, %get3A_2435] {strides = array<i32>} : memref<128x32xf32, #tpu.memory_space<vmem>>, vector<16xf32>,
      %add3A_2437 = arith.addf %get3A_2436, %get3A_1631 : vector<16xf32>
      %get3A_2438 = arith.constant 67 : i32
      %get3A_2439 = arith.index_cast %get3A_2438 : i32 to index
      %get3A_2440 = arith.constant 16 : index
      %get3A_2441 = tpu.vector_load %arg10[%get3A_2439, %get3A_2440] {strides = array<i32>} : memref<128x32xf32, #tpu.memory_space<vmem>>, vector<16xf32>,
      %add3A_2442 = arith.addf %get3A_2441, %get3A_1634 : vector<16xf32>
      %get3A_2443 = arith.constant 68 : i32
      %get3A_2444 = arith.index_cast %get3A_2443 : i32 to index
      %get3A_2445 = arith.constant 0 : index
      %get3A_2446 = tpu.vector_load %arg10[%get3A_2444, %get3A_2445] {strides = array<i32>} : memref<128x32xf32, #tpu.memory_space<vmem>>, vector<16xf32>,
      %add3A_2447 = arith.addf %get3A_2446, %get3A_1631 : vector<16xf32>
      %get3A_2448 = arith.constant 68 : i32
      %get3A_2449 = arith.index_cast %get3A_2448 : i32 to index
      %get3A_2450 = arith.constant 16 : index
      %get3A_2451 = tpu.vector_load %arg10[%get3A_2449, %get3A_2450] {strides = array<i32>} : memref<128x32xf32, #tpu.memory_space<vmem>>, vector<16xf32>,
      %add3A_2452 = arith.addf %get3A_2451, %get3A_1634 : vector<16xf32>
      %get3A_2453 = arith.constant 69 : i32
      %get3A_2454 = arith.index_cast %get3A_2453 : i32 to index
      %get3A_2455 = arith.constant 0 : index
      %get3A_2456 = tpu.vector_load %arg10[%get3A_2454, %get3A_2455] {strides = array<i32>} : memref<128x32xf32, #tpu.memory_space<vmem>>, vector<16xf32>,
      %add3A_2457 = arith.addf %get3A_2456, %get3A_1631 : vector<16xf32>
      %get3A_2458 = arith.constant 69 : i32
      %get3A_2459 = arith.index_cast %get3A_2458 : i32 to index
      %get3A_2460 = arith.constant 16 : index
      %get3A_2461 = tpu.vector_load %arg10[%get3A_2459, %get3A_2460] {strides = array<i32>} : memref<128x32xf32, #tpu.memory_space<vmem>>, vector<16xf32>,
      %add3A_2462 = arith.addf %get3A_2461, %get3A_1634 : vector<16xf32>
      %get3A_2463 = arith.constant 70 : i32
      %get3A_2464 = arith.index_cast %get3A_2463 : i32 to index
      %get3A_2465 = arith.constant 0 : index
      %get3A_2466 = tpu.vector_load %arg10[%get3A_2464, %get3A_2465] {strides = array<i32>} : memref<128x32xf32, #tpu.memory_space<vmem>>, vector<16xf32>,
      %add3A_2467 = arith.addf %get3A_2466, %get3A_1631 : vector<16xf32>
      %get3A_2468 = arith.constant 70 : i32
      %get3A_2469 = arith.index_cast %get3A_2468 : i32 to index
      %get3A_2470 = arith.constant 16 : index
      %get3A_2471 = tpu.vector_load %arg10[%get3A_2469, %get3A_2470] {strides = array<i32>} : memref<128x32xf32, #tpu.memory_space<vmem>>, vector<16xf32>,
      %add3A_2472 = arith.addf %get3A_2471, %get3A_1634 : vector<16xf32>
      %get3A_2473 = arith.constant 71 : i32
      %get3A_2474 = arith.index_cast %get3A_2473 : i32 to index
      %get3A_2475 = arith.constant 0 : index
      %get3A_2476 = tpu.vector_load %arg10[%get3A_2474, %get3A_2475] {strides = array<i32>} : memref<128x32xf32, #tpu.memory_space<vmem>>, vector<16xf32>,
      %add3A_2477 = arith.addf %get3A_2476, %get3A_1631 : vector<16xf32>
      %get3A_2478 = arith.constant 71 : i32
      %get3A_2479 = arith.index_cast %get3A_2478 : i32 to index
      %get3A_2480 = arith.constant 16 : index
      %get3A_2481 = tpu.vector_load %arg10[%get3A_2479, %get3A_2480] {strides = array<i32>} : memref<128x32xf32, #tpu.memory_space<vmem>>, vector<16xf32>,
      %add3A_2482 = arith.addf %get3A_2481, %get3A_1634 : vector<16xf32>
      %broadcast_in_dim3A_2483 = arith.constant 64 : i32
      %broadcast_in_dim3A_2484 = vector.broadcast %broadcast_in_dim3A_2483 : i32 to vector<16xi32>
      tpu.vector_store_idx %arg12[%shift_right_arithmetic3A_4, %and3A_9, %broadcast_in_dim3A_2484], %add3A_2407 : memref<4x8x128xf32, #tpu.memory_space<vmem>>[vector<16xi32>, vector<16xi32>, vector<16xi32>], vector<16xf32>,
      tpu.vector_store_idx %arg12[%add3A_7, %and3A_9, %broadcast_in_dim3A_2484], %add3A_2412 : memref<4x8x128xf32, #tpu.memory_space<vmem>>[vector<16xi32>, vector<16xi32>, vector<16xi32>], vector<16xf32>,
      %broadcast_in_dim3A_2485 = arith.constant 65 : i32
      %broadcast_in_dim3A_2486 = vector.broadcast %broadcast_in_dim3A_2485 : i32 to vector<16xi32>
      tpu.vector_store_idx %arg12[%shift_right_arithmetic3A_4, %and3A_9, %broadcast_in_dim3A_2486], %add3A_2417 : memref<4x8x128xf32, #tpu.memory_space<vmem>>[vector<16xi32>, vector<16xi32>, vector<16xi32>], vector<16xf32>,
      tpu.vector_store_idx %arg12[%add3A_7, %and3A_9, %broadcast_in_dim3A_2486], %add3A_2422 : memref<4x8x128xf32, #tpu.memory_space<vmem>>[vector<16xi32>, vector<16xi32>, vector<16xi32>], vector<16xf32>,
      %broadcast_in_dim3A_2487 = arith.constant 66 : i32
      %broadcast_in_dim3A_2488 = vector.broadcast %broadcast_in_dim3A_2487 : i32 to vector<16xi32>
      tpu.vector_store_idx %arg12[%shift_right_arithmetic3A_4, %and3A_9, %broadcast_in_dim3A_2488], %add3A_2427 : memref<4x8x128xf32, #tpu.memory_space<vmem>>[vector<16xi32>, vector<16xi32>, vector<16xi32>], vector<16xf32>,
      tpu.vector_store_idx %arg12[%add3A_7, %and3A_9, %broadcast_in_dim3A_2488], %add3A_2432 : memref<4x8x128xf32, #tpu.memory_space<vmem>>[vector<16xi32>, vector<16xi32>, vector<16xi32>], vector<16xf32>,
      %broadcast_in_dim3A_2489 = arith.constant 67 : i32
      %broadcast_in_dim3A_2490 = vector.broadcast %broadcast_in_dim3A_2489 : i32 to vector<16xi32>
      tpu.vector_store_idx %arg12[%shift_right_arithmetic3A_4, %and3A_9, %broadcast_in_dim3A_2490], %add3A_2437 : memref<4x8x128xf32, #tpu.memory_space<vmem>>[vector<16xi32>, vector<16xi32>, vector<16xi32>], vector<16xf32>,
      tpu.vector_store_idx %arg12[%add3A_7, %and3A_9, %broadcast_in_dim3A_2490], %add3A_2442 : memref<4x8x128xf32, #tpu.memory_space<vmem>>[vector<16xi32>, vector<16xi32>, vector<16xi32>], vector<16xf32>,
      %broadcast_in_dim3A_2491 = arith.constant 68 : i32
      %broadcast_in_dim3A_2492 = vector.broadcast %broadcast_in_dim3A_2491 : i32 to vector<16xi32>
      tpu.vector_store_idx %arg12[%shift_right_arithmetic3A_4, %and3A_9, %broadcast_in_dim3A_2492], %add3A_2447 : memref<4x8x128xf32, #tpu.memory_space<vmem>>[vector<16xi32>, vector<16xi32>, vector<16xi32>], vector<16xf32>,
      tpu.vector_store_idx %arg12[%add3A_7, %and3A_9, %broadcast_in_dim3A_2492], %add3A_2452 : memref<4x8x128xf32, #tpu.memory_space<vmem>>[vector<16xi32>, vector<16xi32>, vector<16xi32>], vector<16xf32>,
      %broadcast_in_dim3A_2493 = arith.constant 69 : i32
      %broadcast_in_dim3A_2494 = vector.broadcast %broadcast_in_dim3A_2493 : i32 to vector<16xi32>
      tpu.vector_store_idx %arg12[%shift_right_arithmetic3A_4, %and3A_9, %broadcast_in_dim3A_2494], %add3A_2457 : memref<4x8x128xf32, #tpu.memory_space<vmem>>[vector<16xi32>, vector<16xi32>, vector<16xi32>], vector<16xf32>,
      tpu.vector_store_idx %arg12[%add3A_7, %and3A_9, %broadcast_in_dim3A_2494], %add3A_2462 : memref<4x8x128xf32, #tpu.memory_space<vmem>>[vector<16xi32>, vector<16xi32>, vector<16xi32>], vector<16xf32>,
      %broadcast_in_dim3A_2495 = arith.constant 70 : i32
      %broadcast_in_dim3A_2496 = vector.broadcast %broadcast_in_dim3A_2495 : i32 to vector<16xi32>
      tpu.vector_store_idx %arg12[%shift_right_arithmetic3A_4, %and3A_9, %broadcast_in_dim3A_2496], %add3A_2467 : memref<4x8x128xf32, #tpu.memory_space<vmem>>[vector<16xi32>, vector<16xi32>, vector<16xi32>], vector<16xf32>,
      tpu.vector_store_idx %arg12[%add3A_7, %and3A_9, %broadcast_in_dim3A_2496], %add3A_2472 : memref<4x8x128xf32, #tpu.memory_space<vmem>>[vector<16xi32>, vector<16xi32>, vector<16xi32>], vector<16xf32>,
      %broadcast_in_dim3A_2497 = arith.constant 71 : i32
      %broadcast_in_dim3A_2498 = vector.broadcast %broadcast_in_dim3A_2497 : i32 to vector<16xi32>
      tpu.vector_store_idx %arg12[%shift_right_arithmetic3A_4, %and3A_9, %broadcast_in_dim3A_2498], %add3A_2477 : memref<4x8x128xf32, #tpu.memory_space<vmem>>[vector<16xi32>, vector<16xi32>, vector<16xi32>], vector<16xf32>,
      tpu.vector_store_idx %arg12[%add3A_7, %and3A_9, %broadcast_in_dim3A_2498], %add3A_2482 : memref<4x8x128xf32, #tpu.memory_space<vmem>>[vector<16xi32>, vector<16xi32>, vector<16xi32>], vector<16xf32>,
      %get3A_2499 = arith.constant 72 : i32
      %get3A_2500 = arith.index_cast %get3A_2499 : i32 to index
      %get3A_2501 = arith.constant 0 : index
      %get3A_2502 = tpu.vector_load %arg10[%get3A_2500, %get3A_2501] {strides = array<i32>} : memref<128x32xf32, #tpu.memory_space<vmem>>, vector<16xf32>,
      %add3A_2503 = arith.addf %get3A_2502, %get3A_1631 : vector<16xf32>
      %get3A_2504 = arith.constant 72 : i32
      %get3A_2505 = arith.index_cast %get3A_2504 : i32 to index
      %get3A_2506 = arith.constant 16 : index
      %get3A_2507 = tpu.vector_load %arg10[%get3A_2505, %get3A_2506] {strides = array<i32>} : memref<128x32xf32, #tpu.memory_space<vmem>>, vector<16xf32>,
      %add3A_2508 = arith.addf %get3A_2507, %get3A_1634 : vector<16xf32>
      %get3A_2509 = arith.constant 73 : i32
      %get3A_2510 = arith.index_cast %get3A_2509 : i32 to index
      %get3A_2511 = arith.constant 0 : index
      %get3A_2512 = tpu.vector_load %arg10[%get3A_2510, %get3A_2511] {strides = array<i32>} : memref<128x32xf32, #tpu.memory_space<vmem>>, vector<16xf32>,
      %add3A_2513 = arith.addf %get3A_2512, %get3A_1631 : vector<16xf32>
      %get3A_2514 = arith.constant 73 : i32
      %get3A_2515 = arith.index_cast %get3A_2514 : i32 to index
      %get3A_2516 = arith.constant 16 : index
      %get3A_2517 = tpu.vector_load %arg10[%get3A_2515, %get3A_2516] {strides = array<i32>} : memref<128x32xf32, #tpu.memory_space<vmem>>, vector<16xf32>,
      %add3A_2518 = arith.addf %get3A_2517, %get3A_1634 : vector<16xf32>
      %get3A_2519 = arith.constant 74 : i32
      %get3A_2520 = arith.index_cast %get3A_2519 : i32 to index
      %get3A_2521 = arith.constant 0 : index
      %get3A_2522 = tpu.vector_load %arg10[%get3A_2520, %get3A_2521] {strides = array<i32>} : memref<128x32xf32, #tpu.memory_space<vmem>>, vector<16xf32>,
      %add3A_2523 = arith.addf %get3A_2522, %get3A_1631 : vector<16xf32>
      %get3A_2524 = arith.constant 74 : i32
      %get3A_2525 = arith.index_cast %get3A_2524 : i32 to index
      %get3A_2526 = arith.constant 16 : index
      %get3A_2527 = tpu.vector_load %arg10[%get3A_2525, %get3A_2526] {strides = array<i32>} : memref<128x32xf32, #tpu.memory_space<vmem>>, vector<16xf32>,
      %add3A_2528 = arith.addf %get3A_2527, %get3A_1634 : vector<16xf32>
      %get3A_2529 = arith.constant 75 : i32
      %get3A_2530 = arith.index_cast %get3A_2529 : i32 to index
      %get3A_2531 = arith.constant 0 : index
      %get3A_2532 = tpu.vector_load %arg10[%get3A_2530, %get3A_2531] {strides = array<i32>} : memref<128x32xf32, #tpu.memory_space<vmem>>, vector<16xf32>,
      %add3A_2533 = arith.addf %get3A_2532, %get3A_1631 : vector<16xf32>
      %get3A_2534 = arith.constant 75 : i32
      %get3A_2535 = arith.index_cast %get3A_2534 : i32 to index
      %get3A_2536 = arith.constant 16 : index
      %get3A_2537 = tpu.vector_load %arg10[%get3A_2535, %get3A_2536] {strides = array<i32>} : memref<128x32xf32, #tpu.memory_space<vmem>>, vector<16xf32>,
      %add3A_2538 = arith.addf %get3A_2537, %get3A_1634 : vector<16xf32>
      %get3A_2539 = arith.constant 76 : i32
      %get3A_2540 = arith.index_cast %get3A_2539 : i32 to index
      %get3A_2541 = arith.constant 0 : index
      %get3A_2542 = tpu.vector_load %arg10[%get3A_2540, %get3A_2541] {strides = array<i32>} : memref<128x32xf32, #tpu.memory_space<vmem>>, vector<16xf32>,
      %add3A_2543 = arith.addf %get3A_2542, %get3A_1631 : vector<16xf32>
      %get3A_2544 = arith.constant 76 : i32
      %get3A_2545 = arith.index_cast %get3A_2544 : i32 to index
      %get3A_2546 = arith.constant 16 : index
      %get3A_2547 = tpu.vector_load %arg10[%get3A_2545, %get3A_2546] {strides = array<i32>} : memref<128x32xf32, #tpu.memory_space<vmem>>, vector<16xf32>,
      %add3A_2548 = arith.addf %get3A_2547, %get3A_1634 : vector<16xf32>
      %get3A_2549 = arith.constant 77 : i32
      %get3A_2550 = arith.index_cast %get3A_2549 : i32 to index
      %get3A_2551 = arith.constant 0 : index
      %get3A_2552 = tpu.vector_load %arg10[%get3A_2550, %get3A_2551] {strides = array<i32>} : memref<128x32xf32, #tpu.memory_space<vmem>>, vector<16xf32>,
      %add3A_2553 = arith.addf %get3A_2552, %get3A_1631 : vector<16xf32>
      %get3A_2554 = arith.constant 77 : i32
      %get3A_2555 = arith.index_cast %get3A_2554 : i32 to index
      %get3A_2556 = arith.constant 16 : index
      %get3A_2557 = tpu.vector_load %arg10[%get3A_2555, %get3A_2556] {strides = array<i32>} : memref<128x32xf32, #tpu.memory_space<vmem>>, vector<16xf32>,
      %add3A_2558 = arith.addf %get3A_2557, %get3A_1634 : vector<16xf32>
      %get3A_2559 = arith.constant 78 : i32
      %get3A_2560 = arith.index_cast %get3A_2559 : i32 to index
      %get3A_2561 = arith.constant 0 : index
      %get3A_2562 = tpu.vector_load %arg10[%get3A_2560, %get3A_2561] {strides = array<i32>} : memref<128x32xf32, #tpu.memory_space<vmem>>, vector<16xf32>,
      %add3A_2563 = arith.addf %get3A_2562, %get3A_1631 : vector<16xf32>
      %get3A_2564 = arith.constant 78 : i32
      %get3A_2565 = arith.index_cast %get3A_2564 : i32 to index
      %get3A_2566 = arith.constant 16 : index
      %get3A_2567 = tpu.vector_load %arg10[%get3A_2565, %get3A_2566] {strides = array<i32>} : memref<128x32xf32, #tpu.memory_space<vmem>>, vector<16xf32>,
      %add3A_2568 = arith.addf %get3A_2567, %get3A_1634 : vector<16xf32>
      %get3A_2569 = arith.constant 79 : i32
      %get3A_2570 = arith.index_cast %get3A_2569 : i32 to index
      %get3A_2571 = arith.constant 0 : index
      %get3A_2572 = tpu.vector_load %arg10[%get3A_2570, %get3A_2571] {strides = array<i32>} : memref<128x32xf32, #tpu.memory_space<vmem>>, vector<16xf32>,
      %add3A_2573 = arith.addf %get3A_2572, %get3A_1631 : vector<16xf32>
      %get3A_2574 = arith.constant 79 : i32
      %get3A_2575 = arith.index_cast %get3A_2574 : i32 to index
      %get3A_2576 = arith.constant 16 : index
      %get3A_2577 = tpu.vector_load %arg10[%get3A_2575, %get3A_2576] {strides = array<i32>} : memref<128x32xf32, #tpu.memory_space<vmem>>, vector<16xf32>,
      %add3A_2578 = arith.addf %get3A_2577, %get3A_1634 : vector<16xf32>
      %broadcast_in_dim3A_2579 = arith.constant 72 : i32
      %broadcast_in_dim3A_2580 = vector.broadcast %broadcast_in_dim3A_2579 : i32 to vector<16xi32>
      tpu.vector_store_idx %arg12[%shift_right_arithmetic3A_4, %and3A_9, %broadcast_in_dim3A_2580], %add3A_2503 : memref<4x8x128xf32, #tpu.memory_space<vmem>>[vector<16xi32>, vector<16xi32>, vector<16xi32>], vector<16xf32>,
      tpu.vector_store_idx %arg12[%add3A_7, %and3A_9, %broadcast_in_dim3A_2580], %add3A_2508 : memref<4x8x128xf32, #tpu.memory_space<vmem>>[vector<16xi32>, vector<16xi32>, vector<16xi32>], vector<16xf32>,
      %broadcast_in_dim3A_2581 = arith.constant 73 : i32
      %broadcast_in_dim3A_2582 = vector.broadcast %broadcast_in_dim3A_2581 : i32 to vector<16xi32>
      tpu.vector_store_idx %arg12[%shift_right_arithmetic3A_4, %and3A_9, %broadcast_in_dim3A_2582], %add3A_2513 : memref<4x8x128xf32, #tpu.memory_space<vmem>>[vector<16xi32>, vector<16xi32>, vector<16xi32>], vector<16xf32>,
      tpu.vector_store_idx %arg12[%add3A_7, %and3A_9, %broadcast_in_dim3A_2582], %add3A_2518 : memref<4x8x128xf32, #tpu.memory_space<vmem>>[vector<16xi32>, vector<16xi32>, vector<16xi32>], vector<16xf32>,
      %broadcast_in_dim3A_2583 = arith.constant 74 : i32
      %broadcast_in_dim3A_2584 = vector.broadcast %broadcast_in_dim3A_2583 : i32 to vector<16xi32>
      tpu.vector_store_idx %arg12[%shift_right_arithmetic3A_4, %and3A_9, %broadcast_in_dim3A_2584], %add3A_2523 : memref<4x8x128xf32, #tpu.memory_space<vmem>>[vector<16xi32>, vector<16xi32>, vector<16xi32>], vector<16xf32>,
      tpu.vector_store_idx %arg12[%add3A_7, %and3A_9, %broadcast_in_dim3A_2584], %add3A_2528 : memref<4x8x128xf32, #tpu.memory_space<vmem>>[vector<16xi32>, vector<16xi32>, vector<16xi32>], vector<16xf32>,
      %broadcast_in_dim3A_2585 = arith.constant 75 : i32
      %broadcast_in_dim3A_2586 = vector.broadcast %broadcast_in_dim3A_2585 : i32 to vector<16xi32>
      tpu.vector_store_idx %arg12[%shift_right_arithmetic3A_4, %and3A_9, %broadcast_in_dim3A_2586], %add3A_2533 : memref<4x8x128xf32, #tpu.memory_space<vmem>>[vector<16xi32>, vector<16xi32>, vector<16xi32>], vector<16xf32>,
      tpu.vector_store_idx %arg12[%add3A_7, %and3A_9, %broadcast_in_dim3A_2586], %add3A_2538 : memref<4x8x128xf32, #tpu.memory_space<vmem>>[vector<16xi32>, vector<16xi32>, vector<16xi32>], vector<16xf32>,
      %broadcast_in_dim3A_2587 = arith.constant 76 : i32
      %broadcast_in_dim3A_2588 = vector.broadcast %broadcast_in_dim3A_2587 : i32 to vector<16xi32>
      tpu.vector_store_idx %arg12[%shift_right_arithmetic3A_4, %and3A_9, %broadcast_in_dim3A_2588], %add3A_2543 : memref<4x8x128xf32, #tpu.memory_space<vmem>>[vector<16xi32>, vector<16xi32>, vector<16xi32>], vector<16xf32>,
      tpu.vector_store_idx %arg12[%add3A_7, %and3A_9, %broadcast_in_dim3A_2588], %add3A_2548 : memref<4x8x128xf32, #tpu.memory_space<vmem>>[vector<16xi32>, vector<16xi32>, vector<16xi32>], vector<16xf32>,
      %broadcast_in_dim3A_2589 = arith.constant 77 : i32
      %broadcast_in_dim3A_2590 = vector.broadcast %broadcast_in_dim3A_2589 : i32 to vector<16xi32>
      tpu.vector_store_idx %arg12[%shift_right_arithmetic3A_4, %and3A_9, %broadcast_in_dim3A_2590], %add3A_2553 : memref<4x8x128xf32, #tpu.memory_space<vmem>>[vector<16xi32>, vector<16xi32>, vector<16xi32>], vector<16xf32>,
      tpu.vector_store_idx %arg12[%add3A_7, %and3A_9, %broadcast_in_dim3A_2590], %add3A_2558 : memref<4x8x128xf32, #tpu.memory_space<vmem>>[vector<16xi32>, vector<16xi32>, vector<16xi32>], vector<16xf32>,
      %broadcast_in_dim3A_2591 = arith.constant 78 : i32
      %broadcast_in_dim3A_2592 = vector.broadcast %broadcast_in_dim3A_2591 : i32 to vector<16xi32>
      tpu.vector_store_idx %arg12[%shift_right_arithmetic3A_4, %and3A_9, %broadcast_in_dim3A_2592], %add3A_2563 : memref<4x8x128xf32, #tpu.memory_space<vmem>>[vector<16xi32>, vector<16xi32>, vector<16xi32>], vector<16xf32>,
      tpu.vector_store_idx %arg12[%add3A_7, %and3A_9, %broadcast_in_dim3A_2592], %add3A_2568 : memref<4x8x128xf32, #tpu.memory_space<vmem>>[vector<16xi32>, vector<16xi32>, vector<16xi32>], vector<16xf32>,
      %broadcast_in_dim3A_2593 = arith.constant 79 : i32
      %broadcast_in_dim3A_2594 = vector.broadcast %broadcast_in_dim3A_2593 : i32 to vector<16xi32>
      tpu.vector_store_idx %arg12[%shift_right_arithmetic3A_4, %and3A_9, %broadcast_in_dim3A_2594], %add3A_2573 : memref<4x8x128xf32, #tpu.memory_space<vmem>>[vector<16xi32>, vector<16xi32>, vector<16xi32>], vector<16xf32>,
      tpu.vector_store_idx %arg12[%add3A_7, %and3A_9, %broadcast_in_dim3A_2594], %add3A_2578 : memref<4x8x128xf32, #tpu.memory_space<vmem>>[vector<16xi32>, vector<16xi32>, vector<16xi32>], vector<16xf32>,
      %get3A_2595 = arith.constant 80 : i32
      %get3A_2596 = arith.index_cast %get3A_2595 : i32 to index
      %get3A_2597 = arith.constant 0 : index
      %get3A_2598 = tpu.vector_load %arg10[%get3A_2596, %get3A_2597] {strides = array<i32>} : memref<128x32xf32, #tpu.memory_space<vmem>>, vector<16xf32>,
      %add3A_2599 = arith.addf %get3A_2598, %get3A_1631 : vector<16xf32>
      %get3A_2600 = arith.constant 80 : i32
      %get3A_2601 = arith.index_cast %get3A_2600 : i32 to index
      %get3A_2602 = arith.constant 16 : index
      %get3A_2603 = tpu.vector_load %arg10[%get3A_2601, %get3A_2602] {strides = array<i32>} : memref<128x32xf32, #tpu.memory_space<vmem>>, vector<16xf32>,
      %add3A_2604 = arith.addf %get3A_2603, %get3A_1634 : vector<16xf32>
      %get3A_2605 = arith.constant 81 : i32
      %get3A_2606 = arith.index_cast %get3A_2605 : i32 to index
      %get3A_2607 = arith.constant 0 : index
      %get3A_2608 = tpu.vector_load %arg10[%get3A_2606, %get3A_2607] {strides = array<i32>} : memref<128x32xf32, #tpu.memory_space<vmem>>, vector<16xf32>,
      %add3A_2609 = arith.addf %get3A_2608, %get3A_1631 : vector<16xf32>
      %get3A_2610 = arith.constant 81 : i32
      %get3A_2611 = arith.index_cast %get3A_2610 : i32 to index
      %get3A_2612 = arith.constant 16 : index
      %get3A_2613 = tpu.vector_load %arg10[%get3A_2611, %get3A_2612] {strides = array<i32>} : memref<128x32xf32, #tpu.memory_space<vmem>>, vector<16xf32>,
      %add3A_2614 = arith.addf %get3A_2613, %get3A_1634 : vector<16xf32>
      %get3A_2615 = arith.constant 82 : i32
      %get3A_2616 = arith.index_cast %get3A_2615 : i32 to index
      %get3A_2617 = arith.constant 0 : index
      %get3A_2618 = tpu.vector_load %arg10[%get3A_2616, %get3A_2617] {strides = array<i32>} : memref<128x32xf32, #tpu.memory_space<vmem>>, vector<16xf32>,
      %add3A_2619 = arith.addf %get3A_2618, %get3A_1631 : vector<16xf32>
      %get3A_2620 = arith.constant 82 : i32
      %get3A_2621 = arith.index_cast %get3A_2620 : i32 to index
      %get3A_2622 = arith.constant 16 : index
      %get3A_2623 = tpu.vector_load %arg10[%get3A_2621, %get3A_2622] {strides = array<i32>} : memref<128x32xf32, #tpu.memory_space<vmem>>, vector<16xf32>,
      %add3A_2624 = arith.addf %get3A_2623, %get3A_1634 : vector<16xf32>
      %get3A_2625 = arith.constant 83 : i32
      %get3A_2626 = arith.index_cast %get3A_2625 : i32 to index
      %get3A_2627 = arith.constant 0 : index
      %get3A_2628 = tpu.vector_load %arg10[%get3A_2626, %get3A_2627] {strides = array<i32>} : memref<128x32xf32, #tpu.memory_space<vmem>>, vector<16xf32>,
      %add3A_2629 = arith.addf %get3A_2628, %get3A_1631 : vector<16xf32>
      %get3A_2630 = arith.constant 83 : i32
      %get3A_2631 = arith.index_cast %get3A_2630 : i32 to index
      %get3A_2632 = arith.constant 16 : index
      %get3A_2633 = tpu.vector_load %arg10[%get3A_2631, %get3A_2632] {strides = array<i32>} : memref<128x32xf32, #tpu.memory_space<vmem>>, vector<16xf32>,
      %add3A_2634 = arith.addf %get3A_2633, %get3A_1634 : vector<16xf32>
      %get3A_2635 = arith.constant 84 : i32
      %get3A_2636 = arith.index_cast %get3A_2635 : i32 to index
      %get3A_2637 = arith.constant 0 : index
      %get3A_2638 = tpu.vector_load %arg10[%get3A_2636, %get3A_2637] {strides = array<i32>} : memref<128x32xf32, #tpu.memory_space<vmem>>, vector<16xf32>,
      %add3A_2639 = arith.addf %get3A_2638, %get3A_1631 : vector<16xf32>
      %get3A_2640 = arith.constant 84 : i32
      %get3A_2641 = arith.index_cast %get3A_2640 : i32 to index
      %get3A_2642 = arith.constant 16 : index
      %get3A_2643 = tpu.vector_load %arg10[%get3A_2641, %get3A_2642] {strides = array<i32>} : memref<128x32xf32, #tpu.memory_space<vmem>>, vector<16xf32>,
      %add3A_2644 = arith.addf %get3A_2643, %get3A_1634 : vector<16xf32>
      %get3A_2645 = arith.constant 85 : i32
      %get3A_2646 = arith.index_cast %get3A_2645 : i32 to index
      %get3A_2647 = arith.constant 0 : index
      %get3A_2648 = tpu.vector_load %arg10[%get3A_2646, %get3A_2647] {strides = array<i32>} : memref<128x32xf32, #tpu.memory_space<vmem>>, vector<16xf32>,
      %add3A_2649 = arith.addf %get3A_2648, %get3A_1631 : vector<16xf32>
      %get3A_2650 = arith.constant 85 : i32
      %get3A_2651 = arith.index_cast %get3A_2650 : i32 to index
      %get3A_2652 = arith.constant 16 : index
      %get3A_2653 = tpu.vector_load %arg10[%get3A_2651, %get3A_2652] {strides = array<i32>} : memref<128x32xf32, #tpu.memory_space<vmem>>, vector<16xf32>,
      %add3A_2654 = arith.addf %get3A_2653, %get3A_1634 : vector<16xf32>
      %get3A_2655 = arith.constant 86 : i32
      %get3A_2656 = arith.index_cast %get3A_2655 : i32 to index
      %get3A_2657 = arith.constant 0 : index
      %get3A_2658 = tpu.vector_load %arg10[%get3A_2656, %get3A_2657] {strides = array<i32>} : memref<128x32xf32, #tpu.memory_space<vmem>>, vector<16xf32>,
      %add3A_2659 = arith.addf %get3A_2658, %get3A_1631 : vector<16xf32>
      %get3A_2660 = arith.constant 86 : i32
      %get3A_2661 = arith.index_cast %get3A_2660 : i32 to index
      %get3A_2662 = arith.constant 16 : index
      %get3A_2663 = tpu.vector_load %arg10[%get3A_2661, %get3A_2662] {strides = array<i32>} : memref<128x32xf32, #tpu.memory_space<vmem>>, vector<16xf32>,
      %add3A_2664 = arith.addf %get3A_2663, %get3A_1634 : vector<16xf32>
      %get3A_2665 = arith.constant 87 : i32
      %get3A_2666 = arith.index_cast %get3A_2665 : i32 to index
      %get3A_2667 = arith.constant 0 : index
      %get3A_2668 = tpu.vector_load %arg10[%get3A_2666, %get3A_2667] {strides = array<i32>} : memref<128x32xf32, #tpu.memory_space<vmem>>, vector<16xf32>,
      %add3A_2669 = arith.addf %get3A_2668, %get3A_1631 : vector<16xf32>
      %get3A_2670 = arith.constant 87 : i32
      %get3A_2671 = arith.index_cast %get3A_2670 : i32 to index
      %get3A_2672 = arith.constant 16 : index
      %get3A_2673 = tpu.vector_load %arg10[%get3A_2671, %get3A_2672] {strides = array<i32>} : memref<128x32xf32, #tpu.memory_space<vmem>>, vector<16xf32>,
      %add3A_2674 = arith.addf %get3A_2673, %get3A_1634 : vector<16xf32>
      %broadcast_in_dim3A_2675 = arith.constant 80 : i32
      %broadcast_in_dim3A_2676 = vector.broadcast %broadcast_in_dim3A_2675 : i32 to vector<16xi32>
      tpu.vector_store_idx %arg12[%shift_right_arithmetic3A_4, %and3A_9, %broadcast_in_dim3A_2676], %add3A_2599 : memref<4x8x128xf32, #tpu.memory_space<vmem>>[vector<16xi32>, vector<16xi32>, vector<16xi32>], vector<16xf32>,
      tpu.vector_store_idx %arg12[%add3A_7, %and3A_9, %broadcast_in_dim3A_2676], %add3A_2604 : memref<4x8x128xf32, #tpu.memory_space<vmem>>[vector<16xi32>, vector<16xi32>, vector<16xi32>], vector<16xf32>,
      %broadcast_in_dim3A_2677 = arith.constant 81 : i32
      %broadcast_in_dim3A_2678 = vector.broadcast %broadcast_in_dim3A_2677 : i32 to vector<16xi32>
      tpu.vector_store_idx %arg12[%shift_right_arithmetic3A_4, %and3A_9, %broadcast_in_dim3A_2678], %add3A_2609 : memref<4x8x128xf32, #tpu.memory_space<vmem>>[vector<16xi32>, vector<16xi32>, vector<16xi32>], vector<16xf32>,
      tpu.vector_store_idx %arg12[%add3A_7, %and3A_9, %broadcast_in_dim3A_2678], %add3A_2614 : memref<4x8x128xf32, #tpu.memory_space<vmem>>[vector<16xi32>, vector<16xi32>, vector<16xi32>], vector<16xf32>,
      %broadcast_in_dim3A_2679 = arith.constant 82 : i32
      %broadcast_in_dim3A_2680 = vector.broadcast %broadcast_in_dim3A_2679 : i32 to vector<16xi32>
      tpu.vector_store_idx %arg12[%shift_right_arithmetic3A_4, %and3A_9, %broadcast_in_dim3A_2680], %add3A_2619 : memref<4x8x128xf32, #tpu.memory_space<vmem>>[vector<16xi32>, vector<16xi32>, vector<16xi32>], vector<16xf32>,
      tpu.vector_store_idx %arg12[%add3A_7, %and3A_9, %broadcast_in_dim3A_2680], %add3A_2624 : memref<4x8x128xf32, #tpu.memory_space<vmem>>[vector<16xi32>, vector<16xi32>, vector<16xi32>], vector<16xf32>,
      %broadcast_in_dim3A_2681 = arith.constant 83 : i32
      %broadcast_in_dim3A_2682 = vector.broadcast %broadcast_in_dim3A_2681 : i32 to vector<16xi32>
      tpu.vector_store_idx %arg12[%shift_right_arithmetic3A_4, %and3A_9, %broadcast_in_dim3A_2682], %add3A_2629 : memref<4x8x128xf32, #tpu.memory_space<vmem>>[vector<16xi32>, vector<16xi32>, vector<16xi32>], vector<16xf32>,
      tpu.vector_store_idx %arg12[%add3A_7, %and3A_9, %broadcast_in_dim3A_2682], %add3A_2634 : memref<4x8x128xf32, #tpu.memory_space<vmem>>[vector<16xi32>, vector<16xi32>, vector<16xi32>], vector<16xf32>,
      %broadcast_in_dim3A_2683 = arith.constant 84 : i32
      %broadcast_in_dim3A_2684 = vector.broadcast %broadcast_in_dim3A_2683 : i32 to vector<16xi32>
      tpu.vector_store_idx %arg12[%shift_right_arithmetic3A_4, %and3A_9, %broadcast_in_dim3A_2684], %add3A_2639 : memref<4x8x128xf32, #tpu.memory_space<vmem>>[vector<16xi32>, vector<16xi32>, vector<16xi32>], vector<16xf32>,
      tpu.vector_store_idx %arg12[%add3A_7, %and3A_9, %broadcast_in_dim3A_2684], %add3A_2644 : memref<4x8x128xf32, #tpu.memory_space<vmem>>[vector<16xi32>, vector<16xi32>, vector<16xi32>], vector<16xf32>,
      %broadcast_in_dim3A_2685 = arith.constant 85 : i32
      %broadcast_in_dim3A_2686 = vector.broadcast %broadcast_in_dim3A_2685 : i32 to vector<16xi32>
      tpu.vector_store_idx %arg12[%shift_right_arithmetic3A_4, %and3A_9, %broadcast_in_dim3A_2686], %add3A_2649 : memref<4x8x128xf32, #tpu.memory_space<vmem>>[vector<16xi32>, vector<16xi32>, vector<16xi32>], vector<16xf32>,
      tpu.vector_store_idx %arg12[%add3A_7, %and3A_9, %broadcast_in_dim3A_2686], %add3A_2654 : memref<4x8x128xf32, #tpu.memory_space<vmem>>[vector<16xi32>, vector<16xi32>, vector<16xi32>], vector<16xf32>,
      %broadcast_in_dim3A_2687 = arith.constant 86 : i32
      %broadcast_in_dim3A_2688 = vector.broadcast %broadcast_in_dim3A_2687 : i32 to vector<16xi32>
      tpu.vector_store_idx %arg12[%shift_right_arithmetic3A_4, %and3A_9, %broadcast_in_dim3A_2688], %add3A_2659 : memref<4x8x128xf32, #tpu.memory_space<vmem>>[vector<16xi32>, vector<16xi32>, vector<16xi32>], vector<16xf32>,
      tpu.vector_store_idx %arg12[%add3A_7, %and3A_9, %broadcast_in_dim3A_2688], %add3A_2664 : memref<4x8x128xf32, #tpu.memory_space<vmem>>[vector<16xi32>, vector<16xi32>, vector<16xi32>], vector<16xf32>,
      %broadcast_in_dim3A_2689 = arith.constant 87 : i32
      %broadcast_in_dim3A_2690 = vector.broadcast %broadcast_in_dim3A_2689 : i32 to vector<16xi32>
      tpu.vector_store_idx %arg12[%shift_right_arithmetic3A_4, %and3A_9, %broadcast_in_dim3A_2690], %add3A_2669 : memref<4x8x128xf32, #tpu.memory_space<vmem>>[vector<16xi32>, vector<16xi32>, vector<16xi32>], vector<16xf32>,
      tpu.vector_store_idx %arg12[%add3A_7, %and3A_9, %broadcast_in_dim3A_2690], %add3A_2674 : memref<4x8x128xf32, #tpu.memory_space<vmem>>[vector<16xi32>, vector<16xi32>, vector<16xi32>], vector<16xf32>,
      %get3A_2691 = arith.constant 88 : i32
      %get3A_2692 = arith.index_cast %get3A_2691 : i32 to index
      %get3A_2693 = arith.constant 0 : index
      %get3A_2694 = tpu.vector_load %arg10[%get3A_2692, %get3A_2693] {strides = array<i32>} : memref<128x32xf32, #tpu.memory_space<vmem>>, vector<16xf32>,
      %add3A_2695 = arith.addf %get3A_2694, %get3A_1631 : vector<16xf32>
      %get3A_2696 = arith.constant 88 : i32
      %get3A_2697 = arith.index_cast %get3A_2696 : i32 to index
      %get3A_2698 = arith.constant 16 : index
      %get3A_2699 = tpu.vector_load %arg10[%get3A_2697, %get3A_2698] {strides = array<i32>} : memref<128x32xf32, #tpu.memory_space<vmem>>, vector<16xf32>,
      %add3A_2700 = arith.addf %get3A_2699, %get3A_1634 : vector<16xf32>
      %get3A_2701 = arith.constant 89 : i32
      %get3A_2702 = arith.index_cast %get3A_2701 : i32 to index
      %get3A_2703 = arith.constant 0 : index
      %get3A_2704 = tpu.vector_load %arg10[%get3A_2702, %get3A_2703] {strides = array<i32>} : memref<128x32xf32, #tpu.memory_space<vmem>>, vector<16xf32>,
      %add3A_2705 = arith.addf %get3A_2704, %get3A_1631 : vector<16xf32>
      %get3A_2706 = arith.constant 89 : i32
      %get3A_2707 = arith.index_cast %get3A_2706 : i32 to index
      %get3A_2708 = arith.constant 16 : index
      %get3A_2709 = tpu.vector_load %arg10[%get3A_2707, %get3A_2708] {strides = array<i32>} : memref<128x32xf32, #tpu.memory_space<vmem>>, vector<16xf32>,
      %add3A_2710 = arith.addf %get3A_2709, %get3A_1634 : vector<16xf32>
      %get3A_2711 = arith.constant 90 : i32
      %get3A_2712 = arith.index_cast %get3A_2711 : i32 to index
      %get3A_2713 = arith.constant 0 : index
      %get3A_2714 = tpu.vector_load %arg10[%get3A_2712, %get3A_2713] {strides = array<i32>} : memref<128x32xf32, #tpu.memory_space<vmem>>, vector<16xf32>,
      %add3A_2715 = arith.addf %get3A_2714, %get3A_1631 : vector<16xf32>
      %get3A_2716 = arith.constant 90 : i32
      %get3A_2717 = arith.index_cast %get3A_2716 : i32 to index
      %get3A_2718 = arith.constant 16 : index
      %get3A_2719 = tpu.vector_load %arg10[%get3A_2717, %get3A_2718] {strides = array<i32>} : memref<128x32xf32, #tpu.memory_space<vmem>>, vector<16xf32>,
      %add3A_2720 = arith.addf %get3A_2719, %get3A_1634 : vector<16xf32>
      %get3A_2721 = arith.constant 91 : i32
      %get3A_2722 = arith.index_cast %get3A_2721 : i32 to index
      %get3A_2723 = arith.constant 0 : index
      %get3A_2724 = tpu.vector_load %arg10[%get3A_2722, %get3A_2723] {strides = array<i32>} : memref<128x32xf32, #tpu.memory_space<vmem>>, vector<16xf32>,
      %add3A_2725 = arith.addf %get3A_2724, %get3A_1631 : vector<16xf32>
      %get3A_2726 = arith.constant 91 : i32
      %get3A_2727 = arith.index_cast %get3A_2726 : i32 to index
      %get3A_2728 = arith.constant 16 : index
      %get3A_2729 = tpu.vector_load %arg10[%get3A_2727, %get3A_2728] {strides = array<i32>} : memref<128x32xf32, #tpu.memory_space<vmem>>, vector<16xf32>,
      %add3A_2730 = arith.addf %get3A_2729, %get3A_1634 : vector<16xf32>
      %get3A_2731 = arith.constant 92 : i32
      %get3A_2732 = arith.index_cast %get3A_2731 : i32 to index
      %get3A_2733 = arith.constant 0 : index
      %get3A_2734 = tpu.vector_load %arg10[%get3A_2732, %get3A_2733] {strides = array<i32>} : memref<128x32xf32, #tpu.memory_space<vmem>>, vector<16xf32>,
      %add3A_2735 = arith.addf %get3A_2734, %get3A_1631 : vector<16xf32>
      %get3A_2736 = arith.constant 92 : i32
      %get3A_2737 = arith.index_cast %get3A_2736 : i32 to index
      %get3A_2738 = arith.constant 16 : index
      %get3A_2739 = tpu.vector_load %arg10[%get3A_2737, %get3A_2738] {strides = array<i32>} : memref<128x32xf32, #tpu.memory_space<vmem>>, vector<16xf32>,
      %add3A_2740 = arith.addf %get3A_2739, %get3A_1634 : vector<16xf32>
      %get3A_2741 = arith.constant 93 : i32
      %get3A_2742 = arith.index_cast %get3A_2741 : i32 to index
      %get3A_2743 = arith.constant 0 : index
      %get3A_2744 = tpu.vector_load %arg10[%get3A_2742, %get3A_2743] {strides = array<i32>} : memref<128x32xf32, #tpu.memory_space<vmem>>, vector<16xf32>,
      %add3A_2745 = arith.addf %get3A_2744, %get3A_1631 : vector<16xf32>
      %get3A_2746 = arith.constant 93 : i32
      %get3A_2747 = arith.index_cast %get3A_2746 : i32 to index
      %get3A_2748 = arith.constant 16 : index
      %get3A_2749 = tpu.vector_load %arg10[%get3A_2747, %get3A_2748] {strides = array<i32>} : memref<128x32xf32, #tpu.memory_space<vmem>>, vector<16xf32>,
      %add3A_2750 = arith.addf %get3A_2749, %get3A_1634 : vector<16xf32>
      %get3A_2751 = arith.constant 94 : i32
      %get3A_2752 = arith.index_cast %get3A_2751 : i32 to index
      %get3A_2753 = arith.constant 0 : index
      %get3A_2754 = tpu.vector_load %arg10[%get3A_2752, %get3A_2753] {strides = array<i32>} : memref<128x32xf32, #tpu.memory_space<vmem>>, vector<16xf32>,
      %add3A_2755 = arith.addf %get3A_2754, %get3A_1631 : vector<16xf32>
      %get3A_2756 = arith.constant 94 : i32
      %get3A_2757 = arith.index_cast %get3A_2756 : i32 to index
      %get3A_2758 = arith.constant 16 : index
      %get3A_2759 = tpu.vector_load %arg10[%get3A_2757, %get3A_2758] {strides = array<i32>} : memref<128x32xf32, #tpu.memory_space<vmem>>, vector<16xf32>,
      %add3A_2760 = arith.addf %get3A_2759, %get3A_1634 : vector<16xf32>
      %get3A_2761 = arith.constant 95 : i32
      %get3A_2762 = arith.index_cast %get3A_2761 : i32 to index
      %get3A_2763 = arith.constant 0 : index
      %get3A_2764 = tpu.vector_load %arg10[%get3A_2762, %get3A_2763] {strides = array<i32>} : memref<128x32xf32, #tpu.memory_space<vmem>>, vector<16xf32>,
      %add3A_2765 = arith.addf %get3A_2764, %get3A_1631 : vector<16xf32>
      %get3A_2766 = arith.constant 95 : i32
      %get3A_2767 = arith.index_cast %get3A_2766 : i32 to index
      %get3A_2768 = arith.constant 16 : index
      %get3A_2769 = tpu.vector_load %arg10[%get3A_2767, %get3A_2768] {strides = array<i32>} : memref<128x32xf32, #tpu.memory_space<vmem>>, vector<16xf32>,
      %add3A_2770 = arith.addf %get3A_2769, %get3A_1634 : vector<16xf32>
      %broadcast_in_dim3A_2771 = arith.constant 88 : i32
      %broadcast_in_dim3A_2772 = vector.broadcast %broadcast_in_dim3A_2771 : i32 to vector<16xi32>
      tpu.vector_store_idx %arg12[%shift_right_arithmetic3A_4, %and3A_9, %broadcast_in_dim3A_2772], %add3A_2695 : memref<4x8x128xf32, #tpu.memory_space<vmem>>[vector<16xi32>, vector<16xi32>, vector<16xi32>], vector<16xf32>,
      tpu.vector_store_idx %arg12[%add3A_7, %and3A_9, %broadcast_in_dim3A_2772], %add3A_2700 : memref<4x8x128xf32, #tpu.memory_space<vmem>>[vector<16xi32>, vector<16xi32>, vector<16xi32>], vector<16xf32>,
      %broadcast_in_dim3A_2773 = arith.constant 89 : i32
      %broadcast_in_dim3A_2774 = vector.broadcast %broadcast_in_dim3A_2773 : i32 to vector<16xi32>
      tpu.vector_store_idx %arg12[%shift_right_arithmetic3A_4, %and3A_9, %broadcast_in_dim3A_2774], %add3A_2705 : memref<4x8x128xf32, #tpu.memory_space<vmem>>[vector<16xi32>, vector<16xi32>, vector<16xi32>], vector<16xf32>,
      tpu.vector_store_idx %arg12[%add3A_7, %and3A_9, %broadcast_in_dim3A_2774], %add3A_2710 : memref<4x8x128xf32, #tpu.memory_space<vmem>>[vector<16xi32>, vector<16xi32>, vector<16xi32>], vector<16xf32>,
      %broadcast_in_dim3A_2775 = arith.constant 90 : i32
      %broadcast_in_dim3A_2776 = vector.broadcast %broadcast_in_dim3A_2775 : i32 to vector<16xi32>
      tpu.vector_store_idx %arg12[%shift_right_arithmetic3A_4, %and3A_9, %broadcast_in_dim3A_2776], %add3A_2715 : memref<4x8x128xf32, #tpu.memory_space<vmem>>[vector<16xi32>, vector<16xi32>, vector<16xi32>], vector<16xf32>,
      tpu.vector_store_idx %arg12[%add3A_7, %and3A_9, %broadcast_in_dim3A_2776], %add3A_2720 : memref<4x8x128xf32, #tpu.memory_space<vmem>>[vector<16xi32>, vector<16xi32>, vector<16xi32>], vector<16xf32>,
      %broadcast_in_dim3A_2777 = arith.constant 91 : i32
      %broadcast_in_dim3A_2778 = vector.broadcast %broadcast_in_dim3A_2777 : i32 to vector<16xi32>
      tpu.vector_store_idx %arg12[%shift_right_arithmetic3A_4, %and3A_9, %broadcast_in_dim3A_2778], %add3A_2725 : memref<4x8x128xf32, #tpu.memory_space<vmem>>[vector<16xi32>, vector<16xi32>, vector<16xi32>], vector<16xf32>,
      tpu.vector_store_idx %arg12[%add3A_7, %and3A_9, %broadcast_in_dim3A_2778], %add3A_2730 : memref<4x8x128xf32, #tpu.memory_space<vmem>>[vector<16xi32>, vector<16xi32>, vector<16xi32>], vector<16xf32>,
      %broadcast_in_dim3A_2779 = arith.constant 92 : i32
      %broadcast_in_dim3A_2780 = vector.broadcast %broadcast_in_dim3A_2779 : i32 to vector<16xi32>
      tpu.vector_store_idx %arg12[%shift_right_arithmetic3A_4, %and3A_9, %broadcast_in_dim3A_2780], %add3A_2735 : memref<4x8x128xf32, #tpu.memory_space<vmem>>[vector<16xi32>, vector<16xi32>, vector<16xi32>], vector<16xf32>,
      tpu.vector_store_idx %arg12[%add3A_7, %and3A_9, %broadcast_in_dim3A_2780], %add3A_2740 : memref<4x8x128xf32, #tpu.memory_space<vmem>>[vector<16xi32>, vector<16xi32>, vector<16xi32>], vector<16xf32>,
      %broadcast_in_dim3A_2781 = arith.constant 93 : i32
      %broadcast_in_dim3A_2782 = vector.broadcast %broadcast_in_dim3A_2781 : i32 to vector<16xi32>
      tpu.vector_store_idx %arg12[%shift_right_arithmetic3A_4, %and3A_9, %broadcast_in_dim3A_2782], %add3A_2745 : memref<4x8x128xf32, #tpu.memory_space<vmem>>[vector<16xi32>, vector<16xi32>, vector<16xi32>], vector<16xf32>,
      tpu.vector_store_idx %arg12[%add3A_7, %and3A_9, %broadcast_in_dim3A_2782], %add3A_2750 : memref<4x8x128xf32, #tpu.memory_space<vmem>>[vector<16xi32>, vector<16xi32>, vector<16xi32>], vector<16xf32>,
      %broadcast_in_dim3A_2783 = arith.constant 94 : i32
      %broadcast_in_dim3A_2784 = vector.broadcast %broadcast_in_dim3A_2783 : i32 to vector<16xi32>
      tpu.vector_store_idx %arg12[%shift_right_arithmetic3A_4, %and3A_9, %broadcast_in_dim3A_2784], %add3A_2755 : memref<4x8x128xf32, #tpu.memory_space<vmem>>[vector<16xi32>, vector<16xi32>, vector<16xi32>], vector<16xf32>,
      tpu.vector_store_idx %arg12[%add3A_7, %and3A_9, %broadcast_in_dim3A_2784], %add3A_2760 : memref<4x8x128xf32, #tpu.memory_space<vmem>>[vector<16xi32>, vector<16xi32>, vector<16xi32>], vector<16xf32>,
      %broadcast_in_dim3A_2785 = arith.constant 95 : i32
      %broadcast_in_dim3A_2786 = vector.broadcast %broadcast_in_dim3A_2785 : i32 to vector<16xi32>
      tpu.vector_store_idx %arg12[%shift_right_arithmetic3A_4, %and3A_9, %broadcast_in_dim3A_2786], %add3A_2765 : memref<4x8x128xf32, #tpu.memory_space<vmem>>[vector<16xi32>, vector<16xi32>, vector<16xi32>], vector<16xf32>,
      tpu.vector_store_idx %arg12[%add3A_7, %and3A_9, %broadcast_in_dim3A_2786], %add3A_2770 : memref<4x8x128xf32, #tpu.memory_space<vmem>>[vector<16xi32>, vector<16xi32>, vector<16xi32>], vector<16xf32>,
      %get3A_2787 = arith.constant 96 : i32
      %get3A_2788 = arith.index_cast %get3A_2787 : i32 to index
      %get3A_2789 = arith.constant 0 : index
      %get3A_2790 = tpu.vector_load %arg10[%get3A_2788, %get3A_2789] {strides = array<i32>} : memref<128x32xf32, #tpu.memory_space<vmem>>, vector<16xf32>,
      %add3A_2791 = arith.addf %get3A_2790, %get3A_1631 : vector<16xf32>
      %get3A_2792 = arith.constant 96 : i32
      %get3A_2793 = arith.index_cast %get3A_2792 : i32 to index
      %get3A_2794 = arith.constant 16 : index
      %get3A_2795 = tpu.vector_load %arg10[%get3A_2793, %get3A_2794] {strides = array<i32>} : memref<128x32xf32, #tpu.memory_space<vmem>>, vector<16xf32>,
      %add3A_2796 = arith.addf %get3A_2795, %get3A_1634 : vector<16xf32>
      %get3A_2797 = arith.constant 97 : i32
      %get3A_2798 = arith.index_cast %get3A_2797 : i32 to index
      %get3A_2799 = arith.constant 0 : index
      %get3A_2800 = tpu.vector_load %arg10[%get3A_2798, %get3A_2799] {strides = array<i32>} : memref<128x32xf32, #tpu.memory_space<vmem>>, vector<16xf32>,
      %add3A_2801 = arith.addf %get3A_2800, %get3A_1631 : vector<16xf32>
      %get3A_2802 = arith.constant 97 : i32
      %get3A_2803 = arith.index_cast %get3A_2802 : i32 to index
      %get3A_2804 = arith.constant 16 : index
      %get3A_2805 = tpu.vector_load %arg10[%get3A_2803, %get3A_2804] {strides = array<i32>} : memref<128x32xf32, #tpu.memory_space<vmem>>, vector<16xf32>,
      %add3A_2806 = arith.addf %get3A_2805, %get3A_1634 : vector<16xf32>
      %get3A_2807 = arith.constant 98 : i32
      %get3A_2808 = arith.index_cast %get3A_2807 : i32 to index
      %get3A_2809 = arith.constant 0 : index
      %get3A_2810 = tpu.vector_load %arg10[%get3A_2808, %get3A_2809] {strides = array<i32>} : memref<128x32xf32, #tpu.memory_space<vmem>>, vector<16xf32>,
      %add3A_2811 = arith.addf %get3A_2810, %get3A_1631 : vector<16xf32>
      %get3A_2812 = arith.constant 98 : i32
      %get3A_2813 = arith.index_cast %get3A_2812 : i32 to index
      %get3A_2814 = arith.constant 16 : index
      %get3A_2815 = tpu.vector_load %arg10[%get3A_2813, %get3A_2814] {strides = array<i32>} : memref<128x32xf32, #tpu.memory_space<vmem>>, vector<16xf32>,
      %add3A_2816 = arith.addf %get3A_2815, %get3A_1634 : vector<16xf32>
      %get3A_2817 = arith.constant 99 : i32
      %get3A_2818 = arith.index_cast %get3A_2817 : i32 to index
      %get3A_2819 = arith.constant 0 : index
      %get3A_2820 = tpu.vector_load %arg10[%get3A_2818, %get3A_2819] {strides = array<i32>} : memref<128x32xf32, #tpu.memory_space<vmem>>, vector<16xf32>,
      %add3A_2821 = arith.addf %get3A_2820, %get3A_1631 : vector<16xf32>
      %get3A_2822 = arith.constant 99 : i32
      %get3A_2823 = arith.index_cast %get3A_2822 : i32 to index
      %get3A_2824 = arith.constant 16 : index
      %get3A_2825 = tpu.vector_load %arg10[%get3A_2823, %get3A_2824] {strides = array<i32>} : memref<128x32xf32, #tpu.memory_space<vmem>>, vector<16xf32>,
      %add3A_2826 = arith.addf %get3A_2825, %get3A_1634 : vector<16xf32>
      %get3A_2827 = arith.constant 100 : i32
      %get3A_2828 = arith.index_cast %get3A_2827 : i32 to index
      %get3A_2829 = arith.constant 0 : index
      %get3A_2830 = tpu.vector_load %arg10[%get3A_2828, %get3A_2829] {strides = array<i32>} : memref<128x32xf32, #tpu.memory_space<vmem>>, vector<16xf32>,
      %add3A_2831 = arith.addf %get3A_2830, %get3A_1631 : vector<16xf32>
      %get3A_2832 = arith.constant 100 : i32
      %get3A_2833 = arith.index_cast %get3A_2832 : i32 to index
      %get3A_2834 = arith.constant 16 : index
      %get3A_2835 = tpu.vector_load %arg10[%get3A_2833, %get3A_2834] {strides = array<i32>} : memref<128x32xf32, #tpu.memory_space<vmem>>, vector<16xf32>,
      %add3A_2836 = arith.addf %get3A_2835, %get3A_1634 : vector<16xf32>
      %get3A_2837 = arith.constant 101 : i32
      %get3A_2838 = arith.index_cast %get3A_2837 : i32 to index
      %get3A_2839 = arith.constant 0 : index
      %get3A_2840 = tpu.vector_load %arg10[%get3A_2838, %get3A_2839] {strides = array<i32>} : memref<128x32xf32, #tpu.memory_space<vmem>>, vector<16xf32>,
      %add3A_2841 = arith.addf %get3A_2840, %get3A_1631 : vector<16xf32>
      %get3A_2842 = arith.constant 101 : i32
      %get3A_2843 = arith.index_cast %get3A_2842 : i32 to index
      %get3A_2844 = arith.constant 16 : index
      %get3A_2845 = tpu.vector_load %arg10[%get3A_2843, %get3A_2844] {strides = array<i32>} : memref<128x32xf32, #tpu.memory_space<vmem>>, vector<16xf32>,
      %add3A_2846 = arith.addf %get3A_2845, %get3A_1634 : vector<16xf32>
      %get3A_2847 = arith.constant 102 : i32
      %get3A_2848 = arith.index_cast %get3A_2847 : i32 to index
      %get3A_2849 = arith.constant 0 : index
      %get3A_2850 = tpu.vector_load %arg10[%get3A_2848, %get3A_2849] {strides = array<i32>} : memref<128x32xf32, #tpu.memory_space<vmem>>, vector<16xf32>,
      %add3A_2851 = arith.addf %get3A_2850, %get3A_1631 : vector<16xf32>
      %get3A_2852 = arith.constant 102 : i32
      %get3A_2853 = arith.index_cast %get3A_2852 : i32 to index
      %get3A_2854 = arith.constant 16 : index
      %get3A_2855 = tpu.vector_load %arg10[%get3A_2853, %get3A_2854] {strides = array<i32>} : memref<128x32xf32, #tpu.memory_space<vmem>>, vector<16xf32>,
      %add3A_2856 = arith.addf %get3A_2855, %get3A_1634 : vector<16xf32>
      %get3A_2857 = arith.constant 103 : i32
      %get3A_2858 = arith.index_cast %get3A_2857 : i32 to index
      %get3A_2859 = arith.constant 0 : index
      %get3A_2860 = tpu.vector_load %arg10[%get3A_2858, %get3A_2859] {strides = array<i32>} : memref<128x32xf32, #tpu.memory_space<vmem>>, vector<16xf32>,
      %add3A_2861 = arith.addf %get3A_2860, %get3A_1631 : vector<16xf32>
      %get3A_2862 = arith.constant 103 : i32
      %get3A_2863 = arith.index_cast %get3A_2862 : i32 to index
      %get3A_2864 = arith.constant 16 : index
      %get3A_2865 = tpu.vector_load %arg10[%get3A_2863, %get3A_2864] {strides = array<i32>} : memref<128x32xf32, #tpu.memory_space<vmem>>, vector<16xf32>,
      %add3A_2866 = arith.addf %get3A_2865, %get3A_1634 : vector<16xf32>
      %broadcast_in_dim3A_2867 = arith.constant 96 : i32
      %broadcast_in_dim3A_2868 = vector.broadcast %broadcast_in_dim3A_2867 : i32 to vector<16xi32>
      tpu.vector_store_idx %arg12[%shift_right_arithmetic3A_4, %and3A_9, %broadcast_in_dim3A_2868], %add3A_2791 : memref<4x8x128xf32, #tpu.memory_space<vmem>>[vector<16xi32>, vector<16xi32>, vector<16xi32>], vector<16xf32>,
      tpu.vector_store_idx %arg12[%add3A_7, %and3A_9, %broadcast_in_dim3A_2868], %add3A_2796 : memref<4x8x128xf32, #tpu.memory_space<vmem>>[vector<16xi32>, vector<16xi32>, vector<16xi32>], vector<16xf32>,
      %broadcast_in_dim3A_2869 = arith.constant 97 : i32
      %broadcast_in_dim3A_2870 = vector.broadcast %broadcast_in_dim3A_2869 : i32 to vector<16xi32>
      tpu.vector_store_idx %arg12[%shift_right_arithmetic3A_4, %and3A_9, %broadcast_in_dim3A_2870], %add3A_2801 : memref<4x8x128xf32, #tpu.memory_space<vmem>>[vector<16xi32>, vector<16xi32>, vector<16xi32>], vector<16xf32>,
      tpu.vector_store_idx %arg12[%add3A_7, %and3A_9, %broadcast_in_dim3A_2870], %add3A_2806 : memref<4x8x128xf32, #tpu.memory_space<vmem>>[vector<16xi32>, vector<16xi32>, vector<16xi32>], vector<16xf32>,
      %broadcast_in_dim3A_2871 = arith.constant 98 : i32
      %broadcast_in_dim3A_2872 = vector.broadcast %broadcast_in_dim3A_2871 : i32 to vector<16xi32>
      tpu.vector_store_idx %arg12[%shift_right_arithmetic3A_4, %and3A_9, %broadcast_in_dim3A_2872], %add3A_2811 : memref<4x8x128xf32, #tpu.memory_space<vmem>>[vector<16xi32>, vector<16xi32>, vector<16xi32>], vector<16xf32>,
      tpu.vector_store_idx %arg12[%add3A_7, %and3A_9, %broadcast_in_dim3A_2872], %add3A_2816 : memref<4x8x128xf32, #tpu.memory_space<vmem>>[vector<16xi32>, vector<16xi32>, vector<16xi32>], vector<16xf32>,
      %broadcast_in_dim3A_2873 = arith.constant 99 : i32
      %broadcast_in_dim3A_2874 = vector.broadcast %broadcast_in_dim3A_2873 : i32 to vector<16xi32>
      tpu.vector_store_idx %arg12[%shift_right_arithmetic3A_4, %and3A_9, %broadcast_in_dim3A_2874], %add3A_2821 : memref<4x8x128xf32, #tpu.memory_space<vmem>>[vector<16xi32>, vector<16xi32>, vector<16xi32>], vector<16xf32>,
      tpu.vector_store_idx %arg12[%add3A_7, %and3A_9, %broadcast_in_dim3A_2874], %add3A_2826 : memref<4x8x128xf32, #tpu.memory_space<vmem>>[vector<16xi32>, vector<16xi32>, vector<16xi32>], vector<16xf32>,
      %broadcast_in_dim3A_2875 = arith.constant 100 : i32
      %broadcast_in_dim3A_2876 = vector.broadcast %broadcast_in_dim3A_2875 : i32 to vector<16xi32>
      tpu.vector_store_idx %arg12[%shift_right_arithmetic3A_4, %and3A_9, %broadcast_in_dim3A_2876], %add3A_2831 : memref<4x8x128xf32, #tpu.memory_space<vmem>>[vector<16xi32>, vector<16xi32>, vector<16xi32>], vector<16xf32>,
      tpu.vector_store_idx %arg12[%add3A_7, %and3A_9, %broadcast_in_dim3A_2876], %add3A_2836 : memref<4x8x128xf32, #tpu.memory_space<vmem>>[vector<16xi32>, vector<16xi32>, vector<16xi32>], vector<16xf32>,
      %broadcast_in_dim3A_2877 = arith.constant 101 : i32
      %broadcast_in_dim3A_2878 = vector.broadcast %broadcast_in_dim3A_2877 : i32 to vector<16xi32>
      tpu.vector_store_idx %arg12[%shift_right_arithmetic3A_4, %and3A_9, %broadcast_in_dim3A_2878], %add3A_2841 : memref<4x8x128xf32, #tpu.memory_space<vmem>>[vector<16xi32>, vector<16xi32>, vector<16xi32>], vector<16xf32>,
      tpu.vector_store_idx %arg12[%add3A_7, %and3A_9, %broadcast_in_dim3A_2878], %add3A_2846 : memref<4x8x128xf32, #tpu.memory_space<vmem>>[vector<16xi32>, vector<16xi32>, vector<16xi32>], vector<16xf32>,
      %broadcast_in_dim3A_2879 = arith.constant 102 : i32
      %broadcast_in_dim3A_2880 = vector.broadcast %broadcast_in_dim3A_2879 : i32 to vector<16xi32>
      tpu.vector_store_idx %arg12[%shift_right_arithmetic3A_4, %and3A_9, %broadcast_in_dim3A_2880], %add3A_2851 : memref<4x8x128xf32, #tpu.memory_space<vmem>>[vector<16xi32>, vector<16xi32>, vector<16xi32>], vector<16xf32>,
      tpu.vector_store_idx %arg12[%add3A_7, %and3A_9, %broadcast_in_dim3A_2880], %add3A_2856 : memref<4x8x128xf32, #tpu.memory_space<vmem>>[vector<16xi32>, vector<16xi32>, vector<16xi32>], vector<16xf32>,
      %broadcast_in_dim3A_2881 = arith.constant 103 : i32
      %broadcast_in_dim3A_2882 = vector.broadcast %broadcast_in_dim3A_2881 : i32 to vector<16xi32>
      tpu.vector_store_idx %arg12[%shift_right_arithmetic3A_4, %and3A_9, %broadcast_in_dim3A_2882], %add3A_2861 : memref<4x8x128xf32, #tpu.memory_space<vmem>>[vector<16xi32>, vector<16xi32>, vector<16xi32>], vector<16xf32>,
      tpu.vector_store_idx %arg12[%add3A_7, %and3A_9, %broadcast_in_dim3A_2882], %add3A_2866 : memref<4x8x128xf32, #tpu.memory_space<vmem>>[vector<16xi32>, vector<16xi32>, vector<16xi32>], vector<16xf32>,
      %get3A_2883 = arith.constant 104 : i32
      %get3A_2884 = arith.index_cast %get3A_2883 : i32 to index
      %get3A_2885 = arith.constant 0 : index
      %get3A_2886 = tpu.vector_load %arg10[%get3A_2884, %get3A_2885] {strides = array<i32>} : memref<128x32xf32, #tpu.memory_space<vmem>>, vector<16xf32>,
      %add3A_2887 = arith.addf %get3A_2886, %get3A_1631 : vector<16xf32>
      %get3A_2888 = arith.constant 104 : i32
      %get3A_2889 = arith.index_cast %get3A_2888 : i32 to index
      %get3A_2890 = arith.constant 16 : index
      %get3A_2891 = tpu.vector_load %arg10[%get3A_2889, %get3A_2890] {strides = array<i32>} : memref<128x32xf32, #tpu.memory_space<vmem>>, vector<16xf32>,
      %add3A_2892 = arith.addf %get3A_2891, %get3A_1634 : vector<16xf32>
      %get3A_2893 = arith.constant 105 : i32
      %get3A_2894 = arith.index_cast %get3A_2893 : i32 to index
      %get3A_2895 = arith.constant 0 : index
      %get3A_2896 = tpu.vector_load %arg10[%get3A_2894, %get3A_2895] {strides = array<i32>} : memref<128x32xf32, #tpu.memory_space<vmem>>, vector<16xf32>,
      %add3A_2897 = arith.addf %get3A_2896, %get3A_1631 : vector<16xf32>
      %get3A_2898 = arith.constant 105 : i32
      %get3A_2899 = arith.index_cast %get3A_2898 : i32 to index
      %get3A_2900 = arith.constant 16 : index
      %get3A_2901 = tpu.vector_load %arg10[%get3A_2899, %get3A_2900] {strides = array<i32>} : memref<128x32xf32, #tpu.memory_space<vmem>>, vector<16xf32>,
      %add3A_2902 = arith.addf %get3A_2901, %get3A_1634 : vector<16xf32>
      %get3A_2903 = arith.constant 106 : i32
      %get3A_2904 = arith.index_cast %get3A_2903 : i32 to index
      %get3A_2905 = arith.constant 0 : index
      %get3A_2906 = tpu.vector_load %arg10[%get3A_2904, %get3A_2905] {strides = array<i32>} : memref<128x32xf32, #tpu.memory_space<vmem>>, vector<16xf32>,
      %add3A_2907 = arith.addf %get3A_2906, %get3A_1631 : vector<16xf32>
      %get3A_2908 = arith.constant 106 : i32
      %get3A_2909 = arith.index_cast %get3A_2908 : i32 to index
      %get3A_2910 = arith.constant 16 : index
      %get3A_2911 = tpu.vector_load %arg10[%get3A_2909, %get3A_2910] {strides = array<i32>} : memref<128x32xf32, #tpu.memory_space<vmem>>, vector<16xf32>,
      %add3A_2912 = arith.addf %get3A_2911, %get3A_1634 : vector<16xf32>
      %get3A_2913 = arith.constant 107 : i32
      %get3A_2914 = arith.index_cast %get3A_2913 : i32 to index
      %get3A_2915 = arith.constant 0 : index
      %get3A_2916 = tpu.vector_load %arg10[%get3A_2914, %get3A_2915] {strides = array<i32>} : memref<128x32xf32, #tpu.memory_space<vmem>>, vector<16xf32>,
      %add3A_2917 = arith.addf %get3A_2916, %get3A_1631 : vector<16xf32>
      %get3A_2918 = arith.constant 107 : i32
      %get3A_2919 = arith.index_cast %get3A_2918 : i32 to index
      %get3A_2920 = arith.constant 16 : index
      %get3A_2921 = tpu.vector_load %arg10[%get3A_2919, %get3A_2920] {strides = array<i32>} : memref<128x32xf32, #tpu.memory_space<vmem>>, vector<16xf32>,
      %add3A_2922 = arith.addf %get3A_2921, %get3A_1634 : vector<16xf32>
      %get3A_2923 = arith.constant 108 : i32
      %get3A_2924 = arith.index_cast %get3A_2923 : i32 to index
      %get3A_2925 = arith.constant 0 : index
      %get3A_2926 = tpu.vector_load %arg10[%get3A_2924, %get3A_2925] {strides = array<i32>} : memref<128x32xf32, #tpu.memory_space<vmem>>, vector<16xf32>,
      %add3A_2927 = arith.addf %get3A_2926, %get3A_1631 : vector<16xf32>
      %get3A_2928 = arith.constant 108 : i32
      %get3A_2929 = arith.index_cast %get3A_2928 : i32 to index
      %get3A_2930 = arith.constant 16 : index
      %get3A_2931 = tpu.vector_load %arg10[%get3A_2929, %get3A_2930] {strides = array<i32>} : memref<128x32xf32, #tpu.memory_space<vmem>>, vector<16xf32>,
      %add3A_2932 = arith.addf %get3A_2931, %get3A_1634 : vector<16xf32>
      %get3A_2933 = arith.constant 109 : i32
      %get3A_2934 = arith.index_cast %get3A_2933 : i32 to index
      %get3A_2935 = arith.constant 0 : index
      %get3A_2936 = tpu.vector_load %arg10[%get3A_2934, %get3A_2935] {strides = array<i32>} : memref<128x32xf32, #tpu.memory_space<vmem>>, vector<16xf32>,
      %add3A_2937 = arith.addf %get3A_2936, %get3A_1631 : vector<16xf32>
      %get3A_2938 = arith.constant 109 : i32
      %get3A_2939 = arith.index_cast %get3A_2938 : i32 to index
      %get3A_2940 = arith.constant 16 : index
      %get3A_2941 = tpu.vector_load %arg10[%get3A_2939, %get3A_2940] {strides = array<i32>} : memref<128x32xf32, #tpu.memory_space<vmem>>, vector<16xf32>,
      %add3A_2942 = arith.addf %get3A_2941, %get3A_1634 : vector<16xf32>
      %get3A_2943 = arith.constant 110 : i32
      %get3A_2944 = arith.index_cast %get3A_2943 : i32 to index
      %get3A_2945 = arith.constant 0 : index
      %get3A_2946 = tpu.vector_load %arg10[%get3A_2944, %get3A_2945] {strides = array<i32>} : memref<128x32xf32, #tpu.memory_space<vmem>>, vector<16xf32>,
      %add3A_2947 = arith.addf %get3A_2946, %get3A_1631 : vector<16xf32>
      %get3A_2948 = arith.constant 110 : i32
      %get3A_2949 = arith.index_cast %get3A_2948 : i32 to index
      %get3A_2950 = arith.constant 16 : index
      %get3A_2951 = tpu.vector_load %arg10[%get3A_2949, %get3A_2950] {strides = array<i32>} : memref<128x32xf32, #tpu.memory_space<vmem>>, vector<16xf32>,
      %add3A_2952 = arith.addf %get3A_2951, %get3A_1634 : vector<16xf32>
      %get3A_2953 = arith.constant 111 : i32
      %get3A_2954 = arith.index_cast %get3A_2953 : i32 to index
      %get3A_2955 = arith.constant 0 : index
      %get3A_2956 = tpu.vector_load %arg10[%get3A_2954, %get3A_2955] {strides = array<i32>} : memref<128x32xf32, #tpu.memory_space<vmem>>, vector<16xf32>,
      %add3A_2957 = arith.addf %get3A_2956, %get3A_1631 : vector<16xf32>
      %get3A_2958 = arith.constant 111 : i32
      %get3A_2959 = arith.index_cast %get3A_2958 : i32 to index
      %get3A_2960 = arith.constant 16 : index
      %get3A_2961 = tpu.vector_load %arg10[%get3A_2959, %get3A_2960] {strides = array<i32>} : memref<128x32xf32, #tpu.memory_space<vmem>>, vector<16xf32>,
      %add3A_2962 = arith.addf %get3A_2961, %get3A_1634 : vector<16xf32>
      %broadcast_in_dim3A_2963 = arith.constant 104 : i32
      %broadcast_in_dim3A_2964 = vector.broadcast %broadcast_in_dim3A_2963 : i32 to vector<16xi32>
      tpu.vector_store_idx %arg12[%shift_right_arithmetic3A_4, %and3A_9, %broadcast_in_dim3A_2964], %add3A_2887 : memref<4x8x128xf32, #tpu.memory_space<vmem>>[vector<16xi32>, vector<16xi32>, vector<16xi32>], vector<16xf32>,
      tpu.vector_store_idx %arg12[%add3A_7, %and3A_9, %broadcast_in_dim3A_2964], %add3A_2892 : memref<4x8x128xf32, #tpu.memory_space<vmem>>[vector<16xi32>, vector<16xi32>, vector<16xi32>], vector<16xf32>,
      %broadcast_in_dim3A_2965 = arith.constant 105 : i32
      %broadcast_in_dim3A_2966 = vector.broadcast %broadcast_in_dim3A_2965 : i32 to vector<16xi32>
      tpu.vector_store_idx %arg12[%shift_right_arithmetic3A_4, %and3A_9, %broadcast_in_dim3A_2966], %add3A_2897 : memref<4x8x128xf32, #tpu.memory_space<vmem>>[vector<16xi32>, vector<16xi32>, vector<16xi32>], vector<16xf32>,
      tpu.vector_store_idx %arg12[%add3A_7, %and3A_9, %broadcast_in_dim3A_2966], %add3A_2902 : memref<4x8x128xf32, #tpu.memory_space<vmem>>[vector<16xi32>, vector<16xi32>, vector<16xi32>], vector<16xf32>,
      %broadcast_in_dim3A_2967 = arith.constant 106 : i32
      %broadcast_in_dim3A_2968 = vector.broadcast %broadcast_in_dim3A_2967 : i32 to vector<16xi32>
      tpu.vector_store_idx %arg12[%shift_right_arithmetic3A_4, %and3A_9, %broadcast_in_dim3A_2968], %add3A_2907 : memref<4x8x128xf32, #tpu.memory_space<vmem>>[vector<16xi32>, vector<16xi32>, vector<16xi32>], vector<16xf32>,
      tpu.vector_store_idx %arg12[%add3A_7, %and3A_9, %broadcast_in_dim3A_2968], %add3A_2912 : memref<4x8x128xf32, #tpu.memory_space<vmem>>[vector<16xi32>, vector<16xi32>, vector<16xi32>], vector<16xf32>,
      %broadcast_in_dim3A_2969 = arith.constant 107 : i32
      %broadcast_in_dim3A_2970 = vector.broadcast %broadcast_in_dim3A_2969 : i32 to vector<16xi32>
      tpu.vector_store_idx %arg12[%shift_right_arithmetic3A_4, %and3A_9, %broadcast_in_dim3A_2970], %add3A_2917 : memref<4x8x128xf32, #tpu.memory_space<vmem>>[vector<16xi32>, vector<16xi32>, vector<16xi32>], vector<16xf32>,
      tpu.vector_store_idx %arg12[%add3A_7, %and3A_9, %broadcast_in_dim3A_2970], %add3A_2922 : memref<4x8x128xf32, #tpu.memory_space<vmem>>[vector<16xi32>, vector<16xi32>, vector<16xi32>], vector<16xf32>,
      %broadcast_in_dim3A_2971 = arith.constant 108 : i32
      %broadcast_in_dim3A_2972 = vector.broadcast %broadcast_in_dim3A_2971 : i32 to vector<16xi32>
      tpu.vector_store_idx %arg12[%shift_right_arithmetic3A_4, %and3A_9, %broadcast_in_dim3A_2972], %add3A_2927 : memref<4x8x128xf32, #tpu.memory_space<vmem>>[vector<16xi32>, vector<16xi32>, vector<16xi32>], vector<16xf32>,
      tpu.vector_store_idx %arg12[%add3A_7, %and3A_9, %broadcast_in_dim3A_2972], %add3A_2932 : memref<4x8x128xf32, #tpu.memory_space<vmem>>[vector<16xi32>, vector<16xi32>, vector<16xi32>], vector<16xf32>,
      %broadcast_in_dim3A_2973 = arith.constant 109 : i32
      %broadcast_in_dim3A_2974 = vector.broadcast %broadcast_in_dim3A_2973 : i32 to vector<16xi32>
      tpu.vector_store_idx %arg12[%shift_right_arithmetic3A_4, %and3A_9, %broadcast_in_dim3A_2974], %add3A_2937 : memref<4x8x128xf32, #tpu.memory_space<vmem>>[vector<16xi32>, vector<16xi32>, vector<16xi32>], vector<16xf32>,
      tpu.vector_store_idx %arg12[%add3A_7, %and3A_9, %broadcast_in_dim3A_2974], %add3A_2942 : memref<4x8x128xf32, #tpu.memory_space<vmem>>[vector<16xi32>, vector<16xi32>, vector<16xi32>], vector<16xf32>,
      %broadcast_in_dim3A_2975 = arith.constant 110 : i32
      %broadcast_in_dim3A_2976 = vector.broadcast %broadcast_in_dim3A_2975 : i32 to vector<16xi32>
      tpu.vector_store_idx %arg12[%shift_right_arithmetic3A_4, %and3A_9, %broadcast_in_dim3A_2976], %add3A_2947 : memref<4x8x128xf32, #tpu.memory_space<vmem>>[vector<16xi32>, vector<16xi32>, vector<16xi32>], vector<16xf32>,
      tpu.vector_store_idx %arg12[%add3A_7, %and3A_9, %broadcast_in_dim3A_2976], %add3A_2952 : memref<4x8x128xf32, #tpu.memory_space<vmem>>[vector<16xi32>, vector<16xi32>, vector<16xi32>], vector<16xf32>,
      %broadcast_in_dim3A_2977 = arith.constant 111 : i32
      %broadcast_in_dim3A_2978 = vector.broadcast %broadcast_in_dim3A_2977 : i32 to vector<16xi32>
      tpu.vector_store_idx %arg12[%shift_right_arithmetic3A_4, %and3A_9, %broadcast_in_dim3A_2978], %add3A_2957 : memref<4x8x128xf32, #tpu.memory_space<vmem>>[vector<16xi32>, vector<16xi32>, vector<16xi32>], vector<16xf32>,
      tpu.vector_store_idx %arg12[%add3A_7, %and3A_9, %broadcast_in_dim3A_2978], %add3A_2962 : memref<4x8x128xf32, #tpu.memory_space<vmem>>[vector<16xi32>, vector<16xi32>, vector<16xi32>], vector<16xf32>,
      %get3A_2979 = arith.constant 112 : i32
      %get3A_2980 = arith.index_cast %get3A_2979 : i32 to index
      %get3A_2981 = arith.constant 0 : index
      %get3A_2982 = tpu.vector_load %arg10[%get3A_2980, %get3A_2981] {strides = array<i32>} : memref<128x32xf32, #tpu.memory_space<vmem>>, vector<16xf32>,
      %add3A_2983 = arith.addf %get3A_2982, %get3A_1631 : vector<16xf32>
      %get3A_2984 = arith.constant 112 : i32
      %get3A_2985 = arith.index_cast %get3A_2984 : i32 to index
      %get3A_2986 = arith.constant 16 : index
      %get3A_2987 = tpu.vector_load %arg10[%get3A_2985, %get3A_2986] {strides = array<i32>} : memref<128x32xf32, #tpu.memory_space<vmem>>, vector<16xf32>,
      %add3A_2988 = arith.addf %get3A_2987, %get3A_1634 : vector<16xf32>
      %get3A_2989 = arith.constant 113 : i32
      %get3A_2990 = arith.index_cast %get3A_2989 : i32 to index
      %get3A_2991 = arith.constant 0 : index
      %get3A_2992 = tpu.vector_load %arg10[%get3A_2990, %get3A_2991] {strides = array<i32>} : memref<128x32xf32, #tpu.memory_space<vmem>>, vector<16xf32>,
      %add3A_2993 = arith.addf %get3A_2992, %get3A_1631 : vector<16xf32>
      %get3A_2994 = arith.constant 113 : i32
      %get3A_2995 = arith.index_cast %get3A_2994 : i32 to index
      %get3A_2996 = arith.constant 16 : index
      %get3A_2997 = tpu.vector_load %arg10[%get3A_2995, %get3A_2996] {strides = array<i32>} : memref<128x32xf32, #tpu.memory_space<vmem>>, vector<16xf32>,
      %add3A_2998 = arith.addf %get3A_2997, %get3A_1634 : vector<16xf32>
      %get3A_2999 = arith.constant 114 : i32
      %get3A_3000 = arith.index_cast %get3A_2999 : i32 to index
      %get3A_3001 = arith.constant 0 : index
      %get3A_3002 = tpu.vector_load %arg10[%get3A_3000, %get3A_3001] {strides = array<i32>} : memref<128x32xf32, #tpu.memory_space<vmem>>, vector<16xf32>,
      %add3A_3003 = arith.addf %get3A_3002, %get3A_1631 : vector<16xf32>
      %get3A_3004 = arith.constant 114 : i32
      %get3A_3005 = arith.index_cast %get3A_3004 : i32 to index
      %get3A_3006 = arith.constant 16 : index
      %get3A_3007 = tpu.vector_load %arg10[%get3A_3005, %get3A_3006] {strides = array<i32>} : memref<128x32xf32, #tpu.memory_space<vmem>>, vector<16xf32>,
      %add3A_3008 = arith.addf %get3A_3007, %get3A_1634 : vector<16xf32>
      %get3A_3009 = arith.constant 115 : i32
      %get3A_3010 = arith.index_cast %get3A_3009 : i32 to index
      %get3A_3011 = arith.constant 0 : index
      %get3A_3012 = tpu.vector_load %arg10[%get3A_3010, %get3A_3011] {strides = array<i32>} : memref<128x32xf32, #tpu.memory_space<vmem>>, vector<16xf32>,
      %add3A_3013 = arith.addf %get3A_3012, %get3A_1631 : vector<16xf32>
      %get3A_3014 = arith.constant 115 : i32
      %get3A_3015 = arith.index_cast %get3A_3014 : i32 to index
      %get3A_3016 = arith.constant 16 : index
      %get3A_3017 = tpu.vector_load %arg10[%get3A_3015, %get3A_3016] {strides = array<i32>} : memref<128x32xf32, #tpu.memory_space<vmem>>, vector<16xf32>,
      %add3A_3018 = arith.addf %get3A_3017, %get3A_1634 : vector<16xf32>
      %get3A_3019 = arith.constant 116 : i32
      %get3A_3020 = arith.index_cast %get3A_3019 : i32 to index
      %get3A_3021 = arith.constant 0 : index
      %get3A_3022 = tpu.vector_load %arg10[%get3A_3020, %get3A_3021] {strides = array<i32>} : memref<128x32xf32, #tpu.memory_space<vmem>>, vector<16xf32>,
      %add3A_3023 = arith.addf %get3A_3022, %get3A_1631 : vector<16xf32>
      %get3A_3024 = arith.constant 116 : i32
      %get3A_3025 = arith.index_cast %get3A_3024 : i32 to index
      %get3A_3026 = arith.constant 16 : index
      %get3A_3027 = tpu.vector_load %arg10[%get3A_3025, %get3A_3026] {strides = array<i32>} : memref<128x32xf32, #tpu.memory_space<vmem>>, vector<16xf32>,
      %add3A_3028 = arith.addf %get3A_3027, %get3A_1634 : vector<16xf32>
      %get3A_3029 = arith.constant 117 : i32
      %get3A_3030 = arith.index_cast %get3A_3029 : i32 to index
      %get3A_3031 = arith.constant 0 : index
      %get3A_3032 = tpu.vector_load %arg10[%get3A_3030, %get3A_3031] {strides = array<i32>} : memref<128x32xf32, #tpu.memory_space<vmem>>, vector<16xf32>,
      %add3A_3033 = arith.addf %get3A_3032, %get3A_1631 : vector<16xf32>
      %get3A_3034 = arith.constant 117 : i32
      %get3A_3035 = arith.index_cast %get3A_3034 : i32 to index
      %get3A_3036 = arith.constant 16 : index
      %get3A_3037 = tpu.vector_load %arg10[%get3A_3035, %get3A_3036] {strides = array<i32>} : memref<128x32xf32, #tpu.memory_space<vmem>>, vector<16xf32>,
      %add3A_3038 = arith.addf %get3A_3037, %get3A_1634 : vector<16xf32>
      %get3A_3039 = arith.constant 118 : i32
      %get3A_3040 = arith.index_cast %get3A_3039 : i32 to index
      %get3A_3041 = arith.constant 0 : index
      %get3A_3042 = tpu.vector_load %arg10[%get3A_3040, %get3A_3041] {strides = array<i32>} : memref<128x32xf32, #tpu.memory_space<vmem>>, vector<16xf32>,
      %add3A_3043 = arith.addf %get3A_3042, %get3A_1631 : vector<16xf32>
      %get3A_3044 = arith.constant 118 : i32
      %get3A_3045 = arith.index_cast %get3A_3044 : i32 to index
      %get3A_3046 = arith.constant 16 : index
      %get3A_3047 = tpu.vector_load %arg10[%get3A_3045, %get3A_3046] {strides = array<i32>} : memref<128x32xf32, #tpu.memory_space<vmem>>, vector<16xf32>,
      %add3A_3048 = arith.addf %get3A_3047, %get3A_1634 : vector<16xf32>
      %get3A_3049 = arith.constant 119 : i32
      %get3A_3050 = arith.index_cast %get3A_3049 : i32 to index
      %get3A_3051 = arith.constant 0 : index
      %get3A_3052 = tpu.vector_load %arg10[%get3A_3050, %get3A_3051] {strides = array<i32>} : memref<128x32xf32, #tpu.memory_space<vmem>>, vector<16xf32>,
      %add3A_3053 = arith.addf %get3A_3052, %get3A_1631 : vector<16xf32>
      %get3A_3054 = arith.constant 119 : i32
      %get3A_3055 = arith.index_cast %get3A_3054 : i32 to index
      %get3A_3056 = arith.constant 16 : index
      %get3A_3057 = tpu.vector_load %arg10[%get3A_3055, %get3A_3056] {strides = array<i32>} : memref<128x32xf32, #tpu.memory_space<vmem>>, vector<16xf32>,
      %add3A_3058 = arith.addf %get3A_3057, %get3A_1634 : vector<16xf32>
      %broadcast_in_dim3A_3059 = arith.constant 112 : i32
      %broadcast_in_dim3A_3060 = vector.broadcast %broadcast_in_dim3A_3059 : i32 to vector<16xi32>
      tpu.vector_store_idx %arg12[%shift_right_arithmetic3A_4, %and3A_9, %broadcast_in_dim3A_3060], %add3A_2983 : memref<4x8x128xf32, #tpu.memory_space<vmem>>[vector<16xi32>, vector<16xi32>, vector<16xi32>], vector<16xf32>,
      tpu.vector_store_idx %arg12[%add3A_7, %and3A_9, %broadcast_in_dim3A_3060], %add3A_2988 : memref<4x8x128xf32, #tpu.memory_space<vmem>>[vector<16xi32>, vector<16xi32>, vector<16xi32>], vector<16xf32>,
      %broadcast_in_dim3A_3061 = arith.constant 113 : i32
      %broadcast_in_dim3A_3062 = vector.broadcast %broadcast_in_dim3A_3061 : i32 to vector<16xi32>
      tpu.vector_store_idx %arg12[%shift_right_arithmetic3A_4, %and3A_9, %broadcast_in_dim3A_3062], %add3A_2993 : memref<4x8x128xf32, #tpu.memory_space<vmem>>[vector<16xi32>, vector<16xi32>, vector<16xi32>], vector<16xf32>,
      tpu.vector_store_idx %arg12[%add3A_7, %and3A_9, %broadcast_in_dim3A_3062], %add3A_2998 : memref<4x8x128xf32, #tpu.memory_space<vmem>>[vector<16xi32>, vector<16xi32>, vector<16xi32>], vector<16xf32>,
      %broadcast_in_dim3A_3063 = arith.constant 114 : i32
      %broadcast_in_dim3A_3064 = vector.broadcast %broadcast_in_dim3A_3063 : i32 to vector<16xi32>
      tpu.vector_store_idx %arg12[%shift_right_arithmetic3A_4, %and3A_9, %broadcast_in_dim3A_3064], %add3A_3003 : memref<4x8x128xf32, #tpu.memory_space<vmem>>[vector<16xi32>, vector<16xi32>, vector<16xi32>], vector<16xf32>,
      tpu.vector_store_idx %arg12[%add3A_7, %and3A_9, %broadcast_in_dim3A_3064], %add3A_3008 : memref<4x8x128xf32, #tpu.memory_space<vmem>>[vector<16xi32>, vector<16xi32>, vector<16xi32>], vector<16xf32>,
      %broadcast_in_dim3A_3065 = arith.constant 115 : i32
      %broadcast_in_dim3A_3066 = vector.broadcast %broadcast_in_dim3A_3065 : i32 to vector<16xi32>
      tpu.vector_store_idx %arg12[%shift_right_arithmetic3A_4, %and3A_9, %broadcast_in_dim3A_3066], %add3A_3013 : memref<4x8x128xf32, #tpu.memory_space<vmem>>[vector<16xi32>, vector<16xi32>, vector<16xi32>], vector<16xf32>,
      tpu.vector_store_idx %arg12[%add3A_7, %and3A_9, %broadcast_in_dim3A_3066], %add3A_3018 : memref<4x8x128xf32, #tpu.memory_space<vmem>>[vector<16xi32>, vector<16xi32>, vector<16xi32>], vector<16xf32>,
      %broadcast_in_dim3A_3067 = arith.constant 116 : i32
      %broadcast_in_dim3A_3068 = vector.broadcast %broadcast_in_dim3A_3067 : i32 to vector<16xi32>
      tpu.vector_store_idx %arg12[%shift_right_arithmetic3A_4, %and3A_9, %broadcast_in_dim3A_3068], %add3A_3023 : memref<4x8x128xf32, #tpu.memory_space<vmem>>[vector<16xi32>, vector<16xi32>, vector<16xi32>], vector<16xf32>,
      tpu.vector_store_idx %arg12[%add3A_7, %and3A_9, %broadcast_in_dim3A_3068], %add3A_3028 : memref<4x8x128xf32, #tpu.memory_space<vmem>>[vector<16xi32>, vector<16xi32>, vector<16xi32>], vector<16xf32>,
      %broadcast_in_dim3A_3069 = arith.constant 117 : i32
      %broadcast_in_dim3A_3070 = vector.broadcast %broadcast_in_dim3A_3069 : i32 to vector<16xi32>
      tpu.vector_store_idx %arg12[%shift_right_arithmetic3A_4, %and3A_9, %broadcast_in_dim3A_3070], %add3A_3033 : memref<4x8x128xf32, #tpu.memory_space<vmem>>[vector<16xi32>, vector<16xi32>, vector<16xi32>], vector<16xf32>,
      tpu.vector_store_idx %arg12[%add3A_7, %and3A_9, %broadcast_in_dim3A_3070], %add3A_3038 : memref<4x8x128xf32, #tpu.memory_space<vmem>>[vector<16xi32>, vector<16xi32>, vector<16xi32>], vector<16xf32>,
      %broadcast_in_dim3A_3071 = arith.constant 118 : i32
      %broadcast_in_dim3A_3072 = vector.broadcast %broadcast_in_dim3A_3071 : i32 to vector<16xi32>
      tpu.vector_store_idx %arg12[%shift_right_arithmetic3A_4, %and3A_9, %broadcast_in_dim3A_3072], %add3A_3043 : memref<4x8x128xf32, #tpu.memory_space<vmem>>[vector<16xi32>, vector<16xi32>, vector<16xi32>], vector<16xf32>,
      tpu.vector_store_idx %arg12[%add3A_7, %and3A_9, %broadcast_in_dim3A_3072], %add3A_3048 : memref<4x8x128xf32, #tpu.memory_space<vmem>>[vector<16xi32>, vector<16xi32>, vector<16xi32>], vector<16xf32>,
      %broadcast_in_dim3A_3073 = arith.constant 119 : i32
      %broadcast_in_dim3A_3074 = vector.broadcast %broadcast_in_dim3A_3073 : i32 to vector<16xi32>
      tpu.vector_store_idx %arg12[%shift_right_arithmetic3A_4, %and3A_9, %broadcast_in_dim3A_3074], %add3A_3053 : memref<4x8x128xf32, #tpu.memory_space<vmem>>[vector<16xi32>, vector<16xi32>, vector<16xi32>], vector<16xf32>,
      tpu.vector_store_idx %arg12[%add3A_7, %and3A_9, %broadcast_in_dim3A_3074], %add3A_3058 : memref<4x8x128xf32, #tpu.memory_space<vmem>>[vector<16xi32>, vector<16xi32>, vector<16xi32>], vector<16xf32>,
      %get3A_3075 = arith.constant 120 : i32
      %get3A_3076 = arith.index_cast %get3A_3075 : i32 to index
      %get3A_3077 = arith.constant 0 : index
      %get3A_3078 = tpu.vector_load %arg10[%get3A_3076, %get3A_3077] {strides = array<i32>} : memref<128x32xf32, #tpu.memory_space<vmem>>, vector<16xf32>,
      %add3A_3079 = arith.addf %get3A_3078, %get3A_1631 : vector<16xf32>
      %get3A_3080 = arith.constant 120 : i32
      %get3A_3081 = arith.index_cast %get3A_3080 : i32 to index
      %get3A_3082 = arith.constant 16 : index
      %get3A_3083 = tpu.vector_load %arg10[%get3A_3081, %get3A_3082] {strides = array<i32>} : memref<128x32xf32, #tpu.memory_space<vmem>>, vector<16xf32>,
      %add3A_3084 = arith.addf %get3A_3083, %get3A_1634 : vector<16xf32>
      %get3A_3085 = arith.constant 121 : i32
      %get3A_3086 = arith.index_cast %get3A_3085 : i32 to index
      %get3A_3087 = arith.constant 0 : index
      %get3A_3088 = tpu.vector_load %arg10[%get3A_3086, %get3A_3087] {strides = array<i32>} : memref<128x32xf32, #tpu.memory_space<vmem>>, vector<16xf32>,
      %add3A_3089 = arith.addf %get3A_3088, %get3A_1631 : vector<16xf32>
      %get3A_3090 = arith.constant 121 : i32
      %get3A_3091 = arith.index_cast %get3A_3090 : i32 to index
      %get3A_3092 = arith.constant 16 : index
      %get3A_3093 = tpu.vector_load %arg10[%get3A_3091, %get3A_3092] {strides = array<i32>} : memref<128x32xf32, #tpu.memory_space<vmem>>, vector<16xf32>,
      %add3A_3094 = arith.addf %get3A_3093, %get3A_1634 : vector<16xf32>
      %get3A_3095 = arith.constant 122 : i32
      %get3A_3096 = arith.index_cast %get3A_3095 : i32 to index
      %get3A_3097 = arith.constant 0 : index
      %get3A_3098 = tpu.vector_load %arg10[%get3A_3096, %get3A_3097] {strides = array<i32>} : memref<128x32xf32, #tpu.memory_space<vmem>>, vector<16xf32>,
      %add3A_3099 = arith.addf %get3A_3098, %get3A_1631 : vector<16xf32>
      %get3A_3100 = arith.constant 122 : i32
      %get3A_3101 = arith.index_cast %get3A_3100 : i32 to index
      %get3A_3102 = arith.constant 16 : index
      %get3A_3103 = tpu.vector_load %arg10[%get3A_3101, %get3A_3102] {strides = array<i32>} : memref<128x32xf32, #tpu.memory_space<vmem>>, vector<16xf32>,
      %add3A_3104 = arith.addf %get3A_3103, %get3A_1634 : vector<16xf32>
      %get3A_3105 = arith.constant 123 : i32
      %get3A_3106 = arith.index_cast %get3A_3105 : i32 to index
      %get3A_3107 = arith.constant 0 : index
      %get3A_3108 = tpu.vector_load %arg10[%get3A_3106, %get3A_3107] {strides = array<i32>} : memref<128x32xf32, #tpu.memory_space<vmem>>, vector<16xf32>,
      %add3A_3109 = arith.addf %get3A_3108, %get3A_1631 : vector<16xf32>
      %get3A_3110 = arith.constant 123 : i32
      %get3A_3111 = arith.index_cast %get3A_3110 : i32 to index
      %get3A_3112 = arith.constant 16 : index
      %get3A_3113 = tpu.vector_load %arg10[%get3A_3111, %get3A_3112] {strides = array<i32>} : memref<128x32xf32, #tpu.memory_space<vmem>>, vector<16xf32>,
      %add3A_3114 = arith.addf %get3A_3113, %get3A_1634 : vector<16xf32>
      %get3A_3115 = arith.constant 124 : i32
      %get3A_3116 = arith.index_cast %get3A_3115 : i32 to index
      %get3A_3117 = arith.constant 0 : index
      %get3A_3118 = tpu.vector_load %arg10[%get3A_3116, %get3A_3117] {strides = array<i32>} : memref<128x32xf32, #tpu.memory_space<vmem>>, vector<16xf32>,
      %add3A_3119 = arith.addf %get3A_3118, %get3A_1631 : vector<16xf32>
      %get3A_3120 = arith.constant 124 : i32
      %get3A_3121 = arith.index_cast %get3A_3120 : i32 to index
      %get3A_3122 = arith.constant 16 : index
      %get3A_3123 = tpu.vector_load %arg10[%get3A_3121, %get3A_3122] {strides = array<i32>} : memref<128x32xf32, #tpu.memory_space<vmem>>, vector<16xf32>,
      %add3A_3124 = arith.addf %get3A_3123, %get3A_1634 : vector<16xf32>
      %get3A_3125 = arith.constant 125 : i32
      %get3A_3126 = arith.index_cast %get3A_3125 : i32 to index
      %get3A_3127 = arith.constant 0 : index
      %get3A_3128 = tpu.vector_load %arg10[%get3A_3126, %get3A_3127] {strides = array<i32>} : memref<128x32xf32, #tpu.memory_space<vmem>>, vector<16xf32>,
      %add3A_3129 = arith.addf %get3A_3128, %get3A_1631 : vector<16xf32>
      %get3A_3130 = arith.constant 125 : i32
      %get3A_3131 = arith.index_cast %get3A_3130 : i32 to index
      %get3A_3132 = arith.constant 16 : index
      %get3A_3133 = tpu.vector_load %arg10[%get3A_3131, %get3A_3132] {strides = array<i32>} : memref<128x32xf32, #tpu.memory_space<vmem>>, vector<16xf32>,
      %add3A_3134 = arith.addf %get3A_3133, %get3A_1634 : vector<16xf32>
      %get3A_3135 = arith.constant 126 : i32
      %get3A_3136 = arith.index_cast %get3A_3135 : i32 to index
      %get3A_3137 = arith.constant 0 : index
      %get3A_3138 = tpu.vector_load %arg10[%get3A_3136, %get3A_3137] {strides = array<i32>} : memref<128x32xf32, #tpu.memory_space<vmem>>, vector<16xf32>,
      %add3A_3139 = arith.addf %get3A_3138, %get3A_1631 : vector<16xf32>
      %get3A_3140 = arith.constant 126 : i32
      %get3A_3141 = arith.index_cast %get3A_3140 : i32 to index
      %get3A_3142 = arith.constant 16 : index
      %get3A_3143 = tpu.vector_load %arg10[%get3A_3141, %get3A_3142] {strides = array<i32>} : memref<128x32xf32, #tpu.memory_space<vmem>>, vector<16xf32>,
      %add3A_3144 = arith.addf %get3A_3143, %get3A_1634 : vector<16xf32>
      %get3A_3145 = arith.constant 127 : i32
      %get3A_3146 = arith.index_cast %get3A_3145 : i32 to index
      %get3A_3147 = arith.constant 0 : index
      %get3A_3148 = tpu.vector_load %arg10[%get3A_3146, %get3A_3147] {strides = array<i32>} : memref<128x32xf32, #tpu.memory_space<vmem>>, vector<16xf32>,
      %add3A_3149 = arith.addf %get3A_3148, %get3A_1631 : vector<16xf32>
      %get3A_3150 = arith.constant 127 : i32
      %get3A_3151 = arith.index_cast %get3A_3150 : i32 to index
      %get3A_3152 = arith.constant 16 : index
      %get3A_3153 = tpu.vector_load %arg10[%get3A_3151, %get3A_3152] {strides = array<i32>} : memref<128x32xf32, #tpu.memory_space<vmem>>, vector<16xf32>,
      %add3A_3154 = arith.addf %get3A_3153, %get3A_1634 : vector<16xf32>
      %broadcast_in_dim3A_3155 = arith.constant 120 : i32
      %broadcast_in_dim3A_3156 = vector.broadcast %broadcast_in_dim3A_3155 : i32 to vector<16xi32>
      tpu.vector_store_idx %arg12[%shift_right_arithmetic3A_4, %and3A_9, %broadcast_in_dim3A_3156], %add3A_3079 : memref<4x8x128xf32, #tpu.memory_space<vmem>>[vector<16xi32>, vector<16xi32>, vector<16xi32>], vector<16xf32>,
      tpu.vector_store_idx %arg12[%add3A_7, %and3A_9, %broadcast_in_dim3A_3156], %add3A_3084 : memref<4x8x128xf32, #tpu.memory_space<vmem>>[vector<16xi32>, vector<16xi32>, vector<16xi32>], vector<16xf32>,
      %broadcast_in_dim3A_3157 = arith.constant 121 : i32
      %broadcast_in_dim3A_3158 = vector.broadcast %broadcast_in_dim3A_3157 : i32 to vector<16xi32>
      tpu.vector_store_idx %arg12[%shift_right_arithmetic3A_4, %and3A_9, %broadcast_in_dim3A_3158], %add3A_3089 : memref<4x8x128xf32, #tpu.memory_space<vmem>>[vector<16xi32>, vector<16xi32>, vector<16xi32>], vector<16xf32>,
      tpu.vector_store_idx %arg12[%add3A_7, %and3A_9, %broadcast_in_dim3A_3158], %add3A_3094 : memref<4x8x128xf32, #tpu.memory_space<vmem>>[vector<16xi32>, vector<16xi32>, vector<16xi32>], vector<16xf32>,
      %broadcast_in_dim3A_3159 = arith.constant 122 : i32
      %broadcast_in_dim3A_3160 = vector.broadcast %broadcast_in_dim3A_3159 : i32 to vector<16xi32>
      tpu.vector_store_idx %arg12[%shift_right_arithmetic3A_4, %and3A_9, %broadcast_in_dim3A_3160], %add3A_3099 : memref<4x8x128xf32, #tpu.memory_space<vmem>>[vector<16xi32>, vector<16xi32>, vector<16xi32>], vector<16xf32>,
      tpu.vector_store_idx %arg12[%add3A_7, %and3A_9, %broadcast_in_dim3A_3160], %add3A_3104 : memref<4x8x128xf32, #tpu.memory_space<vmem>>[vector<16xi32>, vector<16xi32>, vector<16xi32>], vector<16xf32>,
      %broadcast_in_dim3A_3161 = arith.constant 123 : i32
      %broadcast_in_dim3A_3162 = vector.broadcast %broadcast_in_dim3A_3161 : i32 to vector<16xi32>
      tpu.vector_store_idx %arg12[%shift_right_arithmetic3A_4, %and3A_9, %broadcast_in_dim3A_3162], %add3A_3109 : memref<4x8x128xf32, #tpu.memory_space<vmem>>[vector<16xi32>, vector<16xi32>, vector<16xi32>], vector<16xf32>,
      tpu.vector_store_idx %arg12[%add3A_7, %and3A_9, %broadcast_in_dim3A_3162], %add3A_3114 : memref<4x8x128xf32, #tpu.memory_space<vmem>>[vector<16xi32>, vector<16xi32>, vector<16xi32>], vector<16xf32>,
      %broadcast_in_dim3A_3163 = arith.constant 124 : i32
      %broadcast_in_dim3A_3164 = vector.broadcast %broadcast_in_dim3A_3163 : i32 to vector<16xi32>
      tpu.vector_store_idx %arg12[%shift_right_arithmetic3A_4, %and3A_9, %broadcast_in_dim3A_3164], %add3A_3119 : memref<4x8x128xf32, #tpu.memory_space<vmem>>[vector<16xi32>, vector<16xi32>, vector<16xi32>], vector<16xf32>,
      tpu.vector_store_idx %arg12[%add3A_7, %and3A_9, %broadcast_in_dim3A_3164], %add3A_3124 : memref<4x8x128xf32, #tpu.memory_space<vmem>>[vector<16xi32>, vector<16xi32>, vector<16xi32>], vector<16xf32>,
      %broadcast_in_dim3A_3165 = arith.constant 125 : i32
      %broadcast_in_dim3A_3166 = vector.broadcast %broadcast_in_dim3A_3165 : i32 to vector<16xi32>
      tpu.vector_store_idx %arg12[%shift_right_arithmetic3A_4, %and3A_9, %broadcast_in_dim3A_3166], %add3A_3129 : memref<4x8x128xf32, #tpu.memory_space<vmem>>[vector<16xi32>, vector<16xi32>, vector<16xi32>], vector<16xf32>,
      tpu.vector_store_idx %arg12[%add3A_7, %and3A_9, %broadcast_in_dim3A_3166], %add3A_3134 : memref<4x8x128xf32, #tpu.memory_space<vmem>>[vector<16xi32>, vector<16xi32>, vector<16xi32>], vector<16xf32>,
      %broadcast_in_dim3A_3167 = arith.constant 126 : i32
      %broadcast_in_dim3A_3168 = vector.broadcast %broadcast_in_dim3A_3167 : i32 to vector<16xi32>
      tpu.vector_store_idx %arg12[%shift_right_arithmetic3A_4, %and3A_9, %broadcast_in_dim3A_3168], %add3A_3139 : memref<4x8x128xf32, #tpu.memory_space<vmem>>[vector<16xi32>, vector<16xi32>, vector<16xi32>], vector<16xf32>,
      tpu.vector_store_idx %arg12[%add3A_7, %and3A_9, %broadcast_in_dim3A_3168], %add3A_3144 : memref<4x8x128xf32, #tpu.memory_space<vmem>>[vector<16xi32>, vector<16xi32>, vector<16xi32>], vector<16xf32>,
      %broadcast_in_dim3A_3169 = arith.constant 127 : i32
      %broadcast_in_dim3A_3170 = vector.broadcast %broadcast_in_dim3A_3169 : i32 to vector<16xi32>
      tpu.vector_store_idx %arg12[%shift_right_arithmetic3A_4, %and3A_9, %broadcast_in_dim3A_3170], %add3A_3149 : memref<4x8x128xf32, #tpu.memory_space<vmem>>[vector<16xi32>, vector<16xi32>, vector<16xi32>], vector<16xf32>,
      tpu.vector_store_idx %arg12[%add3A_7, %and3A_9, %broadcast_in_dim3A_3170], %add3A_3154 : memref<4x8x128xf32, #tpu.memory_space<vmem>>[vector<16xi32>, vector<16xi32>, vector<16xi32>], vector<16xf32>,
      %dma_start3A_3171 = arith.constant 0 : i32
      %dma_start3A_3172 = arith.constant 0 : i32
      %dma_start3A_3173 = arith.constant 0 : i32
      %dma_start3A_3174 = tpu.memref_slice %arg5[%add3A_1603, %dma_start3A_3171, %add3A, %dma_start3A_3172, %dma_start3A_3173] : memref<200x4x32x8x128xf32, #tpu.memory_space<hbm>> -> memref<1x4x1x8x128xf32, #tpu.memory_space<hbm>>
      %dma_start3A_3175 = tpu.memref_squeeze %dma_start3A_3174 : memref<1x4x1x8x128xf32, #tpu.memory_space<hbm>> -> memref<4x8x128xf32, #tpu.memory_space<hbm>>
      %dma_start3A_3176 = arith.constant 0 : i32
      %dma_start3A_3177 = arith.constant 0 : i32
      %dma_start3A_3178 = arith.constant 0 : i32
      %dma_start3A_3179 = tpu.memref_slice %arg5[%add3A_1603, %dma_start3A_3176, %add3A, %dma_start3A_3177, %dma_start3A_3178] : memref<200x4x32x8x128xf32, #tpu.memory_space<hbm>> -> memref<1x4x1x8x128xf32, #tpu.memory_space<hbm>>
      %dma_start3A_3180 = tpu.memref_squeeze %dma_start3A_3179 : memref<1x4x1x8x128xf32, #tpu.memory_space<hbm>> -> memref<4x8x128xf32, #tpu.memory_space<hbm>>
      tpu.enqueue_dma source(%arg12 : memref<4x8x128xf32, #tpu.memory_space<vmem>>) target(%dma_start3A_3180 : memref<4x8x128xf32, #tpu.memory_space<hbm>>) target_semaphore(%arg19 : memref<!tpu.dma_semaphore, #tpu.memory_space<semaphore_mem>>)
    }
    %scan3A_24 = arith.constant 100 : i32
    tpu.wait_dma2 semaphore(%arg18 : memref<!tpu.dma_semaphore, #tpu.memory_space<semaphore_mem>>) src(%arg6 : memref<4x8x128xf32, #tpu.memory_space<hbm>>) dst(%arg11 : memref<4x8x128xf32, #tpu.memory_space<vmem>>)
    tpu.wait_dma2 semaphore(%arg19 : memref<!tpu.dma_semaphore, #tpu.memory_space<semaphore_mem>>) src(%arg6 : memref<4x8x128xf32, #tpu.memory_space<hbm>>) dst(%arg12 : memref<4x8x128xf32, #tpu.memory_space<vmem>>)
    return
  }
}

module attributes {stable_mosaic.version = 14 : i64} {
  func.func @_tc_relayout_body(%arg0: i32, %arg1: memref<32x16384xf32, #tpu.memory_space<vmem>>, %arg2: memref<4096x128xf32, #tpu.memory_space<vmem>>) attributes {dimension_semantics = [#tpu.dimension_semantics<arbitrary>], iteration_bounds = array<i64: 62>, scalar_prefetch = 0 : i64, scratch_operands = 0 : i64, tpu.core_type = #tpu.core_type<tc>, window_params = [{transform_indices = @transform_0, window_bounds = array<i64: 32, 16384>}, {transform_indices = @transform_1, window_bounds = array<i64: 4096, 128>}]} {
    %get3A = arith.constant 0 : index
    %get3A_0 = arith.constant 0 : index
    %get3A_1 = vector.load %arg1[%get3A, %get3A_0] : memref<32x16384xf32, #tpu.memory_space<vmem>>, vector<32x16384xf32>
    %transpose3A = tpu.transpose %get3A_1, [1, 0] : vector<32x16384xf32> -> vector<16384x32xf32>
    %reshape3A = vector.shape_cast %transpose3A : vector<16384x32xf32> to vector<4096x4x32xf32>
    %slice3A = vector.extract_strided_slice %reshape3A {offsets = [0, 0, 0], sizes = [4096, 1, 32], strides = [1, 1, 1]} : vector<4096x4x32xf32> to vector<4096x1x32xf32>
    %squeeze3A = vector.shape_cast %slice3A : vector<4096x1x32xf32> to vector<4096x32xf32>
    %slice3A_2 = vector.extract_strided_slice %reshape3A {offsets = [0, 1, 0], sizes = [4096, 1, 32], strides = [1, 1, 1]} : vector<4096x4x32xf32> to vector<4096x1x32xf32>
    %squeeze3A_3 = vector.shape_cast %slice3A_2 : vector<4096x1x32xf32> to vector<4096x32xf32>
    %slice3A_4 = vector.extract_strided_slice %reshape3A {offsets = [0, 2, 0], sizes = [4096, 1, 32], strides = [1, 1, 1]} : vector<4096x4x32xf32> to vector<4096x1x32xf32>
    %squeeze3A_5 = vector.shape_cast %slice3A_4 : vector<4096x1x32xf32> to vector<4096x32xf32>
    %slice3A_6 = vector.extract_strided_slice %reshape3A {offsets = [0, 3, 0], sizes = [4096, 1, 32], strides = [1, 1, 1]} : vector<4096x4x32xf32> to vector<4096x1x32xf32>
    %squeeze3A_7 = vector.shape_cast %slice3A_6 : vector<4096x1x32xf32> to vector<4096x32xf32>
    %concatenate3A = tpu.concatenate %squeeze3A, %squeeze3A_3, %squeeze3A_5, %squeeze3A_7 in 1 : vector<4096x32xf32>, vector<4096x32xf32>, vector<4096x32xf32>, vector<4096x32xf32> -> vector<4096x128xf32>
    %swap3A = arith.constant 0 : index
    %swap3A_8 = arith.constant 0 : index
    %swap3A_9 = vector.load %arg2[%swap3A, %swap3A_8] : memref<4096x128xf32, #tpu.memory_space<vmem>>, vector<4096x128xf32>
    tpu.vector_store %arg2[%swap3A, %swap3A_8], %concatenate3A {strides = array<i32>} : memref<4096x128xf32, #tpu.memory_space<vmem>>, vector<4096x128xf32>,
    return
  }
  func.func @transform_0(%arg0: i32) -> (i32, i32) {
    %c0_i32 = arith.constant 0 : i32
    %c0_i32_0 = arith.constant 0 : i32
    return %c0_i32, %arg0 : i32, i32
  }
  func.func @transform_1(%arg0: i32) -> (i32, i32) {
    %c0_i32 = arith.constant 0 : i32
    %c0_i32_0 = arith.constant 0 : i32
    return %arg0, %c0_i32 : i32, i32
  }
}

</mosaic_0001>

<sc_bundles>
// kernel: kernel.4.cloned.1.call-start
scs
__scs_entry_jumppad:
0x0: {  	(pc) =	sbr.rel $0x88, $3  }
0x1: {  	(tag) =	ssettag $0x0;
	lr =	simm.s32 $0x1  }
0x2: {  	[smem:$0x3F9E] =	sst lr;
	_ =	strace $0xD0000000  }
0x3: {  	_ = 	snop  }
0x4: {  	_ = 	snop  }
0x5: {  	_ = 	snop  }
0x6: {  	_ = 	snop  }
0x7: {  	_ = 	snop  }
__scs_overlays_trampoline_lowered:
0x8: {  	[smem:$0x3FAD] =	sst s0  }
0x9: {  	[smem:$0x3FAE] =	sst s1  }
0xa: {  	[smem:$0x3FAF] =	sst s2  }
0xb: {  	[smem:$0x3FB0] =	sst s3  }
0xc: {  	[smem:$0x3FB1] =	sst s4  }
0xd: {  	[smem:$0x3FB2] =	sst s5  }
0xe: {  	[smem:$0x3FB3] =	sst s6  }
0xf: {  	[smem:$0x3FB4] =	sst s7  }
0x10: {  	[smem:$0x3FB5] =	sst s8  }
0x11: {  	[smem:$0x3FB6] =	sst s9;
	s0 =	simm.s32 @!p0 $0x0  }
0x12: {  	s1 =	sld [smem:$0x3F9C];
	s0 =	simm.s32 @p0 $0x1  }
0x13: {  	[smem:$0x3FB7] =	sst s0;
	s0 =	simm.s32 @!p1 $0x0  }
0x14: {  	s2 =	sld [smem:$0x3F9B];
	s0 =	simm.s32 @p1 $0x1  }
0x15: {  	[smem:$0x3FB8] =	sst s0;
	s0 =	simm.s32 @!p2 $0x0  }
0x16: {  	s3 =	sld [smem:$0x3FDB];
	s0 =	simm.s32 @p2 $0x1  }
0x17: {  	s4 =	simm.s32 $0x1BF5;
	[smem:$0x3FBA] =	sst s0  }
0x18: {  	s0 =	sld [smem:$0x3F9D];
	_ =	swait.ge [sflag:s4], $0x0  }
0x19: {  	s7 =	sld [smem:$0x3F9E]  }
0x1a: {  	s8 =	sadd.s32 $0xFFFFE003, lr  }
0x1b: {  	s9 =	sadd.s32 $0xFFFFFEF7, lr;
	s5 =	simm.s32 $0xFFFFFFFF;
	p2 =	slt.u32 s8, $0xFFFFF086  }
0x1c: {  	p1 =	slt.u32 s9, $0xF7A;
	s5 =	simm.s32 @!p2 $0x0  }
0x1d: {  	s5 =	simm.s32 @p1 $0x1;
	p0 =	seq.s32 s7, s2  }
0x1e: {  	s7 =	smul.u32 @!p0 $0xF7A, s2;
	p2 =	seq.s32 @!p0 s5, $0x0  }
0x1f: {  	s9 =	smul.u32 $0xF7A, s1;
	s8 =	simm.s32 @!p0 $0x1BF5;
	p2 =	por !p2, p0  }
0x20: {  	[sflag:s8] =	ssyncset.s32 @!p0 $0xFFFFF086;
	s6 =	sadd.s32 @!p0 s3, s7;
	s7 =	simm.s32 @!p0 $0x108  }
0x21: {  	s3 =	sadd.s32 s3, s9;
	s6 =	sadd.s32 @!p0 $0x88, s6;
	s7 =	simm.s32 @p2 $0x1082  }
0x22: {  	[simem:s7], [sflag:s8] =	dma.local @!p0 [hbm:s6], $0xF7A  }
0x23: {  	s9 =	sor.u32 $0xD0000000, s2;
	s6 =	simm.s32 $0x108;
	_ =	swait.ge @!p0 [sflag:s8], $0x0  }
0x24: {  	s3 =	sadd.s32 $0x88, s3;
	s6 =	simm.s32 @!p1 $0x1082;
	[sflag:s4] =	ssyncset.s32 $0xFFFFF086  }
0x25: {  	[simem:s6], [sflag:s4] =	dma.local [hbm:s3], $0xF7A  }
0x26: {  	[smem:$0x3F9E] =	sst s1;
	(tag) =	ssettag s2;
	_ =	strace s9  }
0x27: {  	s1 =	sld [smem:$0x3FAE]  }
0x28: {  	s2 =	sld [smem:$0x3FAF]  }
0x29: {  	s4 =	sld [smem:$0x3FB1]  }
0x2a: {  	p0 =	seq.s32 s5, $0x0;
	s5 =	sld [smem:$0x3FB2]  }
0x2b: {  	s6 =	sld [smem:$0x3FB3]  }
0x2c: {  	s7 =	sld [smem:$0x3FB4]  }
0x2d: {  	s3 =	simm.s32 $0x108;
	s8 =	sld [smem:$0x3FB5]  }
0x2e: {  	s3 =	simm.s32 @!p0 $0x1082;
	s9 =	sld [smem:$0x3FB6]  }
0x2f: {  	lr =	sadd.s32 s0, s3;
	s0 =	sld [smem:$0x3FAD]  }
0x30: {  	s3 =	sld [smem:$0x3FB0]  }
0x31: {  	[smem:$0x3FB9] =	sst s10  }
0x32: {  	s10 =	sld [smem:$0x3FB7];
	_ =	sdelay $0x3  }
0x33: {  	p0 =	seq.s32 s10, $0x1;
	s10 =	sld [smem:$0x3FB9];
	_ =	sdelay $0x3  }
0x34: {  	[smem:$0x3FB9] =	sst s10  }
0x35: {  	s10 =	sld [smem:$0x3FB8];
	_ =	sdelay $0x3  }
0x36: {  	p1 =	seq.s32 s10, $0x1;
	s10 =	sld [smem:$0x3FB9];
	_ =	sdelay $0x3  }
0x37: {  	[smem:$0x3FB9] =	sst s10  }
0x38: {  	s10 =	sld [smem:$0x3FBA]  }
0x39: {  	_ = 	snop;
	(pc) =	sbr.ind lr, $3  }
0x3a: {  	_ = 	snop  }
0x3b: {  	_ = 	snop  }
0x3c: {  	p2 =	seq.s32 s10, $0x1;
	s10 =	sld [smem:$0x3FB9]  }
0x3d: {  	_ =	shalt  }
0x3e: {  	_ =	shalt  }
0x3f: {  	_ =	shalt  }
0x40: {  	_ =	shalt  }
0x41: {  	_ =	shalt  }
0x42: {  	_ =	shalt  }
0x43: {  	_ =	shalt  }
0x44: {  	_ =	shalt  }
0x45: {  	_ =	shalt  }
0x46: {  	_ =	shalt  }
0x47: {  	_ =	shalt  }
0x48: {  	_ =	shalt  }
0x49: {  	_ =	shalt  }
0x4a: {  	_ =	shalt  }
0x4b: {  	_ =	shalt  }
0x4c: {  	_ =	shalt  }
0x4d: {  	_ =	shalt  }
0x4e: {  	_ =	shalt  }
0x4f: {  	_ =	shalt  }
0x50: {  	_ =	shalt  }
0x51: {  	_ =	shalt  }
0x52: {  	_ =	shalt  }
0x53: {  	_ =	shalt  }
0x54: {  	_ =	shalt  }
0x55: {  	_ =	shalt  }
0x56: {  	_ =	shalt  }
0x57: {  	_ =	shalt  }
0x58: {  	_ =	shalt  }
0x59: {  	_ =	shalt  }
0x5a: {  	_ =	shalt  }
0x5b: {  	_ =	shalt  }
0x5c: {  	_ =	shalt  }
0x5d: {  	_ =	shalt  }
0x5e: {  	_ =	shalt  }
0x5f: {  	_ =	shalt  }
0x60: {  	_ =	shalt  }
0x61: {  	_ =	shalt  }
0x62: {  	_ =	shalt  }
0x63: {  	_ =	shalt  }
0x64: {  	_ =	shalt  }
0x65: {  	_ =	shalt  }
0x66: {  	_ =	shalt  }
0x67: {  	_ =	shalt  }
0x68: {  	_ =	shalt  }
0x69: {  	_ =	shalt  }
0x6a: {  	_ =	shalt  }
0x6b: {  	_ =	shalt  }
0x6c: {  	_ =	shalt  }
0x6d: {  	_ =	shalt  }
0x6e: {  	_ =	shalt  }
0x6f: {  	_ =	shalt  }
0x70: {  	_ =	shalt  }
0x71: {  	_ =	shalt  }
0x72: {  	_ =	shalt  }
0x73: {  	_ =	shalt  }
0x74: {  	_ =	shalt  }
0x75: {  	_ =	shalt  }
0x76: {  	_ =	shalt  }
0x77: {  	_ =	shalt  }
0x78: {  	_ =	shalt  }
0x79: {  	_ =	shalt  }
0x7a: {  	_ =	shalt  }
0x7b: {  	_ =	shalt  }
0x7c: {  	_ =	shalt  }
0x7d: {  	_ =	shalt  }
0x7e: {  	_ =	shalt  }
0x7f: {  	_ =	shalt  }
0x80: {  	_ =	shalt  }
0x81: {  	_ =	shalt  }
0x82: {  	_ =	shalt  }
0x83: {  	_ =	shalt  }
0x84: {  	_ =	shalt  }
0x85: {  	_ =	shalt  }
0x86: {  	_ =	shalt  }
0x87: {  	_ =	shalt  }
.Lfunc_end0:
.L_simem_size_0:
called_computation_lowered:
.L_overlay_start_0:
0x88: {  	s2 =	sld [smem:$0x3FD9]  }
0x89: {  	s3 =	sld [smem:$0x3FFE];
	_ =	sdelay $0x1  }
0x8a: {  	s1 =	srdreg.scid  }
0x8b: {  	s0 =	sand.u32 $0x1, s1  }
0x8c: {  	s17 =	sshll.u32 s0, $0xA;
	s2 =	sadd.s32 s3, s2  }
0x8d: {  	s2 =	sadd.s32 s2, s17  }
0x8e: {  	[smem:$0x3FC5] =	sst s2  }
0x8f: {  	_ = 	snop  }
0x90: {  	s2 =	sld [smem:$0x3FD0];
	(tm) =	ssettm $0x1  }
0x91: {  	s18 =	sld [smem:$0x3FFB];
	_ =	sdelay $0x3  }
0x92: {  	_ =	strace s18  }
0x93: {  	s3 =	sld [smem:$0x3FFC];
	_ =	sdelay $0x3  }
0x94: {  	_ =	strace s3  }
0x95: {  	s3 =	sld [smem:$0x3FFD];
	_ =	sdelay $0x3  }
0x96: {  	_ =	strace s3  }
0x97: {  	_ =	strace $0x8FFFFFFF  }
0x98: {  	s19 =	sld [smem:$0x3FDB];
	_ =	sdelay $0x1  }
0x99: {  	s4 =	simm.s32 $_scs_section_size  }
0x9a: {  	s5 =	simm.s32 $_size__tile_overlayer_lowered;
	s6 =	simm.s32 $_tile_overlayer_lowered  }
0x9b: {  	s22 =	simm.s32 $0x1BFF;
	s21 =	sshll.u32 s6, $0x1;
	s3 =	sadd.s32 s4, s19  }
0x9c: {  	s7 =	simm.s32 $0x0;
	s20 =	sshll.u32 s5, $0x1;
	s5 =	sadd.s32 s21, s3  }
0x9d: {  	[timem:s7], [sflag:s22] =	dma.local [hbm:s5], s20  }
0x9e: {  	_ =	swait.ge [sflag:s22], s20  }
0x9f: {  	s4 =	ssub.s32 $0x0, s20;
	[sflag:s22] =	ssyncset.done $0x0  }
0xa0: {  	[sflag:s22] =	ssyncadd.s32 s4;
	_ =	sdelay $0x1  }
0xa1: {  	s23 =	simm.s32 $0x1B8B  }
0xa2: {  	_ =	swait.ge [sflag:s23], $0x1  }
0xa3: {  	[sflag:s23] =	ssyncset.done $0x0  }
0xa4: {  	s25 =	simm.s32 $0x1B8E;
	s24 =	sld [smem:$0x3FFE];
	[sflag:s23] =	ssyncadd.s32 $0xFFFFFFFF  }
0xa5: {  	s26 =	simm.s32 $execute0_lowered;
	[smem:$0x3FD2] =	sst s25  }
0xa6: {  	s5 =	sshll.u32 s26, $0x1;
	_ =	strace $0x80000046;
	[dreg:$0x1] =	wrdreg $0xFFFFFFFF  }
0xa7: {  	s28 =	simm.s32 $_size_execute0_lowered;
	s3 =	sadd.s32 s3, s5;
	[dreg:$0x0] =	wrdreg $0x0  }
0xa8: {  	s5 =	sshll.u32 s28, $0x1;
	[dreg:$0x2] =	wrdreg s3  }
0xa9: {  	[dreg:$0x3] =	wrdreg s5  }
0xaa: {  	[dreg:$0x4] =	wrdreg $0xC0  }
0xab: {  	_ =	task [dreg:s7], $0x5FFFF  }
0xac: {  	[dreg:$0x1] =	wrdreg $0xFFFFFFFF  }
0xad: {  	[dreg:$0x0] =	wrdreg $0x60  }
0xae: {  	[dreg:$0x2] =	wrdreg s24  }
0xaf: {  	[dreg:$0x3] =	wrdreg s2  }
0xb0: {  	[dreg:$0x4] =	wrdreg $0x9  }
0xb1: {  	_ =	task.clear_ibuf [dreg:s7], $0x5FFFF;
	_ =	strace $0x90000046  }
0xb2: {  	s29 =	simm.s32 $0x9;
	_ =	strace $0x80000048  }
0xb3: {  	_ =	swait.ge [sflag:s29], $0x1  }
0xb4: {  	[sflag:s29] =	ssyncadd.s32 $0xFFFFFFFF  }
0xb5: {  	_ =	strace $0x90000048  }
0xb6: {  	_ =	sfence  }
0xb7: {  	s30 =	sld [smem:$0x0];
	_ =	sdelay $0x2  }
0xb8: {  	s31 =	sshll.u32 s1, $0xD;
	s1 =	sshrl.u32 s1, $0x2  }
0xb9: {  	s3 =	sand.u32 $0x4000, s31;
	s1 =	sadd.s32 s1, s30  }
0xba: {  	s0 =	sor.u32 s3, s0;
	s1 =	sshll.u32 s1, $0x11  }
0xbb: {  	s0 =	sor.u32 s1, s0  }
0xbc: {  	s0 =	sadd.s32 $0x8F2B, s0  }
0xbd: {  	[sflag:s0] =	ssyncadd.remote.s32 $0x1  }
0xbe: {  	_ =	sfence.sel $0xFFFF  }
0xbf: {  	[dreg:$0x0] =	wrdreg $0xFFFFFFFF;
	(pc) =	sbr.abs _section_cstart, $3  }
0xc0: {  	[dreg:$0x1] =	wrdreg $0xFFFFFFFF  }
0xc1: {  	_ =	task.clear_ibuf [dreg:s7], $0x2FFFF;
	_ =	strace $0x9FFFFFFF  }
0xc2: {  	(tm) =	ssettm $0x7FFFFFFF  }
0xc3: {  	_ =	shalt  }
tec
execute0_lowered:
.L_overlay_start_1:
0x0: {  	(tag) =	ssettag $0x1  }
0x1: {  	v0 =	vlaneseq.u32  }
0x2: {  	v0 =	vmul.u32 $0x80, v0;
	_ =	sdelay $0x1  }
0x3: {  	v1 =	vor.u32 $0x800, v0  }
0x4: {  	[tilespmem:$0x1FC10] =	vst v1;
	v1 =	vor.u32 $0x1, v0  }
0x5: {  	[tilespmem:$0x1FC20] =	vst v1;
	v1 =	vor.u32 $0x801, v0  }
0x6: {  	[tilespmem:$0x1FC30] =	vst v1;
	v1 =	vor.u32 $0x2, v0  }
0x7: {  	[tilespmem:$0x1FC40] =	vst v1;
	v1 =	vor.u32 $0x802, v0  }
0x8: {  	[tilespmem:$0x1FC50] =	vst v1;
	v1 =	vor.u32 $0x3, v0  }
0x9: {  	[tilespmem:$0x1FC60] =	vst v1;
	v1 =	vor.u32 $0x803, v0  }
0xa: {  	[tilespmem:$0x1FC70] =	vst v1;
	v1 =	vor.u32 $0x4, v0  }
0xb: {  	[tilespmem:$0x1FC80] =	vst v1;
	v1 =	vor.u32 $0x804, v0  }
0xc: {  	[tilespmem:$0x1FC90] =	vst v1;
	v1 =	vor.u32 $0x5, v0  }
0xd: {  	[tilespmem:$0x1FCA0] =	vst v1;
	v1 =	vor.u32 $0x805, v0  }
0xe: {  	[tilespmem:$0x1FCB0] =	vst v1;
	v1 =	vor.u32 $0x6, v0  }
0xf: {  	[tilespmem:$0x1FCC0] =	vst v1;
	v1 =	vor.u32 $0x806, v0  }
0x10: {  	[tilespmem:$0x1FCD0] =	vst v1;
	v1 =	vor.u32 $0x7, v0  }
0x11: {  	[tilespmem:$0x1FCE0] =	vst v1;
	v1 =	vor.u32 $0x807, v0  }
0x12: {  	[tilespmem:$0x1FCF0] =	vst v1;
	v1 =	vor.u32 $0x8, v0  }
0x13: {  	s0 =	rddreg [dreg:$0x0];
	s1 =	simm.s32 $0x0;
	[tilespmem:$0x1FD00] =	vst v1;
	v1 =	vor.u32 $0x9, v0  }
0x14: {  	[smem:$0x7FF] =	sst s1;
	[tilespmem:$0x1FD10] =	vst v1;
	v1 =	vor.u32 $0x809, v0  }
0x15: {  	s3 =	rddreg [dreg:$0x1];
	v26 =	vor.u32 $0x808, v0;
	_ =	strace $0x80000047;
	[tilespmem:$0x1FD20] =	vst v1  }
0x16: {  	v27 =	vor.u32 $0x810, v0;
	[tilespmem:$0x1FFD0] =	vst v26  }
0x17: {  	v28 =	vor.u32 $0x818, v0;
	[tilespmem:$0x1FFE0] =	vst v27  }
0x18: {  	v1 =	vor.u32 $0xA, v0;
	[tilespmem:$0x1FFF0] =	vst v28  }
0x19: {  	[tilespmem:$0x1FD30] =	vst v1;
	v1 =	vor.u32 $0x80A, v0  }
0x1a: {  	[tilespmem:$0x1FD40] =	vst v1;
	v1 =	vor.u32 $0xB, v0  }
0x1b: {  	[tilespmem:$0x1FD50] =	vst v1;
	v1 =	vor.u32 $0x80B, v0  }
0x1c: {  	[tilespmem:$0x1FD60] =	vst v1;
	v1 =	vor.u32 $0xC, v0  }
0x1d: {  	[tilespmem:$0x1FD70] =	vst v1;
	v1 =	vor.u32 $0x80C, v0  }
0x1e: {  	[tilespmem:$0x1FD80] =	vst v1;
	v1 =	vor.u32 $0xD, v0  }
0x1f: {  	[tilespmem:$0x1FD90] =	vst v1;
	v1 =	vor.u32 $0x80D, v0  }
0x20: {  	[tilespmem:$0x1FDA0] =	vst v1;
	v1 =	vor.u32 $0xE, v0  }
0x21: {  	[tilespmem:$0x1FDB0] =	vst v1;
	v1 =	vor.u32 $0x80E, v0  }
0x22: {  	[tilespmem:$0x1FDC0] =	vst v1;
	v1 =	vor.u32 $0xF, v0  }
0x23: {  	[tilespmem:$0x1FDD0] =	vst v1;
	v1 =	vor.u32 $0x80F, v0  }
0x24: {  	[tilespmem:$0x1FDE0] =	vst v1;
	v1 =	vor.u32 $0x10, v0  }
0x25: {  	[tilespmem:$0x1FDF0] =	vst v1;
	v1 =	vor.u32 $0x11, v0  }
0x26: {  	[tilespmem:$0x1FE00] =	vst v1;
	v1 =	vor.u32 $0x811, v0  }
0x27: {  	[tilespmem:$0x1FE10] =	vst v1;
	v1 =	vor.u32 $0x12, v0  }
0x28: {  	[tilespmem:$0x1FE20] =	vst v1;
	v1 =	vor.u32 $0x812, v0  }
0x29: {  	[tilespmem:$0x1FE30] =	vst v1;
	v1 =	vor.u32 $0x13, v0  }
0x2a: {  	[tilespmem:$0x1FE40] =	vst v1;
	v1 =	vor.u32 $0x813, v0  }
0x2b: {  	[tilespmem:$0x1FE50] =	vst v1;
	v1 =	vor.u32 $0x14, v0  }
0x2c: {  	[tilespmem:$0x1FE60] =	vst v1;
	v1 =	vor.u32 $0x814, v0  }
0x2d: {  	[tilespmem:$0x1FE70] =	vst v1;
	v1 =	vor.u32 $0x15, v0  }
0x2e: {  	[tilespmem:$0x1FE80] =	vst v1;
	v1 =	vor.u32 $0x815, v0  }
0x2f: {  	[tilespmem:$0x1FE90] =	vst v1;
	v1 =	vor.u32 $0x16, v0  }
0x30: {  	[tilespmem:$0x1FEA0] =	vst v1;
	v1 =	vor.u32 $0x816, v0  }
0x31: {  	[tilespmem:$0x1FEB0] =	vst v1;
	v1 =	vor.u32 $0x17, v0  }
0x32: {  	[tilespmem:$0x1FEC0] =	vst v1;
	v1 =	vor.u32 $0x817, v0  }
0x33: {  	[tilespmem:$0x1FED0] =	vst v1;
	v1 =	vor.u32 $0x18, v0  }
0x34: {  	s4 =	srdreg.scid;
	s11 =	stileid.u32;
	[tilespmem:$0x1FEE0] =	vst v1;
	v1 =	vor.u32 $0x19, v0  }
0x35: {  	s14 =	simm.s32 $0x7;
	s15 =	simm.s32 $0x80;
	s17 =	simm.s32 $0x2;
	[tilespmem:$0x1FEF0] =	vst v1;
	v1 =	vor.u32 $0x819, v0  }
0x36: {  	s18 =	simm.s32 $0x1100;
	s19 =	simm.s32 $0x3;
	s20 =	simm.s32 $0x2100;
	[tilespmem:$0x1FF00] =	vst v1;
	v1 =	vor.u32 $0x1A, v0  }
0x37: {  	s28 =	simm.s32 $0x0;
	s2 =	sadd.s32 $0xC00, s0;
	s7 =	sand.u32 $0x1, s4;
	[tilespmem:$0x1FF10] =	vst v1;
	v1 =	vor.u32 $0x81A, v0  }
0x38: {  	s4 =	sadd.s32 $0x19C00, s0;
	s9 =	sshll.u32 s11, $0x5;
	s5 =	sadd.s32 $0x800, s0;
	[tilespmem:$0x1FF20] =	vst v1;
	v1 =	vor.u32 $0x1B, v0  }
0x39: {  	s23 =	sshll.u32 s11, $0x8;
	s25 =	sshll.u32 s11, $0xB;
	s6 =	ssub.s32 $0x2, s7;
	[tilespmem:$0x1FF30] =	vst v1;
	v1 =	vor.u32 $0x81B, v0  }
0x3a: {  	s10 =	sshll.u32 s7, $0x4;
	s24 =	sshll.u32 s7, $0x7;
	s26 =	sshll.u32 s7, $0xA;
	[tilespmem:$0x1FF40] =	vst v1;
	v1 =	vor.u32 $0x1C, v0  }
0x3b: {  	s8 =	sshrl.u32 s6, $0x1;
	s22 =	sor.u32 s10, s9;
	s9 =	sor.u32 s24, s23;
	[tilespmem:$0x1FF50] =	vst v1;
	v1 =	vor.u32 $0x81C, v0  }
0x3c: {  	s10 =	sor.u32 s26, s25;
	s23 =	simm.s32 $0x4;
	s24 =	simm.s32 $0x3100;
	[tilespmem:$0x1FF60] =	vst v1;
	v1 =	vor.u32 $0x1D, v0  }
0x3d: {  	s25 =	simm.s32 $0x5;
	s26 =	simm.s32 $0x6;
	s21 =	ssub.s32 s6, s8;
	[tilespmem:$0x1FF70] =	vst v1;
	v1 =	vor.u32 $0x81D, v0  }
.Ltmp0:
0x3e: {  	s6 =	sadd.s32 s2, s22;
	s29 =	sor.u32 $0x3000, s9;
	[tilespmem:$0x1FF80] =	vst v1;
	v1 =	vor.u32 $0x1E, v0;
	(pc) =	sbr.rel .LBB2_1-.Ltmp0, $4  }
0x3f: {  	s31 =	sor.u32 $0x20000, s10;
	s12 =	sshrl.u32 s10, $0x3;
	s10 =	sor.u32 $0x2000, s9;
	[tilespmem:$0x1FF90] =	vst v1;
	v1 =	vor.u32 $0x81E, v0  }
0x40: {  	s22 =	simm.s32 $0x8000;
	s7 =	sadd.s32 $0x200, s6;
	s8 =	smax.u32 s21, $0x1;
	[tilespmem:$0x1FFA0] =	vst v1;
	v1 =	vor.u32 $0x1F, v0  }
0x41: {  	s30 =	sshrl.u32 s29, $0x3;
	s13 =	sshrl.u32 s31, $0x3;
	s11 =	sadd.s32 s12, s3;
	[tilespmem:$0x1FFB0] =	vst v1;
	v1 =	vor.u32 $0x81F, v0  }
0x42: {  	s21 =	simm.s32 $0x400;
	s0 =	sadd.s32 s30, s2;
	s12 =	sadd.s32 s13, s3;
	[tilespmem:$0x1FFC0] =	vst v1  }
.LBB2_6:
0x43: {  	s28 =	sadd.s32 $0x1, s28  }
0x44: {  	_ =	swait.ge [sflag:s25], $0x1000;
	p0 =	sne.s32 s28, s8  }
.Ltmp1:
0x45: {  	[sflag:s25] =	ssyncset.done $0x0;
	(pc) =	sbr.rel @!p0 .LBB2_7-.Ltmp1, $4  }
0x46: {  	[sflag:s25] =	ssyncadd.s32 $0xFFFFF000  }
0x47: {  	_ =	swait.ge [sflag:s26], $0x1000  }
0x48: {  	[sflag:s26] =	ssyncset.done $0x0  }
0x49: {  	[sflag:s26] =	ssyncadd.s32 $0xFFFFF000  }
.LBB2_1:
0x4a: {  	s3 =	simm.s32 $0x4100  }
0x4b: {  	[tilespmem:s3], [sflag:$0x7] =	stream.linear.gather [hbm4b:s5+s1], $0x1900, $0x38;
	[tilespmem:$0x5A00] =	vst v63  }
0x4c: {  	_ =	swait.ge [sflag:s14], $0x1900  }
0x4d: {  	[sflag:s14] =	ssyncset.done $0x0  }
0x4e: {  	[sflag:s14] =	ssyncadd.s32 $0xFFFFE700  }
0x4f: {  	[tilespmem:s1], [sflag:$0x7] =	stream.linear.gather [hbm4b:s6+s1], $0x80, $0x38;
	[tilespmem:$0x5A00] =	vst v63  }
0x50: {  	_ =	swait.ge [sflag:s14], $0x80  }
.Ltmp2:
0x51: {  	[sflag:s14] =	ssyncset.done $0x0;
	(pc) =	sbr.rel .LBB2_2-.Ltmp2, $4  }
0x52: {  	s16 =	simm.s32 $0x100;
	s29 =	simm.s32 $0x4120;
	[sflag:s14] =	ssyncadd.s32 $0xFFFFFF80  }
0x53: {  	[tilespmem:s16], [sflag:$0x3] =	stream.indirect.gather [hbm4b:s4+s15], $0x20, s1, s15, $0xb8;
	[tilespmem:$0x5A00] =	vst v63  }
0x54: {  	s30 =	simm.s32 $0x0;
	s31 =	smov.u32 s10;
	s9 =	smov.u32 s0  }
0x55: {  	[tilespmem:s15], [sflag:$0x2] =	stream.linear.gather [hbm4b:s7+s1], $0x80, $0x38;
	[tilespmem:$0x5A00] =	vst v63  }
.LBB2_4:
0x56: {  	_ =	swait.ge [sflag:s25], $0x1000  }
0x57: {  	[sflag:s25] =	ssyncset.done $0x0  }
0x58: {  	p1 =	por $0x0, $0x0;
	[sflag:s25] =	ssyncadd.s32 $0xFFFFF000  }
.LBB2_5:
0x59: {  	_ =	swait.ge [sflag:s19], $0x1000  }
0x5a: {  	v36 =	vld [tilespmem:$0x1FC10]  }
0x5b: {  	v38 =	vld [tilespmem:$0x1FC20]  }
0x5c: {  	v39 =	vld [tilespmem:$0x1FC30]  }
0x5d: {  	v40 =	vld [tilespmem:$0x1FC40]  }
0x5e: {  	v41 =	vld [tilespmem:$0x1FC50]  }
0x5f: {  	v42 =	vld [tilespmem:$0x1FC60]  }
0x60: {  	[sflag:s19] =	ssyncset.done $0x0;
	v43 =	vld [tilespmem:$0x1FC70]  }
0x61: {  	v44 =	vld [tilespmem:$0x1FC80];
	[sflag:s19] =	ssyncadd.s32 $0xFFFFF000  }
0x62: {  	v37 =	vld [tilespmem:s29+$0xFFFFFFE0]  }
0x63: {  	v33 =	vld [tilespmem:s29+$0xFFFFFFF0]  }
0x64: {  	v1 =	vld [tilespmem:$0x100]  }
0x65: {  	v2 =	vld [tilespmem:$0x110]  }
0x66: {  	v3 =	vld [tilespmem:$0x120]  }
0x67: {  	v4 =	vld [tilespmem:$0x130]  }
0x68: {  	v5 =	vld [tilespmem:$0x140]  }
0x69: {  	v6 =	vld [tilespmem:$0x150]  }
0x6a: {  	v7 =	vld [tilespmem:$0x160]  }
0x6b: {  	v8 =	vld [tilespmem:$0x170]  }
0x6c: {  	v9 =	vld [tilespmem:$0x180]  }
0x6d: {  	v10 =	vld [tilespmem:$0x190]  }
0x6e: {  	v11 =	vld [tilespmem:$0x1A0]  }
0x6f: {  	v12 =	vld [tilespmem:$0x1B0]  }
0x70: {  	v13 =	vld [tilespmem:$0x1C0]  }
0x71: {  	v14 =	vld [tilespmem:$0x1D0];
	v1 =	vadd.f32 v1, v37  }
0x72: {  	v15 =	vld [tilespmem:$0x1E0];
	v2 =	vadd.f32 v2, v33  }
0x73: {  	v16 =	vld [tilespmem:$0x1F0];
	v3 =	vadd.f32 v3, v37;
	[tilespmem:v0+s20+$0x0] =	vst.idx.msk $0xffff, v1  }
0x74: {  	v45 =	vld [tilespmem:$0x1FC90];
	v1 =	vadd.f32 v4, v33;
	[tilespmem:v36+s20+$0x0] =	vst.idx.msk $0xffff, v2  }
0x75: {  	v46 =	vld [tilespmem:$0x1FCA0];
	v2 =	vadd.f32 v5, v37;
	[tilespmem:v38+s20+$0x0] =	vst.idx.msk $0xffff, v3  }
0x76: {  	v47 =	vld [tilespmem:$0x1FCB0];
	v3 =	vadd.f32 v6, v33;
	[tilespmem:v39+s20+$0x0] =	vst.idx.msk $0xffff, v1  }
0x77: {  	v48 =	vld [tilespmem:$0x1FCC0];
	v1 =	vadd.f32 v7, v37;
	[tilespmem:v40+s20+$0x0] =	vst.idx.msk $0xffff, v2  }
0x78: {  	v49 =	vld [tilespmem:$0x1FCD0];
	v2 =	vadd.f32 v8, v33;
	[tilespmem:v41+s20+$0x0] =	vst.idx.msk $0xffff, v3  }
0x79: {  	v3 =	vadd.f32 v9, v37;
	[tilespmem:v42+s20+$0x0] =	vst.idx.msk $0xffff, v1  }
0x7a: {  	v1 =	vadd.f32 v10, v33;
	[tilespmem:v43+s20+$0x0] =	vst.idx.msk $0xffff, v2  }
0x7b: {  	v2 =	vadd.f32 v11, v37;
	[tilespmem:v44+s20+$0x0] =	vst.idx.msk $0xffff, v3  }
0x7c: {  	v3 =	vadd.f32 v12, v33;
	[tilespmem:v45+s20+$0x0] =	vst.idx.msk $0xffff, v1  }
0x7d: {  	v1 =	vadd.f32 v13, v37;
	[tilespmem:v46+s20+$0x0] =	vst.idx.msk $0xffff, v2  }
0x7e: {  	v2 =	vadd.f32 v14, v33;
	[tilespmem:v47+s20+$0x0] =	vst.idx.msk $0xffff, v3  }
0x7f: {  	[tilespmem:v48+s20+$0x0] =	vst.idx.msk $0xffff, v1  }
0x80: {  	[tilespmem:v49+s20+$0x0] =	vst.idx.msk $0xffff, v2;
	v2 =	vld [tilespmem:$0x1FCE0];
	_ =	sdelay $0x5  }
0x81: {  	v3 =	vadd.f32 v15, v37;
	_ =	sdelay $0x1  }
0x82: {  	[tilespmem:v2+s20+$0x0] =	vst.idx.msk $0xffff, v3;
	v2 =	vld [tilespmem:$0x1FCF0];
	_ =	sdelay $0x5  }
0x83: {  	v17 =	vld [tilespmem:$0x1FD00];
	v1 =	vadd.f32 v16, v33  }
0x84: {  	v62 =	vld [tilespmem:$0x1FD10]  }
0x85: {  	v63 =	vld [tilespmem:$0x1FD20];
	[tilespmem:v2+s20+$0x0] =	vst.idx.msk $0xffff, v1  }
0x86: {  	v1 =	vld [tilespmem:$0x200]  }
0x87: {  	v2 =	vld [tilespmem:$0x210]  }
0x88: {  	v3 =	vld [tilespmem:$0x220]  }
0x89: {  	v4 =	vld [tilespmem:$0x230]  }
0x8a: {  	v50 =	vld [tilespmem:$0x240]  }
0x8b: {  	v51 =	vld [tilespmem:$0x250]  }
0x8c: {  	v52 =	vld [tilespmem:$0x260]  }
0x8d: {  	v53 =	vld [tilespmem:$0x270]  }
0x8e: {  	v54 =	vld [tilespmem:$0x280]  }
0x8f: {  	v55 =	vld [tilespmem:$0x290]  }
0x90: {  	v56 =	vld [tilespmem:$0x2A0]  }
0x91: {  	v57 =	vld [tilespmem:$0x2B0]  }
0x92: {  	v58 =	vld [tilespmem:$0x2C0]  }
0x93: {  	v59 =	vld [tilespmem:$0x2D0]  }
0x94: {  	v60 =	vld [tilespmem:$0x2E0];
	v1 =	vadd.f32 v1, v37  }
0x95: {  	v61 =	vld [tilespmem:$0x2F0]  }
0x96: {  	[tilespmem:v17+s20+$0x0] =	vst.idx.msk $0xffff, v1;
	v17 =	vld [tilespmem:$0x1FD30]  }
0x97: {  	v18 =	vld [tilespmem:$0x1FD40]  }
0x98: {  	v19 =	vld [tilespmem:$0x1FD50]  }
0x99: {  	v20 =	vld [tilespmem:$0x1FD60];
	v2 =	vadd.f32 v2, v33  }
0x9a: {  	v21 =	vld [tilespmem:$0x1FD70];
	v3 =	vadd.f32 v3, v37  }
0x9b: {  	v22 =	vld [tilespmem:$0x1FD80];
	v1 =	vadd.f32 v4, v33;
	[tilespmem:v26+s20+$0x0] =	vst.idx.msk $0xffff, v2  }
0x9c: {  	v23 =	vld [tilespmem:$0x1FD90];
	v2 =	vadd.f32 v50, v37;
	[tilespmem:v62+s20+$0x0] =	vst.idx.msk $0xffff, v3  }
0x9d: {  	v32 =	vld [tilespmem:$0x1FDA0];
	v3 =	vadd.f32 v51, v33;
	[tilespmem:v63+s20+$0x0] =	vst.idx.msk $0xffff, v1  }
0x9e: {  	v34 =	vld [tilespmem:$0x1FDB0];
	v1 =	vadd.f32 v52, v37;
	[tilespmem:v17+s20+$0x0] =	vst.idx.msk $0xffff, v2  }
0x9f: {  	v35 =	vld [tilespmem:$0x1FDC0];
	v2 =	vadd.f32 v53, v33;
	[tilespmem:v18+s20+$0x0] =	vst.idx.msk $0xffff, v3  }
0xa0: {  	v3 =	vadd.f32 v54, v37;
	[tilespmem:v19+s20+$0x0] =	vst.idx.msk $0xffff, v1  }
0xa1: {  	v1 =	vadd.f32 v55, v33;
	[tilespmem:v20+s20+$0x0] =	vst.idx.msk $0xffff, v2  }
0xa2: {  	v2 =	vadd.f32 v56, v37;
	[tilespmem:v21+s20+$0x0] =	vst.idx.msk $0xffff, v3  }
0xa3: {  	v3 =	vadd.f32 v57, v33;
	[tilespmem:v22+s20+$0x0] =	vst.idx.msk $0xffff, v1  }
0xa4: {  	v1 =	vadd.f32 v58, v37;
	[tilespmem:v23+s20+$0x0] =	vst.idx.msk $0xffff, v2  }
0xa5: {  	v2 =	vadd.f32 v59, v33;
	[tilespmem:v32+s20+$0x0] =	vst.idx.msk $0xffff, v3  }
0xa6: {  	[tilespmem:v34+s20+$0x0] =	vst.idx.msk $0xffff, v1  }
0xa7: {  	[tilespmem:v35+s20+$0x0] =	vst.idx.msk $0xffff, v2;
	v2 =	vld [tilespmem:$0x1FDD0];
	_ =	sdelay $0x5  }
0xa8: {  	v3 =	vadd.f32 v60, v37;
	_ =	sdelay $0x1  }
0xa9: {  	[tilespmem:v2+s20+$0x0] =	vst.idx.msk $0xffff, v3;
	v2 =	vld [tilespmem:$0x1FDE0]  }
0xaa: {  	v49 =	vld [tilespmem:$0x1FDF0]  }
0xab: {  	v50 =	vld [tilespmem:$0x1FE00]  }
0xac: {  	v51 =	vld [tilespmem:$0x1FE10]  }
0xad: {  	v52 =	vld [tilespmem:$0x1FE20]  }
0xae: {  	v53 =	vld [tilespmem:$0x1FE30]  }
0xaf: {  	v54 =	vld [tilespmem:$0x1FE40];
	v1 =	vadd.f32 v61, v33  }
0xb0: {  	v55 =	vld [tilespmem:$0x1FE50]  }
0xb1: {  	v56 =	vld [tilespmem:$0x1FE60];
	[tilespmem:v2+s20+$0x0] =	vst.idx.msk $0xffff, v1  }
0xb2: {  	v1 =	vld [tilespmem:$0x300]  }
0xb3: {  	v2 =	vld [tilespmem:$0x310]  }
0xb4: {  	v3 =	vld [tilespmem:$0x320]  }
0xb5: {  	v4 =	vld [tilespmem:$0x330]  }
0xb6: {  	v36 =	vld [tilespmem:$0x340]  }
0xb7: {  	v38 =	vld [tilespmem:$0x350]  }
0xb8: {  	v39 =	vld [tilespmem:$0x360]  }
0xb9: {  	v40 =	vld [tilespmem:$0x370]  }
0xba: {  	v41 =	vld [tilespmem:$0x380]  }
0xbb: {  	v42 =	vld [tilespmem:$0x390]  }
0xbc: {  	v43 =	vld [tilespmem:$0x3A0]  }
0xbd: {  	v44 =	vld [tilespmem:$0x3B0]  }
0xbe: {  	v45 =	vld [tilespmem:$0x3C0]  }
0xbf: {  	v46 =	vld [tilespmem:$0x3D0];
	v1 =	vadd.f32 v1, v37  }
0xc0: {  	v47 =	vld [tilespmem:$0x3E0];
	v2 =	vadd.f32 v2, v33  }
0xc1: {  	v48 =	vld [tilespmem:$0x3F0];
	v3 =	vadd.f32 v3, v37;
	[tilespmem:v49+s20+$0x0] =	vst.idx.msk $0xffff, v1  }
0xc2: {  	v57 =	vld [tilespmem:$0x1FE70];
	v1 =	vadd.f32 v4, v33;
	[tilespmem:v27+s20+$0x0] =	vst.idx.msk $0xffff, v2  }
0xc3: {  	v58 =	vld [tilespmem:$0x1FE80];
	v2 =	vadd.f32 v36, v37;
	[tilespmem:v50+s20+$0x0] =	vst.idx.msk $0xffff, v3  }
0xc4: {  	v59 =	vld [tilespmem:$0x1FE90];
	v3 =	vadd.f32 v38, v33;
	[tilespmem:v51+s20+$0x0] =	vst.idx.msk $0xffff, v1  }
0xc5: {  	v60 =	vld [tilespmem:$0x1FEA0];
	v1 =	vadd.f32 v39, v37;
	[tilespmem:v52+s20+$0x0] =	vst.idx.msk $0xffff, v2  }
0xc6: {  	v61 =	vld [tilespmem:$0x1FEB0];
	v2 =	vadd.f32 v40, v33;
	[tilespmem:v53+s20+$0x0] =	vst.idx.msk $0xffff, v3  }
0xc7: {  	v3 =	vadd.f32 v41, v37;
	[tilespmem:v54+s20+$0x0] =	vst.idx.msk $0xffff, v1  }
0xc8: {  	v1 =	vadd.f32 v42, v33;
	[tilespmem:v55+s20+$0x0] =	vst.idx.msk $0xffff, v2  }
0xc9: {  	v2 =	vadd.f32 v43, v37;
	[tilespmem:v56+s20+$0x0] =	vst.idx.msk $0xffff, v3  }
0xca: {  	v3 =	vadd.f32 v44, v33;
	[tilespmem:v57+s20+$0x0] =	vst.idx.msk $0xffff, v1  }
0xcb: {  	v1 =	vadd.f32 v45, v37;
	[tilespmem:v58+s20+$0x0] =	vst.idx.msk $0xffff, v2  }
0xcc: {  	v2 =	vadd.f32 v46, v33;
	[tilespmem:v59+s20+$0x0] =	vst.idx.msk $0xffff, v3  }
0xcd: {  	[tilespmem:v60+s20+$0x0] =	vst.idx.msk $0xffff, v1  }
0xce: {  	[tilespmem:v61+s20+$0x0] =	vst.idx.msk $0xffff, v2;
	v2 =	vld [tilespmem:$0x1FEC0];
	_ =	sdelay $0x5  }
0xcf: {  	v3 =	vadd.f32 v47, v37;
	_ =	sdelay $0x1  }
0xd0: {  	[tilespmem:v2+s20+$0x0] =	vst.idx.msk $0xffff, v3;
	v2 =	vld [tilespmem:$0x1FED0]  }
0xd1: {  	v40 =	vld [tilespmem:$0x1FEE0]  }
0xd2: {  	v41 =	vld [tilespmem:$0x1FEF0]  }
0xd3: {  	v42 =	vld [tilespmem:$0x1FF00]  }
0xd4: {  	v43 =	vld [tilespmem:$0x1FF10]  }
0xd5: {  	v44 =	vld [tilespmem:$0x1FF20]  }
0xd6: {  	v45 =	vld [tilespmem:$0x1FF30];
	v1 =	vadd.f32 v48, v33  }
0xd7: {  	v46 =	vld [tilespmem:$0x1FF40]  }
0xd8: {  	v47 =	vld [tilespmem:$0x1FF50];
	[tilespmem:v2+s20+$0x0] =	vst.idx.msk $0xffff, v1  }
0xd9: {  	v1 =	vld [tilespmem:$0x400]  }
0xda: {  	v2 =	vld [tilespmem:$0x410]  }
0xdb: {  	v3 =	vld [tilespmem:$0x420]  }
0xdc: {  	v4 =	vld [tilespmem:$0x430]  }
0xdd: {  	v62 =	vld [tilespmem:$0x440]  }
0xde: {  	v63 =	vld [tilespmem:$0x450]  }
0xdf: {  	v20 =	vld [tilespmem:$0x460]  }
0xe0: {  	v21 =	vld [tilespmem:$0x470]  }
0xe1: {  	v22 =	vld [tilespmem:$0x480]  }
0xe2: {  	v23 =	vld [tilespmem:$0x490]  }
0xe3: {  	v32 =	vld [tilespmem:$0x4A0]  }
0xe4: {  	v34 =	vld [tilespmem:$0x4B0]  }
0xe5: {  	v35 =	vld [tilespmem:$0x4C0]  }
0xe6: {  	v36 =	vld [tilespmem:$0x4D0];
	v1 =	vadd.f32 v1, v37  }
0xe7: {  	v38 =	vld [tilespmem:$0x4E0];
	v2 =	vadd.f32 v2, v33  }
0xe8: {  	v39 =	vld [tilespmem:$0x4F0];
	v3 =	vadd.f32 v3, v37;
	[tilespmem:v40+s20+$0x0] =	vst.idx.msk $0xffff, v1  }
0xe9: {  	v48 =	vld [tilespmem:$0x1FF60];
	v1 =	vadd.f32 v4, v33;
	[tilespmem:v28+s20+$0x0] =	vst.idx.msk $0xffff, v2  }
0xea: {  	v49 =	vld [tilespmem:$0x1FF70];
	v2 =	vadd.f32 v62, v37;
	[tilespmem:v41+s20+$0x0] =	vst.idx.msk $0xffff, v3  }
0xeb: {  	v50 =	vld [tilespmem:$0x1FF80];
	v3 =	vadd.f32 v63, v33;
	[tilespmem:v42+s20+$0x0] =	vst.idx.msk $0xffff, v1  }
0xec: {  	v51 =	vld [tilespmem:$0x1FF90];
	v1 =	vadd.f32 v20, v37;
	[tilespmem:v43+s20+$0x0] =	vst.idx.msk $0xffff, v2  }
0xed: {  	v52 =	vld [tilespmem:$0x1FFA0];
	v2 =	vadd.f32 v21, v33;
	[tilespmem:v44+s20+$0x0] =	vst.idx.msk $0xffff, v3  }
0xee: {  	v3 =	vadd.f32 v22, v37;
	[tilespmem:v45+s20+$0x0] =	vst.idx.msk $0xffff, v1  }
0xef: {  	v1 =	vadd.f32 v23, v33;
	[tilespmem:v46+s20+$0x0] =	vst.idx.msk $0xffff, v2  }
0xf0: {  	v2 =	vadd.f32 v32, v37;
	[tilespmem:v47+s20+$0x0] =	vst.idx.msk $0xffff, v3  }
0xf1: {  	v3 =	vadd.f32 v34, v33;
	[tilespmem:v48+s20+$0x0] =	vst.idx.msk $0xffff, v1  }
0xf2: {  	v1 =	vadd.f32 v35, v37;
	[tilespmem:v49+s20+$0x0] =	vst.idx.msk $0xffff, v2  }
0xf3: {  	v2 =	vadd.f32 v36, v33;
	[tilespmem:v50+s20+$0x0] =	vst.idx.msk $0xffff, v3  }
0xf4: {  	[tilespmem:v51+s20+$0x0] =	vst.idx.msk $0xffff, v1  }
0xf5: {  	[tilespmem:v52+s20+$0x0] =	vst.idx.msk $0xffff, v2;
	v2 =	vld [tilespmem:$0x1FFB0];
	_ =	sdelay $0x5  }
0xf6: {  	v3 =	vadd.f32 v38, v37;
	_ =	sdelay $0x1  }
0xf7: {  	[tilespmem:v2+s20+$0x0] =	vst.idx.msk $0xffff, v3;
	v2 =	vld [tilespmem:$0x1FFC0];
	_ =	sdelay $0x5  }
0xf8: {  	v1 =	vadd.f32 v39, v33;
	_ =	sdelay $0x1  }
0xf9: {  	[tilespmem:v2+s20+$0x0] =	vst.idx.msk $0xffff, v1  }
0xfa: {  	v1 =	vld [tilespmem:$0x500]  }
0xfb: {  	v2 =	vld [tilespmem:$0x510]  }
0xfc: {  	v3 =	vld [tilespmem:$0x520]  }
0xfd: {  	v4 =	vld [tilespmem:$0x530]  }
0xfe: {  	v53 =	vld [tilespmem:$0x540]  }
0xff: {  	v18 =	vor.u32 $0x820, v0;
	v54 =	vld [tilespmem:$0x550]  }
0x100: {  	v19 =	vor.u32 $0x21, v0;
	[tilespmem:$0x1F2B0] =	vst v18;
	v55 =	vld [tilespmem:$0x560]  }
0x101: {  	[tilespmem:$0x1F2C0] =	vst v19;
	v61 =	vor.u32 $0x20, v0;
	v56 =	vld [tilespmem:$0x570]  }
0x102: {  	[tilespmem:$0x1F2A0] =	vst v61;
	v40 =	vor.u32 $0x824, v0;
	v57 =	vld [tilespmem:$0x580]  }
0x103: {  	[tilespmem:$0x1F330] =	vst v40;
	v41 =	vor.u32 $0x25, v0;
	v58 =	vld [tilespmem:$0x590]  }
0x104: {  	v20 =	vor.u32 $0x821, v0;
	[tilespmem:$0x1F340] =	vst v41;
	v59 =	vld [tilespmem:$0x5A0]  }
0x105: {  	v42 =	vor.u32 $0x825, v0;
	[tilespmem:$0x1F2D0] =	vst v20;
	v60 =	vld [tilespmem:$0x5B0]  }
0x106: {  	v21 =	vor.u32 $0x22, v0;
	[tilespmem:$0x1F350] =	vst v42;
	v62 =	vld [tilespmem:$0x5C0]  }
0x107: {  	v43 =	vor.u32 $0x26, v0;
	[tilespmem:$0x1F2E0] =	vst v21;
	v63 =	vld [tilespmem:$0x5D0];
	v1 =	vadd.f32 v1, v37  }
0x108: {  	[tilespmem:$0x1F360] =	vst v43;
	v32 =	vld [tilespmem:$0x5E0];
	v2 =	vadd.f32 v2, v33  }
0x109: {  	v35 =	vor.u32 $0x822, v0;
	v34 =	vld [tilespmem:$0x5F0];
	v3 =	vadd.f32 v3, v37;
	[tilespmem:v61+s20+$0x0] =	vst.idx.msk $0xffff, v1  }
0x10a: {  	v36 =	vor.u32 $0x23, v0;
	v1 =	vadd.f32 v4, v33;
	[tilespmem:v18+s20+$0x0] =	vst.idx.msk $0xffff, v2  }
0x10b: {  	v38 =	vor.u32 $0x823, v0;
	v2 =	vadd.f32 v53, v37;
	[tilespmem:v19+s20+$0x0] =	vst.idx.msk $0xffff, v3  }
0x10c: {  	v39 =	vor.u32 $0x24, v0;
	v3 =	vadd.f32 v54, v33;
	[tilespmem:v20+s20+$0x0] =	vst.idx.msk $0xffff, v1  }
0x10d: {  	v1 =	vadd.f32 v55, v37;
	[tilespmem:v21+s20+$0x0] =	vst.idx.msk $0xffff, v2  }
0x10e: {  	v2 =	vadd.f32 v56, v33;
	[tilespmem:v35+s20+$0x0] =	vst.idx.msk $0xffff, v3  }
0x10f: {  	v3 =	vadd.f32 v57, v37;
	[tilespmem:v36+s20+$0x0] =	vst.idx.msk $0xffff, v1  }
0x110: {  	v1 =	vadd.f32 v58, v33;
	[tilespmem:v38+s20+$0x0] =	vst.idx.msk $0xffff, v2  }
0x111: {  	v44 =	vor.u32 $0x826, v0;
	v2 =	vadd.f32 v59, v37;
	[tilespmem:v39+s20+$0x0] =	vst.idx.msk $0xffff, v3  }
0x112: {  	v45 =	vor.u32 $0x27, v0;
	v3 =	vadd.f32 v60, v33;
	[tilespmem:v40+s20+$0x0] =	vst.idx.msk $0xffff, v1  }
0x113: {  	v46 =	vor.u32 $0x827, v0;
	v1 =	vadd.f32 v62, v37;
	[tilespmem:v41+s20+$0x0] =	vst.idx.msk $0xffff, v2  }
0x114: {  	v2 =	vadd.f32 v63, v33;
	[tilespmem:v42+s20+$0x0] =	vst.idx.msk $0xffff, v3  }
0x115: {  	v3 =	vadd.f32 v32, v37;
	[tilespmem:v43+s20+$0x0] =	vst.idx.msk $0xffff, v1  }
0x116: {  	v1 =	vadd.f32 v34, v33;
	[tilespmem:v44+s20+$0x0] =	vst.idx.msk $0xffff, v2  }
0x117: {  	[tilespmem:v45+s20+$0x0] =	vst.idx.msk $0xffff, v3  }
0x118: {  	[tilespmem:v46+s20+$0x0] =	vst.idx.msk $0xffff, v1  }
0x119: {  	v22 =	vor.u32 $0x82E, v0;
	[tilespmem:$0x1F370] =	vst v44;
	v1 =	vld [tilespmem:$0x600]  }
0x11a: {  	[tilespmem:$0x1F470] =	vst v22;
	v2 =	vld [tilespmem:$0x610]  }
0x11b: {  	v23 =	vor.u32 $0x2F, v0;
	[tilespmem:$0x1F380] =	vst v45;
	v3 =	vld [tilespmem:$0x620]  }
0x11c: {  	[tilespmem:$0x1F480] =	vst v23;
	v4 =	vld [tilespmem:$0x630]  }
0x11d: {  	[tilespmem:$0x1F390] =	vst v46;
	v5 =	vld [tilespmem:$0x640]  }
0x11e: {  	[tilespmem:$0x1F2F0] =	vst v35;
	v6 =	vld [tilespmem:$0x650]  }
0x11f: {  	[tilespmem:$0x1F300] =	vst v36;
	v7 =	vld [tilespmem:$0x660]  }
0x120: {  	[tilespmem:$0x1F310] =	vst v38;
	v8 =	vld [tilespmem:$0x670]  }
0x121: {  	v51 =	vor.u32 $0x28, v0;
	[tilespmem:$0x1F320] =	vst v39;
	v47 =	vld [tilespmem:$0x680]  }
0x122: {  	[tilespmem:$0x1F3A0] =	vst v51;
	v61 =	vor.u32 $0x2B, v0;
	v48 =	vld [tilespmem:$0x690]  }
0x123: {  	v53 =	vor.u32 $0x828, v0;
	[tilespmem:$0x1F400] =	vst v61;
	v49 =	vld [tilespmem:$0x6A0]  }
0x124: {  	v18 =	vor.u32 $0x82C, v0;
	[tilespmem:$0x1F3B0] =	vst v53;
	v50 =	vld [tilespmem:$0x6B0]  }
0x125: {  	v19 =	vor.u32 $0x2D, v0;
	[tilespmem:$0x1F430] =	vst v18;
	v55 =	vor.u32 $0x29, v0;
	v52 =	vld [tilespmem:$0x6C0]  }
0x126: {  	[tilespmem:$0x1F440] =	vst v19;
	v57 =	vor.u32 $0x829, v0;
	v54 =	vld [tilespmem:$0x6D0];
	v1 =	vadd.f32 v1, v37  }
0x127: {  	[tilespmem:$0x1F3C0] =	vst v55;
	v59 =	vor.u32 $0x2A, v0;
	v56 =	vld [tilespmem:$0x6E0];
	v2 =	vadd.f32 v2, v33  }
0x128: {  	v60 =	vor.u32 $0x82A, v0;
	v58 =	vld [tilespmem:$0x6F0];
	v3 =	vadd.f32 v3, v37;
	[tilespmem:v51+s20+$0x0] =	vst.idx.msk $0xffff, v1  }
0x129: {  	v1 =	vadd.f32 v4, v33;
	[tilespmem:v53+s20+$0x0] =	vst.idx.msk $0xffff, v2  }
0x12a: {  	v62 =	vor.u32 $0x82B, v0;
	v2 =	vadd.f32 v5, v37;
	[tilespmem:v55+s20+$0x0] =	vst.idx.msk $0xffff, v3  }
0x12b: {  	v63 =	vor.u32 $0x2C, v0;
	v3 =	vadd.f32 v6, v33;
	[tilespmem:v57+s20+$0x0] =	vst.idx.msk $0xffff, v1  }
0x12c: {  	v1 =	vadd.f32 v7, v37;
	[tilespmem:v59+s20+$0x0] =	vst.idx.msk $0xffff, v2  }
0x12d: {  	v2 =	vadd.f32 v8, v33;
	[tilespmem:v60+s20+$0x0] =	vst.idx.msk $0xffff, v3  }
0x12e: {  	v20 =	vor.u32 $0x82D, v0;
	v3 =	vadd.f32 v47, v37;
	[tilespmem:v61+s20+$0x0] =	vst.idx.msk $0xffff, v1  }
0x12f: {  	v21 =	vor.u32 $0x2E, v0;
	v1 =	vadd.f32 v48, v33;
	[tilespmem:v62+s20+$0x0] =	vst.idx.msk $0xffff, v2  }
0x130: {  	v2 =	vadd.f32 v49, v37;
	[tilespmem:v63+s20+$0x0] =	vst.idx.msk $0xffff, v3  }
0x131: {  	v3 =	vadd.f32 v50, v33;
	[tilespmem:v18+s20+$0x0] =	vst.idx.msk $0xffff, v1  }
0x132: {  	v32 =	vor.u32 $0x82F, v0;
	v1 =	vadd.f32 v52, v37;
	[tilespmem:v19+s20+$0x0] =	vst.idx.msk $0xffff, v2  }
0x133: {  	v2 =	vadd.f32 v54, v33;
	[tilespmem:v20+s20+$0x0] =	vst.idx.msk $0xffff, v3  }
0x134: {  	v3 =	vadd.f32 v56, v37;
	[tilespmem:v21+s20+$0x0] =	vst.idx.msk $0xffff, v1  }
0x135: {  	v1 =	vadd.f32 v58, v33;
	[tilespmem:v22+s20+$0x0] =	vst.idx.msk $0xffff, v2  }
0x136: {  	[tilespmem:v23+s20+$0x0] =	vst.idx.msk $0xffff, v3  }
0x137: {  	[tilespmem:v32+s20+$0x0] =	vst.idx.msk $0xffff, v1  }
0x138: {  	[tilespmem:$0x1F450] =	vst v20;
	v1 =	vld [tilespmem:$0x700]  }
0x139: {  	[tilespmem:$0x1F460] =	vst v21;
	v2 =	vld [tilespmem:$0x710]  }
0x13a: {  	[tilespmem:$0x1F3D0] =	vst v57;
	v3 =	vld [tilespmem:$0x720]  }
0x13b: {  	[tilespmem:$0x1F3E0] =	vst v59;
	v4 =	vld [tilespmem:$0x730]  }
0x13c: {  	v39 =	vor.u32 $0x30, v0;
	[tilespmem:$0x1F3F0] =	vst v60;
	v5 =	vld [tilespmem:$0x740]  }
0x13d: {  	[tilespmem:$0x1F4A0] =	vst v39;
	v6 =	vld [tilespmem:$0x750]  }
0x13e: {  	[tilespmem:$0x1F410] =	vst v62;
	v7 =	vld [tilespmem:$0x760]  }
0x13f: {  	v41 =	vor.u32 $0x830, v0;
	[tilespmem:$0x1F420] =	vst v63;
	v8 =	vld [tilespmem:$0x770]  }
0x140: {  	[tilespmem:$0x1F4B0] =	vst v41;
	v34 =	vld [tilespmem:$0x780]  }
0x141: {  	[tilespmem:$0x1F490] =	vst v32;
	v43 =	vor.u32 $0x31, v0;
	v35 =	vld [tilespmem:$0x790]  }
0x142: {  	[tilespmem:$0x1F4C0] =	vst v43;
	v45 =	vor.u32 $0x831, v0;
	v36 =	vld [tilespmem:$0x7A0]  }
0x143: {  	[tilespmem:$0x1F4D0] =	vst v45;
	v51 =	vor.u32 $0x34, v0;
	v38 =	vld [tilespmem:$0x7B0]  }
0x144: {  	v53 =	vor.u32 $0x35, v0;
	[tilespmem:$0x1F520] =	vst v51;
	v40 =	vld [tilespmem:$0x7C0]  }
0x145: {  	v55 =	vor.u32 $0x36, v0;
	[tilespmem:$0x1F540] =	vst v53;
	v42 =	vld [tilespmem:$0x7D0];
	v1 =	vadd.f32 v1, v37  }
0x146: {  	[tilespmem:$0x1F560] =	vst v55;
	v47 =	vor.u32 $0x32, v0;
	v44 =	vld [tilespmem:$0x7E0];
	v2 =	vadd.f32 v2, v33  }
0x147: {  	v48 =	vor.u32 $0x832, v0;
	v46 =	vld [tilespmem:$0x7F0];
	v3 =	vadd.f32 v3, v37;
	[tilespmem:v39+s20+$0x0] =	vst.idx.msk $0xffff, v1  }
0x148: {  	v49 =	vor.u32 $0x33, v0;
	v1 =	vadd.f32 v4, v33;
	[tilespmem:v41+s20+$0x0] =	vst.idx.msk $0xffff, v2  }
0x149: {  	v50 =	vor.u32 $0x833, v0;
	v2 =	vadd.f32 v5, v37;
	[tilespmem:v43+s20+$0x0] =	vst.idx.msk $0xffff, v3  }
0x14a: {  	v3 =	vadd.f32 v6, v33;
	[tilespmem:v45+s20+$0x0] =	vst.idx.msk $0xffff, v1  }
0x14b: {  	v52 =	vor.u32 $0x834, v0;
	v1 =	vadd.f32 v7, v37;
	[tilespmem:v47+s20+$0x0] =	vst.idx.msk $0xffff, v2  }
0x14c: {  	v2 =	vadd.f32 v8, v33;
	[tilespmem:v48+s20+$0x0] =	vst.idx.msk $0xffff, v3  }
0x14d: {  	v54 =	vor.u32 $0x835, v0;
	v3 =	vadd.f32 v34, v37;
	[tilespmem:v49+s20+$0x0] =	vst.idx.msk $0xffff, v1  }
0x14e: {  	v1 =	vadd.f32 v35, v33;
	[tilespmem:v50+s20+$0x0] =	vst.idx.msk $0xffff, v2  }
0x14f: {  	v56 =	vor.u32 $0x836, v0;
	v2 =	vadd.f32 v36, v37;
	[tilespmem:v51+s20+$0x0] =	vst.idx.msk $0xffff, v3  }
0x150: {  	v57 =	vor.u32 $0x37, v0;
	v3 =	vadd.f32 v38, v33;
	[tilespmem:v52+s20+$0x0] =	vst.idx.msk $0xffff, v1  }
0x151: {  	v58 =	vor.u32 $0x837, v0;
	v1 =	vadd.f32 v40, v37;
	[tilespmem:v53+s20+$0x0] =	vst.idx.msk $0xffff, v2  }
0x152: {  	v2 =	vadd.f32 v42, v33;
	[tilespmem:v54+s20+$0x0] =	vst.idx.msk $0xffff, v3  }
0x153: {  	v3 =	vadd.f32 v44, v37;
	[tilespmem:v55+s20+$0x0] =	vst.idx.msk $0xffff, v1  }
0x154: {  	v1 =	vadd.f32 v46, v33;
	[tilespmem:v56+s20+$0x0] =	vst.idx.msk $0xffff, v2  }
0x155: {  	[tilespmem:v57+s20+$0x0] =	vst.idx.msk $0xffff, v3  }
0x156: {  	[tilespmem:v58+s20+$0x0] =	vst.idx.msk $0xffff, v1  }
0x157: {  	[tilespmem:$0x1F580] =	vst v57;
	v1 =	vld [tilespmem:$0x800]  }
0x158: {  	[tilespmem:$0x1F4E0] =	vst v47;
	v2 =	vld [tilespmem:$0x810]  }
0x159: {  	[tilespmem:$0x1F4F0] =	vst v48;
	v3 =	vld [tilespmem:$0x820]  }
0x15a: {  	[tilespmem:$0x1F500] =	vst v49;
	v4 =	vld [tilespmem:$0x830]  }
0x15b: {  	v63 =	vor.u32 $0x38, v0;
	[tilespmem:$0x1F510] =	vst v50;
	v5 =	vld [tilespmem:$0x840]  }
0x15c: {  	[tilespmem:$0x1F5A0] =	vst v63;
	v6 =	vld [tilespmem:$0x850]  }
0x15d: {  	v18 =	vor.u32 $0x43, v0;
	[tilespmem:$0x1F530] =	vst v52;
	v7 =	vld [tilespmem:$0x860]  }
0x15e: {  	[tilespmem:$0x1F700] =	vst v18;
	v8 =	vld [tilespmem:$0x870]  }
0x15f: {  	v19 =	vor.u32 $0x843, v0;
	[tilespmem:$0x1F550] =	vst v54;
	v59 =	vld [tilespmem:$0x880]  }
0x160: {  	[tilespmem:$0x1F710] =	vst v19;
	v60 =	vld [tilespmem:$0x890]  }
0x161: {  	v20 =	vor.u32 $0x44, v0;
	[tilespmem:$0x1F570] =	vst v56;
	v61 =	vld [tilespmem:$0x8A0]  }
0x162: {  	[tilespmem:$0x1F720] =	vst v20;
	v34 =	vor.u32 $0x838, v0;
	v62 =	vld [tilespmem:$0x8B0]  }
0x163: {  	v21 =	vor.u32 $0x844, v0;
	[tilespmem:$0x1F590] =	vst v58;
	v32 =	vld [tilespmem:$0x8C0]  }
0x164: {  	v22 =	vor.u32 $0x845, v0;
	[tilespmem:$0x1F730] =	vst v21;
	v36 =	vor.u32 $0x39, v0;
	v35 =	vld [tilespmem:$0x8D0];
	v1 =	vadd.f32 v1, v37  }
0x165: {  	[tilespmem:$0x1F750] =	vst v22;
	v39 =	vor.u32 $0x839, v0;
	v38 =	vld [tilespmem:$0x8E0];
	v2 =	vadd.f32 v2, v33  }
0x166: {  	v41 =	vor.u32 $0x3A, v0;
	v40 =	vld [tilespmem:$0x8F0];
	[tilespmem:v63+s20+$0x0] =	vst.idx.msk $0xffff, v1  }
0x167: {  	v1 =	vadd.f32 v3, v37;
	v3 =	vor.u32 $0x83A, v0;
	[tilespmem:v34+s20+$0x0] =	vst.idx.msk $0xffff, v2  }
0x168: {  	v42 =	vor.u32 $0x3B, v0;
	v2 =	vadd.f32 v4, v33;
	[tilespmem:$0x1F5F0] =	vst v3  }
0x169: {  	[tilespmem:v36+s20+$0x0] =	vst.idx.msk $0xffff, v1;
	v1 =	vadd.f32 v5, v37  }
0x16a: {  	v43 =	vor.u32 $0x83B, v0;
	[tilespmem:v39+s20+$0x0] =	vst.idx.msk $0xffff, v2;
	v2 =	vadd.f32 v6, v33  }
0x16b: {  	v44 =	vor.u32 $0x3C, v0;
	[tilespmem:v41+s20+$0x0] =	vst.idx.msk $0xffff, v1;
	v1 =	vadd.f32 v7, v37  }
0x16c: {  	v45 =	vor.u32 $0x83C, v0;
	[tilespmem:v3+s20+$0x0] =	vst.idx.msk $0xffff, v2  }
0x16d: {  	v2 =	vadd.f32 v8, v33;
	v3 =	vor.u32 $0x3D, v0;
	[tilespmem:v42+s20+$0x0] =	vst.idx.msk $0xffff, v1  }
0x16e: {  	v46 =	vor.u32 $0x83D, v0;
	v1 =	vadd.f32 v59, v37;
	[tilespmem:$0x1F640] =	vst v3  }
0x16f: {  	v47 =	vor.u32 $0x3E, v0;
	[tilespmem:v43+s20+$0x0] =	vst.idx.msk $0xffff, v2;
	v2 =	vadd.f32 v60, v33  }
0x170: {  	v48 =	vor.u32 $0x83E, v0;
	[tilespmem:v44+s20+$0x0] =	vst.idx.msk $0xffff, v1;
	v1 =	vadd.f32 v61, v37  }
0x171: {  	v49 =	vor.u32 $0x3F, v0;
	[tilespmem:v45+s20+$0x0] =	vst.idx.msk $0xffff, v2;
	v2 =	vadd.f32 v62, v33  }
0x172: {  	[tilespmem:v3+s20+$0x0] =	vst.idx.msk $0xffff, v1;
	v1 =	vadd.f32 v32, v37;
	v3 =	vor.u32 $0x83F, v0  }
0x173: {  	[tilespmem:v46+s20+$0x0] =	vst.idx.msk $0xffff, v2;
	v2 =	vadd.f32 v35, v33  }
0x174: {  	[tilespmem:v47+s20+$0x0] =	vst.idx.msk $0xffff, v1;
	v1 =	vadd.f32 v38, v37  }
0x175: {  	[tilespmem:v48+s20+$0x0] =	vst.idx.msk $0xffff, v2;
	v2 =	vadd.f32 v40, v33  }
0x176: {  	[tilespmem:v49+s20+$0x0] =	vst.idx.msk $0xffff, v1  }
0x177: {  	v23 =	vor.u32 $0x46, v0;
	[tilespmem:v3+s20+$0x0] =	vst.idx.msk $0xffff, v2  }
0x178: {  	[tilespmem:$0x1F760] =	vst v23;
	v1 =	vld [tilespmem:$0x900]  }
0x179: {  	[tilespmem:$0x1F5D0] =	vst v39;
	v2 =	vld [tilespmem:$0x910]  }
0x17a: {  	[tilespmem:$0x1F690] =	vst v3;
	v3 =	vld [tilespmem:$0x920]  }
0x17b: {  	[tilespmem:$0x1F5E0] =	vst v41;
	v4 =	vld [tilespmem:$0x930]  }
0x17c: {  	[tilespmem:$0x1F610] =	vst v43;
	v5 =	vld [tilespmem:$0x940]  }
0x17d: {  	[tilespmem:$0x1F630] =	vst v45;
	v6 =	vld [tilespmem:$0x950]  }
0x17e: {  	[tilespmem:$0x1F660] =	vst v47;
	v7 =	vld [tilespmem:$0x960]  }
0x17f: {  	[tilespmem:$0x1F5B0] =	vst v34;
	v50 =	vld [tilespmem:$0x970]  }
0x180: {  	[tilespmem:$0x1F670] =	vst v48;
	v51 =	vld [tilespmem:$0x980]  }
0x181: {  	[tilespmem:$0x1F680] =	vst v49;
	v52 =	vld [tilespmem:$0x990]  }
0x182: {  	[tilespmem:$0x1F5C0] =	vst v36;
	v55 =	vor.u32 $0x40, v0;
	v53 =	vld [tilespmem:$0x9A0]  }
0x183: {  	[tilespmem:$0x1F600] =	vst v42;
	v57 =	vor.u32 $0x840, v0;
	v54 =	vld [tilespmem:$0x9B0]  }
0x184: {  	[tilespmem:$0x1F620] =	vst v44;
	v56 =	vld [tilespmem:$0x9C0]  }
0x185: {  	[tilespmem:$0x1F650] =	vst v46;
	v59 =	vor.u32 $0x41, v0;
	v58 =	vld [tilespmem:$0x9D0];
	v1 =	vadd.f32 v1, v37  }
0x186: {  	[tilespmem:$0x1F6A0] =	vst v55;
	v61 =	vor.u32 $0x841, v0;
	v60 =	vld [tilespmem:$0x9E0];
	v2 =	vadd.f32 v2, v33  }
0x187: {  	v63 =	vor.u32 $0x42, v0;
	v62 =	vld [tilespmem:$0x9F0];
	[tilespmem:v55+s20+$0x0] =	vst.idx.msk $0xffff, v1  }
0x188: {  	v1 =	vadd.f32 v3, v37;
	v3 =	vor.u32 $0x842, v0;
	[tilespmem:v57+s20+$0x0] =	vst.idx.msk $0xffff, v2  }
0x189: {  	v2 =	vadd.f32 v4, v33;
	[tilespmem:$0x1F6F0] =	vst v3  }
0x18a: {  	[tilespmem:v59+s20+$0x0] =	vst.idx.msk $0xffff, v1;
	v1 =	vadd.f32 v5, v37  }
0x18b: {  	[tilespmem:v61+s20+$0x0] =	vst.idx.msk $0xffff, v2;
	v2 =	vadd.f32 v6, v33  }
0x18c: {  	[tilespmem:v63+s20+$0x0] =	vst.idx.msk $0xffff, v1;
	v1 =	vadd.f32 v7, v37  }
0x18d: {  	[tilespmem:v3+s20+$0x0] =	vst.idx.msk $0xffff, v2  }
0x18e: {  	v2 =	vadd.f32 v50, v33;
	v3 =	vor.u32 $0x45, v0;
	[tilespmem:v18+s20+$0x0] =	vst.idx.msk $0xffff, v1  }
0x18f: {  	v1 =	vadd.f32 v51, v37;
	[tilespmem:$0x1F740] =	vst v3  }
0x190: {  	[tilespmem:v19+s20+$0x0] =	vst.idx.msk $0xffff, v2;
	v2 =	vadd.f32 v52, v33  }
0x191: {  	v32 =	vor.u32 $0x846, v0;
	[tilespmem:v20+s20+$0x0] =	vst.idx.msk $0xffff, v1;
	v1 =	vadd.f32 v53, v37  }
0x192: {  	v34 =	vor.u32 $0x47, v0;
	[tilespmem:v21+s20+$0x0] =	vst.idx.msk $0xffff, v2;
	v2 =	vadd.f32 v54, v33  }
0x193: {  	[tilespmem:v3+s20+$0x0] =	vst.idx.msk $0xffff, v1;
	v1 =	vadd.f32 v56, v37;
	v3 =	vor.u32 $0x847, v0  }
0x194: {  	[tilespmem:v22+s20+$0x0] =	vst.idx.msk $0xffff, v2;
	v2 =	vadd.f32 v58, v33  }
0x195: {  	[tilespmem:v23+s20+$0x0] =	vst.idx.msk $0xffff, v1;
	v1 =	vadd.f32 v60, v37  }
0x196: {  	[tilespmem:v32+s20+$0x0] =	vst.idx.msk $0xffff, v2;
	v2 =	vadd.f32 v62, v33  }
0x197: {  	[tilespmem:v34+s20+$0x0] =	vst.idx.msk $0xffff, v1  }
0x198: {  	[tilespmem:v3+s20+$0x0] =	vst.idx.msk $0xffff, v2  }
0x199: {  	[tilespmem:$0x1F6B0] =	vst v57;
	v1 =	vld [tilespmem:$0xA00]  }
0x19a: {  	[tilespmem:$0x1F6E0] =	vst v63;
	v2 =	vld [tilespmem:$0xA10]  }
0x19b: {  	[tilespmem:$0x1F790] =	vst v3;
	v3 =	vld [tilespmem:$0xA20]  }
0x19c: {  	[tilespmem:$0x1F780] =	vst v34;
	v41 =	vor.u32 $0x48, v0;
	v4 =	vld [tilespmem:$0xA30]  }
0x19d: {  	[tilespmem:$0x1F7A0] =	vst v41;
	v5 =	vld [tilespmem:$0xA40]  }
0x19e: {  	[tilespmem:$0x1F6C0] =	vst v59;
	v43 =	vor.u32 $0x848, v0;
	v6 =	vld [tilespmem:$0xA50]  }
0x19f: {  	[tilespmem:$0x1F7B0] =	vst v43;
	v7 =	vld [tilespmem:$0xA60]  }
0x1a0: {  	[tilespmem:$0x1F6D0] =	vst v61;
	v45 =	vor.u32 $0x49, v0;
	v35 =	vld [tilespmem:$0xA70]  }
0x1a1: {  	[tilespmem:$0x1F7C0] =	vst v45;
	v36 =	vld [tilespmem:$0xA80]  }
0x1a2: {  	[tilespmem:$0x1F770] =	vst v32;
	v47 =	vor.u32 $0x849, v0;
	v38 =	vld [tilespmem:$0xA90]  }
0x1a3: {  	[tilespmem:$0x1F7D0] =	vst v47;
	v49 =	vor.u32 $0x4A, v0;
	v39 =	vld [tilespmem:$0xAA0]  }
0x1a4: {  	[tilespmem:$0x1F7E0] =	vst v49;
	v50 =	vor.u32 $0x4B, v0;
	v40 =	vld [tilespmem:$0xAB0]  }
0x1a5: {  	v51 =	vor.u32 $0x84B, v0;
	[tilespmem:$0x1F800] =	vst v50;
	v42 =	vld [tilespmem:$0xAC0]  }
0x1a6: {  	v52 =	vor.u32 $0x4C, v0;
	[tilespmem:$0x1F810] =	vst v51;
	v44 =	vld [tilespmem:$0xAD0];
	v1 =	vadd.f32 v1, v37  }
0x1a7: {  	[tilespmem:$0x1F820] =	vst v52;
	v46 =	vld [tilespmem:$0xAE0];
	v2 =	vadd.f32 v2, v33  }
0x1a8: {  	v48 =	vld [tilespmem:$0xAF0];
	[tilespmem:v41+s20+$0x0] =	vst.idx.msk $0xffff, v1  }
0x1a9: {  	v1 =	vadd.f32 v3, v37;
	v3 =	vor.u32 $0x84A, v0;
	[tilespmem:v43+s20+$0x0] =	vst.idx.msk $0xffff, v2  }
0x1aa: {  	v2 =	vadd.f32 v4, v33;
	[tilespmem:$0x1F7F0] =	vst v3  }
0x1ab: {  	[tilespmem:v45+s20+$0x0] =	vst.idx.msk $0xffff, v1;
	v1 =	vadd.f32 v5, v37  }
0x1ac: {  	[tilespmem:v47+s20+$0x0] =	vst.idx.msk $0xffff, v2;
	v2 =	vadd.f32 v6, v33  }
0x1ad: {  	[tilespmem:v49+s20+$0x0] =	vst.idx.msk $0xffff, v1;
	v1 =	vadd.f32 v7, v37  }
0x1ae: {  	v53 =	vor.u32 $0x84C, v0;
	[tilespmem:v3+s20+$0x0] =	vst.idx.msk $0xffff, v2;
	v2 =	vadd.f32 v35, v33  }
0x1af: {  	v3 =	vor.u32 $0x4D, v0;
	[tilespmem:v50+s20+$0x0] =	vst.idx.msk $0xffff, v1;
	v1 =	vadd.f32 v36, v37  }
0x1b0: {  	v54 =	vor.u32 $0x84D, v0;
	[tilespmem:v51+s20+$0x0] =	vst.idx.msk $0xffff, v2  }
0x1b1: {  	v55 =	vor.u32 $0x4E, v0;
	v2 =	vadd.f32 v38, v33;
	[tilespmem:v52+s20+$0x0] =	vst.idx.msk $0xffff, v1  }
0x1b2: {  	v56 =	vor.u32 $0x84E, v0;
	v1 =	vadd.f32 v39, v37;
	[tilespmem:$0x1F840] =	vst v3  }
0x1b3: {  	v57 =	vor.u32 $0x4F, v0;
	[tilespmem:v53+s20+$0x0] =	vst.idx.msk $0xffff, v2;
	v2 =	vadd.f32 v40, v33  }
0x1b4: {  	[tilespmem:v3+s20+$0x0] =	vst.idx.msk $0xffff, v1;
	v1 =	vadd.f32 v42, v37;
	v3 =	vor.u32 $0x84F, v0  }
0x1b5: {  	[tilespmem:v54+s20+$0x0] =	vst.idx.msk $0xffff, v2;
	v2 =	vadd.f32 v44, v33  }
0x1b6: {  	[tilespmem:v55+s20+$0x0] =	vst.idx.msk $0xffff, v1;
	v1 =	vadd.f32 v46, v37  }
0x1b7: {  	[tilespmem:v56+s20+$0x0] =	vst.idx.msk $0xffff, v2;
	v2 =	vadd.f32 v48, v33  }
0x1b8: {  	[tilespmem:v57+s20+$0x0] =	vst.idx.msk $0xffff, v1  }
0x1b9: {  	[tilespmem:v3+s20+$0x0] =	vst.idx.msk $0xffff, v2  }
0x1ba: {  	v1 =	vld [tilespmem:$0xB00]  }
0x1bb: {  	v2 =	vld [tilespmem:$0xB10]  }
0x1bc: {  	[tilespmem:$0x1F890] =	vst v3;
	v3 =	vld [tilespmem:$0xB20]  }
0x1bd: {  	v4 =	vld [tilespmem:$0xB30]  }
0x1be: {  	v5 =	vld [tilespmem:$0xB40]  }
0x1bf: {  	v6 =	vld [tilespmem:$0xB50]  }
0x1c0: {  	v7 =	vld [tilespmem:$0xB60]  }
0x1c1: {  	v58 =	vld [tilespmem:$0xB70]  }
0x1c2: {  	v59 =	vld [tilespmem:$0xB80]  }
0x1c3: {  	v60 =	vld [tilespmem:$0xB90]  }
0x1c4: {  	v63 =	vor.u32 $0x50, v0;
	v61 =	vld [tilespmem:$0xBA0]  }
0x1c5: {  	v34 =	vor.u32 $0x850, v0;
	v62 =	vld [tilespmem:$0xBB0]  }
0x1c6: {  	v32 =	vld [tilespmem:$0xBC0]  }
0x1c7: {  	v36 =	vor.u32 $0x51, v0;
	v35 =	vld [tilespmem:$0xBD0];
	v1 =	vadd.f32 v1, v37  }
0x1c8: {  	v39 =	vor.u32 $0x851, v0;
	v38 =	vld [tilespmem:$0xBE0];
	v2 =	vadd.f32 v2, v33  }
0x1c9: {  	v41 =	vor.u32 $0x52, v0;
	v40 =	vld [tilespmem:$0xBF0];
	[tilespmem:v63+s20+$0x0] =	vst.idx.msk $0xffff, v1  }
0x1ca: {  	v1 =	vadd.f32 v3, v37;
	v3 =	vor.u32 $0x852, v0;
	[tilespmem:v34+s20+$0x0] =	vst.idx.msk $0xffff, v2  }
0x1cb: {  	v42 =	vor.u32 $0x53, v0;
	v2 =	vadd.f32 v4, v33;
	[tilespmem:$0x1F8F0] =	vst v3  }
0x1cc: {  	[tilespmem:v36+s20+$0x0] =	vst.idx.msk $0xffff, v1;
	v1 =	vadd.f32 v5, v37  }
0x1cd: {  	v43 =	vor.u32 $0x853, v0;
	[tilespmem:v39+s20+$0x0] =	vst.idx.msk $0xffff, v2;
	v2 =	vadd.f32 v6, v33  }
0x1ce: {  	v44 =	vor.u32 $0x54, v0;
	[tilespmem:v41+s20+$0x0] =	vst.idx.msk $0xffff, v1;
	v1 =	vadd.f32 v7, v37  }
0x1cf: {  	v45 =	vor.u32 $0x854, v0;
	[tilespmem:v3+s20+$0x0] =	vst.idx.msk $0xffff, v2  }
0x1d0: {  	v2 =	vadd.f32 v58, v33;
	v3 =	vor.u32 $0x55, v0;
	[tilespmem:v42+s20+$0x0] =	vst.idx.msk $0xffff, v1  }
0x1d1: {  	v46 =	vor.u32 $0x855, v0;
	v1 =	vadd.f32 v59, v37;
	[tilespmem:$0x1F940] =	vst v3  }
0x1d2: {  	v47 =	vor.u32 $0x56, v0;
	[tilespmem:v43+s20+$0x0] =	vst.idx.msk $0xffff, v2;
	v2 =	vadd.f32 v60, v33  }
0x1d3: {  	v48 =	vor.u32 $0x856, v0;
	[tilespmem:v44+s20+$0x0] =	vst.idx.msk $0xffff, v1;
	v1 =	vadd.f32 v61, v37  }
0x1d4: {  	v49 =	vor.u32 $0x57, v0;
	[tilespmem:v45+s20+$0x0] =	vst.idx.msk $0xffff, v2;
	v2 =	vadd.f32 v62, v33  }
0x1d5: {  	[tilespmem:v3+s20+$0x0] =	vst.idx.msk $0xffff, v1;
	v1 =	vadd.f32 v32, v37;
	v3 =	vor.u32 $0x857, v0  }
0x1d6: {  	[tilespmem:v46+s20+$0x0] =	vst.idx.msk $0xffff, v2;
	v2 =	vadd.f32 v35, v33  }
0x1d7: {  	[tilespmem:v47+s20+$0x0] =	vst.idx.msk $0xffff, v1;
	v1 =	vadd.f32 v38, v37  }
0x1d8: {  	[tilespmem:v48+s20+$0x0] =	vst.idx.msk $0xffff, v2;
	v2 =	vadd.f32 v40, v33  }
0x1d9: {  	[tilespmem:v49+s20+$0x0] =	vst.idx.msk $0xffff, v1  }
0x1da: {  	[tilespmem:v3+s20+$0x0] =	vst.idx.msk $0xffff, v2  }
0x1db: {  	v1 =	vld [tilespmem:$0xC00]  }
0x1dc: {  	v2 =	vld [tilespmem:$0xC10]  }
0x1dd: {  	[tilespmem:$0x1F990] =	vst v3;
	v3 =	vld [tilespmem:$0xC20]  }
0x1de: {  	v4 =	vld [tilespmem:$0xC30]  }
0x1df: {  	v5 =	vld [tilespmem:$0xC40]  }
0x1e0: {  	[tilespmem:$0x1F830] =	vst v53;
	v6 =	vld [tilespmem:$0xC50]  }
0x1e1: {  	[tilespmem:$0x1F850] =	vst v54;
	v7 =	vld [tilespmem:$0xC60]  }
0x1e2: {  	[tilespmem:$0x1F860] =	vst v55;
	v50 =	vld [tilespmem:$0xC70]  }
0x1e3: {  	[tilespmem:$0x1F870] =	vst v56;
	v51 =	vld [tilespmem:$0xC80]  }
0x1e4: {  	[tilespmem:$0x1F880] =	vst v57;
	v52 =	vld [tilespmem:$0xC90]  }
0x1e5: {  	[tilespmem:$0x1F8A0] =	vst v63;
	v55 =	vor.u32 $0x58, v0;
	v53 =	vld [tilespmem:$0xCA0]  }
0x1e6: {  	[tilespmem:$0x1F8B0] =	vst v34;
	v57 =	vor.u32 $0x858, v0;
	v54 =	vld [tilespmem:$0xCB0]  }
0x1e7: {  	[tilespmem:$0x1F8C0] =	vst v36;
	v56 =	vld [tilespmem:$0xCC0]  }
0x1e8: {  	[tilespmem:$0x1F8E0] =	vst v41;
	v59 =	vor.u32 $0x59, v0;
	v58 =	vld [tilespmem:$0xCD0];
	v1 =	vadd.f32 v1, v37  }
0x1e9: {  	[tilespmem:$0x1F8D0] =	vst v39;
	v61 =	vor.u32 $0x859, v0;
	v60 =	vld [tilespmem:$0xCE0];
	v2 =	vadd.f32 v2, v33  }
0x1ea: {  	v63 =	vor.u32 $0x5A, v0;
	v62 =	vld [tilespmem:$0xCF0];
	[tilespmem:v55+s20+$0x0] =	vst.idx.msk $0xffff, v1  }
0x1eb: {  	v1 =	vadd.f32 v3, v37;
	v3 =	vor.u32 $0x85A, v0;
	[tilespmem:v57+s20+$0x0] =	vst.idx.msk $0xffff, v2  }
0x1ec: {  	v32 =	vor.u32 $0x5B, v0;
	v2 =	vadd.f32 v4, v33;
	[tilespmem:$0x1F9F0] =	vst v3  }
0x1ed: {  	[tilespmem:v59+s20+$0x0] =	vst.idx.msk $0xffff, v1;
	v1 =	vadd.f32 v5, v37  }
0x1ee: {  	v34 =	vor.u32 $0x85B, v0;
	[tilespmem:v61+s20+$0x0] =	vst.idx.msk $0xffff, v2;
	v2 =	vadd.f32 v6, v33  }
0x1ef: {  	v35 =	vor.u32 $0x5C, v0;
	[tilespmem:v63+s20+$0x0] =	vst.idx.msk $0xffff, v1;
	v1 =	vadd.f32 v7, v37  }
0x1f0: {  	v36 =	vor.u32 $0x85C, v0;
	[tilespmem:v3+s20+$0x0] =	vst.idx.msk $0xffff, v2  }
0x1f1: {  	v2 =	vadd.f32 v50, v33;
	v3 =	vor.u32 $0x5D, v0;
	[tilespmem:v32+s20+$0x0] =	vst.idx.msk $0xffff, v1  }
0x1f2: {  	v38 =	vor.u32 $0x85D, v0;
	v1 =	vadd.f32 v51, v37;
	[tilespmem:$0x1FA40] =	vst v3  }
0x1f3: {  	v39 =	vor.u32 $0x5E, v0;
	[tilespmem:v34+s20+$0x0] =	vst.idx.msk $0xffff, v2;
	v2 =	vadd.f32 v52, v33  }
0x1f4: {  	v40 =	vor.u32 $0x85E, v0;
	[tilespmem:v35+s20+$0x0] =	vst.idx.msk $0xffff, v1;
	v1 =	vadd.f32 v53, v37  }
0x1f5: {  	v41 =	vor.u32 $0x5F, v0;
	[tilespmem:v36+s20+$0x0] =	vst.idx.msk $0xffff, v2;
	v2 =	vadd.f32 v54, v33  }
0x1f6: {  	[tilespmem:v3+s20+$0x0] =	vst.idx.msk $0xffff, v1;
	v1 =	vadd.f32 v56, v37;
	v3 =	vor.u32 $0x85F, v0  }
0x1f7: {  	[tilespmem:v38+s20+$0x0] =	vst.idx.msk $0xffff, v2;
	v2 =	vadd.f32 v58, v33  }
0x1f8: {  	[tilespmem:v39+s20+$0x0] =	vst.idx.msk $0xffff, v1;
	v1 =	vadd.f32 v60, v37  }
0x1f9: {  	[tilespmem:v40+s20+$0x0] =	vst.idx.msk $0xffff, v2;
	v2 =	vadd.f32 v62, v33  }
0x1fa: {  	[tilespmem:v41+s20+$0x0] =	vst.idx.msk $0xffff, v1  }
0x1fb: {  	[tilespmem:v3+s20+$0x0] =	vst.idx.msk $0xffff, v2  }
0x1fc: {  	v1 =	vld [tilespmem:$0xD00]  }
0x1fd: {  	v2 =	vld [tilespmem:$0xD10]  }
0x1fe: {  	[tilespmem:$0x1FA90] =	vst v3;
	v3 =	vld [tilespmem:$0xD20]  }
0x1ff: {  	v4 =	vld [tilespmem:$0xD30]  }
0x200: {  	v5 =	vld [tilespmem:$0xD40]  }
0x201: {  	v6 =	vld [tilespmem:$0xD50]  }
0x202: {  	[tilespmem:$0x1F910] =	vst v43;
	v7 =	vld [tilespmem:$0xD60]  }
0x203: {  	[tilespmem:$0x1F900] =	vst v42;
	v42 =	vld [tilespmem:$0xD70]  }
0x204: {  	[tilespmem:$0x1F930] =	vst v45;
	v43 =	vld [tilespmem:$0xD80]  }
0x205: {  	[tilespmem:$0x1F960] =	vst v47;
	v19 =	vld [tilespmem:$0xD90]  }
0x206: {  	[tilespmem:$0x1F920] =	vst v44;
	v44 =	vor.u32 $0x60, v0;
	v20 =	vld [tilespmem:$0xDA0]  }
0x207: {  	[tilespmem:$0x1F980] =	vst v49;
	v45 =	vor.u32 $0x860, v0;
	v21 =	vld [tilespmem:$0xDB0]  }
0x208: {  	[tilespmem:$0x1F950] =	vst v46;
	v22 =	vld [tilespmem:$0xDC0]  }
0x209: {  	[tilespmem:$0x1F9A0] =	vst v55;
	v46 =	vor.u32 $0x61, v0;
	v23 =	vld [tilespmem:$0xDD0];
	v1 =	vadd.f32 v1, v37  }
0x20a: {  	[tilespmem:$0x1F970] =	vst v48;
	v47 =	vor.u32 $0x861, v0;
	v24 =	vld [tilespmem:$0xDE0];
	v2 =	vadd.f32 v2, v33  }
0x20b: {  	v48 =	vor.u32 $0x62, v0;
	v25 =	vld [tilespmem:$0xDF0];
	[tilespmem:v44+s20+$0x0] =	vst.idx.msk $0xffff, v1  }
0x20c: {  	v1 =	vadd.f32 v3, v37;
	v3 =	vor.u32 $0x862, v0;
	[tilespmem:v45+s20+$0x0] =	vst.idx.msk $0xffff, v2  }
0x20d: {  	v49 =	vor.u32 $0x63, v0;
	v2 =	vadd.f32 v4, v33;
	[tilespmem:$0x1FAF0] =	vst v3  }
0x20e: {  	[tilespmem:v46+s20+$0x0] =	vst.idx.msk $0xffff, v1;
	v1 =	vadd.f32 v5, v37  }
0x20f: {  	v50 =	vor.u32 $0x863, v0;
	[tilespmem:v47+s20+$0x0] =	vst.idx.msk $0xffff, v2;
	v2 =	vadd.f32 v6, v33  }
0x210: {  	v51 =	vor.u32 $0x64, v0;
	[tilespmem:v48+s20+$0x0] =	vst.idx.msk $0xffff, v1;
	v1 =	vadd.f32 v7, v37  }
0x211: {  	v52 =	vor.u32 $0x864, v0;
	[tilespmem:v3+s20+$0x0] =	vst.idx.msk $0xffff, v2  }
0x212: {  	v2 =	vadd.f32 v42, v33;
	v3 =	vor.u32 $0x65, v0;
	[tilespmem:v49+s20+$0x0] =	vst.idx.msk $0xffff, v1  }
0x213: {  	v53 =	vor.u32 $0x865, v0;
	v1 =	vadd.f32 v43, v37;
	[tilespmem:$0x1FB40] =	vst v3  }
0x214: {  	v54 =	vor.u32 $0x66, v0;
	[tilespmem:v50+s20+$0x0] =	vst.idx.msk $0xffff, v2;
	v2 =	vadd.f32 v19, v33  }
0x215: {  	v55 =	vor.u32 $0x866, v0;
	[tilespmem:v51+s20+$0x0] =	vst.idx.msk $0xffff, v1;
	v1 =	vadd.f32 v20, v37  }
0x216: {  	v56 =	vor.u32 $0x67, v0;
	[tilespmem:v52+s20+$0x0] =	vst.idx.msk $0xffff, v2;
	v2 =	vadd.f32 v21, v33  }
0x217: {  	[tilespmem:v3+s20+$0x0] =	vst.idx.msk $0xffff, v1;
	v1 =	vadd.f32 v22, v37;
	v3 =	vor.u32 $0x867, v0  }
0x218: {  	[tilespmem:v53+s20+$0x0] =	vst.idx.msk $0xffff, v2;
	v2 =	vadd.f32 v23, v33  }
0x219: {  	[tilespmem:v54+s20+$0x0] =	vst.idx.msk $0xffff, v1;
	v1 =	vadd.f32 v24, v37  }
0x21a: {  	[tilespmem:v55+s20+$0x0] =	vst.idx.msk $0xffff, v2;
	v2 =	vadd.f32 v25, v33  }
0x21b: {  	[tilespmem:v56+s20+$0x0] =	vst.idx.msk $0xffff, v1  }
0x21c: {  	[tilespmem:v3+s20+$0x0] =	vst.idx.msk $0xffff, v2  }
0x21d: {  	v1 =	vld [tilespmem:$0xE00]  }
0x21e: {  	v2 =	vld [tilespmem:$0xE10]  }
0x21f: {  	[tilespmem:$0x1FB90] =	vst v3;
	v3 =	vld [tilespmem:$0xE20]  }
0x220: {  	[tilespmem:$0x1F9B0] =	vst v57;
	v4 =	vld [tilespmem:$0xE30]  }
0x221: {  	[tilespmem:$0x1F9E0] =	vst v63;
	v5 =	vld [tilespmem:$0xE40]  }
0x222: {  	[tilespmem:$0x1FA10] =	vst v34;
	v6 =	vld [tilespmem:$0xE50]  }
0x223: {  	[tilespmem:$0x1FA30] =	vst v36;
	v7 =	vld [tilespmem:$0xE60]  }
0x224: {  	[tilespmem:$0x1FA60] =	vst v39;
	v57 =	vld [tilespmem:$0xE70]  }
0x225: {  	[tilespmem:$0x1FA80] =	vst v41;
	v58 =	vld [tilespmem:$0xE80]  }
0x226: {  	[tilespmem:$0x1F9C0] =	vst v59;
	v36 =	vld [tilespmem:$0xE90]  }
0x227: {  	[tilespmem:$0x1FA50] =	vst v38;
	v59 =	vor.u32 $0x68, v0;
	v38 =	vld [tilespmem:$0xEA0]  }
0x228: {  	[tilespmem:$0x1F9D0] =	vst v61;
	v60 =	vor.u32 $0x868, v0;
	v39 =	vld [tilespmem:$0xEB0]  }
0x229: {  	[tilespmem:$0x1FA70] =	vst v40;
	v61 =	vor.u32 $0x69, v0;
	v40 =	vld [tilespmem:$0xEC0]  }
0x22a: {  	[tilespmem:$0x1FA00] =	vst v32;
	v62 =	vor.u32 $0x869, v0;
	v41 =	vld [tilespmem:$0xED0];
	v1 =	vadd.f32 v1, v37  }
0x22b: {  	[tilespmem:$0x1FA20] =	vst v35;
	v63 =	vor.u32 $0x6A, v0;
	v42 =	vld [tilespmem:$0xEE0];
	v2 =	vadd.f32 v2, v33  }
0x22c: {  	v43 =	vld [tilespmem:$0xEF0];
	[tilespmem:v59+s20+$0x0] =	vst.idx.msk $0xffff, v1;
	v1 =	vadd.f32 v3, v37;
	v3 =	vor.u32 $0x86A, v0  }
0x22d: {  	v16 =	vor.u32 $0x6B, v0;
	[tilespmem:v60+s20+$0x0] =	vst.idx.msk $0xffff, v2;
	v2 =	vadd.f32 v4, v33  }
0x22e: {  	v30 =	vor.u32 $0x86B, v0;
	[tilespmem:v61+s20+$0x0] =	vst.idx.msk $0xffff, v1;
	v1 =	vadd.f32 v5, v37  }
0x22f: {  	v31 =	vor.u32 $0x6C, v0;
	[tilespmem:v62+s20+$0x0] =	vst.idx.msk $0xffff, v2;
	v2 =	vadd.f32 v6, v33  }
0x230: {  	v32 =	vor.u32 $0x86C, v0;
	[tilespmem:v63+s20+$0x0] =	vst.idx.msk $0xffff, v1;
	v1 =	vadd.f32 v7, v37  }
0x231: {  	v34 =	vor.u32 $0x6D, v0;
	[tilespmem:v3+s20+$0x0] =	vst.idx.msk $0xffff, v2;
	v2 =	vadd.f32 v57, v33  }
0x232: {  	v35 =	vor.u32 $0x86D, v0;
	[tilespmem:v16+s20+$0x0] =	vst.idx.msk $0xffff, v1;
	v1 =	vadd.f32 v58, v37  }
0x233: {  	[tilespmem:v30+s20+$0x0] =	vst.idx.msk $0xffff, v2;
	v2 =	vadd.f32 v36, v33;
	v36 =	vor.u32 $0x6E, v0  }
0x234: {  	[tilespmem:v31+s20+$0x0] =	vst.idx.msk $0xffff, v1;
	v1 =	vadd.f32 v38, v37;
	v38 =	vor.u32 $0x86E, v0  }
0x235: {  	[tilespmem:v32+s20+$0x0] =	vst.idx.msk $0xffff, v2;
	v2 =	vadd.f32 v39, v33;
	v39 =	vor.u32 $0x6F, v0  }
0x236: {  	[tilespmem:v34+s20+$0x0] =	vst.idx.msk $0xffff, v1;
	v1 =	vadd.f32 v40, v37;
	v40 =	vor.u32 $0x86F, v0  }
0x237: {  	[tilespmem:v35+s20+$0x0] =	vst.idx.msk $0xffff, v2;
	v2 =	vadd.f32 v41, v33  }
0x238: {  	[tilespmem:v36+s20+$0x0] =	vst.idx.msk $0xffff, v1;
	v1 =	vadd.f32 v42, v37  }
0x239: {  	[tilespmem:v38+s20+$0x0] =	vst.idx.msk $0xffff, v2;
	v2 =	vadd.f32 v43, v33  }
0x23a: {  	[tilespmem:v39+s20+$0x0] =	vst.idx.msk $0xffff, v1  }
0x23b: {  	[tilespmem:v40+s20+$0x0] =	vst.idx.msk $0xffff, v2  }
0x23c: {  	[tilespmem:$0x1FAA0] =	vst v44;
	v1 =	vld [tilespmem:$0xF00]  }
0x23d: {  	[tilespmem:$0x1FAB0] =	vst v45;
	v2 =	vld [tilespmem:$0xF10]  }
0x23e: {  	[tilespmem:$0x1FBF0] =	vst v3;
	v3 =	vld [tilespmem:$0xF20]  }
0x23f: {  	[tilespmem:$0x1FAC0] =	vst v46;
	v4 =	vld [tilespmem:$0xF30]  }
0x240: {  	[tilespmem:$0x1FAD0] =	vst v47;
	v17 =	vld [tilespmem:$0xF40]  }
0x241: {  	[tilespmem:$0x1FAE0] =	vst v48;
	v18 =	vld [tilespmem:$0xF50]  }
0x242: {  	[tilespmem:$0x1FB00] =	vst v49;
	v19 =	vld [tilespmem:$0xF60]  }
0x243: {  	[tilespmem:$0x1FB70] =	vst v55;
	v20 =	vld [tilespmem:$0xF70]  }
0x244: {  	[tilespmem:$0x1FBA0] =	vst v59;
	v21 =	vld [tilespmem:$0xF80]  }
0x245: {  	[tilespmem:$0x1FB50] =	vst v53;
	v53 =	vld [tilespmem:$0xF90]  }
0x246: {  	[tilespmem:$0x1FB60] =	vst v54;
	v41 =	vor.u32 $0x70, v0;
	v54 =	vld [tilespmem:$0xFA0]  }
0x247: {  	[tilespmem:$0x1FB10] =	vst v50;
	v42 =	vor.u32 $0x870, v0;
	v55 =	vld [tilespmem:$0xFB0]  }
0x248: {  	[tilespmem:$0x1FB80] =	vst v56;
	v43 =	vor.u32 $0x71, v0;
	v56 =	vld [tilespmem:$0xFC0]  }
0x249: {  	[tilespmem:$0x1FB20] =	vst v51;
	v44 =	vor.u32 $0x871, v0;
	v57 =	vld [tilespmem:$0xFD0];
	v1 =	vadd.f32 v1, v37  }
0x24a: {  	[tilespmem:$0x1FB30] =	vst v52;
	v45 =	vor.u32 $0x72, v0;
	v58 =	vld [tilespmem:$0xFE0];
	v2 =	vadd.f32 v2, v33  }
0x24b: {  	v46 =	vor.u32 $0x872, v0;
	v59 =	vld [tilespmem:$0xFF0];
	[tilespmem:v41+s20+$0x0] =	vst.idx.msk $0xffff, v1;
	v1 =	vadd.f32 v3, v37  }
0x24c: {  	v47 =	vor.u32 $0x73, v0;
	[tilespmem:v42+s20+$0x0] =	vst.idx.msk $0xffff, v2;
	v2 =	vadd.f32 v4, v33  }
0x24d: {  	v48 =	vor.u32 $0x873, v0;
	[tilespmem:v43+s20+$0x0] =	vst.idx.msk $0xffff, v1;
	v1 =	vadd.f32 v17, v37  }
0x24e: {  	v49 =	vor.u32 $0x74, v0;
	[tilespmem:v44+s20+$0x0] =	vst.idx.msk $0xffff, v2;
	v2 =	vadd.f32 v18, v33  }
0x24f: {  	v50 =	vor.u32 $0x874, v0;
	[tilespmem:v45+s20+$0x0] =	vst.idx.msk $0xffff, v1;
	v1 =	vadd.f32 v19, v37  }
0x250: {  	v51 =	vor.u32 $0x75, v0;
	[tilespmem:v46+s20+$0x0] =	vst.idx.msk $0xffff, v2;
	v2 =	vadd.f32 v20, v33  }
0x251: {  	v52 =	vor.u32 $0x875, v0;
	[tilespmem:v47+s20+$0x0] =	vst.idx.msk $0xffff, v1;
	v1 =	vadd.f32 v21, v37  }
0x252: {  	[tilespmem:v48+s20+$0x0] =	vst.idx.msk $0xffff, v2;
	v2 =	vadd.f32 v53, v33;
	v53 =	vor.u32 $0x76, v0  }
0x253: {  	[tilespmem:v49+s20+$0x0] =	vst.idx.msk $0xffff, v1;
	v1 =	vadd.f32 v54, v37;
	v54 =	vor.u32 $0x876, v0  }
0x254: {  	[tilespmem:v50+s20+$0x0] =	vst.idx.msk $0xffff, v2;
	v2 =	vadd.f32 v55, v33;
	v55 =	vor.u32 $0x77, v0  }
0x255: {  	[tilespmem:v51+s20+$0x0] =	vst.idx.msk $0xffff, v1;
	v1 =	vadd.f32 v56, v37;
	v56 =	vor.u32 $0x877, v0  }
0x256: {  	[tilespmem:v52+s20+$0x0] =	vst.idx.msk $0xffff, v2;
	v2 =	vadd.f32 v57, v33  }
0x257: {  	[tilespmem:v53+s20+$0x0] =	vst.idx.msk $0xffff, v1;
	v1 =	vadd.f32 v58, v37  }
0x258: {  	[tilespmem:v54+s20+$0x0] =	vst.idx.msk $0xffff, v2;
	v2 =	vadd.f32 v59, v33  }
0x259: {  	[tilespmem:v55+s20+$0x0] =	vst.idx.msk $0xffff, v1  }
0x25a: {  	[tilespmem:v56+s20+$0x0] =	vst.idx.msk $0xffff, v2  }
0x25b: {  	v1 =	vld [tilespmem:$0x1000]  }
0x25c: {  	v2 =	vld [tilespmem:$0x1010]  }
0x25d: {  	v3 =	vld [tilespmem:$0x1020]  }
0x25e: {  	v4 =	vld [tilespmem:$0x1030]  }
0x25f: {  	v5 =	vld [tilespmem:$0x1040]  }
0x260: {  	v22 =	vld [tilespmem:$0x1050]  }
0x261: {  	v23 =	vld [tilespmem:$0x1060]  }
0x262: {  	v20 =	vld [tilespmem:$0x1070]  }
0x263: {  	v21 =	vld [tilespmem:$0x1080]  }
0x264: {  	v10 =	vld [tilespmem:$0x1090]  }
0x265: {  	[tilespmem:$0x1FC00] =	vst v16;
	v57 =	vor.u32 $0x78, v0;
	v11 =	vld [tilespmem:$0x10A0]  }
0x266: {  	[tilespmem:$0x1FBC0] =	vst v61;
	v58 =	vor.u32 $0x878, v0;
	v12 =	vld [tilespmem:$0x10B0]  }
0x267: {  	[tilespmem:$0x1FBE0] =	vst v63;
	v59 =	vor.u32 $0x79, v0;
	v13 =	vld [tilespmem:$0x10C0]  }
0x268: {  	[tilespmem:$0x1FBB0] =	vst v60;
	v60 =	vor.u32 $0x879, v0;
	v14 =	vld [tilespmem:$0x10D0];
	v1 =	vadd.f32 v1, v37  }
0x269: {  	[tilespmem:$0x1FBD0] =	vst v62;
	v61 =	vor.u32 $0x7A, v0;
	v15 =	vld [tilespmem:$0x10E0];
	v2 =	vadd.f32 v2, v33  }
0x26a: {  	v62 =	vor.u32 $0x87A, v0;
	v16 =	vld [tilespmem:$0x10F0];
	[tilespmem:v57+s20+$0x0] =	vst.idx.msk $0xffff, v1;
	v1 =	vadd.f32 v3, v37  }
0x26b: {  	v63 =	vor.u32 $0x7B, v0;
	[tilespmem:v58+s20+$0x0] =	vst.idx.msk $0xffff, v2;
	v2 =	vadd.f32 v4, v33  }
0x26c: {  	v3 =	vadd.f32 v5, v37;
	[tilespmem:v59+s20+$0x0] =	vst.idx.msk $0xffff, v1;
	v1 =	vor.u32 $0x87B, v0  }
0x26d: {  	v22 =	vadd.f32 v22, v33;
	[tilespmem:v60+s20+$0x0] =	vst.idx.msk $0xffff, v2;
	v2 =	vor.u32 $0x7C, v0  }
0x26e: {  	v23 =	vadd.f32 v23, v37;
	[tilespmem:v61+s20+$0x0] =	vst.idx.msk $0xffff, v3;
	v3 =	vor.u32 $0x87C, v0  }
0x26f: {  	v17 =	vadd.f32 v20, v33;
	v4 =	vor.u32 $0x7D, v0;
	[tilespmem:v62+s20+$0x0] =	vst.idx.msk $0xffff, v22  }
0x270: {  	v18 =	vadd.f32 v21, v37;
	v5 =	vor.u32 $0x87D, v0;
	[tilespmem:v63+s20+$0x0] =	vst.idx.msk $0xffff, v23  }
0x271: {  	v6 =	vor.u32 $0x7E, v0;
	v19 =	vadd.f32 v10, v33;
	[tilespmem:v1+s20+$0x0] =	vst.idx.msk $0xffff, v17  }
0x272: {  	v7 =	vor.u32 $0x87E, v0;
	v20 =	vadd.f32 v11, v37;
	[tilespmem:v2+s20+$0x0] =	vst.idx.msk $0xffff, v18  }
0x273: {  	v8 =	vor.u32 $0x7F, v0;
	v21 =	vadd.f32 v12, v33;
	[tilespmem:v3+s20+$0x0] =	vst.idx.msk $0xffff, v19  }
0x274: {  	v9 =	vor.u32 $0x87F, v0;
	v22 =	vadd.f32 v13, v37;
	[tilespmem:v4+s20+$0x0] =	vst.idx.msk $0xffff, v20  }
0x275: {  	v23 =	vadd.f32 v14, v33;
	[tilespmem:v5+s20+$0x0] =	vst.idx.msk $0xffff, v21  }
0x276: {  	v37 =	vadd.f32 v15, v37;
	[tilespmem:v6+s20+$0x0] =	vst.idx.msk $0xffff, v22  }
0x277: {  	v15 =	vadd.f32 v16, v33;
	[tilespmem:v7+s20+$0x0] =	vst.idx.msk $0xffff, v23  }
0x278: {  	[tilespmem:v8+s20+$0x0] =	vst.idx.msk $0xffff, v37  }
0x279: {  	s13 =	sadd.s32 s30, s11;
	[tilespmem:v9+s20+$0x0] =	vst.idx.msk $0xffff, v15  }
0x27a: {  	[hbm4b:s13+s21] =	stream.strided.scatter [tilespmem:s20], [sflag:$0x5], $0x1000, s22, s21, $0x38;
	[tilespmem:$0x5A00] =	vst v63  }
0x27b: {  	s13 =	simm.s32 @!p0 $0x1  }
0x27c: {  	_ =	swait.ge @!p0 [sflag:s13], $0x80  }
0x27d: {  	[sflag:s13] =	ssyncset.done @!p0 $0x0  }
0x27e: {  	s16 =	simm.s32 @!p0 $0x100;
	[sflag:s13] =	ssyncadd.s32 @!p0 $0xFFFFFF80;
	s13 =	simm.s32 @!p0 $0x80  }
0x27f: {  	[tilespmem:s16], [sflag:$0x3] =	stream.indirect.gather @!p0 [hbm4b:s4+s13], $0x20, s3, s13, $0xb8;
	[tilespmem:$0x5A00] =	vst v63  }
0x280: {  	_ = 	snop  }
0x281: {  	[tilespmem:s13], [sflag:$0x2] =	stream.linear.gather @!p0 [hbm4b:s9+s3], $0x80, $0x38;
	[tilespmem:$0x5A00] =	vst v63  }
0x282: {  	p0 =	por p0, !p1  }
0x283: {  	_ =	swait.ge @p0 [sflag:s26], $0x1000  }
0x284: {  	[sflag:s26] =	ssyncset.done @p0 $0x0  }
0x285: {  	[sflag:s26] =	ssyncadd.s32 @p0 $0xFFFFF000  }
0x286: {  	_ =	swait.ge [sflag:s23], $0x1000  }
0x287: {  	[sflag:s23] =	ssyncset.done $0x0  }
0x288: {  	[sflag:s23] =	ssyncadd.s32 $0xFFFFF000  }
0x289: {  	v37 =	vld [tilespmem:s29+$0x0]  }
0x28a: {  	v33 =	vld [tilespmem:s29+$0x10]  }
0x28b: {  	v10 =	vld [tilespmem:$0x1100]  }
0x28c: {  	v11 =	vld [tilespmem:$0x1110]  }
0x28d: {  	v12 =	vld [tilespmem:$0x1120]  }
0x28e: {  	v13 =	vld [tilespmem:$0x1130]  }
0x28f: {  	v14 =	vld [tilespmem:$0x1140]  }
0x290: {  	v15 =	vld [tilespmem:$0x1150]  }
0x291: {  	v16 =	vld [tilespmem:$0x1160]  }
0x292: {  	v17 =	vld [tilespmem:$0x1170]  }
0x293: {  	v18 =	vld [tilespmem:$0x1180]  }
0x294: {  	v19 =	vld [tilespmem:$0x1190]  }
0x295: {  	v20 =	vld [tilespmem:$0x11A0]  }
0x296: {  	v21 =	vld [tilespmem:$0x11B0]  }
0x297: {  	v22 =	vld [tilespmem:$0x11C0]  }
0x298: {  	v23 =	vld [tilespmem:$0x11D0]  }
0x299: {  	v24 =	vld [tilespmem:$0x11E0];
	v10 =	vadd.f32 v10, v37  }
0x29a: {  	v25 =	vld [tilespmem:$0x11F0]  }
0x29b: {  	[tilespmem:v0+s24+$0x0] =	vst.idx.msk $0xffff, v10;
	v10 =	vadd.f32 v12, v37;
	v12 =	vld [tilespmem:$0x1FC10];
	_ =	sdelay $0x5  }
0x29c: {  	v11 =	vadd.f32 v11, v33;
	_ =	sdelay $0x1  }
0x29d: {  	[tilespmem:v12+s24+$0x0] =	vst.idx.msk $0xffff, v11;
	v12 =	vld [tilespmem:$0x1FC20];
	_ =	sdelay $0x7  }
0x29e: {  	[tilespmem:v12+s24+$0x0] =	vst.idx.msk $0xffff, v10;
	v12 =	vld [tilespmem:$0x1FC30];
	_ =	sdelay $0x5  }
0x29f: {  	v11 =	vadd.f32 v13, v33;
	_ =	sdelay $0x1  }
0x2a0: {  	[tilespmem:v12+s24+$0x0] =	vst.idx.msk $0xffff, v11;
	v12 =	vld [tilespmem:$0x1FC40];
	_ =	sdelay $0x5  }
0x2a1: {  	v10 =	vadd.f32 v14, v37;
	_ =	sdelay $0x1  }
0x2a2: {  	[tilespmem:v12+s24+$0x0] =	vst.idx.msk $0xffff, v10;
	v10 =	vadd.f32 v16, v37;
	v16 =	vld [tilespmem:$0x1FC50];
	_ =	sdelay $0x5  }
0x2a3: {  	v11 =	vadd.f32 v15, v33;
	_ =	sdelay $0x1  }
0x2a4: {  	[tilespmem:v16+s24+$0x0] =	vst.idx.msk $0xffff, v11;
	v16 =	vadd.f32 v17, v33;
	v17 =	vld [tilespmem:$0x1FC60];
	_ =	sdelay $0x7  }
0x2a5: {  	[tilespmem:v17+s24+$0x0] =	vst.idx.msk $0xffff, v10;
	v10 =	vadd.f32 v18, v37;
	v18 =	vld [tilespmem:$0x1FC70];
	_ =	sdelay $0x6  }
0x2a6: {  	v17 =	vld [tilespmem:$0x1FC80]  }
0x2a7: {  	[tilespmem:v18+s24+$0x0] =	vst.idx.msk $0xffff, v16;
	v16 =	vadd.f32 v19, v33;
	v19 =	vld [tilespmem:$0x1FC90]  }
0x2a8: {  	v18 =	vadd.f32 v20, v37;
	v20 =	vadd.f32 v21, v33;
	v21 =	vld [tilespmem:$0x1FCA0];
	_ =	sdelay $0x5  }
0x2a9: {  	[tilespmem:v17+s24+$0x0] =	vst.idx.msk $0xffff, v10;
	v17 =	vld [tilespmem:$0x1FCB0]  }
0x2aa: {  	[tilespmem:v19+s24+$0x0] =	vst.idx.msk $0xffff, v16;
	v19 =	vld [tilespmem:$0x1FCC0]  }
0x2ab: {  	[tilespmem:v21+s24+$0x0] =	vst.idx.msk $0xffff, v18;
	v21 =	vld [tilespmem:$0x1FCD0]  }
0x2ac: {  	v18 =	vadd.f32 v23, v33;
	v23 =	vld [tilespmem:$0x1FCE0]  }
0x2ad: {  	v15 =	vld [tilespmem:$0x1FCF0];
	_ =	sdelay $0x2  }
0x2ae: {  	v16 =	vadd.f32 v22, v37  }
0x2af: {  	[tilespmem:v17+s24+$0x0] =	vst.idx.msk $0xffff, v20  }
0x2b0: {  	v20 =	vadd.f32 v24, v37;
	[tilespmem:v19+s24+$0x0] =	vst.idx.msk $0xffff, v16  }
0x2b1: {  	v22 =	vadd.f32 v25, v33;
	[tilespmem:v21+s24+$0x0] =	vst.idx.msk $0xffff, v18  }
0x2b2: {  	[tilespmem:v23+s24+$0x0] =	vst.idx.msk $0xffff, v20  }
0x2b3: {  	v26 =	vld [tilespmem:$0x1FD00];
	[tilespmem:v15+s24+$0x0] =	vst.idx.msk $0xffff, v22  }
0x2b4: {  	v10 =	vld [tilespmem:$0x1200]  }
0x2b5: {  	v11 =	vld [tilespmem:$0x1210]  }
0x2b6: {  	v12 =	vld [tilespmem:$0x1220]  }
0x2b7: {  	v13 =	vld [tilespmem:$0x1230]  }
0x2b8: {  	v14 =	vld [tilespmem:$0x1240]  }
0x2b9: {  	v15 =	vld [tilespmem:$0x1250]  }
0x2ba: {  	v16 =	vld [tilespmem:$0x1260]  }
0x2bb: {  	v17 =	vld [tilespmem:$0x1270]  }
0x2bc: {  	v18 =	vld [tilespmem:$0x1280]  }
0x2bd: {  	v19 =	vld [tilespmem:$0x1290]  }
0x2be: {  	v20 =	vld [tilespmem:$0x12A0]  }
0x2bf: {  	v21 =	vld [tilespmem:$0x12B0]  }
0x2c0: {  	v22 =	vld [tilespmem:$0x12C0]  }
0x2c1: {  	v23 =	vld [tilespmem:$0x12D0]  }
0x2c2: {  	v24 =	vld [tilespmem:$0x12E0];
	v10 =	vadd.f32 v10, v37  }
0x2c3: {  	v25 =	vld [tilespmem:$0x12F0]  }
0x2c4: {  	[tilespmem:v26+s24+$0x0] =	vst.idx.msk $0xffff, v10;
	v26 =	vld [tilespmem:$0x1FFD0]  }
0x2c5: {  	v10 =	vadd.f32 v12, v37;
	v12 =	vld [tilespmem:$0x1FD10];
	_ =	sdelay $0x4  }
0x2c6: {  	v11 =	vadd.f32 v11, v33;
	_ =	sdelay $0x1  }
0x2c7: {  	[tilespmem:v26+s24+$0x0] =	vst.idx.msk $0xffff, v11  }
0x2c8: {  	[tilespmem:v12+s24+$0x0] =	vst.idx.msk $0xffff, v10;
	v12 =	vld [tilespmem:$0x1FD20];
	_ =	sdelay $0x5  }
0x2c9: {  	v11 =	vadd.f32 v13, v33;
	_ =	sdelay $0x1  }
0x2ca: {  	[tilespmem:v12+s24+$0x0] =	vst.idx.msk $0xffff, v11;
	v12 =	vld [tilespmem:$0x1FD30];
	_ =	sdelay $0x5  }
0x2cb: {  	v10 =	vadd.f32 v14, v37;
	_ =	sdelay $0x1  }
0x2cc: {  	[tilespmem:v12+s24+$0x0] =	vst.idx.msk $0xffff, v10;
	v10 =	vadd.f32 v16, v37;
	v16 =	vld [tilespmem:$0x1FD40];
	_ =	sdelay $0x5  }
0x2cd: {  	v11 =	vadd.f32 v15, v33;
	_ =	sdelay $0x1  }
0x2ce: {  	[tilespmem:v16+s24+$0x0] =	vst.idx.msk $0xffff, v11;
	v16 =	vadd.f32 v17, v33;
	v17 =	vld [tilespmem:$0x1FD50];
	_ =	sdelay $0x7  }
0x2cf: {  	[tilespmem:v17+s24+$0x0] =	vst.idx.msk $0xffff, v10;
	v10 =	vadd.f32 v18, v37;
	v18 =	vld [tilespmem:$0x1FD60];
	_ =	sdelay $0x6  }
0x2d0: {  	v17 =	vld [tilespmem:$0x1FD70]  }
0x2d1: {  	[tilespmem:v18+s24+$0x0] =	vst.idx.msk $0xffff, v16;
	v16 =	vadd.f32 v19, v33;
	v19 =	vld [tilespmem:$0x1FD80]  }
0x2d2: {  	v18 =	vadd.f32 v20, v37;
	v20 =	vadd.f32 v21, v33;
	v21 =	vld [tilespmem:$0x1FD90];
	_ =	sdelay $0x5  }
0x2d3: {  	[tilespmem:v17+s24+$0x0] =	vst.idx.msk $0xffff, v10;
	v17 =	vld [tilespmem:$0x1FDA0]  }
0x2d4: {  	[tilespmem:v19+s24+$0x0] =	vst.idx.msk $0xffff, v16;
	v19 =	vld [tilespmem:$0x1FDB0]  }
0x2d5: {  	[tilespmem:v21+s24+$0x0] =	vst.idx.msk $0xffff, v18;
	v21 =	vld [tilespmem:$0x1FDC0]  }
0x2d6: {  	v18 =	vadd.f32 v23, v33;
	v23 =	vld [tilespmem:$0x1FDD0]  }
0x2d7: {  	v15 =	vld [tilespmem:$0x1FDE0];
	_ =	sdelay $0x2  }
0x2d8: {  	v16 =	vadd.f32 v22, v37  }
0x2d9: {  	[tilespmem:v17+s24+$0x0] =	vst.idx.msk $0xffff, v20  }
0x2da: {  	v20 =	vadd.f32 v24, v37;
	[tilespmem:v19+s24+$0x0] =	vst.idx.msk $0xffff, v16  }
0x2db: {  	v22 =	vadd.f32 v25, v33;
	[tilespmem:v21+s24+$0x0] =	vst.idx.msk $0xffff, v18  }
0x2dc: {  	[tilespmem:v23+s24+$0x0] =	vst.idx.msk $0xffff, v20  }
0x2dd: {  	v27 =	vld [tilespmem:$0x1FDF0];
	[tilespmem:v15+s24+$0x0] =	vst.idx.msk $0xffff, v22  }
0x2de: {  	v10 =	vld [tilespmem:$0x1300]  }
0x2df: {  	v11 =	vld [tilespmem:$0x1310]  }
0x2e0: {  	v12 =	vld [tilespmem:$0x1320]  }
0x2e1: {  	v13 =	vld [tilespmem:$0x1330]  }
0x2e2: {  	v14 =	vld [tilespmem:$0x1340]  }
0x2e3: {  	v15 =	vld [tilespmem:$0x1350]  }
0x2e4: {  	v16 =	vld [tilespmem:$0x1360]  }
0x2e5: {  	v17 =	vld [tilespmem:$0x1370]  }
0x2e6: {  	v18 =	vld [tilespmem:$0x1380]  }
0x2e7: {  	v19 =	vld [tilespmem:$0x1390]  }
0x2e8: {  	v20 =	vld [tilespmem:$0x13A0]  }
0x2e9: {  	v21 =	vld [tilespmem:$0x13B0]  }
0x2ea: {  	v22 =	vld [tilespmem:$0x13C0]  }
0x2eb: {  	v23 =	vld [tilespmem:$0x13D0]  }
0x2ec: {  	v24 =	vld [tilespmem:$0x13E0];
	v10 =	vadd.f32 v10, v37  }
0x2ed: {  	v25 =	vld [tilespmem:$0x13F0]  }
0x2ee: {  	[tilespmem:v27+s24+$0x0] =	vst.idx.msk $0xffff, v10;
	v27 =	vld [tilespmem:$0x1FFE0]  }
0x2ef: {  	v10 =	vadd.f32 v12, v37;
	v12 =	vld [tilespmem:$0x1FE00];
	_ =	sdelay $0x4  }
0x2f0: {  	v11 =	vadd.f32 v11, v33;
	_ =	sdelay $0x1  }
0x2f1: {  	[tilespmem:v27+s24+$0x0] =	vst.idx.msk $0xffff, v11  }
0x2f2: {  	[tilespmem:v12+s24+$0x0] =	vst.idx.msk $0xffff, v10;
	v12 =	vld [tilespmem:$0x1FE10];
	_ =	sdelay $0x5  }
0x2f3: {  	v11 =	vadd.f32 v13, v33;
	_ =	sdelay $0x1  }
0x2f4: {  	[tilespmem:v12+s24+$0x0] =	vst.idx.msk $0xffff, v11;
	v12 =	vld [tilespmem:$0x1FE20];
	_ =	sdelay $0x5  }
0x2f5: {  	v10 =	vadd.f32 v14, v37;
	_ =	sdelay $0x1  }
0x2f6: {  	[tilespmem:v12+s24+$0x0] =	vst.idx.msk $0xffff, v10;
	v10 =	vadd.f32 v16, v37;
	v16 =	vld [tilespmem:$0x1FE30];
	_ =	sdelay $0x5  }
0x2f7: {  	v11 =	vadd.f32 v15, v33;
	_ =	sdelay $0x1  }
0x2f8: {  	[tilespmem:v16+s24+$0x0] =	vst.idx.msk $0xffff, v11;
	v16 =	vadd.f32 v17, v33;
	v17 =	vld [tilespmem:$0x1FE40];
	_ =	sdelay $0x7  }
0x2f9: {  	[tilespmem:v17+s24+$0x0] =	vst.idx.msk $0xffff, v10;
	v10 =	vadd.f32 v18, v37;
	v18 =	vld [tilespmem:$0x1FE50];
	_ =	sdelay $0x6  }
0x2fa: {  	v17 =	vld [tilespmem:$0x1FE60]  }
0x2fb: {  	[tilespmem:v18+s24+$0x0] =	vst.idx.msk $0xffff, v16;
	v16 =	vadd.f32 v19, v33;
	v19 =	vld [tilespmem:$0x1FE70]  }
0x2fc: {  	v18 =	vadd.f32 v20, v37;
	v20 =	vadd.f32 v21, v33;
	v21 =	vld [tilespmem:$0x1FE80];
	_ =	sdelay $0x5  }
0x2fd: {  	[tilespmem:v17+s24+$0x0] =	vst.idx.msk $0xffff, v10;
	v17 =	vld [tilespmem:$0x1FE90]  }
0x2fe: {  	[tilespmem:v19+s24+$0x0] =	vst.idx.msk $0xffff, v16;
	v19 =	vld [tilespmem:$0x1FEA0]  }
0x2ff: {  	[tilespmem:v21+s24+$0x0] =	vst.idx.msk $0xffff, v18;
	v21 =	vld [tilespmem:$0x1FEB0]  }
0x300: {  	v18 =	vadd.f32 v23, v33;
	v23 =	vld [tilespmem:$0x1FEC0]  }
0x301: {  	v15 =	vld [tilespmem:$0x1FED0];
	_ =	sdelay $0x2  }
0x302: {  	v16 =	vadd.f32 v22, v37  }
0x303: {  	[tilespmem:v17+s24+$0x0] =	vst.idx.msk $0xffff, v20  }
0x304: {  	v20 =	vadd.f32 v24, v37;
	[tilespmem:v19+s24+$0x0] =	vst.idx.msk $0xffff, v16  }
0x305: {  	v22 =	vadd.f32 v25, v33;
	[tilespmem:v21+s24+$0x0] =	vst.idx.msk $0xffff, v18  }
0x306: {  	[tilespmem:v23+s24+$0x0] =	vst.idx.msk $0xffff, v20  }
0x307: {  	v28 =	vld [tilespmem:$0x1FEE0];
	[tilespmem:v15+s24+$0x0] =	vst.idx.msk $0xffff, v22  }
0x308: {  	v10 =	vld [tilespmem:$0x1400]  }
0x309: {  	v11 =	vld [tilespmem:$0x1410]  }
0x30a: {  	v12 =	vld [tilespmem:$0x1420]  }
0x30b: {  	v13 =	vld [tilespmem:$0x1430]  }
0x30c: {  	v14 =	vld [tilespmem:$0x1440]  }
0x30d: {  	v15 =	vld [tilespmem:$0x1450]  }
0x30e: {  	v16 =	vld [tilespmem:$0x1460]  }
0x30f: {  	v17 =	vld [tilespmem:$0x1470]  }
0x310: {  	v18 =	vld [tilespmem:$0x1480]  }
0x311: {  	v19 =	vld [tilespmem:$0x1490]  }
0x312: {  	v20 =	vld [tilespmem:$0x14A0]  }
0x313: {  	v21 =	vld [tilespmem:$0x14B0]  }
0x314: {  	v22 =	vld [tilespmem:$0x14C0]  }
0x315: {  	v23 =	vld [tilespmem:$0x14D0]  }
0x316: {  	v24 =	vld [tilespmem:$0x14E0];
	v10 =	vadd.f32 v10, v37  }
0x317: {  	v25 =	vld [tilespmem:$0x14F0]  }
0x318: {  	[tilespmem:v28+s24+$0x0] =	vst.idx.msk $0xffff, v10;
	v28 =	vld [tilespmem:$0x1FFF0]  }
0x319: {  	v10 =	vadd.f32 v12, v37;
	v12 =	vld [tilespmem:$0x1FEF0];
	_ =	sdelay $0x4  }
0x31a: {  	v11 =	vadd.f32 v11, v33;
	_ =	sdelay $0x1  }
0x31b: {  	[tilespmem:v28+s24+$0x0] =	vst.idx.msk $0xffff, v11  }
0x31c: {  	[tilespmem:v12+s24+$0x0] =	vst.idx.msk $0xffff, v10;
	v12 =	vld [tilespmem:$0x1FF00];
	_ =	sdelay $0x5  }
0x31d: {  	v11 =	vadd.f32 v13, v33;
	_ =	sdelay $0x1  }
0x31e: {  	[tilespmem:v12+s24+$0x0] =	vst.idx.msk $0xffff, v11;
	v12 =	vld [tilespmem:$0x1FF10];
	_ =	sdelay $0x5  }
0x31f: {  	v10 =	vadd.f32 v14, v37;
	_ =	sdelay $0x1  }
0x320: {  	[tilespmem:v12+s24+$0x0] =	vst.idx.msk $0xffff, v10;
	v10 =	vadd.f32 v16, v37;
	v16 =	vld [tilespmem:$0x1FF20];
	_ =	sdelay $0x5  }
0x321: {  	v11 =	vadd.f32 v15, v33;
	_ =	sdelay $0x1  }
0x322: {  	[tilespmem:v16+s24+$0x0] =	vst.idx.msk $0xffff, v11;
	v16 =	vadd.f32 v17, v33;
	v17 =	vld [tilespmem:$0x1FF30];
	_ =	sdelay $0x7  }
0x323: {  	[tilespmem:v17+s24+$0x0] =	vst.idx.msk $0xffff, v10;
	v10 =	vadd.f32 v18, v37;
	v18 =	vld [tilespmem:$0x1FF40];
	_ =	sdelay $0x6  }
0x324: {  	v17 =	vld [tilespmem:$0x1FF50]  }
0x325: {  	[tilespmem:v18+s24+$0x0] =	vst.idx.msk $0xffff, v16;
	v16 =	vadd.f32 v19, v33;
	v19 =	vld [tilespmem:$0x1FF60]  }
0x326: {  	v18 =	vadd.f32 v20, v37;
	v20 =	vadd.f32 v21, v33;
	v21 =	vld [tilespmem:$0x1FF70];
	_ =	sdelay $0x5  }
0x327: {  	[tilespmem:v17+s24+$0x0] =	vst.idx.msk $0xffff, v10;
	v17 =	vld [tilespmem:$0x1FF80]  }
0x328: {  	[tilespmem:v19+s24+$0x0] =	vst.idx.msk $0xffff, v16;
	v19 =	vld [tilespmem:$0x1FF90]  }
0x329: {  	[tilespmem:v21+s24+$0x0] =	vst.idx.msk $0xffff, v18;
	v21 =	vld [tilespmem:$0x1FFA0]  }
0x32a: {  	v18 =	vadd.f32 v23, v33;
	v23 =	vld [tilespmem:$0x1FFB0]  }
0x32b: {  	v15 =	vld [tilespmem:$0x1FFC0];
	_ =	sdelay $0x2  }
0x32c: {  	v16 =	vadd.f32 v22, v37  }
0x32d: {  	[tilespmem:v17+s24+$0x0] =	vst.idx.msk $0xffff, v20  }
0x32e: {  	v20 =	vadd.f32 v24, v37;
	[tilespmem:v19+s24+$0x0] =	vst.idx.msk $0xffff, v16  }
0x32f: {  	v22 =	vadd.f32 v25, v33;
	[tilespmem:v21+s24+$0x0] =	vst.idx.msk $0xffff, v18  }
0x330: {  	[tilespmem:v23+s24+$0x0] =	vst.idx.msk $0xffff, v20  }
0x331: {  	v29 =	vld [tilespmem:$0x1F2A0];
	[tilespmem:v15+s24+$0x0] =	vst.idx.msk $0xffff, v22  }
0x332: {  	v10 =	vld [tilespmem:$0x1500]  }
0x333: {  	v11 =	vld [tilespmem:$0x1510]  }
0x334: {  	v12 =	vld [tilespmem:$0x1520]  }
0x335: {  	v13 =	vld [tilespmem:$0x1530]  }
0x336: {  	v14 =	vld [tilespmem:$0x1540]  }
0x337: {  	v15 =	vld [tilespmem:$0x1550]  }
0x338: {  	v16 =	vld [tilespmem:$0x1560]  }
0x339: {  	v17 =	vld [tilespmem:$0x1570]  }
0x33a: {  	v18 =	vld [tilespmem:$0x1580]  }
0x33b: {  	v19 =	vld [tilespmem:$0x1590]  }
0x33c: {  	v20 =	vld [tilespmem:$0x15A0]  }
0x33d: {  	v21 =	vld [tilespmem:$0x15B0]  }
0x33e: {  	v22 =	vld [tilespmem:$0x15C0]  }
0x33f: {  	v23 =	vld [tilespmem:$0x15D0]  }
0x340: {  	v24 =	vld [tilespmem:$0x15E0];
	v10 =	vadd.f32 v10, v37  }
0x341: {  	v25 =	vld [tilespmem:$0x15F0]  }
0x342: {  	[tilespmem:v29+s24+$0x0] =	vst.idx.msk $0xffff, v10;
	v10 =	vadd.f32 v12, v37;
	v12 =	vld [tilespmem:$0x1F2B0];
	_ =	sdelay $0x5  }
0x343: {  	v11 =	vadd.f32 v11, v33;
	_ =	sdelay $0x1  }
0x344: {  	[tilespmem:v12+s24+$0x0] =	vst.idx.msk $0xffff, v11;
	v12 =	vld [tilespmem:$0x1F2C0];
	_ =	sdelay $0x7  }
0x345: {  	[tilespmem:v12+s24+$0x0] =	vst.idx.msk $0xffff, v10;
	v12 =	vld [tilespmem:$0x1F2D0];
	_ =	sdelay $0x5  }
0x346: {  	v11 =	vadd.f32 v13, v33;
	_ =	sdelay $0x1  }
0x347: {  	[tilespmem:v12+s24+$0x0] =	vst.idx.msk $0xffff, v11;
	v12 =	vld [tilespmem:$0x1F2E0];
	_ =	sdelay $0x5  }
0x348: {  	v10 =	vadd.f32 v14, v37;
	_ =	sdelay $0x1  }
0x349: {  	[tilespmem:v12+s24+$0x0] =	vst.idx.msk $0xffff, v10;
	v10 =	vadd.f32 v16, v37;
	v16 =	vld [tilespmem:$0x1F2F0];
	_ =	sdelay $0x5  }
0x34a: {  	v11 =	vadd.f32 v15, v33;
	_ =	sdelay $0x1  }
0x34b: {  	[tilespmem:v16+s24+$0x0] =	vst.idx.msk $0xffff, v11;
	v11 =	vadd.f32 v17, v33;
	v17 =	vld [tilespmem:$0x1F300];
	_ =	sdelay $0x6  }
0x34c: {  	v16 =	vld [tilespmem:$0x1F310]  }
0x34d: {  	[tilespmem:v17+s24+$0x0] =	vst.idx.msk $0xffff, v10;
	v10 =	vadd.f32 v18, v37;
	v18 =	vld [tilespmem:$0x1F320]  }
0x34e: {  	v17 =	vadd.f32 v19, v33;
	v19 =	vadd.f32 v20, v37;
	v20 =	vld [tilespmem:$0x1F330];
	_ =	sdelay $0x5  }
0x34f: {  	[tilespmem:v16+s24+$0x0] =	vst.idx.msk $0xffff, v11  }
0x350: {  	[tilespmem:v18+s24+$0x0] =	vst.idx.msk $0xffff, v10  }
0x351: {  	[tilespmem:v20+s24+$0x0] =	vst.idx.msk $0xffff, v17  }
0x352: {  	v12 =	vld [tilespmem:$0x1F340]  }
0x353: {  	v17 =	vld [tilespmem:$0x1F350];
	_ =	sdelay $0x5  }
0x354: {  	v21 =	vadd.f32 v21, v33  }
0x355: {  	[tilespmem:v12+s24+$0x0] =	vst.idx.msk $0xffff, v19;
	v19 =	vld [tilespmem:$0x1F360]  }
0x356: {  	[tilespmem:v17+s24+$0x0] =	vst.idx.msk $0xffff, v21;
	v21 =	vld [tilespmem:$0x1F370]  }
0x357: {  	v18 =	vadd.f32 v23, v33;
	v23 =	vld [tilespmem:$0x1F380]  }
0x358: {  	v15 =	vld [tilespmem:$0x1F390];
	_ =	sdelay $0x2  }
0x359: {  	v16 =	vadd.f32 v22, v37;
	_ =	sdelay $0x1  }
0x35a: {  	v20 =	vadd.f32 v24, v37;
	[tilespmem:v19+s24+$0x0] =	vst.idx.msk $0xffff, v16  }
0x35b: {  	v22 =	vadd.f32 v25, v33;
	[tilespmem:v21+s24+$0x0] =	vst.idx.msk $0xffff, v18  }
0x35c: {  	[tilespmem:v23+s24+$0x0] =	vst.idx.msk $0xffff, v20  }
0x35d: {  	v29 =	vld [tilespmem:$0x1F3A0];
	[tilespmem:v15+s24+$0x0] =	vst.idx.msk $0xffff, v22  }
0x35e: {  	v10 =	vld [tilespmem:$0x1600]  }
0x35f: {  	v11 =	vld [tilespmem:$0x1610]  }
0x360: {  	v12 =	vld [tilespmem:$0x1620]  }
0x361: {  	v13 =	vld [tilespmem:$0x1630]  }
0x362: {  	v14 =	vld [tilespmem:$0x1640]  }
0x363: {  	v15 =	vld [tilespmem:$0x1650]  }
0x364: {  	v16 =	vld [tilespmem:$0x1660]  }
0x365: {  	v17 =	vld [tilespmem:$0x1670]  }
0x366: {  	v18 =	vld [tilespmem:$0x1680]  }
0x367: {  	v19 =	vld [tilespmem:$0x1690]  }
0x368: {  	v20 =	vld [tilespmem:$0x16A0]  }
0x369: {  	v21 =	vld [tilespmem:$0x16B0]  }
0x36a: {  	v22 =	vld [tilespmem:$0x16C0]  }
0x36b: {  	v23 =	vld [tilespmem:$0x16D0]  }
0x36c: {  	v24 =	vld [tilespmem:$0x16E0];
	v10 =	vadd.f32 v10, v37  }
0x36d: {  	v25 =	vld [tilespmem:$0x16F0]  }
0x36e: {  	[tilespmem:v29+s24+$0x0] =	vst.idx.msk $0xffff, v10;
	v10 =	vadd.f32 v12, v37;
	v12 =	vld [tilespmem:$0x1F3B0];
	_ =	sdelay $0x5  }
0x36f: {  	v11 =	vadd.f32 v11, v33;
	_ =	sdelay $0x1  }
0x370: {  	[tilespmem:v12+s24+$0x0] =	vst.idx.msk $0xffff, v11;
	v12 =	vld [tilespmem:$0x1F3C0];
	_ =	sdelay $0x7  }
0x371: {  	[tilespmem:v12+s24+$0x0] =	vst.idx.msk $0xffff, v10;
	v12 =	vld [tilespmem:$0x1F3D0];
	_ =	sdelay $0x5  }
0x372: {  	v11 =	vadd.f32 v13, v33;
	_ =	sdelay $0x1  }
0x373: {  	[tilespmem:v12+s24+$0x0] =	vst.idx.msk $0xffff, v11;
	v12 =	vld [tilespmem:$0x1F3E0];
	_ =	sdelay $0x5  }
0x374: {  	v10 =	vadd.f32 v14, v37;
	_ =	sdelay $0x1  }
0x375: {  	[tilespmem:v12+s24+$0x0] =	vst.idx.msk $0xffff, v10;
	v10 =	vadd.f32 v16, v37;
	v16 =	vld [tilespmem:$0x1F3F0];
	_ =	sdelay $0x5  }
0x376: {  	v11 =	vadd.f32 v15, v33;
	_ =	sdelay $0x1  }
0x377: {  	[tilespmem:v16+s24+$0x0] =	vst.idx.msk $0xffff, v11;
	v16 =	vadd.f32 v17, v33;
	v17 =	vld [tilespmem:$0x1F400];
	_ =	sdelay $0x7  }
0x378: {  	[tilespmem:v17+s24+$0x0] =	vst.idx.msk $0xffff, v10;
	v10 =	vadd.f32 v18, v37;
	v18 =	vld [tilespmem:$0x1F410];
	_ =	sdelay $0x6  }
0x379: {  	v17 =	vld [tilespmem:$0x1F420]  }
0x37a: {  	[tilespmem:v18+s24+$0x0] =	vst.idx.msk $0xffff, v16;
	v16 =	vadd.f32 v19, v33;
	v19 =	vld [tilespmem:$0x1F430]  }
0x37b: {  	v18 =	vadd.f32 v20, v37;
	v20 =	vadd.f32 v21, v33;
	v21 =	vld [tilespmem:$0x1F440];
	_ =	sdelay $0x5  }
0x37c: {  	[tilespmem:v17+s24+$0x0] =	vst.idx.msk $0xffff, v10;
	v17 =	vld [tilespmem:$0x1F450]  }
0x37d: {  	[tilespmem:v19+s24+$0x0] =	vst.idx.msk $0xffff, v16;
	v19 =	vld [tilespmem:$0x1F460]  }
0x37e: {  	[tilespmem:v21+s24+$0x0] =	vst.idx.msk $0xffff, v18;
	v21 =	vld [tilespmem:$0x1F470]  }
0x37f: {  	v18 =	vadd.f32 v23, v33;
	v23 =	vld [tilespmem:$0x1F480]  }
0x380: {  	v15 =	vld [tilespmem:$0x1F490];
	_ =	sdelay $0x2  }
0x381: {  	v16 =	vadd.f32 v22, v37  }
0x382: {  	[tilespmem:v17+s24+$0x0] =	vst.idx.msk $0xffff, v20  }
0x383: {  	v20 =	vadd.f32 v24, v37;
	[tilespmem:v19+s24+$0x0] =	vst.idx.msk $0xffff, v16  }
0x384: {  	v22 =	vadd.f32 v25, v33;
	[tilespmem:v21+s24+$0x0] =	vst.idx.msk $0xffff, v18  }
0x385: {  	[tilespmem:v23+s24+$0x0] =	vst.idx.msk $0xffff, v20  }
0x386: {  	v29 =	vld [tilespmem:$0x1F4A0];
	[tilespmem:v15+s24+$0x0] =	vst.idx.msk $0xffff, v22  }
0x387: {  	v10 =	vld [tilespmem:$0x1700]  }
0x388: {  	v11 =	vld [tilespmem:$0x1710]  }
0x389: {  	v12 =	vld [tilespmem:$0x1720]  }
0x38a: {  	v13 =	vld [tilespmem:$0x1730]  }
0x38b: {  	v14 =	vld [tilespmem:$0x1740]  }
0x38c: {  	v15 =	vld [tilespmem:$0x1750]  }
0x38d: {  	v16 =	vld [tilespmem:$0x1760]  }
0x38e: {  	v17 =	vld [tilespmem:$0x1770]  }
0x38f: {  	v18 =	vld [tilespmem:$0x1780]  }
0x390: {  	v19 =	vld [tilespmem:$0x1790]  }
0x391: {  	v20 =	vld [tilespmem:$0x17A0]  }
0x392: {  	v21 =	vld [tilespmem:$0x17B0]  }
0x393: {  	v22 =	vld [tilespmem:$0x17C0]  }
0x394: {  	v23 =	vld [tilespmem:$0x17D0]  }
0x395: {  	v24 =	vld [tilespmem:$0x17E0];
	v10 =	vadd.f32 v10, v37  }
0x396: {  	v25 =	vld [tilespmem:$0x17F0]  }
0x397: {  	[tilespmem:v29+s24+$0x0] =	vst.idx.msk $0xffff, v10;
	v10 =	vadd.f32 v12, v37;
	v12 =	vld [tilespmem:$0x1F4B0];
	_ =	sdelay $0x5  }
0x398: {  	v11 =	vadd.f32 v11, v33;
	_ =	sdelay $0x1  }
0x399: {  	[tilespmem:v12+s24+$0x0] =	vst.idx.msk $0xffff, v11;
	v12 =	vld [tilespmem:$0x1F4C0];
	_ =	sdelay $0x7  }
0x39a: {  	[tilespmem:v12+s24+$0x0] =	vst.idx.msk $0xffff, v10;
	v12 =	vld [tilespmem:$0x1F4D0];
	_ =	sdelay $0x5  }
0x39b: {  	v11 =	vadd.f32 v13, v33;
	_ =	sdelay $0x1  }
0x39c: {  	[tilespmem:v12+s24+$0x0] =	vst.idx.msk $0xffff, v11;
	v12 =	vld [tilespmem:$0x1F4E0];
	_ =	sdelay $0x5  }
0x39d: {  	v10 =	vadd.f32 v14, v37;
	_ =	sdelay $0x1  }
0x39e: {  	[tilespmem:v12+s24+$0x0] =	vst.idx.msk $0xffff, v10;
	v10 =	vadd.f32 v16, v37;
	v16 =	vld [tilespmem:$0x1F4F0];
	_ =	sdelay $0x5  }
0x39f: {  	v11 =	vadd.f32 v15, v33;
	_ =	sdelay $0x1  }
0x3a0: {  	[tilespmem:v16+s24+$0x0] =	vst.idx.msk $0xffff, v11;
	v16 =	vadd.f32 v17, v33;
	v17 =	vld [tilespmem:$0x1F500];
	_ =	sdelay $0x7  }
0x3a1: {  	[tilespmem:v17+s24+$0x0] =	vst.idx.msk $0xffff, v10;
	v10 =	vadd.f32 v18, v37;
	v18 =	vld [tilespmem:$0x1F510];
	_ =	sdelay $0x6  }
0x3a2: {  	v17 =	vld [tilespmem:$0x1F520]  }
0x3a3: {  	[tilespmem:v18+s24+$0x0] =	vst.idx.msk $0xffff, v16;
	v16 =	vadd.f32 v19, v33;
	v19 =	vld [tilespmem:$0x1F530]  }
0x3a4: {  	v18 =	vadd.f32 v20, v37;
	v20 =	vadd.f32 v21, v33;
	v21 =	vld [tilespmem:$0x1F540];
	_ =	sdelay $0x5  }
0x3a5: {  	[tilespmem:v17+s24+$0x0] =	vst.idx.msk $0xffff, v10;
	v17 =	vld [tilespmem:$0x1F550]  }
0x3a6: {  	[tilespmem:v19+s24+$0x0] =	vst.idx.msk $0xffff, v16;
	v19 =	vld [tilespmem:$0x1F560]  }
0x3a7: {  	[tilespmem:v21+s24+$0x0] =	vst.idx.msk $0xffff, v18;
	v21 =	vld [tilespmem:$0x1F570]  }
0x3a8: {  	v18 =	vadd.f32 v23, v33;
	v23 =	vld [tilespmem:$0x1F580]  }
0x3a9: {  	v15 =	vld [tilespmem:$0x1F590];
	_ =	sdelay $0x2  }
0x3aa: {  	v16 =	vadd.f32 v22, v37  }
0x3ab: {  	[tilespmem:v17+s24+$0x0] =	vst.idx.msk $0xffff, v20  }
0x3ac: {  	v20 =	vadd.f32 v24, v37;
	[tilespmem:v19+s24+$0x0] =	vst.idx.msk $0xffff, v16  }
0x3ad: {  	v22 =	vadd.f32 v25, v33;
	[tilespmem:v21+s24+$0x0] =	vst.idx.msk $0xffff, v18  }
0x3ae: {  	[tilespmem:v23+s24+$0x0] =	vst.idx.msk $0xffff, v20  }
0x3af: {  	v29 =	vld [tilespmem:$0x1F5A0];
	[tilespmem:v15+s24+$0x0] =	vst.idx.msk $0xffff, v22  }
0x3b0: {  	v10 =	vld [tilespmem:$0x1800]  }
0x3b1: {  	v11 =	vld [tilespmem:$0x1810]  }
0x3b2: {  	v12 =	vld [tilespmem:$0x1820]  }
0x3b3: {  	v13 =	vld [tilespmem:$0x1830]  }
0x3b4: {  	v14 =	vld [tilespmem:$0x1840]  }
0x3b5: {  	v15 =	vld [tilespmem:$0x1850]  }
0x3b6: {  	v16 =	vld [tilespmem:$0x1860]  }
0x3b7: {  	v17 =	vld [tilespmem:$0x1870]  }
0x3b8: {  	v18 =	vld [tilespmem:$0x1880]  }
0x3b9: {  	v19 =	vld [tilespmem:$0x1890]  }
0x3ba: {  	v20 =	vld [tilespmem:$0x18A0]  }
0x3bb: {  	v21 =	vld [tilespmem:$0x18B0]  }
0x3bc: {  	v22 =	vld [tilespmem:$0x18C0]  }
0x3bd: {  	v23 =	vld [tilespmem:$0x18D0]  }
0x3be: {  	v24 =	vld [tilespmem:$0x18E0];
	v10 =	vadd.f32 v10, v37  }
0x3bf: {  	v25 =	vld [tilespmem:$0x18F0]  }
0x3c0: {  	[tilespmem:v29+s24+$0x0] =	vst.idx.msk $0xffff, v10;
	v10 =	vadd.f32 v12, v37;
	v12 =	vld [tilespmem:$0x1F5B0];
	_ =	sdelay $0x5  }
0x3c1: {  	v11 =	vadd.f32 v11, v33;
	_ =	sdelay $0x1  }
0x3c2: {  	[tilespmem:v12+s24+$0x0] =	vst.idx.msk $0xffff, v11;
	v12 =	vld [tilespmem:$0x1F5C0];
	_ =	sdelay $0x7  }
0x3c3: {  	[tilespmem:v12+s24+$0x0] =	vst.idx.msk $0xffff, v10;
	v12 =	vld [tilespmem:$0x1F5D0];
	_ =	sdelay $0x5  }
0x3c4: {  	v11 =	vadd.f32 v13, v33;
	_ =	sdelay $0x1  }
0x3c5: {  	[tilespmem:v12+s24+$0x0] =	vst.idx.msk $0xffff, v11;
	v12 =	vld [tilespmem:$0x1F5E0];
	_ =	sdelay $0x5  }
0x3c6: {  	v10 =	vadd.f32 v14, v37;
	_ =	sdelay $0x1  }
0x3c7: {  	[tilespmem:v12+s24+$0x0] =	vst.idx.msk $0xffff, v10;
	v10 =	vadd.f32 v16, v37;
	v16 =	vld [tilespmem:$0x1F5F0];
	_ =	sdelay $0x5  }
0x3c8: {  	v11 =	vadd.f32 v15, v33;
	_ =	sdelay $0x1  }
0x3c9: {  	[tilespmem:v16+s24+$0x0] =	vst.idx.msk $0xffff, v11;
	v16 =	vadd.f32 v17, v33;
	v17 =	vld [tilespmem:$0x1F600];
	_ =	sdelay $0x7  }
0x3ca: {  	[tilespmem:v17+s24+$0x0] =	vst.idx.msk $0xffff, v10;
	v10 =	vadd.f32 v18, v37;
	v18 =	vld [tilespmem:$0x1F610];
	_ =	sdelay $0x6  }
0x3cb: {  	v17 =	vld [tilespmem:$0x1F620]  }
0x3cc: {  	[tilespmem:v18+s24+$0x0] =	vst.idx.msk $0xffff, v16;
	v16 =	vadd.f32 v19, v33;
	v19 =	vld [tilespmem:$0x1F630]  }
0x3cd: {  	v18 =	vadd.f32 v20, v37;
	v20 =	vadd.f32 v21, v33;
	v21 =	vld [tilespmem:$0x1F640];
	_ =	sdelay $0x5  }
0x3ce: {  	[tilespmem:v17+s24+$0x0] =	vst.idx.msk $0xffff, v10;
	v17 =	vld [tilespmem:$0x1F650]  }
0x3cf: {  	[tilespmem:v19+s24+$0x0] =	vst.idx.msk $0xffff, v16;
	v19 =	vld [tilespmem:$0x1F660]  }
0x3d0: {  	[tilespmem:v21+s24+$0x0] =	vst.idx.msk $0xffff, v18;
	v21 =	vld [tilespmem:$0x1F670]  }
0x3d1: {  	v18 =	vadd.f32 v23, v33;
	v23 =	vld [tilespmem:$0x1F680]  }
0x3d2: {  	v15 =	vld [tilespmem:$0x1F690];
	_ =	sdelay $0x2  }
0x3d3: {  	v16 =	vadd.f32 v22, v37  }
0x3d4: {  	[tilespmem:v17+s24+$0x0] =	vst.idx.msk $0xffff, v20  }
0x3d5: {  	v20 =	vadd.f32 v24, v37;
	[tilespmem:v19+s24+$0x0] =	vst.idx.msk $0xffff, v16  }
0x3d6: {  	v22 =	vadd.f32 v25, v33;
	[tilespmem:v21+s24+$0x0] =	vst.idx.msk $0xffff, v18  }
0x3d7: {  	[tilespmem:v23+s24+$0x0] =	vst.idx.msk $0xffff, v20  }
0x3d8: {  	v29 =	vld [tilespmem:$0x1F6A0];
	[tilespmem:v15+s24+$0x0] =	vst.idx.msk $0xffff, v22  }
0x3d9: {  	v10 =	vld [tilespmem:$0x1900]  }
0x3da: {  	v11 =	vld [tilespmem:$0x1910]  }
0x3db: {  	v12 =	vld [tilespmem:$0x1920]  }
0x3dc: {  	v13 =	vld [tilespmem:$0x1930]  }
0x3dd: {  	v14 =	vld [tilespmem:$0x1940]  }
0x3de: {  	v15 =	vld [tilespmem:$0x1950]  }
0x3df: {  	v16 =	vld [tilespmem:$0x1960]  }
0x3e0: {  	v17 =	vld [tilespmem:$0x1970]  }
0x3e1: {  	v18 =	vld [tilespmem:$0x1980]  }
0x3e2: {  	v19 =	vld [tilespmem:$0x1990]  }
0x3e3: {  	v20 =	vld [tilespmem:$0x19A0]  }
0x3e4: {  	v21 =	vld [tilespmem:$0x19B0]  }
0x3e5: {  	v22 =	vld [tilespmem:$0x19C0]  }
0x3e6: {  	v23 =	vld [tilespmem:$0x19D0]  }
0x3e7: {  	v24 =	vld [tilespmem:$0x19E0];
	v10 =	vadd.f32 v10, v37  }
0x3e8: {  	v25 =	vld [tilespmem:$0x19F0]  }
0x3e9: {  	[tilespmem:v29+s24+$0x0] =	vst.idx.msk $0xffff, v10;
	v10 =	vadd.f32 v12, v37;
	v12 =	vld [tilespmem:$0x1F6B0];
	_ =	sdelay $0x5  }
0x3ea: {  	v11 =	vadd.f32 v11, v33;
	_ =	sdelay $0x1  }
0x3eb: {  	[tilespmem:v12+s24+$0x0] =	vst.idx.msk $0xffff, v11;
	v12 =	vld [tilespmem:$0x1F6C0];
	_ =	sdelay $0x7  }
0x3ec: {  	[tilespmem:v12+s24+$0x0] =	vst.idx.msk $0xffff, v10;
	v12 =	vld [tilespmem:$0x1F6D0];
	_ =	sdelay $0x5  }
0x3ed: {  	v11 =	vadd.f32 v13, v33;
	_ =	sdelay $0x1  }
0x3ee: {  	[tilespmem:v12+s24+$0x0] =	vst.idx.msk $0xffff, v11;
	v12 =	vld [tilespmem:$0x1F6E0];
	_ =	sdelay $0x5  }
0x3ef: {  	v10 =	vadd.f32 v14, v37;
	_ =	sdelay $0x1  }
0x3f0: {  	[tilespmem:v12+s24+$0x0] =	vst.idx.msk $0xffff, v10;
	v10 =	vadd.f32 v16, v37;
	v16 =	vld [tilespmem:$0x1F6F0];
	_ =	sdelay $0x5  }
0x3f1: {  	v11 =	vadd.f32 v15, v33;
	_ =	sdelay $0x1  }
0x3f2: {  	[tilespmem:v16+s24+$0x0] =	vst.idx.msk $0xffff, v11;
	v16 =	vadd.f32 v17, v33;
	v17 =	vld [tilespmem:$0x1F700];
	_ =	sdelay $0x7  }
0x3f3: {  	[tilespmem:v17+s24+$0x0] =	vst.idx.msk $0xffff, v10;
	v10 =	vadd.f32 v18, v37;
	v18 =	vld [tilespmem:$0x1F710];
	_ =	sdelay $0x6  }
0x3f4: {  	v17 =	vld [tilespmem:$0x1F720]  }
0x3f5: {  	[tilespmem:v18+s24+$0x0] =	vst.idx.msk $0xffff, v16;
	v16 =	vadd.f32 v19, v33;
	v19 =	vld [tilespmem:$0x1F730]  }
0x3f6: {  	v18 =	vadd.f32 v20, v37;
	v20 =	vadd.f32 v21, v33;
	v21 =	vld [tilespmem:$0x1F740];
	_ =	sdelay $0x5  }
0x3f7: {  	[tilespmem:v17+s24+$0x0] =	vst.idx.msk $0xffff, v10;
	v17 =	vld [tilespmem:$0x1F750]  }
0x3f8: {  	[tilespmem:v19+s24+$0x0] =	vst.idx.msk $0xffff, v16;
	v19 =	vld [tilespmem:$0x1F760]  }
0x3f9: {  	[tilespmem:v21+s24+$0x0] =	vst.idx.msk $0xffff, v18;
	v21 =	vld [tilespmem:$0x1F770]  }
0x3fa: {  	v18 =	vadd.f32 v23, v33;
	v23 =	vld [tilespmem:$0x1F780]  }
0x3fb: {  	v15 =	vld [tilespmem:$0x1F790];
	_ =	sdelay $0x2  }
0x3fc: {  	v16 =	vadd.f32 v22, v37  }
0x3fd: {  	[tilespmem:v17+s24+$0x0] =	vst.idx.msk $0xffff, v20  }
0x3fe: {  	v20 =	vadd.f32 v24, v37;
	[tilespmem:v19+s24+$0x0] =	vst.idx.msk $0xffff, v16  }
0x3ff: {  	v22 =	vadd.f32 v25, v33;
	[tilespmem:v21+s24+$0x0] =	vst.idx.msk $0xffff, v18  }
0x400: {  	[tilespmem:v23+s24+$0x0] =	vst.idx.msk $0xffff, v20  }
0x401: {  	v29 =	vld [tilespmem:$0x1F7A0];
	[tilespmem:v15+s24+$0x0] =	vst.idx.msk $0xffff, v22  }
0x402: {  	v10 =	vld [tilespmem:$0x1A00]  }
0x403: {  	v11 =	vld [tilespmem:$0x1A10]  }
0x404: {  	v12 =	vld [tilespmem:$0x1A20]  }
0x405: {  	v13 =	vld [tilespmem:$0x1A30]  }
0x406: {  	v14 =	vld [tilespmem:$0x1A40]  }
0x407: {  	v15 =	vld [tilespmem:$0x1A50]  }
0x408: {  	v16 =	vld [tilespmem:$0x1A60]  }
0x409: {  	v17 =	vld [tilespmem:$0x1A70]  }
0x40a: {  	v18 =	vld [tilespmem:$0x1A80]  }
0x40b: {  	v19 =	vld [tilespmem:$0x1A90]  }
0x40c: {  	v20 =	vld [tilespmem:$0x1AA0]  }
0x40d: {  	v21 =	vld [tilespmem:$0x1AB0]  }
0x40e: {  	v22 =	vld [tilespmem:$0x1AC0]  }
0x40f: {  	v23 =	vld [tilespmem:$0x1AD0]  }
0x410: {  	v24 =	vld [tilespmem:$0x1AE0];
	v10 =	vadd.f32 v10, v37  }
0x411: {  	v25 =	vld [tilespmem:$0x1AF0]  }
0x412: {  	[tilespmem:v29+s24+$0x0] =	vst.idx.msk $0xffff, v10;
	v10 =	vadd.f32 v12, v37;
	v12 =	vld [tilespmem:$0x1F7B0];
	_ =	sdelay $0x5  }
0x413: {  	v11 =	vadd.f32 v11, v33;
	_ =	sdelay $0x1  }
0x414: {  	[tilespmem:v12+s24+$0x0] =	vst.idx.msk $0xffff, v11;
	v12 =	vld [tilespmem:$0x1F7C0];
	_ =	sdelay $0x7  }
0x415: {  	[tilespmem:v12+s24+$0x0] =	vst.idx.msk $0xffff, v10;
	v12 =	vld [tilespmem:$0x1F7D0];
	_ =	sdelay $0x5  }
0x416: {  	v11 =	vadd.f32 v13, v33;
	_ =	sdelay $0x1  }
0x417: {  	[tilespmem:v12+s24+$0x0] =	vst.idx.msk $0xffff, v11;
	v12 =	vld [tilespmem:$0x1F7E0];
	_ =	sdelay $0x5  }
0x418: {  	v10 =	vadd.f32 v14, v37;
	_ =	sdelay $0x1  }
0x419: {  	[tilespmem:v12+s24+$0x0] =	vst.idx.msk $0xffff, v10;
	v10 =	vadd.f32 v16, v37;
	v16 =	vld [tilespmem:$0x1F7F0];
	_ =	sdelay $0x5  }
0x41a: {  	v11 =	vadd.f32 v15, v33;
	_ =	sdelay $0x1  }
0x41b: {  	[tilespmem:v16+s24+$0x0] =	vst.idx.msk $0xffff, v11;
	v16 =	vadd.f32 v17, v33;
	v17 =	vld [tilespmem:$0x1F800];
	_ =	sdelay $0x7  }
0x41c: {  	[tilespmem:v17+s24+$0x0] =	vst.idx.msk $0xffff, v10;
	v10 =	vadd.f32 v18, v37;
	v18 =	vld [tilespmem:$0x1F810];
	_ =	sdelay $0x6  }
0x41d: {  	v17 =	vld [tilespmem:$0x1F820]  }
0x41e: {  	[tilespmem:v18+s24+$0x0] =	vst.idx.msk $0xffff, v16;
	v16 =	vadd.f32 v19, v33;
	v19 =	vld [tilespmem:$0x1F830]  }
0x41f: {  	v18 =	vadd.f32 v20, v37;
	v20 =	vadd.f32 v21, v33;
	v21 =	vld [tilespmem:$0x1F840];
	_ =	sdelay $0x5  }
0x420: {  	[tilespmem:v17+s24+$0x0] =	vst.idx.msk $0xffff, v10;
	v17 =	vld [tilespmem:$0x1F850]  }
0x421: {  	[tilespmem:v19+s24+$0x0] =	vst.idx.msk $0xffff, v16;
	v19 =	vld [tilespmem:$0x1F860]  }
0x422: {  	[tilespmem:v21+s24+$0x0] =	vst.idx.msk $0xffff, v18;
	v21 =	vld [tilespmem:$0x1F870]  }
0x423: {  	v18 =	vadd.f32 v23, v33;
	v23 =	vld [tilespmem:$0x1F880]  }
0x424: {  	v15 =	vld [tilespmem:$0x1F890];
	_ =	sdelay $0x2  }
0x425: {  	v16 =	vadd.f32 v22, v37  }
0x426: {  	[tilespmem:v17+s24+$0x0] =	vst.idx.msk $0xffff, v20  }
0x427: {  	v20 =	vadd.f32 v24, v37;
	[tilespmem:v19+s24+$0x0] =	vst.idx.msk $0xffff, v16  }
0x428: {  	v22 =	vadd.f32 v25, v33;
	[tilespmem:v21+s24+$0x0] =	vst.idx.msk $0xffff, v18  }
0x429: {  	[tilespmem:v23+s24+$0x0] =	vst.idx.msk $0xffff, v20  }
0x42a: {  	v29 =	vld [tilespmem:$0x1F8A0];
	[tilespmem:v15+s24+$0x0] =	vst.idx.msk $0xffff, v22  }
0x42b: {  	v10 =	vld [tilespmem:$0x1B00]  }
0x42c: {  	v11 =	vld [tilespmem:$0x1B10]  }
0x42d: {  	v12 =	vld [tilespmem:$0x1B20]  }
0x42e: {  	v13 =	vld [tilespmem:$0x1B30]  }
0x42f: {  	v14 =	vld [tilespmem:$0x1B40]  }
0x430: {  	v15 =	vld [tilespmem:$0x1B50]  }
0x431: {  	v16 =	vld [tilespmem:$0x1B60]  }
0x432: {  	v17 =	vld [tilespmem:$0x1B70]  }
0x433: {  	v18 =	vld [tilespmem:$0x1B80]  }
0x434: {  	v19 =	vld [tilespmem:$0x1B90]  }
0x435: {  	v20 =	vld [tilespmem:$0x1BA0]  }
0x436: {  	v21 =	vld [tilespmem:$0x1BB0]  }
0x437: {  	v22 =	vld [tilespmem:$0x1BC0]  }
0x438: {  	v23 =	vld [tilespmem:$0x1BD0]  }
0x439: {  	v24 =	vld [tilespmem:$0x1BE0];
	v10 =	vadd.f32 v10, v37  }
0x43a: {  	v25 =	vld [tilespmem:$0x1BF0]  }
0x43b: {  	[tilespmem:v29+s24+$0x0] =	vst.idx.msk $0xffff, v10;
	v10 =	vadd.f32 v12, v37;
	v12 =	vld [tilespmem:$0x1F8B0];
	_ =	sdelay $0x5  }
0x43c: {  	v11 =	vadd.f32 v11, v33;
	_ =	sdelay $0x1  }
0x43d: {  	[tilespmem:v12+s24+$0x0] =	vst.idx.msk $0xffff, v11;
	v12 =	vld [tilespmem:$0x1F8C0];
	_ =	sdelay $0x7  }
0x43e: {  	[tilespmem:v12+s24+$0x0] =	vst.idx.msk $0xffff, v10;
	v12 =	vld [tilespmem:$0x1F8D0];
	_ =	sdelay $0x5  }
0x43f: {  	v11 =	vadd.f32 v13, v33;
	_ =	sdelay $0x1  }
0x440: {  	[tilespmem:v12+s24+$0x0] =	vst.idx.msk $0xffff, v11;
	v12 =	vld [tilespmem:$0x1F8E0];
	_ =	sdelay $0x5  }
0x441: {  	v10 =	vadd.f32 v14, v37;
	_ =	sdelay $0x1  }
0x442: {  	[tilespmem:v12+s24+$0x0] =	vst.idx.msk $0xffff, v10;
	v10 =	vadd.f32 v16, v37;
	v16 =	vld [tilespmem:$0x1F8F0];
	_ =	sdelay $0x5  }
0x443: {  	v11 =	vadd.f32 v15, v33;
	_ =	sdelay $0x1  }
0x444: {  	[tilespmem:v16+s24+$0x0] =	vst.idx.msk $0xffff, v11;
	v16 =	vadd.f32 v17, v33;
	v17 =	vld [tilespmem:$0x1F900];
	_ =	sdelay $0x7  }
0x445: {  	[tilespmem:v17+s24+$0x0] =	vst.idx.msk $0xffff, v10;
	v10 =	vadd.f32 v18, v37;
	v18 =	vld [tilespmem:$0x1F910];
	_ =	sdelay $0x6  }
0x446: {  	v17 =	vld [tilespmem:$0x1F920]  }
0x447: {  	[tilespmem:v18+s24+$0x0] =	vst.idx.msk $0xffff, v16;
	v16 =	vadd.f32 v19, v33;
	v19 =	vld [tilespmem:$0x1F930]  }
0x448: {  	v18 =	vadd.f32 v20, v37;
	v20 =	vadd.f32 v21, v33;
	v21 =	vld [tilespmem:$0x1F940];
	_ =	sdelay $0x5  }
0x449: {  	[tilespmem:v17+s24+$0x0] =	vst.idx.msk $0xffff, v10;
	v17 =	vld [tilespmem:$0x1F950]  }
0x44a: {  	[tilespmem:v19+s24+$0x0] =	vst.idx.msk $0xffff, v16;
	v19 =	vld [tilespmem:$0x1F960]  }
0x44b: {  	[tilespmem:v21+s24+$0x0] =	vst.idx.msk $0xffff, v18;
	v21 =	vld [tilespmem:$0x1F970]  }
0x44c: {  	v18 =	vadd.f32 v23, v33;
	v23 =	vld [tilespmem:$0x1F980]  }
0x44d: {  	v15 =	vld [tilespmem:$0x1F990];
	_ =	sdelay $0x2  }
0x44e: {  	v16 =	vadd.f32 v22, v37  }
0x44f: {  	[tilespmem:v17+s24+$0x0] =	vst.idx.msk $0xffff, v20  }
0x450: {  	v20 =	vadd.f32 v24, v37;
	[tilespmem:v19+s24+$0x0] =	vst.idx.msk $0xffff, v16  }
0x451: {  	v22 =	vadd.f32 v25, v33;
	[tilespmem:v21+s24+$0x0] =	vst.idx.msk $0xffff, v18  }
0x452: {  	[tilespmem:v23+s24+$0x0] =	vst.idx.msk $0xffff, v20  }
0x453: {  	v29 =	vld [tilespmem:$0x1F9A0];
	[tilespmem:v15+s24+$0x0] =	vst.idx.msk $0xffff, v22  }
0x454: {  	v10 =	vld [tilespmem:$0x1C00]  }
0x455: {  	v11 =	vld [tilespmem:$0x1C10]  }
0x456: {  	v12 =	vld [tilespmem:$0x1C20]  }
0x457: {  	v13 =	vld [tilespmem:$0x1C30]  }
0x458: {  	v14 =	vld [tilespmem:$0x1C40]  }
0x459: {  	v15 =	vld [tilespmem:$0x1C50]  }
0x45a: {  	v16 =	vld [tilespmem:$0x1C60]  }
0x45b: {  	v17 =	vld [tilespmem:$0x1C70]  }
0x45c: {  	v18 =	vld [tilespmem:$0x1C80]  }
0x45d: {  	v19 =	vld [tilespmem:$0x1C90]  }
0x45e: {  	v20 =	vld [tilespmem:$0x1CA0]  }
0x45f: {  	v21 =	vld [tilespmem:$0x1CB0]  }
0x460: {  	v22 =	vld [tilespmem:$0x1CC0]  }
0x461: {  	v23 =	vld [tilespmem:$0x1CD0]  }
0x462: {  	v24 =	vld [tilespmem:$0x1CE0];
	v10 =	vadd.f32 v10, v37  }
0x463: {  	v25 =	vld [tilespmem:$0x1CF0]  }
0x464: {  	[tilespmem:v29+s24+$0x0] =	vst.idx.msk $0xffff, v10;
	v10 =	vadd.f32 v12, v37;
	v12 =	vld [tilespmem:$0x1F9B0];
	_ =	sdelay $0x5  }
0x465: {  	v11 =	vadd.f32 v11, v33;
	_ =	sdelay $0x1  }
0x466: {  	[tilespmem:v12+s24+$0x0] =	vst.idx.msk $0xffff, v11;
	v12 =	vld [tilespmem:$0x1F9C0];
	_ =	sdelay $0x7  }
0x467: {  	[tilespmem:v12+s24+$0x0] =	vst.idx.msk $0xffff, v10;
	v12 =	vld [tilespmem:$0x1F9D0];
	_ =	sdelay $0x5  }
0x468: {  	v11 =	vadd.f32 v13, v33;
	_ =	sdelay $0x1  }
0x469: {  	[tilespmem:v12+s24+$0x0] =	vst.idx.msk $0xffff, v11;
	v12 =	vld [tilespmem:$0x1F9E0];
	_ =	sdelay $0x5  }
0x46a: {  	v10 =	vadd.f32 v14, v37;
	_ =	sdelay $0x1  }
0x46b: {  	[tilespmem:v12+s24+$0x0] =	vst.idx.msk $0xffff, v10;
	v10 =	vadd.f32 v16, v37;
	v16 =	vld [tilespmem:$0x1F9F0];
	_ =	sdelay $0x5  }
0x46c: {  	v11 =	vadd.f32 v15, v33;
	_ =	sdelay $0x1  }
0x46d: {  	[tilespmem:v16+s24+$0x0] =	vst.idx.msk $0xffff, v11;
	v16 =	vadd.f32 v17, v33;
	v17 =	vld [tilespmem:$0x1FA00];
	_ =	sdelay $0x7  }
0x46e: {  	[tilespmem:v17+s24+$0x0] =	vst.idx.msk $0xffff, v10;
	v10 =	vadd.f32 v18, v37;
	v18 =	vld [tilespmem:$0x1FA10];
	_ =	sdelay $0x6  }
0x46f: {  	v17 =	vld [tilespmem:$0x1FA20]  }
0x470: {  	[tilespmem:v18+s24+$0x0] =	vst.idx.msk $0xffff, v16;
	v16 =	vadd.f32 v19, v33;
	v19 =	vld [tilespmem:$0x1FA30]  }
0x471: {  	v18 =	vadd.f32 v20, v37;
	v20 =	vadd.f32 v21, v33;
	v21 =	vld [tilespmem:$0x1FA40];
	_ =	sdelay $0x5  }
0x472: {  	[tilespmem:v17+s24+$0x0] =	vst.idx.msk $0xffff, v10;
	v17 =	vld [tilespmem:$0x1FA50]  }
0x473: {  	[tilespmem:v19+s24+$0x0] =	vst.idx.msk $0xffff, v16;
	v19 =	vld [tilespmem:$0x1FA60]  }
0x474: {  	[tilespmem:v21+s24+$0x0] =	vst.idx.msk $0xffff, v18;
	v21 =	vld [tilespmem:$0x1FA70]  }
0x475: {  	v18 =	vadd.f32 v23, v33;
	v23 =	vld [tilespmem:$0x1FA80]  }
0x476: {  	v15 =	vld [tilespmem:$0x1FA90];
	_ =	sdelay $0x2  }
0x477: {  	v16 =	vadd.f32 v22, v37  }
0x478: {  	[tilespmem:v17+s24+$0x0] =	vst.idx.msk $0xffff, v20  }
0x479: {  	v20 =	vadd.f32 v24, v37;
	[tilespmem:v19+s24+$0x0] =	vst.idx.msk $0xffff, v16  }
0x47a: {  	v22 =	vadd.f32 v25, v33;
	[tilespmem:v21+s24+$0x0] =	vst.idx.msk $0xffff, v18  }
0x47b: {  	[tilespmem:v23+s24+$0x0] =	vst.idx.msk $0xffff, v20  }
0x47c: {  	v29 =	vld [tilespmem:$0x1FAA0];
	[tilespmem:v15+s24+$0x0] =	vst.idx.msk $0xffff, v22  }
0x47d: {  	v10 =	vld [tilespmem:$0x1D00]  }
0x47e: {  	v11 =	vld [tilespmem:$0x1D10]  }
0x47f: {  	v12 =	vld [tilespmem:$0x1D20]  }
0x480: {  	v13 =	vld [tilespmem:$0x1D30]  }
0x481: {  	v14 =	vld [tilespmem:$0x1D40]  }
0x482: {  	v15 =	vld [tilespmem:$0x1D50]  }
0x483: {  	v16 =	vld [tilespmem:$0x1D60]  }
0x484: {  	v17 =	vld [tilespmem:$0x1D70]  }
0x485: {  	v18 =	vld [tilespmem:$0x1D80]  }
0x486: {  	v19 =	vld [tilespmem:$0x1D90]  }
0x487: {  	v20 =	vld [tilespmem:$0x1DA0]  }
0x488: {  	v21 =	vld [tilespmem:$0x1DB0]  }
0x489: {  	v22 =	vld [tilespmem:$0x1DC0]  }
0x48a: {  	v23 =	vld [tilespmem:$0x1DD0]  }
0x48b: {  	v24 =	vld [tilespmem:$0x1DE0];
	v10 =	vadd.f32 v10, v37  }
0x48c: {  	v25 =	vld [tilespmem:$0x1DF0]  }
0x48d: {  	[tilespmem:v29+s24+$0x0] =	vst.idx.msk $0xffff, v10;
	v10 =	vadd.f32 v12, v37;
	v12 =	vld [tilespmem:$0x1FAB0];
	_ =	sdelay $0x5  }
0x48e: {  	v11 =	vadd.f32 v11, v33;
	_ =	sdelay $0x1  }
0x48f: {  	[tilespmem:v12+s24+$0x0] =	vst.idx.msk $0xffff, v11;
	v12 =	vld [tilespmem:$0x1FAC0];
	_ =	sdelay $0x7  }
0x490: {  	[tilespmem:v12+s24+$0x0] =	vst.idx.msk $0xffff, v10;
	v12 =	vld [tilespmem:$0x1FAD0];
	_ =	sdelay $0x5  }
0x491: {  	v11 =	vadd.f32 v13, v33;
	_ =	sdelay $0x1  }
0x492: {  	[tilespmem:v12+s24+$0x0] =	vst.idx.msk $0xffff, v11;
	v12 =	vld [tilespmem:$0x1FAE0];
	_ =	sdelay $0x5  }
0x493: {  	v10 =	vadd.f32 v14, v37;
	_ =	sdelay $0x1  }
0x494: {  	[tilespmem:v12+s24+$0x0] =	vst.idx.msk $0xffff, v10;
	v10 =	vadd.f32 v16, v37;
	v16 =	vld [tilespmem:$0x1FAF0];
	_ =	sdelay $0x5  }
0x495: {  	v11 =	vadd.f32 v15, v33;
	_ =	sdelay $0x1  }
0x496: {  	[tilespmem:v16+s24+$0x0] =	vst.idx.msk $0xffff, v11;
	v11 =	vadd.f32 v17, v33;
	v17 =	vld [tilespmem:$0x1FB00];
	_ =	sdelay $0x6  }
0x497: {  	v16 =	vld [tilespmem:$0x1FB10]  }
0x498: {  	[tilespmem:v17+s24+$0x0] =	vst.idx.msk $0xffff, v10;
	v10 =	vadd.f32 v18, v37;
	v17 =	vadd.f32 v19, v33;
	v18 =	vld [tilespmem:$0x1FB20]  }
0x499: {  	v19 =	vadd.f32 v20, v37;
	v20 =	vadd.f32 v21, v33;
	v21 =	vld [tilespmem:$0x1FB30];
	_ =	sdelay $0x5  }
0x49a: {  	[tilespmem:v16+s24+$0x0] =	vst.idx.msk $0xffff, v11  }
0x49b: {  	[tilespmem:v18+s24+$0x0] =	vst.idx.msk $0xffff, v10  }
0x49c: {  	[tilespmem:v21+s24+$0x0] =	vst.idx.msk $0xffff, v17;
	v17 =	vld [tilespmem:$0x1FB40];
	_ =	sdelay $0x7  }
0x49d: {  	[tilespmem:v17+s24+$0x0] =	vst.idx.msk $0xffff, v19;
	v19 =	vld [tilespmem:$0x1FB50]  }
0x49e: {  	v21 =	vld [tilespmem:$0x1FB60]  }
0x49f: {  	v18 =	vadd.f32 v23, v33;
	v23 =	vld [tilespmem:$0x1FB70]  }
0x4a0: {  	v14 =	vld [tilespmem:$0x1FB80]  }
0x4a1: {  	v15 =	vld [tilespmem:$0x1FB90];
	_ =	sdelay $0x2  }
0x4a2: {  	v16 =	vadd.f32 v22, v37  }
0x4a3: {  	[tilespmem:v19+s24+$0x0] =	vst.idx.msk $0xffff, v20  }
0x4a4: {  	v20 =	vadd.f32 v24, v37;
	[tilespmem:v21+s24+$0x0] =	vst.idx.msk $0xffff, v16  }
0x4a5: {  	v22 =	vadd.f32 v25, v33;
	[tilespmem:v23+s24+$0x0] =	vst.idx.msk $0xffff, v18  }
0x4a6: {  	[tilespmem:v14+s24+$0x0] =	vst.idx.msk $0xffff, v20  }
0x4a7: {  	v29 =	vld [tilespmem:$0x1FBA0];
	[tilespmem:v15+s24+$0x0] =	vst.idx.msk $0xffff, v22  }
0x4a8: {  	v10 =	vld [tilespmem:$0x1E00]  }
0x4a9: {  	v11 =	vld [tilespmem:$0x1E10]  }
0x4aa: {  	v12 =	vld [tilespmem:$0x1E20]  }
0x4ab: {  	v13 =	vld [tilespmem:$0x1E30]  }
0x4ac: {  	v14 =	vld [tilespmem:$0x1E40]  }
0x4ad: {  	v15 =	vld [tilespmem:$0x1E50]  }
0x4ae: {  	v16 =	vld [tilespmem:$0x1E60]  }
0x4af: {  	v17 =	vld [tilespmem:$0x1E70]  }
0x4b0: {  	v18 =	vld [tilespmem:$0x1E80]  }
0x4b1: {  	v19 =	vld [tilespmem:$0x1E90]  }
0x4b2: {  	v20 =	vld [tilespmem:$0x1EA0]  }
0x4b3: {  	v21 =	vld [tilespmem:$0x1EB0]  }
0x4b4: {  	v22 =	vld [tilespmem:$0x1EC0]  }
0x4b5: {  	v23 =	vld [tilespmem:$0x1ED0]  }
0x4b6: {  	v24 =	vld [tilespmem:$0x1EE0];
	v10 =	vadd.f32 v10, v37  }
0x4b7: {  	v25 =	vld [tilespmem:$0x1EF0]  }
0x4b8: {  	[tilespmem:v29+s24+$0x0] =	vst.idx.msk $0xffff, v10;
	v10 =	vadd.f32 v12, v37;
	v12 =	vld [tilespmem:$0x1FBB0];
	_ =	sdelay $0x5  }
0x4b9: {  	v11 =	vadd.f32 v11, v33;
	_ =	sdelay $0x1  }
0x4ba: {  	[tilespmem:v12+s24+$0x0] =	vst.idx.msk $0xffff, v11;
	v12 =	vld [tilespmem:$0x1FBC0];
	_ =	sdelay $0x7  }
0x4bb: {  	[tilespmem:v12+s24+$0x0] =	vst.idx.msk $0xffff, v10;
	v12 =	vld [tilespmem:$0x1FBD0];
	_ =	sdelay $0x5  }
0x4bc: {  	v11 =	vadd.f32 v13, v33;
	_ =	sdelay $0x1  }
0x4bd: {  	[tilespmem:v12+s24+$0x0] =	vst.idx.msk $0xffff, v11;
	v12 =	vld [tilespmem:$0x1FBE0];
	_ =	sdelay $0x5  }
0x4be: {  	v10 =	vadd.f32 v14, v37;
	_ =	sdelay $0x1  }
0x4bf: {  	[tilespmem:v12+s24+$0x0] =	vst.idx.msk $0xffff, v10;
	v10 =	vadd.f32 v16, v37;
	v16 =	vld [tilespmem:$0x1FBF0];
	_ =	sdelay $0x5  }
0x4c0: {  	v11 =	vadd.f32 v15, v33;
	_ =	sdelay $0x1  }
0x4c1: {  	[tilespmem:v16+s24+$0x0] =	vst.idx.msk $0xffff, v11;
	v11 =	vadd.f32 v17, v33;
	v17 =	vld [tilespmem:$0x1FC00];
	_ =	sdelay $0x7  }
0x4c2: {  	v16 =	vadd.f32 v18, v37;
	[tilespmem:v17+s24+$0x0] =	vst.idx.msk $0xffff, v10  }
0x4c3: {  	v17 =	vadd.f32 v19, v33;
	[tilespmem:v30+s24+$0x0] =	vst.idx.msk $0xffff, v11  }
0x4c4: {  	v18 =	vadd.f32 v20, v37;
	[tilespmem:v31+s24+$0x0] =	vst.idx.msk $0xffff, v16  }
0x4c5: {  	v19 =	vadd.f32 v21, v33;
	[tilespmem:v32+s24+$0x0] =	vst.idx.msk $0xffff, v17  }
0x4c6: {  	v20 =	vadd.f32 v22, v37;
	[tilespmem:v34+s24+$0x0] =	vst.idx.msk $0xffff, v18  }
0x4c7: {  	v21 =	vadd.f32 v23, v33;
	[tilespmem:v35+s24+$0x0] =	vst.idx.msk $0xffff, v19  }
0x4c8: {  	v22 =	vadd.f32 v24, v37;
	[tilespmem:v36+s24+$0x0] =	vst.idx.msk $0xffff, v20  }
0x4c9: {  	v23 =	vadd.f32 v25, v33;
	[tilespmem:v38+s24+$0x0] =	vst.idx.msk $0xffff, v21  }
0x4ca: {  	[tilespmem:v39+s24+$0x0] =	vst.idx.msk $0xffff, v22  }
0x4cb: {  	[tilespmem:v40+s24+$0x0] =	vst.idx.msk $0xffff, v23  }
0x4cc: {  	v10 =	vld [tilespmem:$0x1F00]  }
0x4cd: {  	v11 =	vld [tilespmem:$0x1F10]  }
0x4ce: {  	v12 =	vld [tilespmem:$0x1F20]  }
0x4cf: {  	v13 =	vld [tilespmem:$0x1F30]  }
0x4d0: {  	v32 =	vld [tilespmem:$0x1F40]  }
0x4d1: {  	v34 =	vld [tilespmem:$0x1F50]  }
0x4d2: {  	v35 =	vld [tilespmem:$0x1F60]  }
0x4d3: {  	v36 =	vld [tilespmem:$0x1F70]  }
0x4d4: {  	v38 =	vld [tilespmem:$0x1F80]  }
0x4d5: {  	v39 =	vld [tilespmem:$0x1F90]  }
0x4d6: {  	v40 =	vld [tilespmem:$0x1FA0]  }
0x4d7: {  	v21 =	vld [tilespmem:$0x1FB0]  }
0x4d8: {  	v22 =	vld [tilespmem:$0x1FC0]  }
0x4d9: {  	v23 =	vld [tilespmem:$0x1FD0];
	v10 =	vadd.f32 v10, v37  }
0x4da: {  	v24 =	vld [tilespmem:$0x1FE0];
	v11 =	vadd.f32 v11, v33  }
0x4db: {  	v25 =	vld [tilespmem:$0x1FF0];
	v12 =	vadd.f32 v12, v37;
	[tilespmem:v41+s24+$0x0] =	vst.idx.msk $0xffff, v10  }
0x4dc: {  	v13 =	vadd.f32 v13, v33;
	[tilespmem:v42+s24+$0x0] =	vst.idx.msk $0xffff, v11  }
0x4dd: {  	v32 =	vadd.f32 v32, v37;
	[tilespmem:v43+s24+$0x0] =	vst.idx.msk $0xffff, v12  }
0x4de: {  	v34 =	vadd.f32 v34, v33;
	[tilespmem:v44+s24+$0x0] =	vst.idx.msk $0xffff, v13  }
0x4df: {  	v35 =	vadd.f32 v35, v37;
	[tilespmem:v45+s24+$0x0] =	vst.idx.msk $0xffff, v32  }
0x4e0: {  	v36 =	vadd.f32 v36, v33;
	[tilespmem:v46+s24+$0x0] =	vst.idx.msk $0xffff, v34  }
0x4e1: {  	v38 =	vadd.f32 v38, v37;
	[tilespmem:v47+s24+$0x0] =	vst.idx.msk $0xffff, v35  }
0x4e2: {  	v39 =	vadd.f32 v39, v33;
	[tilespmem:v48+s24+$0x0] =	vst.idx.msk $0xffff, v36  }
0x4e3: {  	v40 =	vadd.f32 v40, v37;
	[tilespmem:v49+s24+$0x0] =	vst.idx.msk $0xffff, v38  }
0x4e4: {  	v41 =	vadd.f32 v21, v33;
	[tilespmem:v50+s24+$0x0] =	vst.idx.msk $0xffff, v39  }
0x4e5: {  	v42 =	vadd.f32 v22, v37;
	[tilespmem:v51+s24+$0x0] =	vst.idx.msk $0xffff, v40  }
0x4e6: {  	v43 =	vadd.f32 v23, v33;
	[tilespmem:v52+s24+$0x0] =	vst.idx.msk $0xffff, v41  }
0x4e7: {  	v44 =	vadd.f32 v24, v37;
	[tilespmem:v53+s24+$0x0] =	vst.idx.msk $0xffff, v42  }
0x4e8: {  	v45 =	vadd.f32 v25, v33;
	[tilespmem:v54+s24+$0x0] =	vst.idx.msk $0xffff, v43  }
0x4e9: {  	[tilespmem:v55+s24+$0x0] =	vst.idx.msk $0xffff, v44  }
0x4ea: {  	[tilespmem:v56+s24+$0x0] =	vst.idx.msk $0xffff, v45  }
0x4eb: {  	v10 =	vld [tilespmem:$0x2000]  }
0x4ec: {  	v11 =	vld [tilespmem:$0x2010]  }
0x4ed: {  	v12 =	vld [tilespmem:$0x2020]  }
0x4ee: {  	v46 =	vld [tilespmem:$0x2030]  }
0x4ef: {  	v47 =	vld [tilespmem:$0x2040]  }
0x4f0: {  	v48 =	vld [tilespmem:$0x2050]  }
0x4f1: {  	v49 =	vld [tilespmem:$0x2060]  }
0x4f2: {  	v50 =	vld [tilespmem:$0x2070]  }
0x4f3: {  	v51 =	vld [tilespmem:$0x2080]  }
0x4f4: {  	v52 =	vld [tilespmem:$0x2090]  }
0x4f5: {  	v53 =	vld [tilespmem:$0x20A0]  }
0x4f6: {  	v54 =	vld [tilespmem:$0x20B0]  }
0x4f7: {  	v55 =	vld [tilespmem:$0x20C0]  }
0x4f8: {  	v56 =	vld [tilespmem:$0x20D0];
	v10 =	vadd.f32 v10, v37  }
0x4f9: {  	v24 =	vld [tilespmem:$0x20E0];
	v11 =	vadd.f32 v11, v33  }
0x4fa: {  	v25 =	vld [tilespmem:$0x20F0];
	[tilespmem:v57+s24+$0x0] =	vst.idx.msk $0xffff, v10;
	v57 =	vadd.f32 v12, v37  }
0x4fb: {  	[tilespmem:v58+s24+$0x0] =	vst.idx.msk $0xffff, v11;
	v58 =	vadd.f32 v46, v33  }
0x4fc: {  	[tilespmem:v59+s24+$0x0] =	vst.idx.msk $0xffff, v57;
	v59 =	vadd.f32 v47, v37  }
0x4fd: {  	[tilespmem:v60+s24+$0x0] =	vst.idx.msk $0xffff, v58;
	v60 =	vadd.f32 v48, v33  }
0x4fe: {  	[tilespmem:v61+s24+$0x0] =	vst.idx.msk $0xffff, v59;
	v61 =	vadd.f32 v49, v37  }
0x4ff: {  	[tilespmem:v62+s24+$0x0] =	vst.idx.msk $0xffff, v60;
	v62 =	vadd.f32 v50, v33  }
0x500: {  	[tilespmem:v63+s24+$0x0] =	vst.idx.msk $0xffff, v61;
	v63 =	vadd.f32 v51, v37  }
0x501: {  	[tilespmem:v1+s24+$0x0] =	vst.idx.msk $0xffff, v62;
	v1 =	vadd.f32 v52, v33  }
0x502: {  	[tilespmem:v2+s24+$0x0] =	vst.idx.msk $0xffff, v63;
	v2 =	vadd.f32 v53, v37  }
0x503: {  	[tilespmem:v3+s24+$0x0] =	vst.idx.msk $0xffff, v1;
	v1 =	vadd.f32 v54, v33  }
0x504: {  	s16 =	sadd.s32 s30, s12;
	s30 =	sadd.s32 $0x8000, s30;
	[tilespmem:v4+s24+$0x0] =	vst.idx.msk $0xffff, v2;
	v2 =	vadd.f32 v55, v37  }
0x505: {  	p0 =	sne.s32 s30, $0x320000;
	[tilespmem:v5+s24+$0x0] =	vst.idx.msk $0xffff, v1;
	v1 =	vadd.f32 v56, v33  }
.Ltmp3:
0x506: {  	[tilespmem:v6+s24+$0x0] =	vst.idx.msk $0xffff, v2;
	v2 =	vadd.f32 v24, v37;
	(pc) =	sbr.rel @!p0 .LBB2_6-.Ltmp3, $4  }
0x507: {  	[tilespmem:v7+s24+$0x0] =	vst.idx.msk $0xffff, v1;
	v1 =	vadd.f32 v25, v33  }
0x508: {  	[tilespmem:v8+s24+$0x0] =	vst.idx.msk $0xffff, v2  }
0x509: {  	s31 =	sadd.s32 $0x2000, s31;
	s9 =	sadd.s32 $0x400, s9;
	s29 =	sadd.s32 $0x40, s29;
	[tilespmem:v9+s24+$0x0] =	vst.idx.msk $0xffff, v1  }
0x50a: {  	[hbm4b:s16+s21] =	stream.strided.scatter [tilespmem:s24], [sflag:$0x6], $0x1000, s22, s21, $0x38;
	[tilespmem:$0x5A00] =	vst v63  }
.LBB2_2:
0x50b: {  	p0 =	seq.s32 s30, $0x318000  }
0x50c: {  	p1 =	seq.s32 @!p0 s30, $0x0  }
0x50d: {  	_ =	swait.ge [sflag:s17], $0x80;
	p1 =	por p0, !p1  }
.Ltmp4:
0x50e: {  	[sflag:s17] =	ssyncset.done $0x0;
	(pc) =	sbr.rel @p1 .LBB2_4-.Ltmp4, $4  }
0x50f: {  	s3 =	sshrl.u32 @!p0 s31, $0x3;
	[sflag:s17] =	ssyncadd.s32 $0xFFFFFF80  }
0x510: {  	[tilespmem:s18], [sflag:$0x4] =	stream.indirect.gather [hbm4b:s4+s15], $0x20, s15, s15, $0xb8;
	[tilespmem:$0x5A00] =	vst v63  }
0x511: {  	s13 =	sadd.s32 @!p0 s2, s3;
	s3 =	simm.s32 @!p0 $0x0  }
0x512: {  	[tilespmem:s3], [sflag:$0x1] =	stream.linear.gather @!p0 [hbm4b:s13+s3], $0x80, $0x38;
	[tilespmem:$0x5A00] =	vst v63  }
.Ltmp5:
0x513: {  	(pc) =	sbr.rel .LBB2_5-.Ltmp5, $2  }
0x514: {  	_ =	sdelay $0x2  }
0x515: {  	p1 =	por @!p0 $0x1, $0x1  }
.LBB2_7:
0x516: {  	_ =	sfence.sel $0x180000  }
0x517: {  	[bflag:$0x0] =	sbarrier.arrive $0xFFFF  }
0x518: {  	_ =	strace $0x90000047  }
0x519: {  	s0 =	stileid.u32;
	[bflag:$0x2] =	sbarrier.arrive $0xFFFF  }
0x51a: {  	p0 =	sne.s32 s0, $0x0;
	s0 =	rddreg [dreg:$0x2]  }
0x51b: {  	s0 =	sadd.s32 @!p0 $0x100000, s0  }
0x51c: {  	[sflag:s0] =	ssyncadd.tile.s32 @!p0 $0x1;
	_ =	shalt  }
.Lfunc_end2:
_tile_overlayer_lowered:
.L_overlay_start_2:
0x51d: {  	(tag) =	ssettag $0x2  }
0x51e: {  	s0 =	rddreg [dreg:$0x0];
	s2 =	stileid.u32  }
0x51f: {  	s1 =	rddreg [dreg:$0x1];
	p0 =	sne.s32 s2, $0x0  }
0x520: {  	s3 =	rddreg [dreg:$0x2];
	[bflag:$0x3] =	sbarrier.arrive $0xFFFF;
	s2 =	simm.s32 @!p0 $0x1C07  }
0x521: {  	[timem:s3], [sflag:s2] =	dma.local @!p0 [hbm:s0], s1  }
0x522: {  	s0 =	simm.s32 @!p0 $0x7  }
0x523: {  	_ =	swait.ge @!p0 [sflag:s0], s1  }
0x524: {  	s1 =	ssub.s32 @!p0 $0x0, s1;
	[sflag:s0] =	ssyncset.done @!p0 $0x0  }
0x525: {  	[sflag:s0] =	ssyncadd.s32 @!p0 s1  }
0x526: {  	[bflag:$0x3] =	sbarrier.arrive $0xFFFF  }
0x527: {  	_ =	shalt  }

</sc_bundles>
